<compile_context>
chip_gen: v7x
topology: tpu7x:2x2x1
jax: 0.10.2.dev20260603
libtpu: 0.0.44.dev20260713+nightly
codegen_flags: <defaults>
</compile_context>

<pallas_src>
import functools

import jax
import jax.numpy as jnp
from jax import lax
from jax.experimental import pallas as pl
from jax.experimental.pallas import tpu as pltpu
from jax.experimental.pallas import tpu_sc as plsc

N0 = 50000
E0 = 1600000
D0 = 16
NREL = 3
NW = 32
SUB = 128
GPC = 4
SCH = SUB * GPC
NSC = 100
EPW = NSC * SCH
EPAD = NW * EPW
HALF = N0 // 2


def _edge_body(pcat, meta, zeros, out, acc,
               meta0, meta1, meta2, meta3, rows0, rows1, rows2, rows3,
               gsem0, gsem1, gsem2, gsem3, msem0, msem1, msem2, msem3,
               ssem0, ssem1, ssem2, ssem3):
    c = lax.axis_index("c")
    s = lax.axis_index("s")
    w = c * 16 + s
    base = w * NSC

    @pl.when(s == 0)
    def _():
        pltpu.sync_copy(zeros, acc)
    plsc.subcore_barrier()

    metab = (meta0, meta1, meta2, meta3)
    msem = (msem0, msem1, msem2, msem3)
    rows = (rows0, rows1, rows2, rows3)
    gsem = (gsem0, gsem1, gsem2, gsem3)
    ssem = (ssem0, ssem1, ssem2, ssem3)

    def meta_slice(chunk_i):
        return meta.at[pl.ds(3 * GPC * (base + chunk_i), 3 * GPC)]

    def meta_load_sync(chunk_i, m):
        pltpu.sync_copy(meta_slice(chunk_i), metab[m])

    def meta_load(chunk_i, m):
        pltpu.async_copy(meta_slice(chunk_i), metab[m], msem[m])

    def meta_wait(m):
        pltpu.make_async_copy(meta_slice(0), metab[m], msem[m]).wait()

    def gather_issue(b):
        for k in range(GPC):
            pltpu.async_copy(pcat.at[metab[b].at[k]],
                             rows[b].at[pl.ds(k * SUB, SUB)], gsem[b])

    def gather_drain(b):
        pltpu.make_async_copy(pcat.at[pl.ds(0, SCH)], rows[b], gsem[b]).wait()

    def scatter_issue(b):
        for k in range(GPC):
            pltpu.async_copy(rows[b].at[pl.ds(k * SUB, SUB)],
                             acc.at[metab[b].at[GPC + k]], ssem[b], add=True)

    def scatter_drain(b):
        pltpu.make_async_copy(rows[b], acc.at[pl.ds(0, SCH)], ssem[b]).wait()

    def scale(b):
        def sbody(j, carry):
            k = j // 8
            jj = j - 8 * k
            nrm16 = plsc.bitcast(metab[b][2 * GPC + k, pl.ds(jj * 16, 16)],
                                 jnp.float32)
            for e16 in range(16):
                e = j * 16 + e16
                rows[b][e] = rows[b][e] * nrm16[e16]
            return carry

        lax.fori_loop(0, SCH // 16, sbody, 0)

    meta_load_sync(0, 0)
    gather_issue(0)
    meta_load(1, 1)
    meta_load(2, 2)
    meta_wait(1)
    gather_issue(1)

    def outer(i, carry):
        for u in range(4):
            cc = 4 * i + u

            @pl.when(cc > 0)
            def _():
                scatter_drain((u + 3) % 4)

            @pl.when(cc + 3 < NSC)
            def _():
                meta_load(cc + 3, (u + 3) % 4)

            @pl.when(cc + 2 < NSC)
            def _():
                meta_wait((u + 2) % 4)
                gather_issue((u + 2) % 4)

            gather_drain(u)
            scale(u)
            scatter_issue(u)
        return carry

    lax.fori_loop(0, NSC // 4, outer, 0)
    scatter_drain((NSC - 1) % 4)

    plsc.subcore_barrier()

    @pl.when(s == 0)
    def _():
        pltpu.sync_copy(acc.at[pl.ds(0, HALF)], out.at[pl.ds(c * N0, HALF)])

    @pl.when(s == 8)
    def _():
        pltpu.sync_copy(acc.at[pl.ds(HALF, HALF)],
                        out.at[pl.ds(c * N0 + HALF, HALF)])


@functools.cache
def _edge_pass_fn():
    return pl.kernel(
        _edge_body,
        out_type=jax.ShapeDtypeStruct((2 * N0, D0), jnp.float32),
        mesh=plsc.VectorSubcoreMesh(core_axis_name="c", subcore_axis_name="s",
                                    num_cores=2, num_subcores=16),
        compiler_params=pltpu.CompilerParams(use_tc_tiling_on_sc=False,
                                             needs_layout_passes=False),
        scratch_types=[
            pltpu.VMEM_SHARED((N0, D0), jnp.float32),
            pltpu.VMEM((3 * GPC, SUB), jnp.int32),
            pltpu.VMEM((3 * GPC, SUB), jnp.int32),
            pltpu.VMEM((3 * GPC, SUB), jnp.int32),
            pltpu.VMEM((3 * GPC, SUB), jnp.int32),
            pltpu.VMEM((SCH, D0), jnp.float32),
            pltpu.VMEM((SCH, D0), jnp.float32),
            pltpu.VMEM((SCH, D0), jnp.float32),
            pltpu.VMEM((SCH, D0), jnp.float32),
        ] + [pltpu.SemaphoreType.DMA] * 12,
    )


def _edge_pass(*args):
    return _edge_pass_fn()(*args)


R8 = N0 // 8


def _bn_packed(y, G, g, b):
    mB = jnp.dot(jnp.mean(y, axis=0, keepdims=True), G,
                 preferred_element_type=jnp.float32)
    sB = jnp.dot(jnp.mean(y * y, axis=0, keepdims=True), G,
                 preferred_element_type=jnp.float32)
    vB = sB - mB * mB
    return g * (y - mB) / jnp.sqrt(vB + 1e-5) + b


def _embed_proj_body(x_ref, embW_bd, embb, embg, embbeta, G, rgcnW_bd,
                     pcat_ref):
    y = jnp.dot(x_ref[...], embW_bd[...],
                preferred_element_type=jnp.float32) + embb[...]
    h0 = jnp.maximum(_bn_packed(y, G[...], embg[...], embbeta[...]), 0.0)
    for r in range(NREL):
        pcat_ref[r] = jnp.dot(h0, rgcnW_bd[r],
                              preferred_element_type=jnp.float32)


def _gru_gates(xin, W_bd, b3):
    g0 = jnp.dot(xin, W_bd[0], preferred_element_type=jnp.float32) + b3[0]
    g1 = jnp.dot(xin, W_bd[1], preferred_element_type=jnp.float32) + b3[1]
    g2 = jnp.dot(xin, W_bd[2], preferred_element_type=jnp.float32) + b3[2]
    return g0, g1, g2


def _gru1_body(S, Wih_bd, bih3, bhh3, rgcnW_bd, h_ref, pcat_ref):
    swh = S[0:R8, :] + S[R8:2 * R8, :]
    ir, iz, i_n = _gru_gates(swh, Wih_bd[...], bih3[...])
    rg = jax.nn.sigmoid(ir + bhh3[0])
    zg = jax.nn.sigmoid(iz + bhh3[1])
    ng = jnp.tanh(i_n + rg * bhh3[2])
    h = (1.0 - zg) * ng
    h_ref[...] = h
    for r in range(NREL):
        pcat_ref[r] = jnp.dot(h, rgcnW_bd[r],
                              preferred_element_type=jnp.float32)


def _final_body(S, h1, Wih_bd, bih3, Whh_bd, bhh3, G, kbng, kbnb,
                taW1_bd, tab1, tag, tabeta, taW2_bd, tab2,
                tbW1_bd, tbb1, tbg, tbbeta, tbW2_bd, tbb2,
                xa_ref, xb_ref):
    swh = S[0:R8, :] + S[R8:2 * R8, :]
    hp = h1[...]
    ir, iz, i_n = _gru_gates(swh, Wih_bd[...], bih3[...])
    hr, hz, h_n = _gru_gates(hp, Whh_bd[...], bhh3[...])
    rg = jax.nn.sigmoid(ir + hr)
    zg = jax.nn.sigmoid(iz + hz)
    ng = jnp.tanh(i_n + rg * h_n)
    h2 = (1.0 - zg) * ng + zg * hp
    Gm = G[...]
    hf = _bn_packed(h2, Gm, kbng[...], kbnb[...])
    ya = jnp.maximum(_bn_packed(
        jnp.dot(hf, taW1_bd[...], preferred_element_type=jnp.float32)
        + tab1[...], Gm, tag[...], tabeta[...]), 0.0)
    xa_ref[...] = jnp.dot(ya, taW2_bd[...],
                          preferred_element_type=jnp.float32) + tab2[...]
    yb = jnp.maximum(_bn_packed(
        jnp.dot(hf, tbW1_bd[...], preferred_element_type=jnp.float32)
        + tbb1[...], Gm, tbg[...], tbbeta[...]), 0.0)
    xb_ref[...] = jnp.dot(yb, tbW2_bd[...],
                          preferred_element_type=jnp.float32) + tbb2[...]


def kernel(x, edge_index, rel_type, norm, params):
    p = params
    src = edge_index[0]
    dst = edge_index[1]
    gidx = rel_type * jnp.int32(N0) + src
    zeros = jnp.zeros((N0, D0), jnp.float32)

    pad = EPAD - E0
    gidx_p = jnp.concatenate([gidx, jnp.zeros((pad,), jnp.int32)])
    dst_p = jnp.concatenate([dst, jnp.zeros((pad,), jnp.int32)])
    nrm_p = jnp.concatenate([lax.bitcast_convert_type(norm, jnp.int32),
                             jnp.zeros((pad,), jnp.int32)])
    meta = jnp.stack([gidx_p.reshape(-1, GPC, SUB), dst_p.reshape(-1, GPC, SUB),
                      nrm_p.reshape(-1, GPC, SUB)], axis=1).reshape(-1, SUB)

    eye8 = jnp.eye(8, dtype=jnp.float32)
    bd = lambda W: jnp.kron(eye8, W)
    bd3 = lambda W3: jnp.stack([bd(W3[r]) for r in range(NREL)])
    tile8 = lambda v: jnp.tile(v, 8)
    G = jnp.kron(jnp.ones((8, 8), jnp.float32) / 8.0,
                 jnp.eye(D0, dtype=jnp.float32))

    embW_bd = bd(p['emb_W'].T)
    rgcnW_bd = bd3(p['rgcn_W'])
    Wih_bd = bd3(jnp.transpose(p['gru_Wih'].reshape(NREL, D0, D0), (0, 2, 1)))
    Whh_bd = bd3(jnp.transpose(p['gru_Whh'].reshape(NREL, D0, D0), (0, 2, 1)))
    bih3 = jnp.tile(p['gru_bih'].reshape(NREL, D0), (1, 8))
    bhh3 = jnp.tile(p['gru_bhh'].reshape(NREL, D0), (1, 8))

    pcat1 = pl.pallas_call(
        _embed_proj_body,
        out_shape=jax.ShapeDtypeStruct((NREL, R8, 128), jnp.float32),
    )(x.reshape(R8, 128), embW_bd, tile8(p['emb_b']), tile8(p['emb_g']),
      tile8(p['emb_beta']), G, rgcnW_bd)

    S1 = _edge_pass(pcat1.reshape(NREL * N0, D0), meta, zeros)

    h1, pcat2 = pl.pallas_call(
        _gru1_body,
        out_shape=(jax.ShapeDtypeStruct((R8, 128), jnp.float32),
                   jax.ShapeDtypeStruct((NREL, R8, 128), jnp.float32)),
    )(S1.reshape(2 * R8, 128), Wih_bd, bih3, bhh3, rgcnW_bd)

    S2 = _edge_pass(pcat2.reshape(NREL * N0, D0), meta, zeros)

    xa, xb = pl.pallas_call(
        _final_body,
        out_shape=(jax.ShapeDtypeStruct((R8, 16), jnp.float32),
                   jax.ShapeDtypeStruct((R8, 128), jnp.float32)),
    )(S2.reshape(2 * R8, 128), h1, Wih_bd, bih3, Whh_bd, bhh3, G,
      tile8(p['kbn_g']), tile8(p['kbn_b']),
      bd(p['ta_W1'].T), tile8(p['ta_b1']), tile8(p['ta_g']),
      tile8(p['ta_beta']), bd(p['ta_W2'].T), tile8(p['ta_b2']),
      bd(p['tb_W1'].T), tile8(p['tb_b1']), tile8(p['tb_g']),
      tile8(p['tb_beta']), bd(p['tb_W2'].T), tile8(p['tb_b2']))
    return (xa.reshape(N0, 2), xb.reshape(N0, 16))

# --- scband reference (transcript-rebuilt; emitter-appended) ---
"""Pipeline reference for scband-net-78254304133683 (READ-ONLY COPY).

The authoritative reference and input builder live on the scoring server;
editing this copy changes nothing except your own understanding.
"""

import jax, jax.numpy as jnp
import numpy as np

N = 50000
E = 1600000
D = 16
NUM_REL = 3
OUT_A = 2
OUT_B = 16


def _bn(x, g, b):
    # PyTorch BatchNorm1d in train mode: batch statistics, biased variance
    m = jnp.mean(x, axis=0)
    v = jnp.var(x, axis=0)
    return g * (x - m) / jnp.sqrt(v + 1e-5) + b


def _gru_cell(x, h, Wih, Whh, bih, bhh):
    # PyTorch nn.GRU single step (seq_len=1, num_layers=1)
    gi = x @ Wih.T + bih
    gh = h @ Whh.T + bhh
    ir, iz, i_n = jnp.split(gi, 3, axis=1)
    hr, hz, h_n = jnp.split(gh, 3, axis=1)
    r = jax.nn.sigmoid(ir + hr)
    z = jax.nn.sigmoid(iz + hz)
    n = jnp.tanh(i_n + r * h_n)
    return (1.0 - z) * n + z * h


def setup_inputs(seed: int = 0):
    key = jax.random.key(seed)
    ks = jax.random.split(key, 16)
    x = jax.random.normal(ks[0], (N, D), dtype=jnp.float32)
    edge_index = jax.random.randint(ks[1], (2, E), 0, N, dtype=jnp.int32)
    rel_type = jax.random.randint(ks[2], (E,), 0, NUM_REL, dtype=jnp.int32)
    norm = jax.random.uniform(ks[3], (E,), dtype=jnp.float32)

    def w(k, shape, scale=0.1):
        return (scale * jax.random.normal(k, shape)).astype(jnp.float32)

    z1 = lambda n: jnp.zeros((n,), jnp.float32)
    o1 = lambda n: jnp.ones((n,), jnp.float32)
    params = {
        'emb_W': w(ks[4], (D, D)), 'emb_b': z1(D), 'emb_g': o1(D), 'emb_beta': z1(D),
        'rgcn_W': w(ks[5], (NUM_REL, D, D)),
        'gru_Wih': w(ks[6], (3 * D, D)), 'gru_Whh': w(ks[7], (3 * D, D)),
        'gru_bih': z1(3 * D), 'gru_bhh': z1(3 * D),
        'kbn_g': o1(D), 'kbn_b': z1(D),
        'ta_W1': w(ks[8], (D, D)), 'ta_b1': z1(D), 'ta_g': o1(D), 'ta_beta': z1(D),
        'ta_W2': w(ks[9], (OUT_A, D)), 'ta_b2': z1(OUT_A),
        'tb_W1': w(ks[10], (D, D)), 'tb_b1': z1(D), 'tb_g': o1(D), 'tb_beta': z1(D),
        'tb_W2': w(ks[11], (OUT_B, D)), 'tb_b2': z1(OUT_B),
    }
    return {'x': x, 'edge_index': edge_index, 'rel_type': rel_type, 'norm': norm, 'params': params}


def reference(x, edge_index, rel_type, norm, params):
    p = params
    # Embedding: Linear -> BN -> ReLU
    h0 = jax.nn.relu(_bn(x @ p['emb_W'].T + p['emb_b'], p['emb_g'], p['emb_beta']))
    src = edge_index[0]
    dst = edge_index[1]
    # RGCNGRU kernel, num_layers=2
    output = h0
    h = jnp.zeros((N, D), jnp.float32)
    for _ in range(2):
        out_src = jnp.take(output, src, axis=0)  # gather [E, D]
        msg = jnp.zeros((E, D), jnp.float32)
        for r in range(NUM_REL):
            mr = out_src @ p['rgcn_W'][r]
            msg = jnp.where((rel_type == r)[:, None], mr, msg)
        msg = msg * norm[:, None]
        Swh = jax.ops.segment_sum(msg, dst, num_segments=N)  # scatter-add
        h = _gru_cell(Swh, h, p['gru_Wih'], p['gru_Whh'], p['gru_bih'], p['gru_bhh'])
        output = h
    hf = _bn(output, p['kbn_g'], p['kbn_b'])
    # task heads: MLP with h_layers=2 -> Linear+BN+ReLU, then Linear
    ya = jax.nn.relu(_bn(hf @ p['ta_W1'].T + p['ta_b1'], p['ta_g'], p['ta_beta']))
    x_a = ya @ p['ta_W2'].T + p['ta_b2']
    yb = jax.nn.relu(_bn(hf @ p['tb_W1'].T + p['tb_b1'], p['tb_g'], p['tb_beta']))
    x_b = yb @ p['tb_W2'].T + p['tb_b2']
    return (x_a, x_b)

if __name__ == "__main__":
    import jax
    _d = setup_inputs()
    print(jax.jit(kernel)(*tuple(_d.values())))

</pallas_src>

<mosaic_0001>
#map = affine_map<(d0, d1) -> (0, 0)>
module attributes {stable_mosaic.version = 14 : i64} {
  func.func @_edge_body(%arg0: i32, %arg1: i32, %arg2: memref<150000x16xf32, #tpu.memory_space<hbm>>, %arg3: memref<38400x128xi32, #tpu.memory_space<hbm>>, %arg4: memref<50000x16xf32, #tpu.memory_space<hbm>>, %arg5: memref<100000x16xf32, #tpu.memory_space<hbm>>, %arg6: memref<50000x16xf32, #tpu.memory_space<vmem_shared>>, %arg7: memref<12x128xi32, #tpu.memory_space<vmem>>, %arg8: memref<12x128xi32, #tpu.memory_space<vmem>>, %arg9: memref<12x128xi32, #tpu.memory_space<vmem>>, %arg10: memref<12x128xi32, #tpu.memory_space<vmem>>, %arg11: memref<512x16xf32, #tpu.memory_space<vmem>>, %arg12: memref<512x16xf32, #tpu.memory_space<vmem>>, %arg13: memref<512x16xf32, #tpu.memory_space<vmem>>, %arg14: memref<512x16xf32, #tpu.memory_space<vmem>>, %arg15: memref<!tpu.dma_semaphore, #tpu.memory_space<semaphore_mem>>, %arg16: memref<!tpu.dma_semaphore, #tpu.memory_space<semaphore_mem>>, %arg17: memref<!tpu.dma_semaphore, #tpu.memory_space<semaphore_mem>>, %arg18: memref<!tpu.dma_semaphore, #tpu.memory_space<semaphore_mem>>, %arg19: memref<!tpu.dma_semaphore, #tpu.memory_space<semaphore_mem>>, %arg20: memref<!tpu.dma_semaphore, #tpu.memory_space<semaphore_mem>>, %arg21: memref<!tpu.dma_semaphore, #tpu.memory_space<semaphore_mem>>, %arg22: memref<!tpu.dma_semaphore, #tpu.memory_space<semaphore_mem>>, %arg23: memref<!tpu.dma_semaphore, #tpu.memory_space<semaphore_mem>>, %arg24: memref<!tpu.dma_semaphore, #tpu.memory_space<semaphore_mem>>, %arg25: memref<!tpu.dma_semaphore, #tpu.memory_space<semaphore_mem>>, %arg26: memref<!tpu.dma_semaphore, #tpu.memory_space<semaphore_mem>>) attributes {dimension_semantics = [#tpu.dimension_semantics<core_parallel>, #tpu.dimension_semantics<subcore_parallel>], iteration_bounds = array<i64: 2, 16>, scalar_prefetch = 0 : i64, scratch_operands = 21 : i64, tpu.core_type = #tpu.core_type<sc_vector_subcore>, window_params = [{transform_indices = #map}, {transform_indices = #map}, {transform_indices = #map}, {transform_indices = #map}]} {
    %mul3A = arith.constant 16 : i32
    %mul3A_0 = arith.muli %arg0, %mul3A : i32
    %add3A = arith.addi %mul3A_0, %arg1 : i32
    %mul3A_1 = arith.constant 100 : i32
    %mul3A_2 = arith.muli %add3A, %mul3A_1 : i32
    %eq3A = arith.constant 0 : i32
    %eq3A_3 = arith.cmpi eq, %arg1, %eq3A : i32
    %convert_element_type3A = arith.extui %eq3A_3 : i1 to i32
    %cond3A = arith.constant 0 : i32
    %cond3A_4 = arith.cmpi ne, %convert_element_type3A, %cond3A : i32
    scf.if %cond3A_4 {
      "tpu.region"() ({
        %run_scoped3A = tpu.sem_alloc : memref<!tpu.dma_semaphore, #tpu.memory_space<semaphore_mem>>
        tpu.enqueue_dma source(%arg4 : memref<50000x16xf32, #tpu.memory_space<hbm>>) target(%arg6 : memref<50000x16xf32, #tpu.memory_space<vmem_shared>>) target_semaphore(%run_scoped3A : memref<!tpu.dma_semaphore, #tpu.memory_space<semaphore_mem>>)
        tpu.wait_dma2 semaphore(%run_scoped3A : memref<!tpu.dma_semaphore, #tpu.memory_space<semaphore_mem>>) src(%arg4 : memref<50000x16xf32, #tpu.memory_space<hbm>>) dst(%arg6 : memref<50000x16xf32, #tpu.memory_space<vmem_shared>>)
        tpu.yield
      }) : () -> ()
    } else {
    }
    %barrier3A = arith.constant 0 : index
    tpu.barrier barrier_id(%barrier3A)
    %add3A_5 = arith.constant 0 : i32
    %add3A_6 = arith.addi %mul3A_2, %add3A_5 : i32
    %mul3A_7 = arith.constant 12 : i32
    %mul3A_8 = arith.muli %mul3A_7, %add3A_6 : i32
    "tpu.region"() ({
      %run_scoped3A = tpu.sem_alloc : memref<!tpu.dma_semaphore, #tpu.memory_space<semaphore_mem>>
      %dma_start3A_133 = arith.constant 0 : i32
      %dma_start3A_134 = tpu.memref_slice %arg3[%mul3A_8, %dma_start3A_133] : memref<38400x128xi32, #tpu.memory_space<hbm>> -> memref<12x128xi32, #tpu.memory_space<hbm>>
      %dma_start3A_135 = arith.constant 0 : i32
      %dma_start3A_136 = tpu.memref_slice %arg3[%mul3A_8, %dma_start3A_135] : memref<38400x128xi32, #tpu.memory_space<hbm>> -> memref<12x128xi32, #tpu.memory_space<hbm>>
      tpu.enqueue_dma source(%dma_start3A_136 : memref<12x128xi32, #tpu.memory_space<hbm>>) target(%arg7 : memref<12x128xi32, #tpu.memory_space<vmem>>) target_semaphore(%run_scoped3A : memref<!tpu.dma_semaphore, #tpu.memory_space<semaphore_mem>>)
      %dma_wait3A_137 = arith.constant 0 : i32
      %dma_wait3A_138 = tpu.memref_slice %arg3[%mul3A_8, %dma_wait3A_137] : memref<38400x128xi32, #tpu.memory_space<hbm>> -> memref<12x128xi32, #tpu.memory_space<hbm>>
      %dma_wait3A_139 = arith.constant 0 : i32
      %dma_wait3A_140 = tpu.memref_slice %arg3[%mul3A_8, %dma_wait3A_139] : memref<38400x128xi32, #tpu.memory_space<hbm>> -> memref<12x128xi32, #tpu.memory_space<hbm>>
      tpu.wait_dma2 semaphore(%run_scoped3A : memref<!tpu.dma_semaphore, #tpu.memory_space<semaphore_mem>>) src(%dma_wait3A_140 : memref<12x128xi32, #tpu.memory_space<hbm>>) dst(%arg7 : memref<12x128xi32, #tpu.memory_space<vmem>>)
      tpu.yield
    }) : () -> ()
    %dma_start3A = arith.constant 0 : i32
    %dma_start3A_9 = arith.constant 0 : i32
    %dma_start3A_10 = arith.constant 0 : i32
    %dma_start3A_11 = tpu.memref_slice %arg11[%dma_start3A_9, %dma_start3A_10] : memref<512x16xf32, #tpu.memory_space<vmem>> -> memref<128x16xf32, #tpu.memory_space<vmem>>
    %dma_start3A_12 = arith.constant 0 : i32
    %dma_start3A_13 = tpu.memref_slice %arg7[%dma_start3A, %dma_start3A_12] : memref<12x128xi32, #tpu.memory_space<vmem>> -> memref<1x128xi32, #tpu.memory_space<vmem>>
    %dma_start3A_14 = tpu.memref_squeeze %dma_start3A_13 : memref<1x128xi32, #tpu.memory_space<vmem>> -> memref<128xi32, #tpu.memory_space<vmem>>
    %dma_start3A_15 = arith.constant 0 : i32
    %dma_start3A_16 = arith.constant 0 : i32
    %dma_start3A_17 = tpu.memref_slice %arg2[%dma_start3A_15, %dma_start3A_16] : memref<150000x16xf32, #tpu.memory_space<hbm>> -> memref<150000x16xf32, #tpu.memory_space<hbm>>
    tpu.enqueue_indirect_dma source(%dma_start3A_17 : memref<150000x16xf32, #tpu.memory_space<hbm>>) target(%dma_start3A_11 : memref<128x16xf32, #tpu.memory_space<vmem>>) offsets(%dma_start3A_14 : memref<128xi32, #tpu.memory_space<vmem>>) semaphore(%arg15 : memref<!tpu.dma_semaphore, #tpu.memory_space<semaphore_mem>>)
    %dma_start3A_18 = arith.constant 1 : i32
    %dma_start3A_19 = arith.constant 128 : i32
    %dma_start3A_20 = arith.constant 0 : i32
    %dma_start3A_21 = tpu.memref_slice %arg11[%dma_start3A_19, %dma_start3A_20] : memref<512x16xf32, #tpu.memory_space<vmem>> -> memref<128x16xf32, #tpu.memory_space<vmem>>
    %dma_start3A_22 = arith.constant 0 : i32
    %dma_start3A_23 = tpu.memref_slice %arg7[%dma_start3A_18, %dma_start3A_22] : memref<12x128xi32, #tpu.memory_space<vmem>> -> memref<1x128xi32, #tpu.memory_space<vmem>>
    %dma_start3A_24 = tpu.memref_squeeze %dma_start3A_23 : memref<1x128xi32, #tpu.memory_space<vmem>> -> memref<128xi32, #tpu.memory_space<vmem>>
    %dma_start3A_25 = arith.constant 0 : i32
    %dma_start3A_26 = arith.constant 0 : i32
    %dma_start3A_27 = tpu.memref_slice %arg2[%dma_start3A_25, %dma_start3A_26] : memref<150000x16xf32, #tpu.memory_space<hbm>> -> memref<150000x16xf32, #tpu.memory_space<hbm>>
    tpu.enqueue_indirect_dma source(%dma_start3A_27 : memref<150000x16xf32, #tpu.memory_space<hbm>>) target(%dma_start3A_21 : memref<128x16xf32, #tpu.memory_space<vmem>>) offsets(%dma_start3A_24 : memref<128xi32, #tpu.memory_space<vmem>>) semaphore(%arg15 : memref<!tpu.dma_semaphore, #tpu.memory_space<semaphore_mem>>)
    %dma_start3A_28 = arith.constant 2 : i32
    %dma_start3A_29 = arith.constant 256 : i32
    %dma_start3A_30 = arith.constant 0 : i32
    %dma_start3A_31 = tpu.memref_slice %arg11[%dma_start3A_29, %dma_start3A_30] : memref<512x16xf32, #tpu.memory_space<vmem>> -> memref<128x16xf32, #tpu.memory_space<vmem>>
    %dma_start3A_32 = arith.constant 0 : i32
    %dma_start3A_33 = tpu.memref_slice %arg7[%dma_start3A_28, %dma_start3A_32] : memref<12x128xi32, #tpu.memory_space<vmem>> -> memref<1x128xi32, #tpu.memory_space<vmem>>
    %dma_start3A_34 = tpu.memref_squeeze %dma_start3A_33 : memref<1x128xi32, #tpu.memory_space<vmem>> -> memref<128xi32, #tpu.memory_space<vmem>>
    %dma_start3A_35 = arith.constant 0 : i32
    %dma_start3A_36 = arith.constant 0 : i32
    %dma_start3A_37 = tpu.memref_slice %arg2[%dma_start3A_35, %dma_start3A_36] : memref<150000x16xf32, #tpu.memory_space<hbm>> -> memref<150000x16xf32, #tpu.memory_space<hbm>>
    tpu.enqueue_indirect_dma source(%dma_start3A_37 : memref<150000x16xf32, #tpu.memory_space<hbm>>) target(%dma_start3A_31 : memref<128x16xf32, #tpu.memory_space<vmem>>) offsets(%dma_start3A_34 : memref<128xi32, #tpu.memory_space<vmem>>) semaphore(%arg15 : memref<!tpu.dma_semaphore, #tpu.memory_space<semaphore_mem>>)
    %dma_start3A_38 = arith.constant 3 : i32
    %dma_start3A_39 = arith.constant 384 : i32
    %dma_start3A_40 = arith.constant 0 : i32
    %dma_start3A_41 = tpu.memref_slice %arg11[%dma_start3A_39, %dma_start3A_40] : memref<512x16xf32, #tpu.memory_space<vmem>> -> memref<128x16xf32, #tpu.memory_space<vmem>>
    %dma_start3A_42 = arith.constant 0 : i32
    %dma_start3A_43 = tpu.memref_slice %arg7[%dma_start3A_38, %dma_start3A_42] : memref<12x128xi32, #tpu.memory_space<vmem>> -> memref<1x128xi32, #tpu.memory_space<vmem>>
    %dma_start3A_44 = tpu.memref_squeeze %dma_start3A_43 : memref<1x128xi32, #tpu.memory_space<vmem>> -> memref<128xi32, #tpu.memory_space<vmem>>
    %dma_start3A_45 = arith.constant 0 : i32
    %dma_start3A_46 = arith.constant 0 : i32
    %dma_start3A_47 = tpu.memref_slice %arg2[%dma_start3A_45, %dma_start3A_46] : memref<150000x16xf32, #tpu.memory_space<hbm>> -> memref<150000x16xf32, #tpu.memory_space<hbm>>
    tpu.enqueue_indirect_dma source(%dma_start3A_47 : memref<150000x16xf32, #tpu.memory_space<hbm>>) target(%dma_start3A_41 : memref<128x16xf32, #tpu.memory_space<vmem>>) offsets(%dma_start3A_44 : memref<128xi32, #tpu.memory_space<vmem>>) semaphore(%arg15 : memref<!tpu.dma_semaphore, #tpu.memory_space<semaphore_mem>>)
    %add3A_48 = arith.constant 1 : i32
    %add3A_49 = arith.addi %mul3A_2, %add3A_48 : i32
    %mul3A_50 = arith.constant 12 : i32
    %mul3A_51 = arith.muli %mul3A_50, %add3A_49 : i32
    %dma_start3A_52 = arith.constant 0 : i32
    %dma_start3A_53 = tpu.memref_slice %arg3[%mul3A_51, %dma_start3A_52] : memref<38400x128xi32, #tpu.memory_space<hbm>> -> memref<12x128xi32, #tpu.memory_space<hbm>>
    %dma_start3A_54 = arith.constant 0 : i32
    %dma_start3A_55 = tpu.memref_slice %arg3[%mul3A_51, %dma_start3A_54] : memref<38400x128xi32, #tpu.memory_space<hbm>> -> memref<12x128xi32, #tpu.memory_space<hbm>>
    tpu.enqueue_dma source(%dma_start3A_55 : memref<12x128xi32, #tpu.memory_space<hbm>>) target(%arg8 : memref<12x128xi32, #tpu.memory_space<vmem>>) target_semaphore(%arg20 : memref<!tpu.dma_semaphore, #tpu.memory_space<semaphore_mem>>)
    %add3A_56 = arith.constant 2 : i32
    %add3A_57 = arith.addi %mul3A_2, %add3A_56 : i32
    %mul3A_58 = arith.constant 12 : i32
    %mul3A_59 = arith.muli %mul3A_58, %add3A_57 : i32
    %dma_start3A_60 = arith.constant 0 : i32
    %dma_start3A_61 = tpu.memref_slice %arg3[%mul3A_59, %dma_start3A_60] : memref<38400x128xi32, #tpu.memory_space<hbm>> -> memref<12x128xi32, #tpu.memory_space<hbm>>
    %dma_start3A_62 = arith.constant 0 : i32
    %dma_start3A_63 = tpu.memref_slice %arg3[%mul3A_59, %dma_start3A_62] : memref<38400x128xi32, #tpu.memory_space<hbm>> -> memref<12x128xi32, #tpu.memory_space<hbm>>
    tpu.enqueue_dma source(%dma_start3A_63 : memref<12x128xi32, #tpu.memory_space<hbm>>) target(%arg9 : memref<12x128xi32, #tpu.memory_space<vmem>>) target_semaphore(%arg21 : memref<!tpu.dma_semaphore, #tpu.memory_space<semaphore_mem>>)
    %add3A_64 = arith.constant 0 : i32
    %add3A_65 = arith.addi %mul3A_2, %add3A_64 : i32
    %mul3A_66 = arith.constant 12 : i32
    %mul3A_67 = arith.muli %mul3A_66, %add3A_65 : i32
    %dma_wait3A = arith.constant 0 : i32
    %dma_wait3A_68 = tpu.memref_slice %arg3[%mul3A_67, %dma_wait3A] : memref<38400x128xi32, #tpu.memory_space<hbm>> -> memref<12x128xi32, #tpu.memory_space<hbm>>
    %dma_wait3A_69 = arith.constant 0 : i32
    %dma_wait3A_70 = tpu.memref_slice %arg3[%mul3A_67, %dma_wait3A_69] : memref<38400x128xi32, #tpu.memory_space<hbm>> -> memref<12x128xi32, #tpu.memory_space<hbm>>
    tpu.wait_dma2 semaphore(%arg20 : memref<!tpu.dma_semaphore, #tpu.memory_space<semaphore_mem>>) src(%dma_wait3A_70 : memref<12x128xi32, #tpu.memory_space<hbm>>) dst(%arg8 : memref<12x128xi32, #tpu.memory_space<vmem>>)
    %dma_start3A_71 = arith.constant 0 : i32
    %dma_start3A_72 = arith.constant 0 : i32
    %dma_start3A_73 = arith.constant 0 : i32
    %dma_start3A_74 = tpu.memref_slice %arg12[%dma_start3A_72, %dma_start3A_73] : memref<512x16xf32, #tpu.memory_space<vmem>> -> memref<128x16xf32, #tpu.memory_space<vmem>>
    %dma_start3A_75 = arith.constant 0 : i32
    %dma_start3A_76 = tpu.memref_slice %arg8[%dma_start3A_71, %dma_start3A_75] : memref<12x128xi32, #tpu.memory_space<vmem>> -> memref<1x128xi32, #tpu.memory_space<vmem>>
    %dma_start3A_77 = tpu.memref_squeeze %dma_start3A_76 : memref<1x128xi32, #tpu.memory_space<vmem>> -> memref<128xi32, #tpu.memory_space<vmem>>
    %dma_start3A_78 = arith.constant 0 : i32
    %dma_start3A_79 = arith.constant 0 : i32
    %dma_start3A_80 = tpu.memref_slice %arg2[%dma_start3A_78, %dma_start3A_79] : memref<150000x16xf32, #tpu.memory_space<hbm>> -> memref<150000x16xf32, #tpu.memory_space<hbm>>
    tpu.enqueue_indirect_dma source(%dma_start3A_80 : memref<150000x16xf32, #tpu.memory_space<hbm>>) target(%dma_start3A_74 : memref<128x16xf32, #tpu.memory_space<vmem>>) offsets(%dma_start3A_77 : memref<128xi32, #tpu.memory_space<vmem>>) semaphore(%arg16 : memref<!tpu.dma_semaphore, #tpu.memory_space<semaphore_mem>>)
    %dma_start3A_81 = arith.constant 1 : i32
    %dma_start3A_82 = arith.constant 128 : i32
    %dma_start3A_83 = arith.constant 0 : i32
    %dma_start3A_84 = tpu.memref_slice %arg12[%dma_start3A_82, %dma_start3A_83] : memref<512x16xf32, #tpu.memory_space<vmem>> -> memref<128x16xf32, #tpu.memory_space<vmem>>
    %dma_start3A_85 = arith.constant 0 : i32
    %dma_start3A_86 = tpu.memref_slice %arg8[%dma_start3A_81, %dma_start3A_85] : memref<12x128xi32, #tpu.memory_space<vmem>> -> memref<1x128xi32, #tpu.memory_space<vmem>>
    %dma_start3A_87 = tpu.memref_squeeze %dma_start3A_86 : memref<1x128xi32, #tpu.memory_space<vmem>> -> memref<128xi32, #tpu.memory_space<vmem>>
    %dma_start3A_88 = arith.constant 0 : i32
    %dma_start3A_89 = arith.constant 0 : i32
    %dma_start3A_90 = tpu.memref_slice %arg2[%dma_start3A_88, %dma_start3A_89] : memref<150000x16xf32, #tpu.memory_space<hbm>> -> memref<150000x16xf32, #tpu.memory_space<hbm>>
    tpu.enqueue_indirect_dma source(%dma_start3A_90 : memref<150000x16xf32, #tpu.memory_space<hbm>>) target(%dma_start3A_84 : memref<128x16xf32, #tpu.memory_space<vmem>>) offsets(%dma_start3A_87 : memref<128xi32, #tpu.memory_space<vmem>>) semaphore(%arg16 : memref<!tpu.dma_semaphore, #tpu.memory_space<semaphore_mem>>)
    %dma_start3A_91 = arith.constant 2 : i32
    %dma_start3A_92 = arith.constant 256 : i32
    %dma_start3A_93 = arith.constant 0 : i32
    %dma_start3A_94 = tpu.memref_slice %arg12[%dma_start3A_92, %dma_start3A_93] : memref<512x16xf32, #tpu.memory_space<vmem>> -> memref<128x16xf32, #tpu.memory_space<vmem>>
    %dma_start3A_95 = arith.constant 0 : i32
    %dma_start3A_96 = tpu.memref_slice %arg8[%dma_start3A_91, %dma_start3A_95] : memref<12x128xi32, #tpu.memory_space<vmem>> -> memref<1x128xi32, #tpu.memory_space<vmem>>
    %dma_start3A_97 = tpu.memref_squeeze %dma_start3A_96 : memref<1x128xi32, #tpu.memory_space<vmem>> -> memref<128xi32, #tpu.memory_space<vmem>>
    %dma_start3A_98 = arith.constant 0 : i32
    %dma_start3A_99 = arith.constant 0 : i32
    %dma_start3A_100 = tpu.memref_slice %arg2[%dma_start3A_98, %dma_start3A_99] : memref<150000x16xf32, #tpu.memory_space<hbm>> -> memref<150000x16xf32, #tpu.memory_space<hbm>>
    tpu.enqueue_indirect_dma source(%dma_start3A_100 : memref<150000x16xf32, #tpu.memory_space<hbm>>) target(%dma_start3A_94 : memref<128x16xf32, #tpu.memory_space<vmem>>) offsets(%dma_start3A_97 : memref<128xi32, #tpu.memory_space<vmem>>) semaphore(%arg16 : memref<!tpu.dma_semaphore, #tpu.memory_space<semaphore_mem>>)
    %dma_start3A_101 = arith.constant 3 : i32
    %dma_start3A_102 = arith.constant 384 : i32
    %dma_start3A_103 = arith.constant 0 : i32
    %dma_start3A_104 = tpu.memref_slice %arg12[%dma_start3A_102, %dma_start3A_103] : memref<512x16xf32, #tpu.memory_space<vmem>> -> memref<128x16xf32, #tpu.memory_space<vmem>>
    %dma_start3A_105 = arith.constant 0 : i32
    %dma_start3A_106 = tpu.memref_slice %arg8[%dma_start3A_101, %dma_start3A_105] : memref<12x128xi32, #tpu.memory_space<vmem>> -> memref<1x128xi32, #tpu.memory_space<vmem>>
    %dma_start3A_107 = tpu.memref_squeeze %dma_start3A_106 : memref<1x128xi32, #tpu.memory_space<vmem>> -> memref<128xi32, #tpu.memory_space<vmem>>
    %dma_start3A_108 = arith.constant 0 : i32
    %dma_start3A_109 = arith.constant 0 : i32
    %dma_start3A_110 = tpu.memref_slice %arg2[%dma_start3A_108, %dma_start3A_109] : memref<150000x16xf32, #tpu.memory_space<hbm>> -> memref<150000x16xf32, #tpu.memory_space<hbm>>
    tpu.enqueue_indirect_dma source(%dma_start3A_110 : memref<150000x16xf32, #tpu.memory_space<hbm>>) target(%dma_start3A_104 : memref<128x16xf32, #tpu.memory_space<vmem>>) offsets(%dma_start3A_107 : memref<128xi32, #tpu.memory_space<vmem>>) semaphore(%arg16 : memref<!tpu.dma_semaphore, #tpu.memory_space<semaphore_mem>>)
    %scan3A = arith.constant 0 : i32
    %scan3A_111 = arith.constant 0 : i32
    %scan3A_112 = arith.constant 25 : i32
    %scan3A_113 = arith.addi %scan3A_111, %scan3A_112 : i32
    %scan3A_114 = arith.constant 1 : i32
    scf.for %scan3A_133 = %scan3A_111 to %scan3A_113 step %scan3A_114  : i32 {
      %mul3A_134 = arith.constant 4 : i32
      %mul3A_135 = arith.muli %mul3A_134, %scan3A_133 : i32
      %add3A_136 = arith.constant 0 : i32
      %add3A_137 = arith.addi %mul3A_135, %add3A_136 : i32
      %gt3A = arith.constant 0 : i32
      %gt3A_138 = arith.cmpi sgt, %add3A_137, %gt3A : i32
      %convert_element_type3A_139 = arith.extui %gt3A_138 : i1 to i32
      %cond3A_140 = arith.constant 0 : i32
      %cond3A_141 = arith.cmpi ne, %convert_element_type3A_139, %cond3A_140 : i32
      scf.if %cond3A_141 {
        %dma_wait3A_432 = arith.constant 0 : i32
        %dma_wait3A_433 = arith.constant 0 : i32
        %dma_wait3A_434 = tpu.memref_slice %arg6[%dma_wait3A_432, %dma_wait3A_433] : memref<50000x16xf32, #tpu.memory_space<vmem_shared>> -> memref<512x16xf32, #tpu.memory_space<vmem_shared>>
        %dma_wait3A_435 = arith.constant 0 : i32
        %dma_wait3A_436 = arith.constant 0 : i32
        %dma_wait3A_437 = tpu.memref_slice %arg6[%dma_wait3A_435, %dma_wait3A_436] : memref<50000x16xf32, #tpu.memory_space<vmem_shared>> -> memref<512x16xf32, #tpu.memory_space<vmem_shared>>
        tpu.wait_dma2 semaphore(%arg26 : memref<!tpu.dma_semaphore, #tpu.memory_space<semaphore_mem>>) src(%arg14 : memref<512x16xf32, #tpu.memory_space<vmem>>) dst(%dma_wait3A_437 : memref<512x16xf32, #tpu.memory_space<vmem_shared>>)
      } else {
      }
      %add3A_142 = arith.constant 3 : i32
      %add3A_143 = arith.addi %add3A_137, %add3A_142 : i32
      %lt3A = arith.constant 100 : i32
      %lt3A_144 = arith.cmpi slt, %add3A_143, %lt3A : i32
      %convert_element_type3A_145 = arith.extui %lt3A_144 : i1 to i32
      %cond3A_146 = arith.constant 0 : i32
      %cond3A_147 = arith.cmpi ne, %convert_element_type3A_145, %cond3A_146 : i32
      scf.if %cond3A_147 {
        %add3A_432 = arith.constant 3 : i32
        %add3A_433 = arith.addi %add3A_137, %add3A_432 : i32
        %add3A_434 = arith.addi %mul3A_2, %add3A_433 : i32
        %mul3A_435 = arith.constant 12 : i32
        %mul3A_436 = arith.muli %mul3A_435, %add3A_434 : i32
        %dma_start3A_437 = arith.constant 0 : i32
        %dma_start3A_438 = tpu.memref_slice %arg3[%mul3A_436, %dma_start3A_437] : memref<38400x128xi32, #tpu.memory_space<hbm>> -> memref<12x128xi32, #tpu.memory_space<hbm>>
        %dma_start3A_439 = arith.constant 0 : i32
        %dma_start3A_440 = tpu.memref_slice %arg3[%mul3A_436, %dma_start3A_439] : memref<38400x128xi32, #tpu.memory_space<hbm>> -> memref<12x128xi32, #tpu.memory_space<hbm>>
        tpu.enqueue_dma source(%dma_start3A_440 : memref<12x128xi32, #tpu.memory_space<hbm>>) target(%arg10 : memref<12x128xi32, #tpu.memory_space<vmem>>) target_semaphore(%arg22 : memref<!tpu.dma_semaphore, #tpu.memory_space<semaphore_mem>>)
      } else {
      }
      %add3A_148 = arith.constant 2 : i32
      %add3A_149 = arith.addi %add3A_137, %add3A_148 : i32
      %lt3A_150 = arith.constant 100 : i32
      %lt3A_151 = arith.cmpi slt, %add3A_149, %lt3A_150 : i32
      %convert_element_type3A_152 = arith.extui %lt3A_151 : i1 to i32
      %cond3A_153 = arith.constant 0 : i32
      %cond3A_154 = arith.cmpi ne, %convert_element_type3A_152, %cond3A_153 : i32
      scf.if %cond3A_154 {
        %add3A_432 = arith.constant 0 : i32
        %add3A_433 = arith.addi %mul3A_2, %add3A_432 : i32
        %mul3A_434 = arith.constant 12 : i32
        %mul3A_435 = arith.muli %mul3A_434, %add3A_433 : i32
        %dma_wait3A_436 = arith.constant 0 : i32
        %dma_wait3A_437 = tpu.memref_slice %arg3[%mul3A_435, %dma_wait3A_436] : memref<38400x128xi32, #tpu.memory_space<hbm>> -> memref<12x128xi32, #tpu.memory_space<hbm>>
        %dma_wait3A_438 = arith.constant 0 : i32
        %dma_wait3A_439 = tpu.memref_slice %arg3[%mul3A_435, %dma_wait3A_438] : memref<38400x128xi32, #tpu.memory_space<hbm>> -> memref<12x128xi32, #tpu.memory_space<hbm>>
        tpu.wait_dma2 semaphore(%arg21 : memref<!tpu.dma_semaphore, #tpu.memory_space<semaphore_mem>>) src(%dma_wait3A_439 : memref<12x128xi32, #tpu.memory_space<hbm>>) dst(%arg9 : memref<12x128xi32, #tpu.memory_space<vmem>>)
        %dma_start3A_440 = arith.constant 0 : i32
        %dma_start3A_441 = arith.constant 0 : i32
        %dma_start3A_442 = arith.constant 0 : i32
        %dma_start3A_443 = tpu.memref_slice %arg13[%dma_start3A_441, %dma_start3A_442] : memref<512x16xf32, #tpu.memory_space<vmem>> -> memref<128x16xf32, #tpu.memory_space<vmem>>
        %dma_start3A_444 = arith.constant 0 : i32
        %dma_start3A_445 = tpu.memref_slice %arg9[%dma_start3A_440, %dma_start3A_444] : memref<12x128xi32, #tpu.memory_space<vmem>> -> memref<1x128xi32, #tpu.memory_space<vmem>>
        %dma_start3A_446 = tpu.memref_squeeze %dma_start3A_445 : memref<1x128xi32, #tpu.memory_space<vmem>> -> memref<128xi32, #tpu.memory_space<vmem>>
        %dma_start3A_447 = arith.constant 0 : i32
        %dma_start3A_448 = arith.constant 0 : i32
        %dma_start3A_449 = tpu.memref_slice %arg2[%dma_start3A_447, %dma_start3A_448] : memref<150000x16xf32, #tpu.memory_space<hbm>> -> memref<150000x16xf32, #tpu.memory_space<hbm>>
        tpu.enqueue_indirect_dma source(%dma_start3A_449 : memref<150000x16xf32, #tpu.memory_space<hbm>>) target(%dma_start3A_443 : memref<128x16xf32, #tpu.memory_space<vmem>>) offsets(%dma_start3A_446 : memref<128xi32, #tpu.memory_space<vmem>>) semaphore(%arg17 : memref<!tpu.dma_semaphore, #tpu.memory_space<semaphore_mem>>)
        %dma_start3A_450 = arith.constant 1 : i32
        %dma_start3A_451 = arith.constant 128 : i32
        %dma_start3A_452 = arith.constant 0 : i32
        %dma_start3A_453 = tpu.memref_slice %arg13[%dma_start3A_451, %dma_start3A_452] : memref<512x16xf32, #tpu.memory_space<vmem>> -> memref<128x16xf32, #tpu.memory_space<vmem>>
        %dma_start3A_454 = arith.constant 0 : i32
        %dma_start3A_455 = tpu.memref_slice %arg9[%dma_start3A_450, %dma_start3A_454] : memref<12x128xi32, #tpu.memory_space<vmem>> -> memref<1x128xi32, #tpu.memory_space<vmem>>
        %dma_start3A_456 = tpu.memref_squeeze %dma_start3A_455 : memref<1x128xi32, #tpu.memory_space<vmem>> -> memref<128xi32, #tpu.memory_space<vmem>>
        %dma_start3A_457 = arith.constant 0 : i32
        %dma_start3A_458 = arith.constant 0 : i32
        %dma_start3A_459 = tpu.memref_slice %arg2[%dma_start3A_457, %dma_start3A_458] : memref<150000x16xf32, #tpu.memory_space<hbm>> -> memref<150000x16xf32, #tpu.memory_space<hbm>>
        tpu.enqueue_indirect_dma source(%dma_start3A_459 : memref<150000x16xf32, #tpu.memory_space<hbm>>) target(%dma_start3A_453 : memref<128x16xf32, #tpu.memory_space<vmem>>) offsets(%dma_start3A_456 : memref<128xi32, #tpu.memory_space<vmem>>) semaphore(%arg17 : memref<!tpu.dma_semaphore, #tpu.memory_space<semaphore_mem>>)
        %dma_start3A_460 = arith.constant 2 : i32
        %dma_start3A_461 = arith.constant 256 : i32
        %dma_start3A_462 = arith.constant 0 : i32
        %dma_start3A_463 = tpu.memref_slice %arg13[%dma_start3A_461, %dma_start3A_462] : memref<512x16xf32, #tpu.memory_space<vmem>> -> memref<128x16xf32, #tpu.memory_space<vmem>>
        %dma_start3A_464 = arith.constant 0 : i32
        %dma_start3A_465 = tpu.memref_slice %arg9[%dma_start3A_460, %dma_start3A_464] : memref<12x128xi32, #tpu.memory_space<vmem>> -> memref<1x128xi32, #tpu.memory_space<vmem>>
        %dma_start3A_466 = tpu.memref_squeeze %dma_start3A_465 : memref<1x128xi32, #tpu.memory_space<vmem>> -> memref<128xi32, #tpu.memory_space<vmem>>
        %dma_start3A_467 = arith.constant 0 : i32
        %dma_start3A_468 = arith.constant 0 : i32
        %dma_start3A_469 = tpu.memref_slice %arg2[%dma_start3A_467, %dma_start3A_468] : memref<150000x16xf32, #tpu.memory_space<hbm>> -> memref<150000x16xf32, #tpu.memory_space<hbm>>
        tpu.enqueue_indirect_dma source(%dma_start3A_469 : memref<150000x16xf32, #tpu.memory_space<hbm>>) target(%dma_start3A_463 : memref<128x16xf32, #tpu.memory_space<vmem>>) offsets(%dma_start3A_466 : memref<128xi32, #tpu.memory_space<vmem>>) semaphore(%arg17 : memref<!tpu.dma_semaphore, #tpu.memory_space<semaphore_mem>>)
        %dma_start3A_470 = arith.constant 3 : i32
        %dma_start3A_471 = arith.constant 384 : i32
        %dma_start3A_472 = arith.constant 0 : i32
        %dma_start3A_473 = tpu.memref_slice %arg13[%dma_start3A_471, %dma_start3A_472] : memref<512x16xf32, #tpu.memory_space<vmem>> -> memref<128x16xf32, #tpu.memory_space<vmem>>
        %dma_start3A_474 = arith.constant 0 : i32
        %dma_start3A_475 = tpu.memref_slice %arg9[%dma_start3A_470, %dma_start3A_474] : memref<12x128xi32, #tpu.memory_space<vmem>> -> memref<1x128xi32, #tpu.memory_space<vmem>>
        %dma_start3A_476 = tpu.memref_squeeze %dma_start3A_475 : memref<1x128xi32, #tpu.memory_space<vmem>> -> memref<128xi32, #tpu.memory_space<vmem>>
        %dma_start3A_477 = arith.constant 0 : i32
        %dma_start3A_478 = arith.constant 0 : i32
        %dma_start3A_479 = tpu.memref_slice %arg2[%dma_start3A_477, %dma_start3A_478] : memref<150000x16xf32, #tpu.memory_space<hbm>> -> memref<150000x16xf32, #tpu.memory_space<hbm>>
        tpu.enqueue_indirect_dma source(%dma_start3A_479 : memref<150000x16xf32, #tpu.memory_space<hbm>>) target(%dma_start3A_473 : memref<128x16xf32, #tpu.memory_space<vmem>>) offsets(%dma_start3A_476 : memref<128xi32, #tpu.memory_space<vmem>>) semaphore(%arg17 : memref<!tpu.dma_semaphore, #tpu.memory_space<semaphore_mem>>)
      } else {
      }
      %dma_wait3A_155 = arith.constant 0 : i32
      %dma_wait3A_156 = arith.constant 0 : i32
      %dma_wait3A_157 = tpu.memref_slice %arg2[%dma_wait3A_155, %dma_wait3A_156] : memref<150000x16xf32, #tpu.memory_space<hbm>> -> memref<512x16xf32, #tpu.memory_space<hbm>>
      %dma_wait3A_158 = arith.constant 0 : i32
      %dma_wait3A_159 = arith.constant 0 : i32
      %dma_wait3A_160 = tpu.memref_slice %arg2[%dma_wait3A_158, %dma_wait3A_159] : memref<150000x16xf32, #tpu.memory_space<hbm>> -> memref<512x16xf32, #tpu.memory_space<hbm>>
      tpu.wait_dma2 semaphore(%arg15 : memref<!tpu.dma_semaphore, #tpu.memory_space<semaphore_mem>>) src(%dma_wait3A_160 : memref<512x16xf32, #tpu.memory_space<hbm>>) dst(%arg11 : memref<512x16xf32, #tpu.memory_space<vmem>>)
      %scan3A_161 = arith.constant 0 : i32
      %scan3A_162 = arith.constant 0 : i32
      %scan3A_163 = arith.constant 32 : i32
      %scan3A_164 = arith.addi %scan3A_162, %scan3A_163 : i32
      %scan3A_165 = arith.constant 1 : i32
      scf.for %scan3A_432 = %scan3A_162 to %scan3A_164 step %scan3A_165  : i32 {
        %jit3A = arith.constant 8 : i32
        %div3A = arith.divsi %scan3A_432, %jit3A : i32
        %sign3A = arith.constant 0 : i32
        %sign3A_433 = arith.cmpi sgt, %scan3A_432, %sign3A : i32
        %sign3A_434 = arith.extui %sign3A_433 : i1 to i32
        %sign3A_435 = arith.constant 0 : i32
        %sign3A_436 = arith.cmpi slt, %scan3A_432, %sign3A_435 : i32
        %sign3A_437 = arith.extui %sign3A_436 : i1 to i32
        %sign3A_438 = arith.subi %sign3A_434, %sign3A_437 : i32
        %sign3A_439 = arith.constant 0 : i32
        %sign3A_440 = arith.cmpi sgt, %jit3A, %sign3A_439 : i32
        %sign3A_441 = arith.extui %sign3A_440 : i1 to i32
        %sign3A_442 = arith.constant 0 : i32
        %sign3A_443 = arith.cmpi slt, %jit3A, %sign3A_442 : i32
        %sign3A_444 = arith.extui %sign3A_443 : i1 to i32
        %sign3A_445 = arith.subi %sign3A_441, %sign3A_444 : i32
        %ne3A = arith.cmpi ne, %sign3A_438, %sign3A_445 : i32
        %rem3A = arith.remsi %scan3A_432, %jit3A : i32
        %ne3A_446 = arith.constant 0 : i32
        %ne3A_447 = arith.cmpi ne, %rem3A, %ne3A_446 : i32
        %and3A = arith.andi %ne3A, %ne3A_447 : i1
        %sub3A = arith.constant 1 : i32
        %sub3A_448 = arith.subi %div3A, %sub3A : i32
        %select_n3A = arith.select %and3A, %sub3A_448, %div3A : i32
        %mul3A_449 = arith.constant 8 : i32
        %mul3A_450 = arith.muli %mul3A_449, %select_n3A : i32
        %sub3A_451 = arith.subi %scan3A_432, %mul3A_450 : i32
        %add3A_452 = arith.constant 8 : i32
        %add3A_453 = arith.addi %add3A_452, %select_n3A : i32
        %mul3A_454 = arith.constant 16 : i32
        %mul3A_455 = arith.muli %sub3A_451, %mul3A_454 : i32
        %get3A = arith.index_cast %add3A_453 : i32 to index
        %get3A_456 = arith.index_cast %mul3A_455 : i32 to index
        %get3A_457 = tpu.vector_load %arg7[%get3A, %get3A_456] {strides = array<i32>} : memref<12x128xi32, #tpu.memory_space<vmem>>, vector<16xi32>,
        %bitcast3A = vector.bitcast %get3A_457 : vector<16xi32> to vector<16xf32>
        %mul3A_458 = arith.constant 16 : i32
        %mul3A_459 = arith.muli %scan3A_432, %mul3A_458 : i32
        %add3A_460 = arith.constant 0 : i32
        %add3A_461 = arith.addi %mul3A_459, %add3A_460 : i32
        %get3A_462 = arith.index_cast %add3A_461 : i32 to index
        %get3A_463 = arith.constant 0 : index
        %get3A_464 = tpu.vector_load %arg11[%get3A_462, %get3A_463] {strides = array<i32>} : memref<512x16xf32, #tpu.memory_space<vmem>>, vector<16xf32>,
        %slice3A = vector.extract_strided_slice %bitcast3A {offsets = [0], sizes = [1], strides = [1]} : vector<16xf32> to vector<1xf32>
        %squeeze3A = vector.extract %slice3A[0] : f32 from vector<1xf32>
        %mul3A_465 = vector.broadcast %squeeze3A : f32 to vector<16xf32>
        %mul3A_466 = arith.mulf %get3A_464, %mul3A_465 : vector<16xf32>
        %swap3A = arith.index_cast %add3A_461 : i32 to index
        %swap3A_467 = arith.constant 0 : index
        %swap3A_468 = tpu.vector_load %arg11[%swap3A, %swap3A_467] {strides = array<i32>} : memref<512x16xf32, #tpu.memory_space<vmem>>, vector<16xf32>,
        tpu.vector_store %arg11[%swap3A, %swap3A_467], %mul3A_466 {strides = array<i32>} : memref<512x16xf32, #tpu.memory_space<vmem>>, vector<16xf32>,
        %mul3A_469 = arith.constant 16 : i32
        %mul3A_470 = arith.muli %scan3A_432, %mul3A_469 : i32
        %add3A_471 = arith.constant 1 : i32
        %add3A_472 = arith.addi %mul3A_470, %add3A_471 : i32
        %get3A_473 = arith.index_cast %add3A_472 : i32 to index
        %get3A_474 = arith.constant 0 : index
        %get3A_475 = tpu.vector_load %arg11[%get3A_473, %get3A_474] {strides = array<i32>} : memref<512x16xf32, #tpu.memory_space<vmem>>, vector<16xf32>,
        %slice3A_476 = vector.extract_strided_slice %bitcast3A {offsets = [1], sizes = [1], strides = [1]} : vector<16xf32> to vector<1xf32>
        %squeeze3A_477 = vector.extract %slice3A_476[0] : f32 from vector<1xf32>
        %mul3A_478 = vector.broadcast %squeeze3A_477 : f32 to vector<16xf32>
        %mul3A_479 = arith.mulf %get3A_475, %mul3A_478 : vector<16xf32>
        %swap3A_480 = arith.index_cast %add3A_472 : i32 to index
        %swap3A_481 = arith.constant 0 : index
        %swap3A_482 = tpu.vector_load %arg11[%swap3A_480, %swap3A_481] {strides = array<i32>} : memref<512x16xf32, #tpu.memory_space<vmem>>, vector<16xf32>,
        tpu.vector_store %arg11[%swap3A_480, %swap3A_481], %mul3A_479 {strides = array<i32>} : memref<512x16xf32, #tpu.memory_space<vmem>>, vector<16xf32>,
        %mul3A_483 = arith.constant 16 : i32
        %mul3A_484 = arith.muli %scan3A_432, %mul3A_483 : i32
        %add3A_485 = arith.constant 2 : i32
        %add3A_486 = arith.addi %mul3A_484, %add3A_485 : i32
        %get3A_487 = arith.index_cast %add3A_486 : i32 to index
        %get3A_488 = arith.constant 0 : index
        %get3A_489 = tpu.vector_load %arg11[%get3A_487, %get3A_488] {strides = array<i32>} : memref<512x16xf32, #tpu.memory_space<vmem>>, vector<16xf32>,
        %slice3A_490 = vector.extract_strided_slice %bitcast3A {offsets = [2], sizes = [1], strides = [1]} : vector<16xf32> to vector<1xf32>
        %squeeze3A_491 = vector.extract %slice3A_490[0] : f32 from vector<1xf32>
        %mul3A_492 = vector.broadcast %squeeze3A_491 : f32 to vector<16xf32>
        %mul3A_493 = arith.mulf %get3A_489, %mul3A_492 : vector<16xf32>
        %swap3A_494 = arith.index_cast %add3A_486 : i32 to index
        %swap3A_495 = arith.constant 0 : index
        %swap3A_496 = tpu.vector_load %arg11[%swap3A_494, %swap3A_495] {strides = array<i32>} : memref<512x16xf32, #tpu.memory_space<vmem>>, vector<16xf32>,
        tpu.vector_store %arg11[%swap3A_494, %swap3A_495], %mul3A_493 {strides = array<i32>} : memref<512x16xf32, #tpu.memory_space<vmem>>, vector<16xf32>,
        %mul3A_497 = arith.constant 16 : i32
        %mul3A_498 = arith.muli %scan3A_432, %mul3A_497 : i32
        %add3A_499 = arith.constant 3 : i32
        %add3A_500 = arith.addi %mul3A_498, %add3A_499 : i32
        %get3A_501 = arith.index_cast %add3A_500 : i32 to index
        %get3A_502 = arith.constant 0 : index
        %get3A_503 = tpu.vector_load %arg11[%get3A_501, %get3A_502] {strides = array<i32>} : memref<512x16xf32, #tpu.memory_space<vmem>>, vector<16xf32>,
        %slice3A_504 = vector.extract_strided_slice %bitcast3A {offsets = [3], sizes = [1], strides = [1]} : vector<16xf32> to vector<1xf32>
        %squeeze3A_505 = vector.extract %slice3A_504[0] : f32 from vector<1xf32>
        %mul3A_506 = vector.broadcast %squeeze3A_505 : f32 to vector<16xf32>
        %mul3A_507 = arith.mulf %get3A_503, %mul3A_506 : vector<16xf32>
        %swap3A_508 = arith.index_cast %add3A_500 : i32 to index
        %swap3A_509 = arith.constant 0 : index
        %swap3A_510 = tpu.vector_load %arg11[%swap3A_508, %swap3A_509] {strides = array<i32>} : memref<512x16xf32, #tpu.memory_space<vmem>>, vector<16xf32>,
        tpu.vector_store %arg11[%swap3A_508, %swap3A_509], %mul3A_507 {strides = array<i32>} : memref<512x16xf32, #tpu.memory_space<vmem>>, vector<16xf32>,
        %mul3A_511 = arith.constant 16 : i32
        %mul3A_512 = arith.muli %scan3A_432, %mul3A_511 : i32
        %add3A_513 = arith.constant 4 : i32
        %add3A_514 = arith.addi %mul3A_512, %add3A_513 : i32
        %get3A_515 = arith.index_cast %add3A_514 : i32 to index
        %get3A_516 = arith.constant 0 : index
        %get3A_517 = tpu.vector_load %arg11[%get3A_515, %get3A_516] {strides = array<i32>} : memref<512x16xf32, #tpu.memory_space<vmem>>, vector<16xf32>,
        %slice3A_518 = vector.extract_strided_slice %bitcast3A {offsets = [4], sizes = [1], strides = [1]} : vector<16xf32> to vector<1xf32>
        %squeeze3A_519 = vector.extract %slice3A_518[0] : f32 from vector<1xf32>
        %mul3A_520 = vector.broadcast %squeeze3A_519 : f32 to vector<16xf32>
        %mul3A_521 = arith.mulf %get3A_517, %mul3A_520 : vector<16xf32>
        %swap3A_522 = arith.index_cast %add3A_514 : i32 to index
        %swap3A_523 = arith.constant 0 : index
        %swap3A_524 = tpu.vector_load %arg11[%swap3A_522, %swap3A_523] {strides = array<i32>} : memref<512x16xf32, #tpu.memory_space<vmem>>, vector<16xf32>,
        tpu.vector_store %arg11[%swap3A_522, %swap3A_523], %mul3A_521 {strides = array<i32>} : memref<512x16xf32, #tpu.memory_space<vmem>>, vector<16xf32>,
        %mul3A_525 = arith.constant 16 : i32
        %mul3A_526 = arith.muli %scan3A_432, %mul3A_525 : i32
        %add3A_527 = arith.constant 5 : i32
        %add3A_528 = arith.addi %mul3A_526, %add3A_527 : i32
        %get3A_529 = arith.index_cast %add3A_528 : i32 to index
        %get3A_530 = arith.constant 0 : index
        %get3A_531 = tpu.vector_load %arg11[%get3A_529, %get3A_530] {strides = array<i32>} : memref<512x16xf32, #tpu.memory_space<vmem>>, vector<16xf32>,
        %slice3A_532 = vector.extract_strided_slice %bitcast3A {offsets = [5], sizes = [1], strides = [1]} : vector<16xf32> to vector<1xf32>
        %squeeze3A_533 = vector.extract %slice3A_532[0] : f32 from vector<1xf32>
        %mul3A_534 = vector.broadcast %squeeze3A_533 : f32 to vector<16xf32>
        %mul3A_535 = arith.mulf %get3A_531, %mul3A_534 : vector<16xf32>
        %swap3A_536 = arith.index_cast %add3A_528 : i32 to index
        %swap3A_537 = arith.constant 0 : index
        %swap3A_538 = tpu.vector_load %arg11[%swap3A_536, %swap3A_537] {strides = array<i32>} : memref<512x16xf32, #tpu.memory_space<vmem>>, vector<16xf32>,
        tpu.vector_store %arg11[%swap3A_536, %swap3A_537], %mul3A_535 {strides = array<i32>} : memref<512x16xf32, #tpu.memory_space<vmem>>, vector<16xf32>,
        %mul3A_539 = arith.constant 16 : i32
        %mul3A_540 = arith.muli %scan3A_432, %mul3A_539 : i32
        %add3A_541 = arith.constant 6 : i32
        %add3A_542 = arith.addi %mul3A_540, %add3A_541 : i32
        %get3A_543 = arith.index_cast %add3A_542 : i32 to index
        %get3A_544 = arith.constant 0 : index
        %get3A_545 = tpu.vector_load %arg11[%get3A_543, %get3A_544] {strides = array<i32>} : memref<512x16xf32, #tpu.memory_space<vmem>>, vector<16xf32>,
        %slice3A_546 = vector.extract_strided_slice %bitcast3A {offsets = [6], sizes = [1], strides = [1]} : vector<16xf32> to vector<1xf32>
        %squeeze3A_547 = vector.extract %slice3A_546[0] : f32 from vector<1xf32>
        %mul3A_548 = vector.broadcast %squeeze3A_547 : f32 to vector<16xf32>
        %mul3A_549 = arith.mulf %get3A_545, %mul3A_548 : vector<16xf32>
        %swap3A_550 = arith.index_cast %add3A_542 : i32 to index
        %swap3A_551 = arith.constant 0 : index
        %swap3A_552 = tpu.vector_load %arg11[%swap3A_550, %swap3A_551] {strides = array<i32>} : memref<512x16xf32, #tpu.memory_space<vmem>>, vector<16xf32>,
        tpu.vector_store %arg11[%swap3A_550, %swap3A_551], %mul3A_549 {strides = array<i32>} : memref<512x16xf32, #tpu.memory_space<vmem>>, vector<16xf32>,
        %mul3A_553 = arith.constant 16 : i32
        %mul3A_554 = arith.muli %scan3A_432, %mul3A_553 : i32
        %add3A_555 = arith.constant 7 : i32
        %add3A_556 = arith.addi %mul3A_554, %add3A_555 : i32
        %get3A_557 = arith.index_cast %add3A_556 : i32 to index
        %get3A_558 = arith.constant 0 : index
        %get3A_559 = tpu.vector_load %arg11[%get3A_557, %get3A_558] {strides = array<i32>} : memref<512x16xf32, #tpu.memory_space<vmem>>, vector<16xf32>,
        %slice3A_560 = vector.extract_strided_slice %bitcast3A {offsets = [7], sizes = [1], strides = [1]} : vector<16xf32> to vector<1xf32>
        %squeeze3A_561 = vector.extract %slice3A_560[0] : f32 from vector<1xf32>
        %mul3A_562 = vector.broadcast %squeeze3A_561 : f32 to vector<16xf32>
        %mul3A_563 = arith.mulf %get3A_559, %mul3A_562 : vector<16xf32>
        %swap3A_564 = arith.index_cast %add3A_556 : i32 to index
        %swap3A_565 = arith.constant 0 : index
        %swap3A_566 = tpu.vector_load %arg11[%swap3A_564, %swap3A_565] {strides = array<i32>} : memref<512x16xf32, #tpu.memory_space<vmem>>, vector<16xf32>,
        tpu.vector_store %arg11[%swap3A_564, %swap3A_565], %mul3A_563 {strides = array<i32>} : memref<512x16xf32, #tpu.memory_space<vmem>>, vector<16xf32>,
        %mul3A_567 = arith.constant 16 : i32
        %mul3A_568 = arith.muli %scan3A_432, %mul3A_567 : i32
        %add3A_569 = arith.constant 8 : i32
        %add3A_570 = arith.addi %mul3A_568, %add3A_569 : i32
        %get3A_571 = arith.index_cast %add3A_570 : i32 to index
        %get3A_572 = arith.constant 0 : index
        %get3A_573 = tpu.vector_load %arg11[%get3A_571, %get3A_572] {strides = array<i32>} : memref<512x16xf32, #tpu.memory_space<vmem>>, vector<16xf32>,
        %slice3A_574 = vector.extract_strided_slice %bitcast3A {offsets = [8], sizes = [1], strides = [1]} : vector<16xf32> to vector<1xf32>
        %squeeze3A_575 = vector.extract %slice3A_574[0] : f32 from vector<1xf32>
        %mul3A_576 = vector.broadcast %squeeze3A_575 : f32 to vector<16xf32>
        %mul3A_577 = arith.mulf %get3A_573, %mul3A_576 : vector<16xf32>
        %swap3A_578 = arith.index_cast %add3A_570 : i32 to index
        %swap3A_579 = arith.constant 0 : index
        %swap3A_580 = tpu.vector_load %arg11[%swap3A_578, %swap3A_579] {strides = array<i32>} : memref<512x16xf32, #tpu.memory_space<vmem>>, vector<16xf32>,
        tpu.vector_store %arg11[%swap3A_578, %swap3A_579], %mul3A_577 {strides = array<i32>} : memref<512x16xf32, #tpu.memory_space<vmem>>, vector<16xf32>,
        %mul3A_581 = arith.constant 16 : i32
        %mul3A_582 = arith.muli %scan3A_432, %mul3A_581 : i32
        %add3A_583 = arith.constant 9 : i32
        %add3A_584 = arith.addi %mul3A_582, %add3A_583 : i32
        %get3A_585 = arith.index_cast %add3A_584 : i32 to index
        %get3A_586 = arith.constant 0 : index
        %get3A_587 = tpu.vector_load %arg11[%get3A_585, %get3A_586] {strides = array<i32>} : memref<512x16xf32, #tpu.memory_space<vmem>>, vector<16xf32>,
        %slice3A_588 = vector.extract_strided_slice %bitcast3A {offsets = [9], sizes = [1], strides = [1]} : vector<16xf32> to vector<1xf32>
        %squeeze3A_589 = vector.extract %slice3A_588[0] : f32 from vector<1xf32>
        %mul3A_590 = vector.broadcast %squeeze3A_589 : f32 to vector<16xf32>
        %mul3A_591 = arith.mulf %get3A_587, %mul3A_590 : vector<16xf32>
        %swap3A_592 = arith.index_cast %add3A_584 : i32 to index
        %swap3A_593 = arith.constant 0 : index
        %swap3A_594 = tpu.vector_load %arg11[%swap3A_592, %swap3A_593] {strides = array<i32>} : memref<512x16xf32, #tpu.memory_space<vmem>>, vector<16xf32>,
        tpu.vector_store %arg11[%swap3A_592, %swap3A_593], %mul3A_591 {strides = array<i32>} : memref<512x16xf32, #tpu.memory_space<vmem>>, vector<16xf32>,
        %mul3A_595 = arith.constant 16 : i32
        %mul3A_596 = arith.muli %scan3A_432, %mul3A_595 : i32
        %add3A_597 = arith.constant 10 : i32
        %add3A_598 = arith.addi %mul3A_596, %add3A_597 : i32
        %get3A_599 = arith.index_cast %add3A_598 : i32 to index
        %get3A_600 = arith.constant 0 : index
        %get3A_601 = tpu.vector_load %arg11[%get3A_599, %get3A_600] {strides = array<i32>} : memref<512x16xf32, #tpu.memory_space<vmem>>, vector<16xf32>,
        %slice3A_602 = vector.extract_strided_slice %bitcast3A {offsets = [10], sizes = [1], strides = [1]} : vector<16xf32> to vector<1xf32>
        %squeeze3A_603 = vector.extract %slice3A_602[0] : f32 from vector<1xf32>
        %mul3A_604 = vector.broadcast %squeeze3A_603 : f32 to vector<16xf32>
        %mul3A_605 = arith.mulf %get3A_601, %mul3A_604 : vector<16xf32>
        %swap3A_606 = arith.index_cast %add3A_598 : i32 to index
        %swap3A_607 = arith.constant 0 : index
        %swap3A_608 = tpu.vector_load %arg11[%swap3A_606, %swap3A_607] {strides = array<i32>} : memref<512x16xf32, #tpu.memory_space<vmem>>, vector<16xf32>,
        tpu.vector_store %arg11[%swap3A_606, %swap3A_607], %mul3A_605 {strides = array<i32>} : memref<512x16xf32, #tpu.memory_space<vmem>>, vector<16xf32>,
        %mul3A_609 = arith.constant 16 : i32
        %mul3A_610 = arith.muli %scan3A_432, %mul3A_609 : i32
        %add3A_611 = arith.constant 11 : i32
        %add3A_612 = arith.addi %mul3A_610, %add3A_611 : i32
        %get3A_613 = arith.index_cast %add3A_612 : i32 to index
        %get3A_614 = arith.constant 0 : index
        %get3A_615 = tpu.vector_load %arg11[%get3A_613, %get3A_614] {strides = array<i32>} : memref<512x16xf32, #tpu.memory_space<vmem>>, vector<16xf32>,
        %slice3A_616 = vector.extract_strided_slice %bitcast3A {offsets = [11], sizes = [1], strides = [1]} : vector<16xf32> to vector<1xf32>
        %squeeze3A_617 = vector.extract %slice3A_616[0] : f32 from vector<1xf32>
        %mul3A_618 = vector.broadcast %squeeze3A_617 : f32 to vector<16xf32>
        %mul3A_619 = arith.mulf %get3A_615, %mul3A_618 : vector<16xf32>
        %swap3A_620 = arith.index_cast %add3A_612 : i32 to index
        %swap3A_621 = arith.constant 0 : index
        %swap3A_622 = tpu.vector_load %arg11[%swap3A_620, %swap3A_621] {strides = array<i32>} : memref<512x16xf32, #tpu.memory_space<vmem>>, vector<16xf32>,
        tpu.vector_store %arg11[%swap3A_620, %swap3A_621], %mul3A_619 {strides = array<i32>} : memref<512x16xf32, #tpu.memory_space<vmem>>, vector<16xf32>,
        %mul3A_623 = arith.constant 16 : i32
        %mul3A_624 = arith.muli %scan3A_432, %mul3A_623 : i32
        %add3A_625 = arith.constant 12 : i32
        %add3A_626 = arith.addi %mul3A_624, %add3A_625 : i32
        %get3A_627 = arith.index_cast %add3A_626 : i32 to index
        %get3A_628 = arith.constant 0 : index
        %get3A_629 = tpu.vector_load %arg11[%get3A_627, %get3A_628] {strides = array<i32>} : memref<512x16xf32, #tpu.memory_space<vmem>>, vector<16xf32>,
        %slice3A_630 = vector.extract_strided_slice %bitcast3A {offsets = [12], sizes = [1], strides = [1]} : vector<16xf32> to vector<1xf32>
        %squeeze3A_631 = vector.extract %slice3A_630[0] : f32 from vector<1xf32>
        %mul3A_632 = vector.broadcast %squeeze3A_631 : f32 to vector<16xf32>
        %mul3A_633 = arith.mulf %get3A_629, %mul3A_632 : vector<16xf32>
        %swap3A_634 = arith.index_cast %add3A_626 : i32 to index
        %swap3A_635 = arith.constant 0 : index
        %swap3A_636 = tpu.vector_load %arg11[%swap3A_634, %swap3A_635] {strides = array<i32>} : memref<512x16xf32, #tpu.memory_space<vmem>>, vector<16xf32>,
        tpu.vector_store %arg11[%swap3A_634, %swap3A_635], %mul3A_633 {strides = array<i32>} : memref<512x16xf32, #tpu.memory_space<vmem>>, vector<16xf32>,
        %mul3A_637 = arith.constant 16 : i32
        %mul3A_638 = arith.muli %scan3A_432, %mul3A_637 : i32
        %add3A_639 = arith.constant 13 : i32
        %add3A_640 = arith.addi %mul3A_638, %add3A_639 : i32
        %get3A_641 = arith.index_cast %add3A_640 : i32 to index
        %get3A_642 = arith.constant 0 : index
        %get3A_643 = tpu.vector_load %arg11[%get3A_641, %get3A_642] {strides = array<i32>} : memref<512x16xf32, #tpu.memory_space<vmem>>, vector<16xf32>,
        %slice3A_644 = vector.extract_strided_slice %bitcast3A {offsets = [13], sizes = [1], strides = [1]} : vector<16xf32> to vector<1xf32>
        %squeeze3A_645 = vector.extract %slice3A_644[0] : f32 from vector<1xf32>
        %mul3A_646 = vector.broadcast %squeeze3A_645 : f32 to vector<16xf32>
        %mul3A_647 = arith.mulf %get3A_643, %mul3A_646 : vector<16xf32>
        %swap3A_648 = arith.index_cast %add3A_640 : i32 to index
        %swap3A_649 = arith.constant 0 : index
        %swap3A_650 = tpu.vector_load %arg11[%swap3A_648, %swap3A_649] {strides = array<i32>} : memref<512x16xf32, #tpu.memory_space<vmem>>, vector<16xf32>,
        tpu.vector_store %arg11[%swap3A_648, %swap3A_649], %mul3A_647 {strides = array<i32>} : memref<512x16xf32, #tpu.memory_space<vmem>>, vector<16xf32>,
        %mul3A_651 = arith.constant 16 : i32
        %mul3A_652 = arith.muli %scan3A_432, %mul3A_651 : i32
        %add3A_653 = arith.constant 14 : i32
        %add3A_654 = arith.addi %mul3A_652, %add3A_653 : i32
        %get3A_655 = arith.index_cast %add3A_654 : i32 to index
        %get3A_656 = arith.constant 0 : index
        %get3A_657 = tpu.vector_load %arg11[%get3A_655, %get3A_656] {strides = array<i32>} : memref<512x16xf32, #tpu.memory_space<vmem>>, vector<16xf32>,
        %slice3A_658 = vector.extract_strided_slice %bitcast3A {offsets = [14], sizes = [1], strides = [1]} : vector<16xf32> to vector<1xf32>
        %squeeze3A_659 = vector.extract %slice3A_658[0] : f32 from vector<1xf32>
        %mul3A_660 = vector.broadcast %squeeze3A_659 : f32 to vector<16xf32>
        %mul3A_661 = arith.mulf %get3A_657, %mul3A_660 : vector<16xf32>
        %swap3A_662 = arith.index_cast %add3A_654 : i32 to index
        %swap3A_663 = arith.constant 0 : index
        %swap3A_664 = tpu.vector_load %arg11[%swap3A_662, %swap3A_663] {strides = array<i32>} : memref<512x16xf32, #tpu.memory_space<vmem>>, vector<16xf32>,
        tpu.vector_store %arg11[%swap3A_662, %swap3A_663], %mul3A_661 {strides = array<i32>} : memref<512x16xf32, #tpu.memory_space<vmem>>, vector<16xf32>,
        %mul3A_665 = arith.constant 16 : i32
        %mul3A_666 = arith.muli %scan3A_432, %mul3A_665 : i32
        %add3A_667 = arith.constant 15 : i32
        %add3A_668 = arith.addi %mul3A_666, %add3A_667 : i32
        %get3A_669 = arith.index_cast %add3A_668 : i32 to index
        %get3A_670 = arith.constant 0 : index
        %get3A_671 = tpu.vector_load %arg11[%get3A_669, %get3A_670] {strides = array<i32>} : memref<512x16xf32, #tpu.memory_space<vmem>>, vector<16xf32>,
        %slice3A_672 = vector.extract_strided_slice %bitcast3A {offsets = [15], sizes = [1], strides = [1]} : vector<16xf32> to vector<1xf32>
        %squeeze3A_673 = vector.extract %slice3A_672[0] : f32 from vector<1xf32>
        %mul3A_674 = vector.broadcast %squeeze3A_673 : f32 to vector<16xf32>
        %mul3A_675 = arith.mulf %get3A_671, %mul3A_674 : vector<16xf32>
        %swap3A_676 = arith.index_cast %add3A_668 : i32 to index
        %swap3A_677 = arith.constant 0 : index
        %swap3A_678 = tpu.vector_load %arg11[%swap3A_676, %swap3A_677] {strides = array<i32>} : memref<512x16xf32, #tpu.memory_space<vmem>>, vector<16xf32>,
        tpu.vector_store %arg11[%swap3A_676, %swap3A_677], %mul3A_675 {strides = array<i32>} : memref<512x16xf32, #tpu.memory_space<vmem>>, vector<16xf32>,
      }
      %scan3A_166 = arith.constant 32 : i32
      %dma_start3A_167 = arith.constant 4 : i32
      %dma_start3A_168 = arith.constant 0 : i32
      %dma_start3A_169 = arith.constant 0 : i32
      %dma_start3A_170 = tpu.memref_slice %arg11[%dma_start3A_168, %dma_start3A_169] : memref<512x16xf32, #tpu.memory_space<vmem>> -> memref<128x16xf32, #tpu.memory_space<vmem>>
      %dma_start3A_171 = arith.constant 0 : i32
      %dma_start3A_172 = tpu.memref_slice %arg7[%dma_start3A_167, %dma_start3A_171] : memref<12x128xi32, #tpu.memory_space<vmem>> -> memref<1x128xi32, #tpu.memory_space<vmem>>
      %dma_start3A_173 = tpu.memref_squeeze %dma_start3A_172 : memref<1x128xi32, #tpu.memory_space<vmem>> -> memref<128xi32, #tpu.memory_space<vmem>>
      %dma_start3A_174 = arith.constant 0 : i32
      %dma_start3A_175 = arith.constant 0 : i32
      %dma_start3A_176 = tpu.memref_slice %arg6[%dma_start3A_174, %dma_start3A_175] : memref<50000x16xf32, #tpu.memory_space<vmem_shared>> -> memref<50000x16xf32, #tpu.memory_space<vmem_shared>>
      tpu.enqueue_indirect_dma source(%dma_start3A_170 : memref<128x16xf32, #tpu.memory_space<vmem>>) target(%dma_start3A_176 : memref<50000x16xf32, #tpu.memory_space<vmem_shared>>) offsets(%dma_start3A_173 : memref<128xi32, #tpu.memory_space<vmem>>) semaphore(%arg23 : memref<!tpu.dma_semaphore, #tpu.memory_space<semaphore_mem>>) {add = true}
      %dma_start3A_177 = arith.constant 5 : i32
      %dma_start3A_178 = arith.constant 128 : i32
      %dma_start3A_179 = arith.constant 0 : i32
      %dma_start3A_180 = tpu.memref_slice %arg11[%dma_start3A_178, %dma_start3A_179] : memref<512x16xf32, #tpu.memory_space<vmem>> -> memref<128x16xf32, #tpu.memory_space<vmem>>
      %dma_start3A_181 = arith.constant 0 : i32
      %dma_start3A_182 = tpu.memref_slice %arg7[%dma_start3A_177, %dma_start3A_181] : memref<12x128xi32, #tpu.memory_space<vmem>> -> memref<1x128xi32, #tpu.memory_space<vmem>>
      %dma_start3A_183 = tpu.memref_squeeze %dma_start3A_182 : memref<1x128xi32, #tpu.memory_space<vmem>> -> memref<128xi32, #tpu.memory_space<vmem>>
      %dma_start3A_184 = arith.constant 0 : i32
      %dma_start3A_185 = arith.constant 0 : i32
      %dma_start3A_186 = tpu.memref_slice %arg6[%dma_start3A_184, %dma_start3A_185] : memref<50000x16xf32, #tpu.memory_space<vmem_shared>> -> memref<50000x16xf32, #tpu.memory_space<vmem_shared>>
      tpu.enqueue_indirect_dma source(%dma_start3A_180 : memref<128x16xf32, #tpu.memory_space<vmem>>) target(%dma_start3A_186 : memref<50000x16xf32, #tpu.memory_space<vmem_shared>>) offsets(%dma_start3A_183 : memref<128xi32, #tpu.memory_space<vmem>>) semaphore(%arg23 : memref<!tpu.dma_semaphore, #tpu.memory_space<semaphore_mem>>) {add = true}
      %dma_start3A_187 = arith.constant 6 : i32
      %dma_start3A_188 = arith.constant 256 : i32
      %dma_start3A_189 = arith.constant 0 : i32
      %dma_start3A_190 = tpu.memref_slice %arg11[%dma_start3A_188, %dma_start3A_189] : memref<512x16xf32, #tpu.memory_space<vmem>> -> memref<128x16xf32, #tpu.memory_space<vmem>>
      %dma_start3A_191 = arith.constant 0 : i32
      %dma_start3A_192 = tpu.memref_slice %arg7[%dma_start3A_187, %dma_start3A_191] : memref<12x128xi32, #tpu.memory_space<vmem>> -> memref<1x128xi32, #tpu.memory_space<vmem>>
      %dma_start3A_193 = tpu.memref_squeeze %dma_start3A_192 : memref<1x128xi32, #tpu.memory_space<vmem>> -> memref<128xi32, #tpu.memory_space<vmem>>
      %dma_start3A_194 = arith.constant 0 : i32
      %dma_start3A_195 = arith.constant 0 : i32
      %dma_start3A_196 = tpu.memref_slice %arg6[%dma_start3A_194, %dma_start3A_195] : memref<50000x16xf32, #tpu.memory_space<vmem_shared>> -> memref<50000x16xf32, #tpu.memory_space<vmem_shared>>
      tpu.enqueue_indirect_dma source(%dma_start3A_190 : memref<128x16xf32, #tpu.memory_space<vmem>>) target(%dma_start3A_196 : memref<50000x16xf32, #tpu.memory_space<vmem_shared>>) offsets(%dma_start3A_193 : memref<128xi32, #tpu.memory_space<vmem>>) semaphore(%arg23 : memref<!tpu.dma_semaphore, #tpu.memory_space<semaphore_mem>>) {add = true}
      %dma_start3A_197 = arith.constant 7 : i32
      %dma_start3A_198 = arith.constant 384 : i32
      %dma_start3A_199 = arith.constant 0 : i32
      %dma_start3A_200 = tpu.memref_slice %arg11[%dma_start3A_198, %dma_start3A_199] : memref<512x16xf32, #tpu.memory_space<vmem>> -> memref<128x16xf32, #tpu.memory_space<vmem>>
      %dma_start3A_201 = arith.constant 0 : i32
      %dma_start3A_202 = tpu.memref_slice %arg7[%dma_start3A_197, %dma_start3A_201] : memref<12x128xi32, #tpu.memory_space<vmem>> -> memref<1x128xi32, #tpu.memory_space<vmem>>
      %dma_start3A_203 = tpu.memref_squeeze %dma_start3A_202 : memref<1x128xi32, #tpu.memory_space<vmem>> -> memref<128xi32, #tpu.memory_space<vmem>>
      %dma_start3A_204 = arith.constant 0 : i32
      %dma_start3A_205 = arith.constant 0 : i32
      %dma_start3A_206 = tpu.memref_slice %arg6[%dma_start3A_204, %dma_start3A_205] : memref<50000x16xf32, #tpu.memory_space<vmem_shared>> -> memref<50000x16xf32, #tpu.memory_space<vmem_shared>>
      tpu.enqueue_indirect_dma source(%dma_start3A_200 : memref<128x16xf32, #tpu.memory_space<vmem>>) target(%dma_start3A_206 : memref<50000x16xf32, #tpu.memory_space<vmem_shared>>) offsets(%dma_start3A_203 : memref<128xi32, #tpu.memory_space<vmem>>) semaphore(%arg23 : memref<!tpu.dma_semaphore, #tpu.memory_space<semaphore_mem>>) {add = true}
      %mul3A_207 = arith.constant 4 : i32
      %mul3A_208 = arith.muli %mul3A_207, %scan3A_133 : i32
      %add3A_209 = arith.constant 1 : i32
      %add3A_210 = arith.addi %mul3A_208, %add3A_209 : i32
      %gt3A_211 = arith.constant 0 : i32
      %gt3A_212 = arith.cmpi sgt, %add3A_210, %gt3A_211 : i32
      %convert_element_type3A_213 = arith.extui %gt3A_212 : i1 to i32
      %cond3A_214 = arith.constant 0 : i32
      %cond3A_215 = arith.cmpi ne, %convert_element_type3A_213, %cond3A_214 : i32
      scf.if %cond3A_215 {
        %dma_wait3A_432 = arith.constant 0 : i32
        %dma_wait3A_433 = arith.constant 0 : i32
        %dma_wait3A_434 = tpu.memref_slice %arg6[%dma_wait3A_432, %dma_wait3A_433] : memref<50000x16xf32, #tpu.memory_space<vmem_shared>> -> memref<512x16xf32, #tpu.memory_space<vmem_shared>>
        %dma_wait3A_435 = arith.constant 0 : i32
        %dma_wait3A_436 = arith.constant 0 : i32
        %dma_wait3A_437 = tpu.memref_slice %arg6[%dma_wait3A_435, %dma_wait3A_436] : memref<50000x16xf32, #tpu.memory_space<vmem_shared>> -> memref<512x16xf32, #tpu.memory_space<vmem_shared>>
        tpu.wait_dma2 semaphore(%arg23 : memref<!tpu.dma_semaphore, #tpu.memory_space<semaphore_mem>>) src(%arg11 : memref<512x16xf32, #tpu.memory_space<vmem>>) dst(%dma_wait3A_437 : memref<512x16xf32, #tpu.memory_space<vmem_shared>>)
      } else {
      }
      %add3A_216 = arith.constant 3 : i32
      %add3A_217 = arith.addi %add3A_210, %add3A_216 : i32
      %lt3A_218 = arith.constant 100 : i32
      %lt3A_219 = arith.cmpi slt, %add3A_217, %lt3A_218 : i32
      %convert_element_type3A_220 = arith.extui %lt3A_219 : i1 to i32
      %cond3A_221 = arith.constant 0 : i32
      %cond3A_222 = arith.cmpi ne, %convert_element_type3A_220, %cond3A_221 : i32
      scf.if %cond3A_222 {
        %add3A_432 = arith.constant 3 : i32
        %add3A_433 = arith.addi %add3A_210, %add3A_432 : i32
        %add3A_434 = arith.addi %mul3A_2, %add3A_433 : i32
        %mul3A_435 = arith.constant 12 : i32
        %mul3A_436 = arith.muli %mul3A_435, %add3A_434 : i32
        %dma_start3A_437 = arith.constant 0 : i32
        %dma_start3A_438 = tpu.memref_slice %arg3[%mul3A_436, %dma_start3A_437] : memref<38400x128xi32, #tpu.memory_space<hbm>> -> memref<12x128xi32, #tpu.memory_space<hbm>>
        %dma_start3A_439 = arith.constant 0 : i32
        %dma_start3A_440 = tpu.memref_slice %arg3[%mul3A_436, %dma_start3A_439] : memref<38400x128xi32, #tpu.memory_space<hbm>> -> memref<12x128xi32, #tpu.memory_space<hbm>>
        tpu.enqueue_dma source(%dma_start3A_440 : memref<12x128xi32, #tpu.memory_space<hbm>>) target(%arg7 : memref<12x128xi32, #tpu.memory_space<vmem>>) target_semaphore(%arg19 : memref<!tpu.dma_semaphore, #tpu.memory_space<semaphore_mem>>)
      } else {
      }
      %add3A_223 = arith.constant 2 : i32
      %add3A_224 = arith.addi %add3A_210, %add3A_223 : i32
      %lt3A_225 = arith.constant 100 : i32
      %lt3A_226 = arith.cmpi slt, %add3A_224, %lt3A_225 : i32
      %convert_element_type3A_227 = arith.extui %lt3A_226 : i1 to i32
      %cond3A_228 = arith.constant 0 : i32
      %cond3A_229 = arith.cmpi ne, %convert_element_type3A_227, %cond3A_228 : i32
      scf.if %cond3A_229 {
        %add3A_432 = arith.constant 0 : i32
        %add3A_433 = arith.addi %mul3A_2, %add3A_432 : i32
        %mul3A_434 = arith.constant 12 : i32
        %mul3A_435 = arith.muli %mul3A_434, %add3A_433 : i32
        %dma_wait3A_436 = arith.constant 0 : i32
        %dma_wait3A_437 = tpu.memref_slice %arg3[%mul3A_435, %dma_wait3A_436] : memref<38400x128xi32, #tpu.memory_space<hbm>> -> memref<12x128xi32, #tpu.memory_space<hbm>>
        %dma_wait3A_438 = arith.constant 0 : i32
        %dma_wait3A_439 = tpu.memref_slice %arg3[%mul3A_435, %dma_wait3A_438] : memref<38400x128xi32, #tpu.memory_space<hbm>> -> memref<12x128xi32, #tpu.memory_space<hbm>>
        tpu.wait_dma2 semaphore(%arg22 : memref<!tpu.dma_semaphore, #tpu.memory_space<semaphore_mem>>) src(%dma_wait3A_439 : memref<12x128xi32, #tpu.memory_space<hbm>>) dst(%arg10 : memref<12x128xi32, #tpu.memory_space<vmem>>)
        %dma_start3A_440 = arith.constant 0 : i32
        %dma_start3A_441 = arith.constant 0 : i32
        %dma_start3A_442 = arith.constant 0 : i32
        %dma_start3A_443 = tpu.memref_slice %arg14[%dma_start3A_441, %dma_start3A_442] : memref<512x16xf32, #tpu.memory_space<vmem>> -> memref<128x16xf32, #tpu.memory_space<vmem>>
        %dma_start3A_444 = arith.constant 0 : i32
        %dma_start3A_445 = tpu.memref_slice %arg10[%dma_start3A_440, %dma_start3A_444] : memref<12x128xi32, #tpu.memory_space<vmem>> -> memref<1x128xi32, #tpu.memory_space<vmem>>
        %dma_start3A_446 = tpu.memref_squeeze %dma_start3A_445 : memref<1x128xi32, #tpu.memory_space<vmem>> -> memref<128xi32, #tpu.memory_space<vmem>>
        %dma_start3A_447 = arith.constant 0 : i32
        %dma_start3A_448 = arith.constant 0 : i32
        %dma_start3A_449 = tpu.memref_slice %arg2[%dma_start3A_447, %dma_start3A_448] : memref<150000x16xf32, #tpu.memory_space<hbm>> -> memref<150000x16xf32, #tpu.memory_space<hbm>>
        tpu.enqueue_indirect_dma source(%dma_start3A_449 : memref<150000x16xf32, #tpu.memory_space<hbm>>) target(%dma_start3A_443 : memref<128x16xf32, #tpu.memory_space<vmem>>) offsets(%dma_start3A_446 : memref<128xi32, #tpu.memory_space<vmem>>) semaphore(%arg18 : memref<!tpu.dma_semaphore, #tpu.memory_space<semaphore_mem>>)
        %dma_start3A_450 = arith.constant 1 : i32
        %dma_start3A_451 = arith.constant 128 : i32
        %dma_start3A_452 = arith.constant 0 : i32
        %dma_start3A_453 = tpu.memref_slice %arg14[%dma_start3A_451, %dma_start3A_452] : memref<512x16xf32, #tpu.memory_space<vmem>> -> memref<128x16xf32, #tpu.memory_space<vmem>>
        %dma_start3A_454 = arith.constant 0 : i32
        %dma_start3A_455 = tpu.memref_slice %arg10[%dma_start3A_450, %dma_start3A_454] : memref<12x128xi32, #tpu.memory_space<vmem>> -> memref<1x128xi32, #tpu.memory_space<vmem>>
        %dma_start3A_456 = tpu.memref_squeeze %dma_start3A_455 : memref<1x128xi32, #tpu.memory_space<vmem>> -> memref<128xi32, #tpu.memory_space<vmem>>
        %dma_start3A_457 = arith.constant 0 : i32
        %dma_start3A_458 = arith.constant 0 : i32
        %dma_start3A_459 = tpu.memref_slice %arg2[%dma_start3A_457, %dma_start3A_458] : memref<150000x16xf32, #tpu.memory_space<hbm>> -> memref<150000x16xf32, #tpu.memory_space<hbm>>
        tpu.enqueue_indirect_dma source(%dma_start3A_459 : memref<150000x16xf32, #tpu.memory_space<hbm>>) target(%dma_start3A_453 : memref<128x16xf32, #tpu.memory_space<vmem>>) offsets(%dma_start3A_456 : memref<128xi32, #tpu.memory_space<vmem>>) semaphore(%arg18 : memref<!tpu.dma_semaphore, #tpu.memory_space<semaphore_mem>>)
        %dma_start3A_460 = arith.constant 2 : i32
        %dma_start3A_461 = arith.constant 256 : i32
        %dma_start3A_462 = arith.constant 0 : i32
        %dma_start3A_463 = tpu.memref_slice %arg14[%dma_start3A_461, %dma_start3A_462] : memref<512x16xf32, #tpu.memory_space<vmem>> -> memref<128x16xf32, #tpu.memory_space<vmem>>
        %dma_start3A_464 = arith.constant 0 : i32
        %dma_start3A_465 = tpu.memref_slice %arg10[%dma_start3A_460, %dma_start3A_464] : memref<12x128xi32, #tpu.memory_space<vmem>> -> memref<1x128xi32, #tpu.memory_space<vmem>>
        %dma_start3A_466 = tpu.memref_squeeze %dma_start3A_465 : memref<1x128xi32, #tpu.memory_space<vmem>> -> memref<128xi32, #tpu.memory_space<vmem>>
        %dma_start3A_467 = arith.constant 0 : i32
        %dma_start3A_468 = arith.constant 0 : i32
        %dma_start3A_469 = tpu.memref_slice %arg2[%dma_start3A_467, %dma_start3A_468] : memref<150000x16xf32, #tpu.memory_space<hbm>> -> memref<150000x16xf32, #tpu.memory_space<hbm>>
        tpu.enqueue_indirect_dma source(%dma_start3A_469 : memref<150000x16xf32, #tpu.memory_space<hbm>>) target(%dma_start3A_463 : memref<128x16xf32, #tpu.memory_space<vmem>>) offsets(%dma_start3A_466 : memref<128xi32, #tpu.memory_space<vmem>>) semaphore(%arg18 : memref<!tpu.dma_semaphore, #tpu.memory_space<semaphore_mem>>)
        %dma_start3A_470 = arith.constant 3 : i32
        %dma_start3A_471 = arith.constant 384 : i32
        %dma_start3A_472 = arith.constant 0 : i32
        %dma_start3A_473 = tpu.memref_slice %arg14[%dma_start3A_471, %dma_start3A_472] : memref<512x16xf32, #tpu.memory_space<vmem>> -> memref<128x16xf32, #tpu.memory_space<vmem>>
        %dma_start3A_474 = arith.constant 0 : i32
        %dma_start3A_475 = tpu.memref_slice %arg10[%dma_start3A_470, %dma_start3A_474] : memref<12x128xi32, #tpu.memory_space<vmem>> -> memref<1x128xi32, #tpu.memory_space<vmem>>
        %dma_start3A_476 = tpu.memref_squeeze %dma_start3A_475 : memref<1x128xi32, #tpu.memory_space<vmem>> -> memref<128xi32, #tpu.memory_space<vmem>>
        %dma_start3A_477 = arith.constant 0 : i32
        %dma_start3A_478 = arith.constant 0 : i32
        %dma_start3A_479 = tpu.memref_slice %arg2[%dma_start3A_477, %dma_start3A_478] : memref<150000x16xf32, #tpu.memory_space<hbm>> -> memref<150000x16xf32, #tpu.memory_space<hbm>>
        tpu.enqueue_indirect_dma source(%dma_start3A_479 : memref<150000x16xf32, #tpu.memory_space<hbm>>) target(%dma_start3A_473 : memref<128x16xf32, #tpu.memory_space<vmem>>) offsets(%dma_start3A_476 : memref<128xi32, #tpu.memory_space<vmem>>) semaphore(%arg18 : memref<!tpu.dma_semaphore, #tpu.memory_space<semaphore_mem>>)
      } else {
      }
      %dma_wait3A_230 = arith.constant 0 : i32
      %dma_wait3A_231 = arith.constant 0 : i32
      %dma_wait3A_232 = tpu.memref_slice %arg2[%dma_wait3A_230, %dma_wait3A_231] : memref<150000x16xf32, #tpu.memory_space<hbm>> -> memref<512x16xf32, #tpu.memory_space<hbm>>
      %dma_wait3A_233 = arith.constant 0 : i32
      %dma_wait3A_234 = arith.constant 0 : i32
      %dma_wait3A_235 = tpu.memref_slice %arg2[%dma_wait3A_233, %dma_wait3A_234] : memref<150000x16xf32, #tpu.memory_space<hbm>> -> memref<512x16xf32, #tpu.memory_space<hbm>>
      tpu.wait_dma2 semaphore(%arg16 : memref<!tpu.dma_semaphore, #tpu.memory_space<semaphore_mem>>) src(%dma_wait3A_235 : memref<512x16xf32, #tpu.memory_space<hbm>>) dst(%arg12 : memref<512x16xf32, #tpu.memory_space<vmem>>)
      %scan3A_236 = arith.constant 0 : i32
      %scan3A_237 = arith.constant 0 : i32
      %scan3A_238 = arith.constant 32 : i32
      %scan3A_239 = arith.addi %scan3A_237, %scan3A_238 : i32
      %scan3A_240 = arith.constant 1 : i32
      scf.for %scan3A_432 = %scan3A_237 to %scan3A_239 step %scan3A_240  : i32 {
        %jit3A = arith.constant 8 : i32
        %div3A = arith.divsi %scan3A_432, %jit3A : i32
        %sign3A = arith.constant 0 : i32
        %sign3A_433 = arith.cmpi sgt, %scan3A_432, %sign3A : i32
        %sign3A_434 = arith.extui %sign3A_433 : i1 to i32
        %sign3A_435 = arith.constant 0 : i32
        %sign3A_436 = arith.cmpi slt, %scan3A_432, %sign3A_435 : i32
        %sign3A_437 = arith.extui %sign3A_436 : i1 to i32
        %sign3A_438 = arith.subi %sign3A_434, %sign3A_437 : i32
        %sign3A_439 = arith.constant 0 : i32
        %sign3A_440 = arith.cmpi sgt, %jit3A, %sign3A_439 : i32
        %sign3A_441 = arith.extui %sign3A_440 : i1 to i32
        %sign3A_442 = arith.constant 0 : i32
        %sign3A_443 = arith.cmpi slt, %jit3A, %sign3A_442 : i32
        %sign3A_444 = arith.extui %sign3A_443 : i1 to i32
        %sign3A_445 = arith.subi %sign3A_441, %sign3A_444 : i32
        %ne3A = arith.cmpi ne, %sign3A_438, %sign3A_445 : i32
        %rem3A = arith.remsi %scan3A_432, %jit3A : i32
        %ne3A_446 = arith.constant 0 : i32
        %ne3A_447 = arith.cmpi ne, %rem3A, %ne3A_446 : i32
        %and3A = arith.andi %ne3A, %ne3A_447 : i1
        %sub3A = arith.constant 1 : i32
        %sub3A_448 = arith.subi %div3A, %sub3A : i32
        %select_n3A = arith.select %and3A, %sub3A_448, %div3A : i32
        %mul3A_449 = arith.constant 8 : i32
        %mul3A_450 = arith.muli %mul3A_449, %select_n3A : i32
        %sub3A_451 = arith.subi %scan3A_432, %mul3A_450 : i32
        %add3A_452 = arith.constant 8 : i32
        %add3A_453 = arith.addi %add3A_452, %select_n3A : i32
        %mul3A_454 = arith.constant 16 : i32
        %mul3A_455 = arith.muli %sub3A_451, %mul3A_454 : i32
        %get3A = arith.index_cast %add3A_453 : i32 to index
        %get3A_456 = arith.index_cast %mul3A_455 : i32 to index
        %get3A_457 = tpu.vector_load %arg8[%get3A, %get3A_456] {strides = array<i32>} : memref<12x128xi32, #tpu.memory_space<vmem>>, vector<16xi32>,
        %bitcast3A = vector.bitcast %get3A_457 : vector<16xi32> to vector<16xf32>
        %mul3A_458 = arith.constant 16 : i32
        %mul3A_459 = arith.muli %scan3A_432, %mul3A_458 : i32
        %add3A_460 = arith.constant 0 : i32
        %add3A_461 = arith.addi %mul3A_459, %add3A_460 : i32
        %get3A_462 = arith.index_cast %add3A_461 : i32 to index
        %get3A_463 = arith.constant 0 : index
        %get3A_464 = tpu.vector_load %arg12[%get3A_462, %get3A_463] {strides = array<i32>} : memref<512x16xf32, #tpu.memory_space<vmem>>, vector<16xf32>,
        %slice3A = vector.extract_strided_slice %bitcast3A {offsets = [0], sizes = [1], strides = [1]} : vector<16xf32> to vector<1xf32>
        %squeeze3A = vector.extract %slice3A[0] : f32 from vector<1xf32>
        %mul3A_465 = vector.broadcast %squeeze3A : f32 to vector<16xf32>
        %mul3A_466 = arith.mulf %get3A_464, %mul3A_465 : vector<16xf32>
        %swap3A = arith.index_cast %add3A_461 : i32 to index
        %swap3A_467 = arith.constant 0 : index
        %swap3A_468 = tpu.vector_load %arg12[%swap3A, %swap3A_467] {strides = array<i32>} : memref<512x16xf32, #tpu.memory_space<vmem>>, vector<16xf32>,
        tpu.vector_store %arg12[%swap3A, %swap3A_467], %mul3A_466 {strides = array<i32>} : memref<512x16xf32, #tpu.memory_space<vmem>>, vector<16xf32>,
        %mul3A_469 = arith.constant 16 : i32
        %mul3A_470 = arith.muli %scan3A_432, %mul3A_469 : i32
        %add3A_471 = arith.constant 1 : i32
        %add3A_472 = arith.addi %mul3A_470, %add3A_471 : i32
        %get3A_473 = arith.index_cast %add3A_472 : i32 to index
        %get3A_474 = arith.constant 0 : index
        %get3A_475 = tpu.vector_load %arg12[%get3A_473, %get3A_474] {strides = array<i32>} : memref<512x16xf32, #tpu.memory_space<vmem>>, vector<16xf32>,
        %slice3A_476 = vector.extract_strided_slice %bitcast3A {offsets = [1], sizes = [1], strides = [1]} : vector<16xf32> to vector<1xf32>
        %squeeze3A_477 = vector.extract %slice3A_476[0] : f32 from vector<1xf32>
        %mul3A_478 = vector.broadcast %squeeze3A_477 : f32 to vector<16xf32>
        %mul3A_479 = arith.mulf %get3A_475, %mul3A_478 : vector<16xf32>
        %swap3A_480 = arith.index_cast %add3A_472 : i32 to index
        %swap3A_481 = arith.constant 0 : index
        %swap3A_482 = tpu.vector_load %arg12[%swap3A_480, %swap3A_481] {strides = array<i32>} : memref<512x16xf32, #tpu.memory_space<vmem>>, vector<16xf32>,
        tpu.vector_store %arg12[%swap3A_480, %swap3A_481], %mul3A_479 {strides = array<i32>} : memref<512x16xf32, #tpu.memory_space<vmem>>, vector<16xf32>,
        %mul3A_483 = arith.constant 16 : i32
        %mul3A_484 = arith.muli %scan3A_432, %mul3A_483 : i32
        %add3A_485 = arith.constant 2 : i32
        %add3A_486 = arith.addi %mul3A_484, %add3A_485 : i32
        %get3A_487 = arith.index_cast %add3A_486 : i32 to index
        %get3A_488 = arith.constant 0 : index
        %get3A_489 = tpu.vector_load %arg12[%get3A_487, %get3A_488] {strides = array<i32>} : memref<512x16xf32, #tpu.memory_space<vmem>>, vector<16xf32>,
        %slice3A_490 = vector.extract_strided_slice %bitcast3A {offsets = [2], sizes = [1], strides = [1]} : vector<16xf32> to vector<1xf32>
        %squeeze3A_491 = vector.extract %slice3A_490[0] : f32 from vector<1xf32>
        %mul3A_492 = vector.broadcast %squeeze3A_491 : f32 to vector<16xf32>
        %mul3A_493 = arith.mulf %get3A_489, %mul3A_492 : vector<16xf32>
        %swap3A_494 = arith.index_cast %add3A_486 : i32 to index
        %swap3A_495 = arith.constant 0 : index
        %swap3A_496 = tpu.vector_load %arg12[%swap3A_494, %swap3A_495] {strides = array<i32>} : memref<512x16xf32, #tpu.memory_space<vmem>>, vector<16xf32>,
        tpu.vector_store %arg12[%swap3A_494, %swap3A_495], %mul3A_493 {strides = array<i32>} : memref<512x16xf32, #tpu.memory_space<vmem>>, vector<16xf32>,
        %mul3A_497 = arith.constant 16 : i32
        %mul3A_498 = arith.muli %scan3A_432, %mul3A_497 : i32
        %add3A_499 = arith.constant 3 : i32
        %add3A_500 = arith.addi %mul3A_498, %add3A_499 : i32
        %get3A_501 = arith.index_cast %add3A_500 : i32 to index
        %get3A_502 = arith.constant 0 : index
        %get3A_503 = tpu.vector_load %arg12[%get3A_501, %get3A_502] {strides = array<i32>} : memref<512x16xf32, #tpu.memory_space<vmem>>, vector<16xf32>,
        %slice3A_504 = vector.extract_strided_slice %bitcast3A {offsets = [3], sizes = [1], strides = [1]} : vector<16xf32> to vector<1xf32>
        %squeeze3A_505 = vector.extract %slice3A_504[0] : f32 from vector<1xf32>
        %mul3A_506 = vector.broadcast %squeeze3A_505 : f32 to vector<16xf32>
        %mul3A_507 = arith.mulf %get3A_503, %mul3A_506 : vector<16xf32>
        %swap3A_508 = arith.index_cast %add3A_500 : i32 to index
        %swap3A_509 = arith.constant 0 : index
        %swap3A_510 = tpu.vector_load %arg12[%swap3A_508, %swap3A_509] {strides = array<i32>} : memref<512x16xf32, #tpu.memory_space<vmem>>, vector<16xf32>,
        tpu.vector_store %arg12[%swap3A_508, %swap3A_509], %mul3A_507 {strides = array<i32>} : memref<512x16xf32, #tpu.memory_space<vmem>>, vector<16xf32>,
        %mul3A_511 = arith.constant 16 : i32
        %mul3A_512 = arith.muli %scan3A_432, %mul3A_511 : i32
        %add3A_513 = arith.constant 4 : i32
        %add3A_514 = arith.addi %mul3A_512, %add3A_513 : i32
        %get3A_515 = arith.index_cast %add3A_514 : i32 to index
        %get3A_516 = arith.constant 0 : index
        %get3A_517 = tpu.vector_load %arg12[%get3A_515, %get3A_516] {strides = array<i32>} : memref<512x16xf32, #tpu.memory_space<vmem>>, vector<16xf32>,
        %slice3A_518 = vector.extract_strided_slice %bitcast3A {offsets = [4], sizes = [1], strides = [1]} : vector<16xf32> to vector<1xf32>
        %squeeze3A_519 = vector.extract %slice3A_518[0] : f32 from vector<1xf32>
        %mul3A_520 = vector.broadcast %squeeze3A_519 : f32 to vector<16xf32>
        %mul3A_521 = arith.mulf %get3A_517, %mul3A_520 : vector<16xf32>
        %swap3A_522 = arith.index_cast %add3A_514 : i32 to index
        %swap3A_523 = arith.constant 0 : index
        %swap3A_524 = tpu.vector_load %arg12[%swap3A_522, %swap3A_523] {strides = array<i32>} : memref<512x16xf32, #tpu.memory_space<vmem>>, vector<16xf32>,
        tpu.vector_store %arg12[%swap3A_522, %swap3A_523], %mul3A_521 {strides = array<i32>} : memref<512x16xf32, #tpu.memory_space<vmem>>, vector<16xf32>,
        %mul3A_525 = arith.constant 16 : i32
        %mul3A_526 = arith.muli %scan3A_432, %mul3A_525 : i32
        %add3A_527 = arith.constant 5 : i32
        %add3A_528 = arith.addi %mul3A_526, %add3A_527 : i32
        %get3A_529 = arith.index_cast %add3A_528 : i32 to index
        %get3A_530 = arith.constant 0 : index
        %get3A_531 = tpu.vector_load %arg12[%get3A_529, %get3A_530] {strides = array<i32>} : memref<512x16xf32, #tpu.memory_space<vmem>>, vector<16xf32>,
        %slice3A_532 = vector.extract_strided_slice %bitcast3A {offsets = [5], sizes = [1], strides = [1]} : vector<16xf32> to vector<1xf32>
        %squeeze3A_533 = vector.extract %slice3A_532[0] : f32 from vector<1xf32>
        %mul3A_534 = vector.broadcast %squeeze3A_533 : f32 to vector<16xf32>
        %mul3A_535 = arith.mulf %get3A_531, %mul3A_534 : vector<16xf32>
        %swap3A_536 = arith.index_cast %add3A_528 : i32 to index
        %swap3A_537 = arith.constant 0 : index
        %swap3A_538 = tpu.vector_load %arg12[%swap3A_536, %swap3A_537] {strides = array<i32>} : memref<512x16xf32, #tpu.memory_space<vmem>>, vector<16xf32>,
        tpu.vector_store %arg12[%swap3A_536, %swap3A_537], %mul3A_535 {strides = array<i32>} : memref<512x16xf32, #tpu.memory_space<vmem>>, vector<16xf32>,
        %mul3A_539 = arith.constant 16 : i32
        %mul3A_540 = arith.muli %scan3A_432, %mul3A_539 : i32
        %add3A_541 = arith.constant 6 : i32
        %add3A_542 = arith.addi %mul3A_540, %add3A_541 : i32
        %get3A_543 = arith.index_cast %add3A_542 : i32 to index
        %get3A_544 = arith.constant 0 : index
        %get3A_545 = tpu.vector_load %arg12[%get3A_543, %get3A_544] {strides = array<i32>} : memref<512x16xf32, #tpu.memory_space<vmem>>, vector<16xf32>,
        %slice3A_546 = vector.extract_strided_slice %bitcast3A {offsets = [6], sizes = [1], strides = [1]} : vector<16xf32> to vector<1xf32>
        %squeeze3A_547 = vector.extract %slice3A_546[0] : f32 from vector<1xf32>
        %mul3A_548 = vector.broadcast %squeeze3A_547 : f32 to vector<16xf32>
        %mul3A_549 = arith.mulf %get3A_545, %mul3A_548 : vector<16xf32>
        %swap3A_550 = arith.index_cast %add3A_542 : i32 to index
        %swap3A_551 = arith.constant 0 : index
        %swap3A_552 = tpu.vector_load %arg12[%swap3A_550, %swap3A_551] {strides = array<i32>} : memref<512x16xf32, #tpu.memory_space<vmem>>, vector<16xf32>,
        tpu.vector_store %arg12[%swap3A_550, %swap3A_551], %mul3A_549 {strides = array<i32>} : memref<512x16xf32, #tpu.memory_space<vmem>>, vector<16xf32>,
        %mul3A_553 = arith.constant 16 : i32
        %mul3A_554 = arith.muli %scan3A_432, %mul3A_553 : i32
        %add3A_555 = arith.constant 7 : i32
        %add3A_556 = arith.addi %mul3A_554, %add3A_555 : i32
        %get3A_557 = arith.index_cast %add3A_556 : i32 to index
        %get3A_558 = arith.constant 0 : index
        %get3A_559 = tpu.vector_load %arg12[%get3A_557, %get3A_558] {strides = array<i32>} : memref<512x16xf32, #tpu.memory_space<vmem>>, vector<16xf32>,
        %slice3A_560 = vector.extract_strided_slice %bitcast3A {offsets = [7], sizes = [1], strides = [1]} : vector<16xf32> to vector<1xf32>
        %squeeze3A_561 = vector.extract %slice3A_560[0] : f32 from vector<1xf32>
        %mul3A_562 = vector.broadcast %squeeze3A_561 : f32 to vector<16xf32>
        %mul3A_563 = arith.mulf %get3A_559, %mul3A_562 : vector<16xf32>
        %swap3A_564 = arith.index_cast %add3A_556 : i32 to index
        %swap3A_565 = arith.constant 0 : index
        %swap3A_566 = tpu.vector_load %arg12[%swap3A_564, %swap3A_565] {strides = array<i32>} : memref<512x16xf32, #tpu.memory_space<vmem>>, vector<16xf32>,
        tpu.vector_store %arg12[%swap3A_564, %swap3A_565], %mul3A_563 {strides = array<i32>} : memref<512x16xf32, #tpu.memory_space<vmem>>, vector<16xf32>,
        %mul3A_567 = arith.constant 16 : i32
        %mul3A_568 = arith.muli %scan3A_432, %mul3A_567 : i32
        %add3A_569 = arith.constant 8 : i32
        %add3A_570 = arith.addi %mul3A_568, %add3A_569 : i32
        %get3A_571 = arith.index_cast %add3A_570 : i32 to index
        %get3A_572 = arith.constant 0 : index
        %get3A_573 = tpu.vector_load %arg12[%get3A_571, %get3A_572] {strides = array<i32>} : memref<512x16xf32, #tpu.memory_space<vmem>>, vector<16xf32>,
        %slice3A_574 = vector.extract_strided_slice %bitcast3A {offsets = [8], sizes = [1], strides = [1]} : vector<16xf32> to vector<1xf32>
        %squeeze3A_575 = vector.extract %slice3A_574[0] : f32 from vector<1xf32>
        %mul3A_576 = vector.broadcast %squeeze3A_575 : f32 to vector<16xf32>
        %mul3A_577 = arith.mulf %get3A_573, %mul3A_576 : vector<16xf32>
        %swap3A_578 = arith.index_cast %add3A_570 : i32 to index
        %swap3A_579 = arith.constant 0 : index
        %swap3A_580 = tpu.vector_load %arg12[%swap3A_578, %swap3A_579] {strides = array<i32>} : memref<512x16xf32, #tpu.memory_space<vmem>>, vector<16xf32>,
        tpu.vector_store %arg12[%swap3A_578, %swap3A_579], %mul3A_577 {strides = array<i32>} : memref<512x16xf32, #tpu.memory_space<vmem>>, vector<16xf32>,
        %mul3A_581 = arith.constant 16 : i32
        %mul3A_582 = arith.muli %scan3A_432, %mul3A_581 : i32
        %add3A_583 = arith.constant 9 : i32
        %add3A_584 = arith.addi %mul3A_582, %add3A_583 : i32
        %get3A_585 = arith.index_cast %add3A_584 : i32 to index
        %get3A_586 = arith.constant 0 : index
        %get3A_587 = tpu.vector_load %arg12[%get3A_585, %get3A_586] {strides = array<i32>} : memref<512x16xf32, #tpu.memory_space<vmem>>, vector<16xf32>,
        %slice3A_588 = vector.extract_strided_slice %bitcast3A {offsets = [9], sizes = [1], strides = [1]} : vector<16xf32> to vector<1xf32>
        %squeeze3A_589 = vector.extract %slice3A_588[0] : f32 from vector<1xf32>
        %mul3A_590 = vector.broadcast %squeeze3A_589 : f32 to vector<16xf32>
        %mul3A_591 = arith.mulf %get3A_587, %mul3A_590 : vector<16xf32>
        %swap3A_592 = arith.index_cast %add3A_584 : i32 to index
        %swap3A_593 = arith.constant 0 : index
        %swap3A_594 = tpu.vector_load %arg12[%swap3A_592, %swap3A_593] {strides = array<i32>} : memref<512x16xf32, #tpu.memory_space<vmem>>, vector<16xf32>,
        tpu.vector_store %arg12[%swap3A_592, %swap3A_593], %mul3A_591 {strides = array<i32>} : memref<512x16xf32, #tpu.memory_space<vmem>>, vector<16xf32>,
        %mul3A_595 = arith.constant 16 : i32
        %mul3A_596 = arith.muli %scan3A_432, %mul3A_595 : i32
        %add3A_597 = arith.constant 10 : i32
        %add3A_598 = arith.addi %mul3A_596, %add3A_597 : i32
        %get3A_599 = arith.index_cast %add3A_598 : i32 to index
        %get3A_600 = arith.constant 0 : index
        %get3A_601 = tpu.vector_load %arg12[%get3A_599, %get3A_600] {strides = array<i32>} : memref<512x16xf32, #tpu.memory_space<vmem>>, vector<16xf32>,
        %slice3A_602 = vector.extract_strided_slice %bitcast3A {offsets = [10], sizes = [1], strides = [1]} : vector<16xf32> to vector<1xf32>
        %squeeze3A_603 = vector.extract %slice3A_602[0] : f32 from vector<1xf32>
        %mul3A_604 = vector.broadcast %squeeze3A_603 : f32 to vector<16xf32>
        %mul3A_605 = arith.mulf %get3A_601, %mul3A_604 : vector<16xf32>
        %swap3A_606 = arith.index_cast %add3A_598 : i32 to index
        %swap3A_607 = arith.constant 0 : index
        %swap3A_608 = tpu.vector_load %arg12[%swap3A_606, %swap3A_607] {strides = array<i32>} : memref<512x16xf32, #tpu.memory_space<vmem>>, vector<16xf32>,
        tpu.vector_store %arg12[%swap3A_606, %swap3A_607], %mul3A_605 {strides = array<i32>} : memref<512x16xf32, #tpu.memory_space<vmem>>, vector<16xf32>,
        %mul3A_609 = arith.constant 16 : i32
        %mul3A_610 = arith.muli %scan3A_432, %mul3A_609 : i32
        %add3A_611 = arith.constant 11 : i32
        %add3A_612 = arith.addi %mul3A_610, %add3A_611 : i32
        %get3A_613 = arith.index_cast %add3A_612 : i32 to index
        %get3A_614 = arith.constant 0 : index
        %get3A_615 = tpu.vector_load %arg12[%get3A_613, %get3A_614] {strides = array<i32>} : memref<512x16xf32, #tpu.memory_space<vmem>>, vector<16xf32>,
        %slice3A_616 = vector.extract_strided_slice %bitcast3A {offsets = [11], sizes = [1], strides = [1]} : vector<16xf32> to vector<1xf32>
        %squeeze3A_617 = vector.extract %slice3A_616[0] : f32 from vector<1xf32>
        %mul3A_618 = vector.broadcast %squeeze3A_617 : f32 to vector<16xf32>
        %mul3A_619 = arith.mulf %get3A_615, %mul3A_618 : vector<16xf32>
        %swap3A_620 = arith.index_cast %add3A_612 : i32 to index
        %swap3A_621 = arith.constant 0 : index
        %swap3A_622 = tpu.vector_load %arg12[%swap3A_620, %swap3A_621] {strides = array<i32>} : memref<512x16xf32, #tpu.memory_space<vmem>>, vector<16xf32>,
        tpu.vector_store %arg12[%swap3A_620, %swap3A_621], %mul3A_619 {strides = array<i32>} : memref<512x16xf32, #tpu.memory_space<vmem>>, vector<16xf32>,
        %mul3A_623 = arith.constant 16 : i32
        %mul3A_624 = arith.muli %scan3A_432, %mul3A_623 : i32
        %add3A_625 = arith.constant 12 : i32
        %add3A_626 = arith.addi %mul3A_624, %add3A_625 : i32
        %get3A_627 = arith.index_cast %add3A_626 : i32 to index
        %get3A_628 = arith.constant 0 : index
        %get3A_629 = tpu.vector_load %arg12[%get3A_627, %get3A_628] {strides = array<i32>} : memref<512x16xf32, #tpu.memory_space<vmem>>, vector<16xf32>,
        %slice3A_630 = vector.extract_strided_slice %bitcast3A {offsets = [12], sizes = [1], strides = [1]} : vector<16xf32> to vector<1xf32>
        %squeeze3A_631 = vector.extract %slice3A_630[0] : f32 from vector<1xf32>
        %mul3A_632 = vector.broadcast %squeeze3A_631 : f32 to vector<16xf32>
        %mul3A_633 = arith.mulf %get3A_629, %mul3A_632 : vector<16xf32>
        %swap3A_634 = arith.index_cast %add3A_626 : i32 to index
        %swap3A_635 = arith.constant 0 : index
        %swap3A_636 = tpu.vector_load %arg12[%swap3A_634, %swap3A_635] {strides = array<i32>} : memref<512x16xf32, #tpu.memory_space<vmem>>, vector<16xf32>,
        tpu.vector_store %arg12[%swap3A_634, %swap3A_635], %mul3A_633 {strides = array<i32>} : memref<512x16xf32, #tpu.memory_space<vmem>>, vector<16xf32>,
        %mul3A_637 = arith.constant 16 : i32
        %mul3A_638 = arith.muli %scan3A_432, %mul3A_637 : i32
        %add3A_639 = arith.constant 13 : i32
        %add3A_640 = arith.addi %mul3A_638, %add3A_639 : i32
        %get3A_641 = arith.index_cast %add3A_640 : i32 to index
        %get3A_642 = arith.constant 0 : index
        %get3A_643 = tpu.vector_load %arg12[%get3A_641, %get3A_642] {strides = array<i32>} : memref<512x16xf32, #tpu.memory_space<vmem>>, vector<16xf32>,
        %slice3A_644 = vector.extract_strided_slice %bitcast3A {offsets = [13], sizes = [1], strides = [1]} : vector<16xf32> to vector<1xf32>
        %squeeze3A_645 = vector.extract %slice3A_644[0] : f32 from vector<1xf32>
        %mul3A_646 = vector.broadcast %squeeze3A_645 : f32 to vector<16xf32>
        %mul3A_647 = arith.mulf %get3A_643, %mul3A_646 : vector<16xf32>
        %swap3A_648 = arith.index_cast %add3A_640 : i32 to index
        %swap3A_649 = arith.constant 0 : index
        %swap3A_650 = tpu.vector_load %arg12[%swap3A_648, %swap3A_649] {strides = array<i32>} : memref<512x16xf32, #tpu.memory_space<vmem>>, vector<16xf32>,
        tpu.vector_store %arg12[%swap3A_648, %swap3A_649], %mul3A_647 {strides = array<i32>} : memref<512x16xf32, #tpu.memory_space<vmem>>, vector<16xf32>,
        %mul3A_651 = arith.constant 16 : i32
        %mul3A_652 = arith.muli %scan3A_432, %mul3A_651 : i32
        %add3A_653 = arith.constant 14 : i32
        %add3A_654 = arith.addi %mul3A_652, %add3A_653 : i32
        %get3A_655 = arith.index_cast %add3A_654 : i32 to index
        %get3A_656 = arith.constant 0 : index
        %get3A_657 = tpu.vector_load %arg12[%get3A_655, %get3A_656] {strides = array<i32>} : memref<512x16xf32, #tpu.memory_space<vmem>>, vector<16xf32>,
        %slice3A_658 = vector.extract_strided_slice %bitcast3A {offsets = [14], sizes = [1], strides = [1]} : vector<16xf32> to vector<1xf32>
        %squeeze3A_659 = vector.extract %slice3A_658[0] : f32 from vector<1xf32>
        %mul3A_660 = vector.broadcast %squeeze3A_659 : f32 to vector<16xf32>
        %mul3A_661 = arith.mulf %get3A_657, %mul3A_660 : vector<16xf32>
        %swap3A_662 = arith.index_cast %add3A_654 : i32 to index
        %swap3A_663 = arith.constant 0 : index
        %swap3A_664 = tpu.vector_load %arg12[%swap3A_662, %swap3A_663] {strides = array<i32>} : memref<512x16xf32, #tpu.memory_space<vmem>>, vector<16xf32>,
        tpu.vector_store %arg12[%swap3A_662, %swap3A_663], %mul3A_661 {strides = array<i32>} : memref<512x16xf32, #tpu.memory_space<vmem>>, vector<16xf32>,
        %mul3A_665 = arith.constant 16 : i32
        %mul3A_666 = arith.muli %scan3A_432, %mul3A_665 : i32
        %add3A_667 = arith.constant 15 : i32
        %add3A_668 = arith.addi %mul3A_666, %add3A_667 : i32
        %get3A_669 = arith.index_cast %add3A_668 : i32 to index
        %get3A_670 = arith.constant 0 : index
        %get3A_671 = tpu.vector_load %arg12[%get3A_669, %get3A_670] {strides = array<i32>} : memref<512x16xf32, #tpu.memory_space<vmem>>, vector<16xf32>,
        %slice3A_672 = vector.extract_strided_slice %bitcast3A {offsets = [15], sizes = [1], strides = [1]} : vector<16xf32> to vector<1xf32>
        %squeeze3A_673 = vector.extract %slice3A_672[0] : f32 from vector<1xf32>
        %mul3A_674 = vector.broadcast %squeeze3A_673 : f32 to vector<16xf32>
        %mul3A_675 = arith.mulf %get3A_671, %mul3A_674 : vector<16xf32>
        %swap3A_676 = arith.index_cast %add3A_668 : i32 to index
        %swap3A_677 = arith.constant 0 : index
        %swap3A_678 = tpu.vector_load %arg12[%swap3A_676, %swap3A_677] {strides = array<i32>} : memref<512x16xf32, #tpu.memory_space<vmem>>, vector<16xf32>,
        tpu.vector_store %arg12[%swap3A_676, %swap3A_677], %mul3A_675 {strides = array<i32>} : memref<512x16xf32, #tpu.memory_space<vmem>>, vector<16xf32>,
      }
      %scan3A_241 = arith.constant 32 : i32
      %dma_start3A_242 = arith.constant 4 : i32
      %dma_start3A_243 = arith.constant 0 : i32
      %dma_start3A_244 = arith.constant 0 : i32
      %dma_start3A_245 = tpu.memref_slice %arg12[%dma_start3A_243, %dma_start3A_244] : memref<512x16xf32, #tpu.memory_space<vmem>> -> memref<128x16xf32, #tpu.memory_space<vmem>>
      %dma_start3A_246 = arith.constant 0 : i32
      %dma_start3A_247 = tpu.memref_slice %arg8[%dma_start3A_242, %dma_start3A_246] : memref<12x128xi32, #tpu.memory_space<vmem>> -> memref<1x128xi32, #tpu.memory_space<vmem>>
      %dma_start3A_248 = tpu.memref_squeeze %dma_start3A_247 : memref<1x128xi32, #tpu.memory_space<vmem>> -> memref<128xi32, #tpu.memory_space<vmem>>
      %dma_start3A_249 = arith.constant 0 : i32
      %dma_start3A_250 = arith.constant 0 : i32
      %dma_start3A_251 = tpu.memref_slice %arg6[%dma_start3A_249, %dma_start3A_250] : memref<50000x16xf32, #tpu.memory_space<vmem_shared>> -> memref<50000x16xf32, #tpu.memory_space<vmem_shared>>
      tpu.enqueue_indirect_dma source(%dma_start3A_245 : memref<128x16xf32, #tpu.memory_space<vmem>>) target(%dma_start3A_251 : memref<50000x16xf32, #tpu.memory_space<vmem_shared>>) offsets(%dma_start3A_248 : memref<128xi32, #tpu.memory_space<vmem>>) semaphore(%arg24 : memref<!tpu.dma_semaphore, #tpu.memory_space<semaphore_mem>>) {add = true}
      %dma_start3A_252 = arith.constant 5 : i32
      %dma_start3A_253 = arith.constant 128 : i32
      %dma_start3A_254 = arith.constant 0 : i32
      %dma_start3A_255 = tpu.memref_slice %arg12[%dma_start3A_253, %dma_start3A_254] : memref<512x16xf32, #tpu.memory_space<vmem>> -> memref<128x16xf32, #tpu.memory_space<vmem>>
      %dma_start3A_256 = arith.constant 0 : i32
      %dma_start3A_257 = tpu.memref_slice %arg8[%dma_start3A_252, %dma_start3A_256] : memref<12x128xi32, #tpu.memory_space<vmem>> -> memref<1x128xi32, #tpu.memory_space<vmem>>
      %dma_start3A_258 = tpu.memref_squeeze %dma_start3A_257 : memref<1x128xi32, #tpu.memory_space<vmem>> -> memref<128xi32, #tpu.memory_space<vmem>>
      %dma_start3A_259 = arith.constant 0 : i32
      %dma_start3A_260 = arith.constant 0 : i32
      %dma_start3A_261 = tpu.memref_slice %arg6[%dma_start3A_259, %dma_start3A_260] : memref<50000x16xf32, #tpu.memory_space<vmem_shared>> -> memref<50000x16xf32, #tpu.memory_space<vmem_shared>>
      tpu.enqueue_indirect_dma source(%dma_start3A_255 : memref<128x16xf32, #tpu.memory_space<vmem>>) target(%dma_start3A_261 : memref<50000x16xf32, #tpu.memory_space<vmem_shared>>) offsets(%dma_start3A_258 : memref<128xi32, #tpu.memory_space<vmem>>) semaphore(%arg24 : memref<!tpu.dma_semaphore, #tpu.memory_space<semaphore_mem>>) {add = true}
      %dma_start3A_262 = arith.constant 6 : i32
      %dma_start3A_263 = arith.constant 256 : i32
      %dma_start3A_264 = arith.constant 0 : i32
      %dma_start3A_265 = tpu.memref_slice %arg12[%dma_start3A_263, %dma_start3A_264] : memref<512x16xf32, #tpu.memory_space<vmem>> -> memref<128x16xf32, #tpu.memory_space<vmem>>
      %dma_start3A_266 = arith.constant 0 : i32
      %dma_start3A_267 = tpu.memref_slice %arg8[%dma_start3A_262, %dma_start3A_266] : memref<12x128xi32, #tpu.memory_space<vmem>> -> memref<1x128xi32, #tpu.memory_space<vmem>>
      %dma_start3A_268 = tpu.memref_squeeze %dma_start3A_267 : memref<1x128xi32, #tpu.memory_space<vmem>> -> memref<128xi32, #tpu.memory_space<vmem>>
      %dma_start3A_269 = arith.constant 0 : i32
      %dma_start3A_270 = arith.constant 0 : i32
      %dma_start3A_271 = tpu.memref_slice %arg6[%dma_start3A_269, %dma_start3A_270] : memref<50000x16xf32, #tpu.memory_space<vmem_shared>> -> memref<50000x16xf32, #tpu.memory_space<vmem_shared>>
      tpu.enqueue_indirect_dma source(%dma_start3A_265 : memref<128x16xf32, #tpu.memory_space<vmem>>) target(%dma_start3A_271 : memref<50000x16xf32, #tpu.memory_space<vmem_shared>>) offsets(%dma_start3A_268 : memref<128xi32, #tpu.memory_space<vmem>>) semaphore(%arg24 : memref<!tpu.dma_semaphore, #tpu.memory_space<semaphore_mem>>) {add = true}
      %dma_start3A_272 = arith.constant 7 : i32
      %dma_start3A_273 = arith.constant 384 : i32
      %dma_start3A_274 = arith.constant 0 : i32
      %dma_start3A_275 = tpu.memref_slice %arg12[%dma_start3A_273, %dma_start3A_274] : memref<512x16xf32, #tpu.memory_space<vmem>> -> memref<128x16xf32, #tpu.memory_space<vmem>>
      %dma_start3A_276 = arith.constant 0 : i32
      %dma_start3A_277 = tpu.memref_slice %arg8[%dma_start3A_272, %dma_start3A_276] : memref<12x128xi32, #tpu.memory_space<vmem>> -> memref<1x128xi32, #tpu.memory_space<vmem>>
      %dma_start3A_278 = tpu.memref_squeeze %dma_start3A_277 : memref<1x128xi32, #tpu.memory_space<vmem>> -> memref<128xi32, #tpu.memory_space<vmem>>
      %dma_start3A_279 = arith.constant 0 : i32
      %dma_start3A_280 = arith.constant 0 : i32
      %dma_start3A_281 = tpu.memref_slice %arg6[%dma_start3A_279, %dma_start3A_280] : memref<50000x16xf32, #tpu.memory_space<vmem_shared>> -> memref<50000x16xf32, #tpu.memory_space<vmem_shared>>
      tpu.enqueue_indirect_dma source(%dma_start3A_275 : memref<128x16xf32, #tpu.memory_space<vmem>>) target(%dma_start3A_281 : memref<50000x16xf32, #tpu.memory_space<vmem_shared>>) offsets(%dma_start3A_278 : memref<128xi32, #tpu.memory_space<vmem>>) semaphore(%arg24 : memref<!tpu.dma_semaphore, #tpu.memory_space<semaphore_mem>>) {add = true}
      %mul3A_282 = arith.constant 4 : i32
      %mul3A_283 = arith.muli %mul3A_282, %scan3A_133 : i32
      %add3A_284 = arith.constant 2 : i32
      %add3A_285 = arith.addi %mul3A_283, %add3A_284 : i32
      %gt3A_286 = arith.constant 0 : i32
      %gt3A_287 = arith.cmpi sgt, %add3A_285, %gt3A_286 : i32
      %convert_element_type3A_288 = arith.extui %gt3A_287 : i1 to i32
      %cond3A_289 = arith.constant 0 : i32
      %cond3A_290 = arith.cmpi ne, %convert_element_type3A_288, %cond3A_289 : i32
      scf.if %cond3A_290 {
        %dma_wait3A_432 = arith.constant 0 : i32
        %dma_wait3A_433 = arith.constant 0 : i32
        %dma_wait3A_434 = tpu.memref_slice %arg6[%dma_wait3A_432, %dma_wait3A_433] : memref<50000x16xf32, #tpu.memory_space<vmem_shared>> -> memref<512x16xf32, #tpu.memory_space<vmem_shared>>
        %dma_wait3A_435 = arith.constant 0 : i32
        %dma_wait3A_436 = arith.constant 0 : i32
        %dma_wait3A_437 = tpu.memref_slice %arg6[%dma_wait3A_435, %dma_wait3A_436] : memref<50000x16xf32, #tpu.memory_space<vmem_shared>> -> memref<512x16xf32, #tpu.memory_space<vmem_shared>>
        tpu.wait_dma2 semaphore(%arg24 : memref<!tpu.dma_semaphore, #tpu.memory_space<semaphore_mem>>) src(%arg12 : memref<512x16xf32, #tpu.memory_space<vmem>>) dst(%dma_wait3A_437 : memref<512x16xf32, #tpu.memory_space<vmem_shared>>)
      } else {
      }
      %add3A_291 = arith.constant 3 : i32
      %add3A_292 = arith.addi %add3A_285, %add3A_291 : i32
      %lt3A_293 = arith.constant 100 : i32
      %lt3A_294 = arith.cmpi slt, %add3A_292, %lt3A_293 : i32
      %convert_element_type3A_295 = arith.extui %lt3A_294 : i1 to i32
      %cond3A_296 = arith.constant 0 : i32
      %cond3A_297 = arith.cmpi ne, %convert_element_type3A_295, %cond3A_296 : i32
      scf.if %cond3A_297 {
        %add3A_432 = arith.constant 3 : i32
        %add3A_433 = arith.addi %add3A_285, %add3A_432 : i32
        %add3A_434 = arith.addi %mul3A_2, %add3A_433 : i32
        %mul3A_435 = arith.constant 12 : i32
        %mul3A_436 = arith.muli %mul3A_435, %add3A_434 : i32
        %dma_start3A_437 = arith.constant 0 : i32
        %dma_start3A_438 = tpu.memref_slice %arg3[%mul3A_436, %dma_start3A_437] : memref<38400x128xi32, #tpu.memory_space<hbm>> -> memref<12x128xi32, #tpu.memory_space<hbm>>
        %dma_start3A_439 = arith.constant 0 : i32
        %dma_start3A_440 = tpu.memref_slice %arg3[%mul3A_436, %dma_start3A_439] : memref<38400x128xi32, #tpu.memory_space<hbm>> -> memref<12x128xi32, #tpu.memory_space<hbm>>
        tpu.enqueue_dma source(%dma_start3A_440 : memref<12x128xi32, #tpu.memory_space<hbm>>) target(%arg8 : memref<12x128xi32, #tpu.memory_space<vmem>>) target_semaphore(%arg20 : memref<!tpu.dma_semaphore, #tpu.memory_space<semaphore_mem>>)
      } else {
      }
      %add3A_298 = arith.constant 2 : i32
      %add3A_299 = arith.addi %add3A_285, %add3A_298 : i32
      %lt3A_300 = arith.constant 100 : i32
      %lt3A_301 = arith.cmpi slt, %add3A_299, %lt3A_300 : i32
      %convert_element_type3A_302 = arith.extui %lt3A_301 : i1 to i32
      %cond3A_303 = arith.constant 0 : i32
      %cond3A_304 = arith.cmpi ne, %convert_element_type3A_302, %cond3A_303 : i32
      scf.if %cond3A_304 {
        %add3A_432 = arith.constant 0 : i32
        %add3A_433 = arith.addi %mul3A_2, %add3A_432 : i32
        %mul3A_434 = arith.constant 12 : i32
        %mul3A_435 = arith.muli %mul3A_434, %add3A_433 : i32
        %dma_wait3A_436 = arith.constant 0 : i32
        %dma_wait3A_437 = tpu.memref_slice %arg3[%mul3A_435, %dma_wait3A_436] : memref<38400x128xi32, #tpu.memory_space<hbm>> -> memref<12x128xi32, #tpu.memory_space<hbm>>
        %dma_wait3A_438 = arith.constant 0 : i32
        %dma_wait3A_439 = tpu.memref_slice %arg3[%mul3A_435, %dma_wait3A_438] : memref<38400x128xi32, #tpu.memory_space<hbm>> -> memref<12x128xi32, #tpu.memory_space<hbm>>
        tpu.wait_dma2 semaphore(%arg19 : memref<!tpu.dma_semaphore, #tpu.memory_space<semaphore_mem>>) src(%dma_wait3A_439 : memref<12x128xi32, #tpu.memory_space<hbm>>) dst(%arg7 : memref<12x128xi32, #tpu.memory_space<vmem>>)
        %dma_start3A_440 = arith.constant 0 : i32
        %dma_start3A_441 = arith.constant 0 : i32
        %dma_start3A_442 = arith.constant 0 : i32
        %dma_start3A_443 = tpu.memref_slice %arg11[%dma_start3A_441, %dma_start3A_442] : memref<512x16xf32, #tpu.memory_space<vmem>> -> memref<128x16xf32, #tpu.memory_space<vmem>>
        %dma_start3A_444 = arith.constant 0 : i32
        %dma_start3A_445 = tpu.memref_slice %arg7[%dma_start3A_440, %dma_start3A_444] : memref<12x128xi32, #tpu.memory_space<vmem>> -> memref<1x128xi32, #tpu.memory_space<vmem>>
        %dma_start3A_446 = tpu.memref_squeeze %dma_start3A_445 : memref<1x128xi32, #tpu.memory_space<vmem>> -> memref<128xi32, #tpu.memory_space<vmem>>
        %dma_start3A_447 = arith.constant 0 : i32
        %dma_start3A_448 = arith.constant 0 : i32
        %dma_start3A_449 = tpu.memref_slice %arg2[%dma_start3A_447, %dma_start3A_448] : memref<150000x16xf32, #tpu.memory_space<hbm>> -> memref<150000x16xf32, #tpu.memory_space<hbm>>
        tpu.enqueue_indirect_dma source(%dma_start3A_449 : memref<150000x16xf32, #tpu.memory_space<hbm>>) target(%dma_start3A_443 : memref<128x16xf32, #tpu.memory_space<vmem>>) offsets(%dma_start3A_446 : memref<128xi32, #tpu.memory_space<vmem>>) semaphore(%arg15 : memref<!tpu.dma_semaphore, #tpu.memory_space<semaphore_mem>>)
        %dma_start3A_450 = arith.constant 1 : i32
        %dma_start3A_451 = arith.constant 128 : i32
        %dma_start3A_452 = arith.constant 0 : i32
        %dma_start3A_453 = tpu.memref_slice %arg11[%dma_start3A_451, %dma_start3A_452] : memref<512x16xf32, #tpu.memory_space<vmem>> -> memref<128x16xf32, #tpu.memory_space<vmem>>
        %dma_start3A_454 = arith.constant 0 : i32
        %dma_start3A_455 = tpu.memref_slice %arg7[%dma_start3A_450, %dma_start3A_454] : memref<12x128xi32, #tpu.memory_space<vmem>> -> memref<1x128xi32, #tpu.memory_space<vmem>>
        %dma_start3A_456 = tpu.memref_squeeze %dma_start3A_455 : memref<1x128xi32, #tpu.memory_space<vmem>> -> memref<128xi32, #tpu.memory_space<vmem>>
        %dma_start3A_457 = arith.constant 0 : i32
        %dma_start3A_458 = arith.constant 0 : i32
        %dma_start3A_459 = tpu.memref_slice %arg2[%dma_start3A_457, %dma_start3A_458] : memref<150000x16xf32, #tpu.memory_space<hbm>> -> memref<150000x16xf32, #tpu.memory_space<hbm>>
        tpu.enqueue_indirect_dma source(%dma_start3A_459 : memref<150000x16xf32, #tpu.memory_space<hbm>>) target(%dma_start3A_453 : memref<128x16xf32, #tpu.memory_space<vmem>>) offsets(%dma_start3A_456 : memref<128xi32, #tpu.memory_space<vmem>>) semaphore(%arg15 : memref<!tpu.dma_semaphore, #tpu.memory_space<semaphore_mem>>)
        %dma_start3A_460 = arith.constant 2 : i32
        %dma_start3A_461 = arith.constant 256 : i32
        %dma_start3A_462 = arith.constant 0 : i32
        %dma_start3A_463 = tpu.memref_slice %arg11[%dma_start3A_461, %dma_start3A_462] : memref<512x16xf32, #tpu.memory_space<vmem>> -> memref<128x16xf32, #tpu.memory_space<vmem>>
        %dma_start3A_464 = arith.constant 0 : i32
        %dma_start3A_465 = tpu.memref_slice %arg7[%dma_start3A_460, %dma_start3A_464] : memref<12x128xi32, #tpu.memory_space<vmem>> -> memref<1x128xi32, #tpu.memory_space<vmem>>
        %dma_start3A_466 = tpu.memref_squeeze %dma_start3A_465 : memref<1x128xi32, #tpu.memory_space<vmem>> -> memref<128xi32, #tpu.memory_space<vmem>>
        %dma_start3A_467 = arith.constant 0 : i32
        %dma_start3A_468 = arith.constant 0 : i32
        %dma_start3A_469 = tpu.memref_slice %arg2[%dma_start3A_467, %dma_start3A_468] : memref<150000x16xf32, #tpu.memory_space<hbm>> -> memref<150000x16xf32, #tpu.memory_space<hbm>>
        tpu.enqueue_indirect_dma source(%dma_start3A_469 : memref<150000x16xf32, #tpu.memory_space<hbm>>) target(%dma_start3A_463 : memref<128x16xf32, #tpu.memory_space<vmem>>) offsets(%dma_start3A_466 : memref<128xi32, #tpu.memory_space<vmem>>) semaphore(%arg15 : memref<!tpu.dma_semaphore, #tpu.memory_space<semaphore_mem>>)
        %dma_start3A_470 = arith.constant 3 : i32
        %dma_start3A_471 = arith.constant 384 : i32
        %dma_start3A_472 = arith.constant 0 : i32
        %dma_start3A_473 = tpu.memref_slice %arg11[%dma_start3A_471, %dma_start3A_472] : memref<512x16xf32, #tpu.memory_space<vmem>> -> memref<128x16xf32, #tpu.memory_space<vmem>>
        %dma_start3A_474 = arith.constant 0 : i32
        %dma_start3A_475 = tpu.memref_slice %arg7[%dma_start3A_470, %dma_start3A_474] : memref<12x128xi32, #tpu.memory_space<vmem>> -> memref<1x128xi32, #tpu.memory_space<vmem>>
        %dma_start3A_476 = tpu.memref_squeeze %dma_start3A_475 : memref<1x128xi32, #tpu.memory_space<vmem>> -> memref<128xi32, #tpu.memory_space<vmem>>
        %dma_start3A_477 = arith.constant 0 : i32
        %dma_start3A_478 = arith.constant 0 : i32
        %dma_start3A_479 = tpu.memref_slice %arg2[%dma_start3A_477, %dma_start3A_478] : memref<150000x16xf32, #tpu.memory_space<hbm>> -> memref<150000x16xf32, #tpu.memory_space<hbm>>
        tpu.enqueue_indirect_dma source(%dma_start3A_479 : memref<150000x16xf32, #tpu.memory_space<hbm>>) target(%dma_start3A_473 : memref<128x16xf32, #tpu.memory_space<vmem>>) offsets(%dma_start3A_476 : memref<128xi32, #tpu.memory_space<vmem>>) semaphore(%arg15 : memref<!tpu.dma_semaphore, #tpu.memory_space<semaphore_mem>>)
      } else {
      }
      %dma_wait3A_305 = arith.constant 0 : i32
      %dma_wait3A_306 = arith.constant 0 : i32
      %dma_wait3A_307 = tpu.memref_slice %arg2[%dma_wait3A_305, %dma_wait3A_306] : memref<150000x16xf32, #tpu.memory_space<hbm>> -> memref<512x16xf32, #tpu.memory_space<hbm>>
      %dma_wait3A_308 = arith.constant 0 : i32
      %dma_wait3A_309 = arith.constant 0 : i32
      %dma_wait3A_310 = tpu.memref_slice %arg2[%dma_wait3A_308, %dma_wait3A_309] : memref<150000x16xf32, #tpu.memory_space<hbm>> -> memref<512x16xf32, #tpu.memory_space<hbm>>
      tpu.wait_dma2 semaphore(%arg17 : memref<!tpu.dma_semaphore, #tpu.memory_space<semaphore_mem>>) src(%dma_wait3A_310 : memref<512x16xf32, #tpu.memory_space<hbm>>) dst(%arg13 : memref<512x16xf32, #tpu.memory_space<vmem>>)
      %scan3A_311 = arith.constant 0 : i32
      %scan3A_312 = arith.constant 0 : i32
      %scan3A_313 = arith.constant 32 : i32
      %scan3A_314 = arith.addi %scan3A_312, %scan3A_313 : i32
      %scan3A_315 = arith.constant 1 : i32
      scf.for %scan3A_432 = %scan3A_312 to %scan3A_314 step %scan3A_315  : i32 {
        %jit3A = arith.constant 8 : i32
        %div3A = arith.divsi %scan3A_432, %jit3A : i32
        %sign3A = arith.constant 0 : i32
        %sign3A_433 = arith.cmpi sgt, %scan3A_432, %sign3A : i32
        %sign3A_434 = arith.extui %sign3A_433 : i1 to i32
        %sign3A_435 = arith.constant 0 : i32
        %sign3A_436 = arith.cmpi slt, %scan3A_432, %sign3A_435 : i32
        %sign3A_437 = arith.extui %sign3A_436 : i1 to i32
        %sign3A_438 = arith.subi %sign3A_434, %sign3A_437 : i32
        %sign3A_439 = arith.constant 0 : i32
        %sign3A_440 = arith.cmpi sgt, %jit3A, %sign3A_439 : i32
        %sign3A_441 = arith.extui %sign3A_440 : i1 to i32
        %sign3A_442 = arith.constant 0 : i32
        %sign3A_443 = arith.cmpi slt, %jit3A, %sign3A_442 : i32
        %sign3A_444 = arith.extui %sign3A_443 : i1 to i32
        %sign3A_445 = arith.subi %sign3A_441, %sign3A_444 : i32
        %ne3A = arith.cmpi ne, %sign3A_438, %sign3A_445 : i32
        %rem3A = arith.remsi %scan3A_432, %jit3A : i32
        %ne3A_446 = arith.constant 0 : i32
        %ne3A_447 = arith.cmpi ne, %rem3A, %ne3A_446 : i32
        %and3A = arith.andi %ne3A, %ne3A_447 : i1
        %sub3A = arith.constant 1 : i32
        %sub3A_448 = arith.subi %div3A, %sub3A : i32
        %select_n3A = arith.select %and3A, %sub3A_448, %div3A : i32
        %mul3A_449 = arith.constant 8 : i32
        %mul3A_450 = arith.muli %mul3A_449, %select_n3A : i32
        %sub3A_451 = arith.subi %scan3A_432, %mul3A_450 : i32
        %add3A_452 = arith.constant 8 : i32
        %add3A_453 = arith.addi %add3A_452, %select_n3A : i32
        %mul3A_454 = arith.constant 16 : i32
        %mul3A_455 = arith.muli %sub3A_451, %mul3A_454 : i32
        %get3A = arith.index_cast %add3A_453 : i32 to index
        %get3A_456 = arith.index_cast %mul3A_455 : i32 to index
        %get3A_457 = tpu.vector_load %arg9[%get3A, %get3A_456] {strides = array<i32>} : memref<12x128xi32, #tpu.memory_space<vmem>>, vector<16xi32>,
        %bitcast3A = vector.bitcast %get3A_457 : vector<16xi32> to vector<16xf32>
        %mul3A_458 = arith.constant 16 : i32
        %mul3A_459 = arith.muli %scan3A_432, %mul3A_458 : i32
        %add3A_460 = arith.constant 0 : i32
        %add3A_461 = arith.addi %mul3A_459, %add3A_460 : i32
        %get3A_462 = arith.index_cast %add3A_461 : i32 to index
        %get3A_463 = arith.constant 0 : index
        %get3A_464 = tpu.vector_load %arg13[%get3A_462, %get3A_463] {strides = array<i32>} : memref<512x16xf32, #tpu.memory_space<vmem>>, vector<16xf32>,
        %slice3A = vector.extract_strided_slice %bitcast3A {offsets = [0], sizes = [1], strides = [1]} : vector<16xf32> to vector<1xf32>
        %squeeze3A = vector.extract %slice3A[0] : f32 from vector<1xf32>
        %mul3A_465 = vector.broadcast %squeeze3A : f32 to vector<16xf32>
        %mul3A_466 = arith.mulf %get3A_464, %mul3A_465 : vector<16xf32>
        %swap3A = arith.index_cast %add3A_461 : i32 to index
        %swap3A_467 = arith.constant 0 : index
        %swap3A_468 = tpu.vector_load %arg13[%swap3A, %swap3A_467] {strides = array<i32>} : memref<512x16xf32, #tpu.memory_space<vmem>>, vector<16xf32>,
        tpu.vector_store %arg13[%swap3A, %swap3A_467], %mul3A_466 {strides = array<i32>} : memref<512x16xf32, #tpu.memory_space<vmem>>, vector<16xf32>,
        %mul3A_469 = arith.constant 16 : i32
        %mul3A_470 = arith.muli %scan3A_432, %mul3A_469 : i32
        %add3A_471 = arith.constant 1 : i32
        %add3A_472 = arith.addi %mul3A_470, %add3A_471 : i32
        %get3A_473 = arith.index_cast %add3A_472 : i32 to index
        %get3A_474 = arith.constant 0 : index
        %get3A_475 = tpu.vector_load %arg13[%get3A_473, %get3A_474] {strides = array<i32>} : memref<512x16xf32, #tpu.memory_space<vmem>>, vector<16xf32>,
        %slice3A_476 = vector.extract_strided_slice %bitcast3A {offsets = [1], sizes = [1], strides = [1]} : vector<16xf32> to vector<1xf32>
        %squeeze3A_477 = vector.extract %slice3A_476[0] : f32 from vector<1xf32>
        %mul3A_478 = vector.broadcast %squeeze3A_477 : f32 to vector<16xf32>
        %mul3A_479 = arith.mulf %get3A_475, %mul3A_478 : vector<16xf32>
        %swap3A_480 = arith.index_cast %add3A_472 : i32 to index
        %swap3A_481 = arith.constant 0 : index
        %swap3A_482 = tpu.vector_load %arg13[%swap3A_480, %swap3A_481] {strides = array<i32>} : memref<512x16xf32, #tpu.memory_space<vmem>>, vector<16xf32>,
        tpu.vector_store %arg13[%swap3A_480, %swap3A_481], %mul3A_479 {strides = array<i32>} : memref<512x16xf32, #tpu.memory_space<vmem>>, vector<16xf32>,
        %mul3A_483 = arith.constant 16 : i32
        %mul3A_484 = arith.muli %scan3A_432, %mul3A_483 : i32
        %add3A_485 = arith.constant 2 : i32
        %add3A_486 = arith.addi %mul3A_484, %add3A_485 : i32
        %get3A_487 = arith.index_cast %add3A_486 : i32 to index
        %get3A_488 = arith.constant 0 : index
        %get3A_489 = tpu.vector_load %arg13[%get3A_487, %get3A_488] {strides = array<i32>} : memref<512x16xf32, #tpu.memory_space<vmem>>, vector<16xf32>,
        %slice3A_490 = vector.extract_strided_slice %bitcast3A {offsets = [2], sizes = [1], strides = [1]} : vector<16xf32> to vector<1xf32>
        %squeeze3A_491 = vector.extract %slice3A_490[0] : f32 from vector<1xf32>
        %mul3A_492 = vector.broadcast %squeeze3A_491 : f32 to vector<16xf32>
        %mul3A_493 = arith.mulf %get3A_489, %mul3A_492 : vector<16xf32>
        %swap3A_494 = arith.index_cast %add3A_486 : i32 to index
        %swap3A_495 = arith.constant 0 : index
        %swap3A_496 = tpu.vector_load %arg13[%swap3A_494, %swap3A_495] {strides = array<i32>} : memref<512x16xf32, #tpu.memory_space<vmem>>, vector<16xf32>,
        tpu.vector_store %arg13[%swap3A_494, %swap3A_495], %mul3A_493 {strides = array<i32>} : memref<512x16xf32, #tpu.memory_space<vmem>>, vector<16xf32>,
        %mul3A_497 = arith.constant 16 : i32
        %mul3A_498 = arith.muli %scan3A_432, %mul3A_497 : i32
        %add3A_499 = arith.constant 3 : i32
        %add3A_500 = arith.addi %mul3A_498, %add3A_499 : i32
        %get3A_501 = arith.index_cast %add3A_500 : i32 to index
        %get3A_502 = arith.constant 0 : index
        %get3A_503 = tpu.vector_load %arg13[%get3A_501, %get3A_502] {strides = array<i32>} : memref<512x16xf32, #tpu.memory_space<vmem>>, vector<16xf32>,
        %slice3A_504 = vector.extract_strided_slice %bitcast3A {offsets = [3], sizes = [1], strides = [1]} : vector<16xf32> to vector<1xf32>
        %squeeze3A_505 = vector.extract %slice3A_504[0] : f32 from vector<1xf32>
        %mul3A_506 = vector.broadcast %squeeze3A_505 : f32 to vector<16xf32>
        %mul3A_507 = arith.mulf %get3A_503, %mul3A_506 : vector<16xf32>
        %swap3A_508 = arith.index_cast %add3A_500 : i32 to index
        %swap3A_509 = arith.constant 0 : index
        %swap3A_510 = tpu.vector_load %arg13[%swap3A_508, %swap3A_509] {strides = array<i32>} : memref<512x16xf32, #tpu.memory_space<vmem>>, vector<16xf32>,
        tpu.vector_store %arg13[%swap3A_508, %swap3A_509], %mul3A_507 {strides = array<i32>} : memref<512x16xf32, #tpu.memory_space<vmem>>, vector<16xf32>,
        %mul3A_511 = arith.constant 16 : i32
        %mul3A_512 = arith.muli %scan3A_432, %mul3A_511 : i32
        %add3A_513 = arith.constant 4 : i32
        %add3A_514 = arith.addi %mul3A_512, %add3A_513 : i32
        %get3A_515 = arith.index_cast %add3A_514 : i32 to index
        %get3A_516 = arith.constant 0 : index
        %get3A_517 = tpu.vector_load %arg13[%get3A_515, %get3A_516] {strides = array<i32>} : memref<512x16xf32, #tpu.memory_space<vmem>>, vector<16xf32>,
        %slice3A_518 = vector.extract_strided_slice %bitcast3A {offsets = [4], sizes = [1], strides = [1]} : vector<16xf32> to vector<1xf32>
        %squeeze3A_519 = vector.extract %slice3A_518[0] : f32 from vector<1xf32>
        %mul3A_520 = vector.broadcast %squeeze3A_519 : f32 to vector<16xf32>
        %mul3A_521 = arith.mulf %get3A_517, %mul3A_520 : vector<16xf32>
        %swap3A_522 = arith.index_cast %add3A_514 : i32 to index
        %swap3A_523 = arith.constant 0 : index
        %swap3A_524 = tpu.vector_load %arg13[%swap3A_522, %swap3A_523] {strides = array<i32>} : memref<512x16xf32, #tpu.memory_space<vmem>>, vector<16xf32>,
        tpu.vector_store %arg13[%swap3A_522, %swap3A_523], %mul3A_521 {strides = array<i32>} : memref<512x16xf32, #tpu.memory_space<vmem>>, vector<16xf32>,
        %mul3A_525 = arith.constant 16 : i32
        %mul3A_526 = arith.muli %scan3A_432, %mul3A_525 : i32
        %add3A_527 = arith.constant 5 : i32
        %add3A_528 = arith.addi %mul3A_526, %add3A_527 : i32
        %get3A_529 = arith.index_cast %add3A_528 : i32 to index
        %get3A_530 = arith.constant 0 : index
        %get3A_531 = tpu.vector_load %arg13[%get3A_529, %get3A_530] {strides = array<i32>} : memref<512x16xf32, #tpu.memory_space<vmem>>, vector<16xf32>,
        %slice3A_532 = vector.extract_strided_slice %bitcast3A {offsets = [5], sizes = [1], strides = [1]} : vector<16xf32> to vector<1xf32>
        %squeeze3A_533 = vector.extract %slice3A_532[0] : f32 from vector<1xf32>
        %mul3A_534 = vector.broadcast %squeeze3A_533 : f32 to vector<16xf32>
        %mul3A_535 = arith.mulf %get3A_531, %mul3A_534 : vector<16xf32>
        %swap3A_536 = arith.index_cast %add3A_528 : i32 to index
        %swap3A_537 = arith.constant 0 : index
        %swap3A_538 = tpu.vector_load %arg13[%swap3A_536, %swap3A_537] {strides = array<i32>} : memref<512x16xf32, #tpu.memory_space<vmem>>, vector<16xf32>,
        tpu.vector_store %arg13[%swap3A_536, %swap3A_537], %mul3A_535 {strides = array<i32>} : memref<512x16xf32, #tpu.memory_space<vmem>>, vector<16xf32>,
        %mul3A_539 = arith.constant 16 : i32
        %mul3A_540 = arith.muli %scan3A_432, %mul3A_539 : i32
        %add3A_541 = arith.constant 6 : i32
        %add3A_542 = arith.addi %mul3A_540, %add3A_541 : i32
        %get3A_543 = arith.index_cast %add3A_542 : i32 to index
        %get3A_544 = arith.constant 0 : index
        %get3A_545 = tpu.vector_load %arg13[%get3A_543, %get3A_544] {strides = array<i32>} : memref<512x16xf32, #tpu.memory_space<vmem>>, vector<16xf32>,
        %slice3A_546 = vector.extract_strided_slice %bitcast3A {offsets = [6], sizes = [1], strides = [1]} : vector<16xf32> to vector<1xf32>
        %squeeze3A_547 = vector.extract %slice3A_546[0] : f32 from vector<1xf32>
        %mul3A_548 = vector.broadcast %squeeze3A_547 : f32 to vector<16xf32>
        %mul3A_549 = arith.mulf %get3A_545, %mul3A_548 : vector<16xf32>
        %swap3A_550 = arith.index_cast %add3A_542 : i32 to index
        %swap3A_551 = arith.constant 0 : index
        %swap3A_552 = tpu.vector_load %arg13[%swap3A_550, %swap3A_551] {strides = array<i32>} : memref<512x16xf32, #tpu.memory_space<vmem>>, vector<16xf32>,
        tpu.vector_store %arg13[%swap3A_550, %swap3A_551], %mul3A_549 {strides = array<i32>} : memref<512x16xf32, #tpu.memory_space<vmem>>, vector<16xf32>,
        %mul3A_553 = arith.constant 16 : i32
        %mul3A_554 = arith.muli %scan3A_432, %mul3A_553 : i32
        %add3A_555 = arith.constant 7 : i32
        %add3A_556 = arith.addi %mul3A_554, %add3A_555 : i32
        %get3A_557 = arith.index_cast %add3A_556 : i32 to index
        %get3A_558 = arith.constant 0 : index
        %get3A_559 = tpu.vector_load %arg13[%get3A_557, %get3A_558] {strides = array<i32>} : memref<512x16xf32, #tpu.memory_space<vmem>>, vector<16xf32>,
        %slice3A_560 = vector.extract_strided_slice %bitcast3A {offsets = [7], sizes = [1], strides = [1]} : vector<16xf32> to vector<1xf32>
        %squeeze3A_561 = vector.extract %slice3A_560[0] : f32 from vector<1xf32>
        %mul3A_562 = vector.broadcast %squeeze3A_561 : f32 to vector<16xf32>
        %mul3A_563 = arith.mulf %get3A_559, %mul3A_562 : vector<16xf32>
        %swap3A_564 = arith.index_cast %add3A_556 : i32 to index
        %swap3A_565 = arith.constant 0 : index
        %swap3A_566 = tpu.vector_load %arg13[%swap3A_564, %swap3A_565] {strides = array<i32>} : memref<512x16xf32, #tpu.memory_space<vmem>>, vector<16xf32>,
        tpu.vector_store %arg13[%swap3A_564, %swap3A_565], %mul3A_563 {strides = array<i32>} : memref<512x16xf32, #tpu.memory_space<vmem>>, vector<16xf32>,
        %mul3A_567 = arith.constant 16 : i32
        %mul3A_568 = arith.muli %scan3A_432, %mul3A_567 : i32
        %add3A_569 = arith.constant 8 : i32
        %add3A_570 = arith.addi %mul3A_568, %add3A_569 : i32
        %get3A_571 = arith.index_cast %add3A_570 : i32 to index
        %get3A_572 = arith.constant 0 : index
        %get3A_573 = tpu.vector_load %arg13[%get3A_571, %get3A_572] {strides = array<i32>} : memref<512x16xf32, #tpu.memory_space<vmem>>, vector<16xf32>,
        %slice3A_574 = vector.extract_strided_slice %bitcast3A {offsets = [8], sizes = [1], strides = [1]} : vector<16xf32> to vector<1xf32>
        %squeeze3A_575 = vector.extract %slice3A_574[0] : f32 from vector<1xf32>
        %mul3A_576 = vector.broadcast %squeeze3A_575 : f32 to vector<16xf32>
        %mul3A_577 = arith.mulf %get3A_573, %mul3A_576 : vector<16xf32>
        %swap3A_578 = arith.index_cast %add3A_570 : i32 to index
        %swap3A_579 = arith.constant 0 : index
        %swap3A_580 = tpu.vector_load %arg13[%swap3A_578, %swap3A_579] {strides = array<i32>} : memref<512x16xf32, #tpu.memory_space<vmem>>, vector<16xf32>,
        tpu.vector_store %arg13[%swap3A_578, %swap3A_579], %mul3A_577 {strides = array<i32>} : memref<512x16xf32, #tpu.memory_space<vmem>>, vector<16xf32>,
        %mul3A_581 = arith.constant 16 : i32
        %mul3A_582 = arith.muli %scan3A_432, %mul3A_581 : i32
        %add3A_583 = arith.constant 9 : i32
        %add3A_584 = arith.addi %mul3A_582, %add3A_583 : i32
        %get3A_585 = arith.index_cast %add3A_584 : i32 to index
        %get3A_586 = arith.constant 0 : index
        %get3A_587 = tpu.vector_load %arg13[%get3A_585, %get3A_586] {strides = array<i32>} : memref<512x16xf32, #tpu.memory_space<vmem>>, vector<16xf32>,
        %slice3A_588 = vector.extract_strided_slice %bitcast3A {offsets = [9], sizes = [1], strides = [1]} : vector<16xf32> to vector<1xf32>
        %squeeze3A_589 = vector.extract %slice3A_588[0] : f32 from vector<1xf32>
        %mul3A_590 = vector.broadcast %squeeze3A_589 : f32 to vector<16xf32>
        %mul3A_591 = arith.mulf %get3A_587, %mul3A_590 : vector<16xf32>
        %swap3A_592 = arith.index_cast %add3A_584 : i32 to index
        %swap3A_593 = arith.constant 0 : index
        %swap3A_594 = tpu.vector_load %arg13[%swap3A_592, %swap3A_593] {strides = array<i32>} : memref<512x16xf32, #tpu.memory_space<vmem>>, vector<16xf32>,
        tpu.vector_store %arg13[%swap3A_592, %swap3A_593], %mul3A_591 {strides = array<i32>} : memref<512x16xf32, #tpu.memory_space<vmem>>, vector<16xf32>,
        %mul3A_595 = arith.constant 16 : i32
        %mul3A_596 = arith.muli %scan3A_432, %mul3A_595 : i32
        %add3A_597 = arith.constant 10 : i32
        %add3A_598 = arith.addi %mul3A_596, %add3A_597 : i32
        %get3A_599 = arith.index_cast %add3A_598 : i32 to index
        %get3A_600 = arith.constant 0 : index
        %get3A_601 = tpu.vector_load %arg13[%get3A_599, %get3A_600] {strides = array<i32>} : memref<512x16xf32, #tpu.memory_space<vmem>>, vector<16xf32>,
        %slice3A_602 = vector.extract_strided_slice %bitcast3A {offsets = [10], sizes = [1], strides = [1]} : vector<16xf32> to vector<1xf32>
        %squeeze3A_603 = vector.extract %slice3A_602[0] : f32 from vector<1xf32>
        %mul3A_604 = vector.broadcast %squeeze3A_603 : f32 to vector<16xf32>
        %mul3A_605 = arith.mulf %get3A_601, %mul3A_604 : vector<16xf32>
        %swap3A_606 = arith.index_cast %add3A_598 : i32 to index
        %swap3A_607 = arith.constant 0 : index
        %swap3A_608 = tpu.vector_load %arg13[%swap3A_606, %swap3A_607] {strides = array<i32>} : memref<512x16xf32, #tpu.memory_space<vmem>>, vector<16xf32>,
        tpu.vector_store %arg13[%swap3A_606, %swap3A_607], %mul3A_605 {strides = array<i32>} : memref<512x16xf32, #tpu.memory_space<vmem>>, vector<16xf32>,
        %mul3A_609 = arith.constant 16 : i32
        %mul3A_610 = arith.muli %scan3A_432, %mul3A_609 : i32
        %add3A_611 = arith.constant 11 : i32
        %add3A_612 = arith.addi %mul3A_610, %add3A_611 : i32
        %get3A_613 = arith.index_cast %add3A_612 : i32 to index
        %get3A_614 = arith.constant 0 : index
        %get3A_615 = tpu.vector_load %arg13[%get3A_613, %get3A_614] {strides = array<i32>} : memref<512x16xf32, #tpu.memory_space<vmem>>, vector<16xf32>,
        %slice3A_616 = vector.extract_strided_slice %bitcast3A {offsets = [11], sizes = [1], strides = [1]} : vector<16xf32> to vector<1xf32>
        %squeeze3A_617 = vector.extract %slice3A_616[0] : f32 from vector<1xf32>
        %mul3A_618 = vector.broadcast %squeeze3A_617 : f32 to vector<16xf32>
        %mul3A_619 = arith.mulf %get3A_615, %mul3A_618 : vector<16xf32>
        %swap3A_620 = arith.index_cast %add3A_612 : i32 to index
        %swap3A_621 = arith.constant 0 : index
        %swap3A_622 = tpu.vector_load %arg13[%swap3A_620, %swap3A_621] {strides = array<i32>} : memref<512x16xf32, #tpu.memory_space<vmem>>, vector<16xf32>,
        tpu.vector_store %arg13[%swap3A_620, %swap3A_621], %mul3A_619 {strides = array<i32>} : memref<512x16xf32, #tpu.memory_space<vmem>>, vector<16xf32>,
        %mul3A_623 = arith.constant 16 : i32
        %mul3A_624 = arith.muli %scan3A_432, %mul3A_623 : i32
        %add3A_625 = arith.constant 12 : i32
        %add3A_626 = arith.addi %mul3A_624, %add3A_625 : i32
        %get3A_627 = arith.index_cast %add3A_626 : i32 to index
        %get3A_628 = arith.constant 0 : index
        %get3A_629 = tpu.vector_load %arg13[%get3A_627, %get3A_628] {strides = array<i32>} : memref<512x16xf32, #tpu.memory_space<vmem>>, vector<16xf32>,
        %slice3A_630 = vector.extract_strided_slice %bitcast3A {offsets = [12], sizes = [1], strides = [1]} : vector<16xf32> to vector<1xf32>
        %squeeze3A_631 = vector.extract %slice3A_630[0] : f32 from vector<1xf32>
        %mul3A_632 = vector.broadcast %squeeze3A_631 : f32 to vector<16xf32>
        %mul3A_633 = arith.mulf %get3A_629, %mul3A_632 : vector<16xf32>
        %swap3A_634 = arith.index_cast %add3A_626 : i32 to index
        %swap3A_635 = arith.constant 0 : index
        %swap3A_636 = tpu.vector_load %arg13[%swap3A_634, %swap3A_635] {strides = array<i32>} : memref<512x16xf32, #tpu.memory_space<vmem>>, vector<16xf32>,
        tpu.vector_store %arg13[%swap3A_634, %swap3A_635], %mul3A_633 {strides = array<i32>} : memref<512x16xf32, #tpu.memory_space<vmem>>, vector<16xf32>,
        %mul3A_637 = arith.constant 16 : i32
        %mul3A_638 = arith.muli %scan3A_432, %mul3A_637 : i32
        %add3A_639 = arith.constant 13 : i32
        %add3A_640 = arith.addi %mul3A_638, %add3A_639 : i32
        %get3A_641 = arith.index_cast %add3A_640 : i32 to index
        %get3A_642 = arith.constant 0 : index
        %get3A_643 = tpu.vector_load %arg13[%get3A_641, %get3A_642] {strides = array<i32>} : memref<512x16xf32, #tpu.memory_space<vmem>>, vector<16xf32>,
        %slice3A_644 = vector.extract_strided_slice %bitcast3A {offsets = [13], sizes = [1], strides = [1]} : vector<16xf32> to vector<1xf32>
        %squeeze3A_645 = vector.extract %slice3A_644[0] : f32 from vector<1xf32>
        %mul3A_646 = vector.broadcast %squeeze3A_645 : f32 to vector<16xf32>
        %mul3A_647 = arith.mulf %get3A_643, %mul3A_646 : vector<16xf32>
        %swap3A_648 = arith.index_cast %add3A_640 : i32 to index
        %swap3A_649 = arith.constant 0 : index
        %swap3A_650 = tpu.vector_load %arg13[%swap3A_648, %swap3A_649] {strides = array<i32>} : memref<512x16xf32, #tpu.memory_space<vmem>>, vector<16xf32>,
        tpu.vector_store %arg13[%swap3A_648, %swap3A_649], %mul3A_647 {strides = array<i32>} : memref<512x16xf32, #tpu.memory_space<vmem>>, vector<16xf32>,
        %mul3A_651 = arith.constant 16 : i32
        %mul3A_652 = arith.muli %scan3A_432, %mul3A_651 : i32
        %add3A_653 = arith.constant 14 : i32
        %add3A_654 = arith.addi %mul3A_652, %add3A_653 : i32
        %get3A_655 = arith.index_cast %add3A_654 : i32 to index
        %get3A_656 = arith.constant 0 : index
        %get3A_657 = tpu.vector_load %arg13[%get3A_655, %get3A_656] {strides = array<i32>} : memref<512x16xf32, #tpu.memory_space<vmem>>, vector<16xf32>,
        %slice3A_658 = vector.extract_strided_slice %bitcast3A {offsets = [14], sizes = [1], strides = [1]} : vector<16xf32> to vector<1xf32>
        %squeeze3A_659 = vector.extract %slice3A_658[0] : f32 from vector<1xf32>
        %mul3A_660 = vector.broadcast %squeeze3A_659 : f32 to vector<16xf32>
        %mul3A_661 = arith.mulf %get3A_657, %mul3A_660 : vector<16xf32>
        %swap3A_662 = arith.index_cast %add3A_654 : i32 to index
        %swap3A_663 = arith.constant 0 : index
        %swap3A_664 = tpu.vector_load %arg13[%swap3A_662, %swap3A_663] {strides = array<i32>} : memref<512x16xf32, #tpu.memory_space<vmem>>, vector<16xf32>,
        tpu.vector_store %arg13[%swap3A_662, %swap3A_663], %mul3A_661 {strides = array<i32>} : memref<512x16xf32, #tpu.memory_space<vmem>>, vector<16xf32>,
        %mul3A_665 = arith.constant 16 : i32
        %mul3A_666 = arith.muli %scan3A_432, %mul3A_665 : i32
        %add3A_667 = arith.constant 15 : i32
        %add3A_668 = arith.addi %mul3A_666, %add3A_667 : i32
        %get3A_669 = arith.index_cast %add3A_668 : i32 to index
        %get3A_670 = arith.constant 0 : index
        %get3A_671 = tpu.vector_load %arg13[%get3A_669, %get3A_670] {strides = array<i32>} : memref<512x16xf32, #tpu.memory_space<vmem>>, vector<16xf32>,
        %slice3A_672 = vector.extract_strided_slice %bitcast3A {offsets = [15], sizes = [1], strides = [1]} : vector<16xf32> to vector<1xf32>
        %squeeze3A_673 = vector.extract %slice3A_672[0] : f32 from vector<1xf32>
        %mul3A_674 = vector.broadcast %squeeze3A_673 : f32 to vector<16xf32>
        %mul3A_675 = arith.mulf %get3A_671, %mul3A_674 : vector<16xf32>
        %swap3A_676 = arith.index_cast %add3A_668 : i32 to index
        %swap3A_677 = arith.constant 0 : index
        %swap3A_678 = tpu.vector_load %arg13[%swap3A_676, %swap3A_677] {strides = array<i32>} : memref<512x16xf32, #tpu.memory_space<vmem>>, vector<16xf32>,
        tpu.vector_store %arg13[%swap3A_676, %swap3A_677], %mul3A_675 {strides = array<i32>} : memref<512x16xf32, #tpu.memory_space<vmem>>, vector<16xf32>,
      }
      %scan3A_316 = arith.constant 32 : i32
      %dma_start3A_317 = arith.constant 4 : i32
      %dma_start3A_318 = arith.constant 0 : i32
      %dma_start3A_319 = arith.constant 0 : i32
      %dma_start3A_320 = tpu.memref_slice %arg13[%dma_start3A_318, %dma_start3A_319] : memref<512x16xf32, #tpu.memory_space<vmem>> -> memref<128x16xf32, #tpu.memory_space<vmem>>
      %dma_start3A_321 = arith.constant 0 : i32
      %dma_start3A_322 = tpu.memref_slice %arg9[%dma_start3A_317, %dma_start3A_321] : memref<12x128xi32, #tpu.memory_space<vmem>> -> memref<1x128xi32, #tpu.memory_space<vmem>>
      %dma_start3A_323 = tpu.memref_squeeze %dma_start3A_322 : memref<1x128xi32, #tpu.memory_space<vmem>> -> memref<128xi32, #tpu.memory_space<vmem>>
      %dma_start3A_324 = arith.constant 0 : i32
      %dma_start3A_325 = arith.constant 0 : i32
      %dma_start3A_326 = tpu.memref_slice %arg6[%dma_start3A_324, %dma_start3A_325] : memref<50000x16xf32, #tpu.memory_space<vmem_shared>> -> memref<50000x16xf32, #tpu.memory_space<vmem_shared>>
      tpu.enqueue_indirect_dma source(%dma_start3A_320 : memref<128x16xf32, #tpu.memory_space<vmem>>) target(%dma_start3A_326 : memref<50000x16xf32, #tpu.memory_space<vmem_shared>>) offsets(%dma_start3A_323 : memref<128xi32, #tpu.memory_space<vmem>>) semaphore(%arg25 : memref<!tpu.dma_semaphore, #tpu.memory_space<semaphore_mem>>) {add = true}
      %dma_start3A_327 = arith.constant 5 : i32
      %dma_start3A_328 = arith.constant 128 : i32
      %dma_start3A_329 = arith.constant 0 : i32
      %dma_start3A_330 = tpu.memref_slice %arg13[%dma_start3A_328, %dma_start3A_329] : memref<512x16xf32, #tpu.memory_space<vmem>> -> memref<128x16xf32, #tpu.memory_space<vmem>>
      %dma_start3A_331 = arith.constant 0 : i32
      %dma_start3A_332 = tpu.memref_slice %arg9[%dma_start3A_327, %dma_start3A_331] : memref<12x128xi32, #tpu.memory_space<vmem>> -> memref<1x128xi32, #tpu.memory_space<vmem>>
      %dma_start3A_333 = tpu.memref_squeeze %dma_start3A_332 : memref<1x128xi32, #tpu.memory_space<vmem>> -> memref<128xi32, #tpu.memory_space<vmem>>
      %dma_start3A_334 = arith.constant 0 : i32
      %dma_start3A_335 = arith.constant 0 : i32
      %dma_start3A_336 = tpu.memref_slice %arg6[%dma_start3A_334, %dma_start3A_335] : memref<50000x16xf32, #tpu.memory_space<vmem_shared>> -> memref<50000x16xf32, #tpu.memory_space<vmem_shared>>
      tpu.enqueue_indirect_dma source(%dma_start3A_330 : memref<128x16xf32, #tpu.memory_space<vmem>>) target(%dma_start3A_336 : memref<50000x16xf32, #tpu.memory_space<vmem_shared>>) offsets(%dma_start3A_333 : memref<128xi32, #tpu.memory_space<vmem>>) semaphore(%arg25 : memref<!tpu.dma_semaphore, #tpu.memory_space<semaphore_mem>>) {add = true}
      %dma_start3A_337 = arith.constant 6 : i32
      %dma_start3A_338 = arith.constant 256 : i32
      %dma_start3A_339 = arith.constant 0 : i32
      %dma_start3A_340 = tpu.memref_slice %arg13[%dma_start3A_338, %dma_start3A_339] : memref<512x16xf32, #tpu.memory_space<vmem>> -> memref<128x16xf32, #tpu.memory_space<vmem>>
      %dma_start3A_341 = arith.constant 0 : i32
      %dma_start3A_342 = tpu.memref_slice %arg9[%dma_start3A_337, %dma_start3A_341] : memref<12x128xi32, #tpu.memory_space<vmem>> -> memref<1x128xi32, #tpu.memory_space<vmem>>
      %dma_start3A_343 = tpu.memref_squeeze %dma_start3A_342 : memref<1x128xi32, #tpu.memory_space<vmem>> -> memref<128xi32, #tpu.memory_space<vmem>>
      %dma_start3A_344 = arith.constant 0 : i32
      %dma_start3A_345 = arith.constant 0 : i32
      %dma_start3A_346 = tpu.memref_slice %arg6[%dma_start3A_344, %dma_start3A_345] : memref<50000x16xf32, #tpu.memory_space<vmem_shared>> -> memref<50000x16xf32, #tpu.memory_space<vmem_shared>>
      tpu.enqueue_indirect_dma source(%dma_start3A_340 : memref<128x16xf32, #tpu.memory_space<vmem>>) target(%dma_start3A_346 : memref<50000x16xf32, #tpu.memory_space<vmem_shared>>) offsets(%dma_start3A_343 : memref<128xi32, #tpu.memory_space<vmem>>) semaphore(%arg25 : memref<!tpu.dma_semaphore, #tpu.memory_space<semaphore_mem>>) {add = true}
      %dma_start3A_347 = arith.constant 7 : i32
      %dma_start3A_348 = arith.constant 384 : i32
      %dma_start3A_349 = arith.constant 0 : i32
      %dma_start3A_350 = tpu.memref_slice %arg13[%dma_start3A_348, %dma_start3A_349] : memref<512x16xf32, #tpu.memory_space<vmem>> -> memref<128x16xf32, #tpu.memory_space<vmem>>
      %dma_start3A_351 = arith.constant 0 : i32
      %dma_start3A_352 = tpu.memref_slice %arg9[%dma_start3A_347, %dma_start3A_351] : memref<12x128xi32, #tpu.memory_space<vmem>> -> memref<1x128xi32, #tpu.memory_space<vmem>>
      %dma_start3A_353 = tpu.memref_squeeze %dma_start3A_352 : memref<1x128xi32, #tpu.memory_space<vmem>> -> memref<128xi32, #tpu.memory_space<vmem>>
      %dma_start3A_354 = arith.constant 0 : i32
      %dma_start3A_355 = arith.constant 0 : i32
      %dma_start3A_356 = tpu.memref_slice %arg6[%dma_start3A_354, %dma_start3A_355] : memref<50000x16xf32, #tpu.memory_space<vmem_shared>> -> memref<50000x16xf32, #tpu.memory_space<vmem_shared>>
      tpu.enqueue_indirect_dma source(%dma_start3A_350 : memref<128x16xf32, #tpu.memory_space<vmem>>) target(%dma_start3A_356 : memref<50000x16xf32, #tpu.memory_space<vmem_shared>>) offsets(%dma_start3A_353 : memref<128xi32, #tpu.memory_space<vmem>>) semaphore(%arg25 : memref<!tpu.dma_semaphore, #tpu.memory_space<semaphore_mem>>) {add = true}
      %mul3A_357 = arith.constant 4 : i32
      %mul3A_358 = arith.muli %mul3A_357, %scan3A_133 : i32
      %add3A_359 = arith.constant 3 : i32
      %add3A_360 = arith.addi %mul3A_358, %add3A_359 : i32
      %gt3A_361 = arith.constant 0 : i32
      %gt3A_362 = arith.cmpi sgt, %add3A_360, %gt3A_361 : i32
      %convert_element_type3A_363 = arith.extui %gt3A_362 : i1 to i32
      %cond3A_364 = arith.constant 0 : i32
      %cond3A_365 = arith.cmpi ne, %convert_element_type3A_363, %cond3A_364 : i32
      scf.if %cond3A_365 {
        %dma_wait3A_432 = arith.constant 0 : i32
        %dma_wait3A_433 = arith.constant 0 : i32
        %dma_wait3A_434 = tpu.memref_slice %arg6[%dma_wait3A_432, %dma_wait3A_433] : memref<50000x16xf32, #tpu.memory_space<vmem_shared>> -> memref<512x16xf32, #tpu.memory_space<vmem_shared>>
        %dma_wait3A_435 = arith.constant 0 : i32
        %dma_wait3A_436 = arith.constant 0 : i32
        %dma_wait3A_437 = tpu.memref_slice %arg6[%dma_wait3A_435, %dma_wait3A_436] : memref<50000x16xf32, #tpu.memory_space<vmem_shared>> -> memref<512x16xf32, #tpu.memory_space<vmem_shared>>
        tpu.wait_dma2 semaphore(%arg25 : memref<!tpu.dma_semaphore, #tpu.memory_space<semaphore_mem>>) src(%arg13 : memref<512x16xf32, #tpu.memory_space<vmem>>) dst(%dma_wait3A_437 : memref<512x16xf32, #tpu.memory_space<vmem_shared>>)
      } else {
      }
      %add3A_366 = arith.constant 3 : i32
      %add3A_367 = arith.addi %add3A_360, %add3A_366 : i32
      %lt3A_368 = arith.constant 100 : i32
      %lt3A_369 = arith.cmpi slt, %add3A_367, %lt3A_368 : i32
      %convert_element_type3A_370 = arith.extui %lt3A_369 : i1 to i32
      %cond3A_371 = arith.constant 0 : i32
      %cond3A_372 = arith.cmpi ne, %convert_element_type3A_370, %cond3A_371 : i32
      scf.if %cond3A_372 {
        %add3A_432 = arith.constant 3 : i32
        %add3A_433 = arith.addi %add3A_360, %add3A_432 : i32
        %add3A_434 = arith.addi %mul3A_2, %add3A_433 : i32
        %mul3A_435 = arith.constant 12 : i32
        %mul3A_436 = arith.muli %mul3A_435, %add3A_434 : i32
        %dma_start3A_437 = arith.constant 0 : i32
        %dma_start3A_438 = tpu.memref_slice %arg3[%mul3A_436, %dma_start3A_437] : memref<38400x128xi32, #tpu.memory_space<hbm>> -> memref<12x128xi32, #tpu.memory_space<hbm>>
        %dma_start3A_439 = arith.constant 0 : i32
        %dma_start3A_440 = tpu.memref_slice %arg3[%mul3A_436, %dma_start3A_439] : memref<38400x128xi32, #tpu.memory_space<hbm>> -> memref<12x128xi32, #tpu.memory_space<hbm>>
        tpu.enqueue_dma source(%dma_start3A_440 : memref<12x128xi32, #tpu.memory_space<hbm>>) target(%arg9 : memref<12x128xi32, #tpu.memory_space<vmem>>) target_semaphore(%arg21 : memref<!tpu.dma_semaphore, #tpu.memory_space<semaphore_mem>>)
      } else {
      }
      %add3A_373 = arith.constant 2 : i32
      %add3A_374 = arith.addi %add3A_360, %add3A_373 : i32
      %lt3A_375 = arith.constant 100 : i32
      %lt3A_376 = arith.cmpi slt, %add3A_374, %lt3A_375 : i32
      %convert_element_type3A_377 = arith.extui %lt3A_376 : i1 to i32
      %cond3A_378 = arith.constant 0 : i32
      %cond3A_379 = arith.cmpi ne, %convert_element_type3A_377, %cond3A_378 : i32
      scf.if %cond3A_379 {
        %add3A_432 = arith.constant 0 : i32
        %add3A_433 = arith.addi %mul3A_2, %add3A_432 : i32
        %mul3A_434 = arith.constant 12 : i32
        %mul3A_435 = arith.muli %mul3A_434, %add3A_433 : i32
        %dma_wait3A_436 = arith.constant 0 : i32
        %dma_wait3A_437 = tpu.memref_slice %arg3[%mul3A_435, %dma_wait3A_436] : memref<38400x128xi32, #tpu.memory_space<hbm>> -> memref<12x128xi32, #tpu.memory_space<hbm>>
        %dma_wait3A_438 = arith.constant 0 : i32
        %dma_wait3A_439 = tpu.memref_slice %arg3[%mul3A_435, %dma_wait3A_438] : memref<38400x128xi32, #tpu.memory_space<hbm>> -> memref<12x128xi32, #tpu.memory_space<hbm>>
        tpu.wait_dma2 semaphore(%arg20 : memref<!tpu.dma_semaphore, #tpu.memory_space<semaphore_mem>>) src(%dma_wait3A_439 : memref<12x128xi32, #tpu.memory_space<hbm>>) dst(%arg8 : memref<12x128xi32, #tpu.memory_space<vmem>>)
        %dma_start3A_440 = arith.constant 0 : i32
        %dma_start3A_441 = arith.constant 0 : i32
        %dma_start3A_442 = arith.constant 0 : i32
        %dma_start3A_443 = tpu.memref_slice %arg12[%dma_start3A_441, %dma_start3A_442] : memref<512x16xf32, #tpu.memory_space<vmem>> -> memref<128x16xf32, #tpu.memory_space<vmem>>
        %dma_start3A_444 = arith.constant 0 : i32
        %dma_start3A_445 = tpu.memref_slice %arg8[%dma_start3A_440, %dma_start3A_444] : memref<12x128xi32, #tpu.memory_space<vmem>> -> memref<1x128xi32, #tpu.memory_space<vmem>>
        %dma_start3A_446 = tpu.memref_squeeze %dma_start3A_445 : memref<1x128xi32, #tpu.memory_space<vmem>> -> memref<128xi32, #tpu.memory_space<vmem>>
        %dma_start3A_447 = arith.constant 0 : i32
        %dma_start3A_448 = arith.constant 0 : i32
        %dma_start3A_449 = tpu.memref_slice %arg2[%dma_start3A_447, %dma_start3A_448] : memref<150000x16xf32, #tpu.memory_space<hbm>> -> memref<150000x16xf32, #tpu.memory_space<hbm>>
        tpu.enqueue_indirect_dma source(%dma_start3A_449 : memref<150000x16xf32, #tpu.memory_space<hbm>>) target(%dma_start3A_443 : memref<128x16xf32, #tpu.memory_space<vmem>>) offsets(%dma_start3A_446 : memref<128xi32, #tpu.memory_space<vmem>>) semaphore(%arg16 : memref<!tpu.dma_semaphore, #tpu.memory_space<semaphore_mem>>)
        %dma_start3A_450 = arith.constant 1 : i32
        %dma_start3A_451 = arith.constant 128 : i32
        %dma_start3A_452 = arith.constant 0 : i32
        %dma_start3A_453 = tpu.memref_slice %arg12[%dma_start3A_451, %dma_start3A_452] : memref<512x16xf32, #tpu.memory_space<vmem>> -> memref<128x16xf32, #tpu.memory_space<vmem>>
        %dma_start3A_454 = arith.constant 0 : i32
        %dma_start3A_455 = tpu.memref_slice %arg8[%dma_start3A_450, %dma_start3A_454] : memref<12x128xi32, #tpu.memory_space<vmem>> -> memref<1x128xi32, #tpu.memory_space<vmem>>
        %dma_start3A_456 = tpu.memref_squeeze %dma_start3A_455 : memref<1x128xi32, #tpu.memory_space<vmem>> -> memref<128xi32, #tpu.memory_space<vmem>>
        %dma_start3A_457 = arith.constant 0 : i32
        %dma_start3A_458 = arith.constant 0 : i32
        %dma_start3A_459 = tpu.memref_slice %arg2[%dma_start3A_457, %dma_start3A_458] : memref<150000x16xf32, #tpu.memory_space<hbm>> -> memref<150000x16xf32, #tpu.memory_space<hbm>>
        tpu.enqueue_indirect_dma source(%dma_start3A_459 : memref<150000x16xf32, #tpu.memory_space<hbm>>) target(%dma_start3A_453 : memref<128x16xf32, #tpu.memory_space<vmem>>) offsets(%dma_start3A_456 : memref<128xi32, #tpu.memory_space<vmem>>) semaphore(%arg16 : memref<!tpu.dma_semaphore, #tpu.memory_space<semaphore_mem>>)
        %dma_start3A_460 = arith.constant 2 : i32
        %dma_start3A_461 = arith.constant 256 : i32
        %dma_start3A_462 = arith.constant 0 : i32
        %dma_start3A_463 = tpu.memref_slice %arg12[%dma_start3A_461, %dma_start3A_462] : memref<512x16xf32, #tpu.memory_space<vmem>> -> memref<128x16xf32, #tpu.memory_space<vmem>>
        %dma_start3A_464 = arith.constant 0 : i32
        %dma_start3A_465 = tpu.memref_slice %arg8[%dma_start3A_460, %dma_start3A_464] : memref<12x128xi32, #tpu.memory_space<vmem>> -> memref<1x128xi32, #tpu.memory_space<vmem>>
        %dma_start3A_466 = tpu.memref_squeeze %dma_start3A_465 : memref<1x128xi32, #tpu.memory_space<vmem>> -> memref<128xi32, #tpu.memory_space<vmem>>
        %dma_start3A_467 = arith.constant 0 : i32
        %dma_start3A_468 = arith.constant 0 : i32
        %dma_start3A_469 = tpu.memref_slice %arg2[%dma_start3A_467, %dma_start3A_468] : memref<150000x16xf32, #tpu.memory_space<hbm>> -> memref<150000x16xf32, #tpu.memory_space<hbm>>
        tpu.enqueue_indirect_dma source(%dma_start3A_469 : memref<150000x16xf32, #tpu.memory_space<hbm>>) target(%dma_start3A_463 : memref<128x16xf32, #tpu.memory_space<vmem>>) offsets(%dma_start3A_466 : memref<128xi32, #tpu.memory_space<vmem>>) semaphore(%arg16 : memref<!tpu.dma_semaphore, #tpu.memory_space<semaphore_mem>>)
        %dma_start3A_470 = arith.constant 3 : i32
        %dma_start3A_471 = arith.constant 384 : i32
        %dma_start3A_472 = arith.constant 0 : i32
        %dma_start3A_473 = tpu.memref_slice %arg12[%dma_start3A_471, %dma_start3A_472] : memref<512x16xf32, #tpu.memory_space<vmem>> -> memref<128x16xf32, #tpu.memory_space<vmem>>
        %dma_start3A_474 = arith.constant 0 : i32
        %dma_start3A_475 = tpu.memref_slice %arg8[%dma_start3A_470, %dma_start3A_474] : memref<12x128xi32, #tpu.memory_space<vmem>> -> memref<1x128xi32, #tpu.memory_space<vmem>>
        %dma_start3A_476 = tpu.memref_squeeze %dma_start3A_475 : memref<1x128xi32, #tpu.memory_space<vmem>> -> memref<128xi32, #tpu.memory_space<vmem>>
        %dma_start3A_477 = arith.constant 0 : i32
        %dma_start3A_478 = arith.constant 0 : i32
        %dma_start3A_479 = tpu.memref_slice %arg2[%dma_start3A_477, %dma_start3A_478] : memref<150000x16xf32, #tpu.memory_space<hbm>> -> memref<150000x16xf32, #tpu.memory_space<hbm>>
        tpu.enqueue_indirect_dma source(%dma_start3A_479 : memref<150000x16xf32, #tpu.memory_space<hbm>>) target(%dma_start3A_473 : memref<128x16xf32, #tpu.memory_space<vmem>>) offsets(%dma_start3A_476 : memref<128xi32, #tpu.memory_space<vmem>>) semaphore(%arg16 : memref<!tpu.dma_semaphore, #tpu.memory_space<semaphore_mem>>)
      } else {
      }
      %dma_wait3A_380 = arith.constant 0 : i32
      %dma_wait3A_381 = arith.constant 0 : i32
      %dma_wait3A_382 = tpu.memref_slice %arg2[%dma_wait3A_380, %dma_wait3A_381] : memref<150000x16xf32, #tpu.memory_space<hbm>> -> memref<512x16xf32, #tpu.memory_space<hbm>>
      %dma_wait3A_383 = arith.constant 0 : i32
      %dma_wait3A_384 = arith.constant 0 : i32
      %dma_wait3A_385 = tpu.memref_slice %arg2[%dma_wait3A_383, %dma_wait3A_384] : memref<150000x16xf32, #tpu.memory_space<hbm>> -> memref<512x16xf32, #tpu.memory_space<hbm>>
      tpu.wait_dma2 semaphore(%arg18 : memref<!tpu.dma_semaphore, #tpu.memory_space<semaphore_mem>>) src(%dma_wait3A_385 : memref<512x16xf32, #tpu.memory_space<hbm>>) dst(%arg14 : memref<512x16xf32, #tpu.memory_space<vmem>>)
      %scan3A_386 = arith.constant 0 : i32
      %scan3A_387 = arith.constant 0 : i32
      %scan3A_388 = arith.constant 32 : i32
      %scan3A_389 = arith.addi %scan3A_387, %scan3A_388 : i32
      %scan3A_390 = arith.constant 1 : i32
      scf.for %scan3A_432 = %scan3A_387 to %scan3A_389 step %scan3A_390  : i32 {
        %jit3A = arith.constant 8 : i32
        %div3A = arith.divsi %scan3A_432, %jit3A : i32
        %sign3A = arith.constant 0 : i32
        %sign3A_433 = arith.cmpi sgt, %scan3A_432, %sign3A : i32
        %sign3A_434 = arith.extui %sign3A_433 : i1 to i32
        %sign3A_435 = arith.constant 0 : i32
        %sign3A_436 = arith.cmpi slt, %scan3A_432, %sign3A_435 : i32
        %sign3A_437 = arith.extui %sign3A_436 : i1 to i32
        %sign3A_438 = arith.subi %sign3A_434, %sign3A_437 : i32
        %sign3A_439 = arith.constant 0 : i32
        %sign3A_440 = arith.cmpi sgt, %jit3A, %sign3A_439 : i32
        %sign3A_441 = arith.extui %sign3A_440 : i1 to i32
        %sign3A_442 = arith.constant 0 : i32
        %sign3A_443 = arith.cmpi slt, %jit3A, %sign3A_442 : i32
        %sign3A_444 = arith.extui %sign3A_443 : i1 to i32
        %sign3A_445 = arith.subi %sign3A_441, %sign3A_444 : i32
        %ne3A = arith.cmpi ne, %sign3A_438, %sign3A_445 : i32
        %rem3A = arith.remsi %scan3A_432, %jit3A : i32
        %ne3A_446 = arith.constant 0 : i32
        %ne3A_447 = arith.cmpi ne, %rem3A, %ne3A_446 : i32
        %and3A = arith.andi %ne3A, %ne3A_447 : i1
        %sub3A = arith.constant 1 : i32
        %sub3A_448 = arith.subi %div3A, %sub3A : i32
        %select_n3A = arith.select %and3A, %sub3A_448, %div3A : i32
        %mul3A_449 = arith.constant 8 : i32
        %mul3A_450 = arith.muli %mul3A_449, %select_n3A : i32
        %sub3A_451 = arith.subi %scan3A_432, %mul3A_450 : i32
        %add3A_452 = arith.constant 8 : i32
        %add3A_453 = arith.addi %add3A_452, %select_n3A : i32
        %mul3A_454 = arith.constant 16 : i32
        %mul3A_455 = arith.muli %sub3A_451, %mul3A_454 : i32
        %get3A = arith.index_cast %add3A_453 : i32 to index
        %get3A_456 = arith.index_cast %mul3A_455 : i32 to index
        %get3A_457 = tpu.vector_load %arg10[%get3A, %get3A_456] {strides = array<i32>} : memref<12x128xi32, #tpu.memory_space<vmem>>, vector<16xi32>,
        %bitcast3A = vector.bitcast %get3A_457 : vector<16xi32> to vector<16xf32>
        %mul3A_458 = arith.constant 16 : i32
        %mul3A_459 = arith.muli %scan3A_432, %mul3A_458 : i32
        %add3A_460 = arith.constant 0 : i32
        %add3A_461 = arith.addi %mul3A_459, %add3A_460 : i32
        %get3A_462 = arith.index_cast %add3A_461 : i32 to index
        %get3A_463 = arith.constant 0 : index
        %get3A_464 = tpu.vector_load %arg14[%get3A_462, %get3A_463] {strides = array<i32>} : memref<512x16xf32, #tpu.memory_space<vmem>>, vector<16xf32>,
        %slice3A = vector.extract_strided_slice %bitcast3A {offsets = [0], sizes = [1], strides = [1]} : vector<16xf32> to vector<1xf32>
        %squeeze3A = vector.extract %slice3A[0] : f32 from vector<1xf32>
        %mul3A_465 = vector.broadcast %squeeze3A : f32 to vector<16xf32>
        %mul3A_466 = arith.mulf %get3A_464, %mul3A_465 : vector<16xf32>
        %swap3A = arith.index_cast %add3A_461 : i32 to index
        %swap3A_467 = arith.constant 0 : index
        %swap3A_468 = tpu.vector_load %arg14[%swap3A, %swap3A_467] {strides = array<i32>} : memref<512x16xf32, #tpu.memory_space<vmem>>, vector<16xf32>,
        tpu.vector_store %arg14[%swap3A, %swap3A_467], %mul3A_466 {strides = array<i32>} : memref<512x16xf32, #tpu.memory_space<vmem>>, vector<16xf32>,
        %mul3A_469 = arith.constant 16 : i32
        %mul3A_470 = arith.muli %scan3A_432, %mul3A_469 : i32
        %add3A_471 = arith.constant 1 : i32
        %add3A_472 = arith.addi %mul3A_470, %add3A_471 : i32
        %get3A_473 = arith.index_cast %add3A_472 : i32 to index
        %get3A_474 = arith.constant 0 : index
        %get3A_475 = tpu.vector_load %arg14[%get3A_473, %get3A_474] {strides = array<i32>} : memref<512x16xf32, #tpu.memory_space<vmem>>, vector<16xf32>,
        %slice3A_476 = vector.extract_strided_slice %bitcast3A {offsets = [1], sizes = [1], strides = [1]} : vector<16xf32> to vector<1xf32>
        %squeeze3A_477 = vector.extract %slice3A_476[0] : f32 from vector<1xf32>
        %mul3A_478 = vector.broadcast %squeeze3A_477 : f32 to vector<16xf32>
        %mul3A_479 = arith.mulf %get3A_475, %mul3A_478 : vector<16xf32>
        %swap3A_480 = arith.index_cast %add3A_472 : i32 to index
        %swap3A_481 = arith.constant 0 : index
        %swap3A_482 = tpu.vector_load %arg14[%swap3A_480, %swap3A_481] {strides = array<i32>} : memref<512x16xf32, #tpu.memory_space<vmem>>, vector<16xf32>,
        tpu.vector_store %arg14[%swap3A_480, %swap3A_481], %mul3A_479 {strides = array<i32>} : memref<512x16xf32, #tpu.memory_space<vmem>>, vector<16xf32>,
        %mul3A_483 = arith.constant 16 : i32
        %mul3A_484 = arith.muli %scan3A_432, %mul3A_483 : i32
        %add3A_485 = arith.constant 2 : i32
        %add3A_486 = arith.addi %mul3A_484, %add3A_485 : i32
        %get3A_487 = arith.index_cast %add3A_486 : i32 to index
        %get3A_488 = arith.constant 0 : index
        %get3A_489 = tpu.vector_load %arg14[%get3A_487, %get3A_488] {strides = array<i32>} : memref<512x16xf32, #tpu.memory_space<vmem>>, vector<16xf32>,
        %slice3A_490 = vector.extract_strided_slice %bitcast3A {offsets = [2], sizes = [1], strides = [1]} : vector<16xf32> to vector<1xf32>
        %squeeze3A_491 = vector.extract %slice3A_490[0] : f32 from vector<1xf32>
        %mul3A_492 = vector.broadcast %squeeze3A_491 : f32 to vector<16xf32>
        %mul3A_493 = arith.mulf %get3A_489, %mul3A_492 : vector<16xf32>
        %swap3A_494 = arith.index_cast %add3A_486 : i32 to index
        %swap3A_495 = arith.constant 0 : index
        %swap3A_496 = tpu.vector_load %arg14[%swap3A_494, %swap3A_495] {strides = array<i32>} : memref<512x16xf32, #tpu.memory_space<vmem>>, vector<16xf32>,
        tpu.vector_store %arg14[%swap3A_494, %swap3A_495], %mul3A_493 {strides = array<i32>} : memref<512x16xf32, #tpu.memory_space<vmem>>, vector<16xf32>,
        %mul3A_497 = arith.constant 16 : i32
        %mul3A_498 = arith.muli %scan3A_432, %mul3A_497 : i32
        %add3A_499 = arith.constant 3 : i32
        %add3A_500 = arith.addi %mul3A_498, %add3A_499 : i32
        %get3A_501 = arith.index_cast %add3A_500 : i32 to index
        %get3A_502 = arith.constant 0 : index
        %get3A_503 = tpu.vector_load %arg14[%get3A_501, %get3A_502] {strides = array<i32>} : memref<512x16xf32, #tpu.memory_space<vmem>>, vector<16xf32>,
        %slice3A_504 = vector.extract_strided_slice %bitcast3A {offsets = [3], sizes = [1], strides = [1]} : vector<16xf32> to vector<1xf32>
        %squeeze3A_505 = vector.extract %slice3A_504[0] : f32 from vector<1xf32>
        %mul3A_506 = vector.broadcast %squeeze3A_505 : f32 to vector<16xf32>
        %mul3A_507 = arith.mulf %get3A_503, %mul3A_506 : vector<16xf32>
        %swap3A_508 = arith.index_cast %add3A_500 : i32 to index
        %swap3A_509 = arith.constant 0 : index
        %swap3A_510 = tpu.vector_load %arg14[%swap3A_508, %swap3A_509] {strides = array<i32>} : memref<512x16xf32, #tpu.memory_space<vmem>>, vector<16xf32>,
        tpu.vector_store %arg14[%swap3A_508, %swap3A_509], %mul3A_507 {strides = array<i32>} : memref<512x16xf32, #tpu.memory_space<vmem>>, vector<16xf32>,
        %mul3A_511 = arith.constant 16 : i32
        %mul3A_512 = arith.muli %scan3A_432, %mul3A_511 : i32
        %add3A_513 = arith.constant 4 : i32
        %add3A_514 = arith.addi %mul3A_512, %add3A_513 : i32
        %get3A_515 = arith.index_cast %add3A_514 : i32 to index
        %get3A_516 = arith.constant 0 : index
        %get3A_517 = tpu.vector_load %arg14[%get3A_515, %get3A_516] {strides = array<i32>} : memref<512x16xf32, #tpu.memory_space<vmem>>, vector<16xf32>,
        %slice3A_518 = vector.extract_strided_slice %bitcast3A {offsets = [4], sizes = [1], strides = [1]} : vector<16xf32> to vector<1xf32>
        %squeeze3A_519 = vector.extract %slice3A_518[0] : f32 from vector<1xf32>
        %mul3A_520 = vector.broadcast %squeeze3A_519 : f32 to vector<16xf32>
        %mul3A_521 = arith.mulf %get3A_517, %mul3A_520 : vector<16xf32>
        %swap3A_522 = arith.index_cast %add3A_514 : i32 to index
        %swap3A_523 = arith.constant 0 : index
        %swap3A_524 = tpu.vector_load %arg14[%swap3A_522, %swap3A_523] {strides = array<i32>} : memref<512x16xf32, #tpu.memory_space<vmem>>, vector<16xf32>,
        tpu.vector_store %arg14[%swap3A_522, %swap3A_523], %mul3A_521 {strides = array<i32>} : memref<512x16xf32, #tpu.memory_space<vmem>>, vector<16xf32>,
        %mul3A_525 = arith.constant 16 : i32
        %mul3A_526 = arith.muli %scan3A_432, %mul3A_525 : i32
        %add3A_527 = arith.constant 5 : i32
        %add3A_528 = arith.addi %mul3A_526, %add3A_527 : i32
        %get3A_529 = arith.index_cast %add3A_528 : i32 to index
        %get3A_530 = arith.constant 0 : index
        %get3A_531 = tpu.vector_load %arg14[%get3A_529, %get3A_530] {strides = array<i32>} : memref<512x16xf32, #tpu.memory_space<vmem>>, vector<16xf32>,
        %slice3A_532 = vector.extract_strided_slice %bitcast3A {offsets = [5], sizes = [1], strides = [1]} : vector<16xf32> to vector<1xf32>
        %squeeze3A_533 = vector.extract %slice3A_532[0] : f32 from vector<1xf32>
        %mul3A_534 = vector.broadcast %squeeze3A_533 : f32 to vector<16xf32>
        %mul3A_535 = arith.mulf %get3A_531, %mul3A_534 : vector<16xf32>
        %swap3A_536 = arith.index_cast %add3A_528 : i32 to index
        %swap3A_537 = arith.constant 0 : index
        %swap3A_538 = tpu.vector_load %arg14[%swap3A_536, %swap3A_537] {strides = array<i32>} : memref<512x16xf32, #tpu.memory_space<vmem>>, vector<16xf32>,
        tpu.vector_store %arg14[%swap3A_536, %swap3A_537], %mul3A_535 {strides = array<i32>} : memref<512x16xf32, #tpu.memory_space<vmem>>, vector<16xf32>,
        %mul3A_539 = arith.constant 16 : i32
        %mul3A_540 = arith.muli %scan3A_432, %mul3A_539 : i32
        %add3A_541 = arith.constant 6 : i32
        %add3A_542 = arith.addi %mul3A_540, %add3A_541 : i32
        %get3A_543 = arith.index_cast %add3A_542 : i32 to index
        %get3A_544 = arith.constant 0 : index
        %get3A_545 = tpu.vector_load %arg14[%get3A_543, %get3A_544] {strides = array<i32>} : memref<512x16xf32, #tpu.memory_space<vmem>>, vector<16xf32>,
        %slice3A_546 = vector.extract_strided_slice %bitcast3A {offsets = [6], sizes = [1], strides = [1]} : vector<16xf32> to vector<1xf32>
        %squeeze3A_547 = vector.extract %slice3A_546[0] : f32 from vector<1xf32>
        %mul3A_548 = vector.broadcast %squeeze3A_547 : f32 to vector<16xf32>
        %mul3A_549 = arith.mulf %get3A_545, %mul3A_548 : vector<16xf32>
        %swap3A_550 = arith.index_cast %add3A_542 : i32 to index
        %swap3A_551 = arith.constant 0 : index
        %swap3A_552 = tpu.vector_load %arg14[%swap3A_550, %swap3A_551] {strides = array<i32>} : memref<512x16xf32, #tpu.memory_space<vmem>>, vector<16xf32>,
        tpu.vector_store %arg14[%swap3A_550, %swap3A_551], %mul3A_549 {strides = array<i32>} : memref<512x16xf32, #tpu.memory_space<vmem>>, vector<16xf32>,
        %mul3A_553 = arith.constant 16 : i32
        %mul3A_554 = arith.muli %scan3A_432, %mul3A_553 : i32
        %add3A_555 = arith.constant 7 : i32
        %add3A_556 = arith.addi %mul3A_554, %add3A_555 : i32
        %get3A_557 = arith.index_cast %add3A_556 : i32 to index
        %get3A_558 = arith.constant 0 : index
        %get3A_559 = tpu.vector_load %arg14[%get3A_557, %get3A_558] {strides = array<i32>} : memref<512x16xf32, #tpu.memory_space<vmem>>, vector<16xf32>,
        %slice3A_560 = vector.extract_strided_slice %bitcast3A {offsets = [7], sizes = [1], strides = [1]} : vector<16xf32> to vector<1xf32>
        %squeeze3A_561 = vector.extract %slice3A_560[0] : f32 from vector<1xf32>
        %mul3A_562 = vector.broadcast %squeeze3A_561 : f32 to vector<16xf32>
        %mul3A_563 = arith.mulf %get3A_559, %mul3A_562 : vector<16xf32>
        %swap3A_564 = arith.index_cast %add3A_556 : i32 to index
        %swap3A_565 = arith.constant 0 : index
        %swap3A_566 = tpu.vector_load %arg14[%swap3A_564, %swap3A_565] {strides = array<i32>} : memref<512x16xf32, #tpu.memory_space<vmem>>, vector<16xf32>,
        tpu.vector_store %arg14[%swap3A_564, %swap3A_565], %mul3A_563 {strides = array<i32>} : memref<512x16xf32, #tpu.memory_space<vmem>>, vector<16xf32>,
        %mul3A_567 = arith.constant 16 : i32
        %mul3A_568 = arith.muli %scan3A_432, %mul3A_567 : i32
        %add3A_569 = arith.constant 8 : i32
        %add3A_570 = arith.addi %mul3A_568, %add3A_569 : i32
        %get3A_571 = arith.index_cast %add3A_570 : i32 to index
        %get3A_572 = arith.constant 0 : index
        %get3A_573 = tpu.vector_load %arg14[%get3A_571, %get3A_572] {strides = array<i32>} : memref<512x16xf32, #tpu.memory_space<vmem>>, vector<16xf32>,
        %slice3A_574 = vector.extract_strided_slice %bitcast3A {offsets = [8], sizes = [1], strides = [1]} : vector<16xf32> to vector<1xf32>
        %squeeze3A_575 = vector.extract %slice3A_574[0] : f32 from vector<1xf32>
        %mul3A_576 = vector.broadcast %squeeze3A_575 : f32 to vector<16xf32>
        %mul3A_577 = arith.mulf %get3A_573, %mul3A_576 : vector<16xf32>
        %swap3A_578 = arith.index_cast %add3A_570 : i32 to index
        %swap3A_579 = arith.constant 0 : index
        %swap3A_580 = tpu.vector_load %arg14[%swap3A_578, %swap3A_579] {strides = array<i32>} : memref<512x16xf32, #tpu.memory_space<vmem>>, vector<16xf32>,
        tpu.vector_store %arg14[%swap3A_578, %swap3A_579], %mul3A_577 {strides = array<i32>} : memref<512x16xf32, #tpu.memory_space<vmem>>, vector<16xf32>,
        %mul3A_581 = arith.constant 16 : i32
        %mul3A_582 = arith.muli %scan3A_432, %mul3A_581 : i32
        %add3A_583 = arith.constant 9 : i32
        %add3A_584 = arith.addi %mul3A_582, %add3A_583 : i32
        %get3A_585 = arith.index_cast %add3A_584 : i32 to index
        %get3A_586 = arith.constant 0 : index
        %get3A_587 = tpu.vector_load %arg14[%get3A_585, %get3A_586] {strides = array<i32>} : memref<512x16xf32, #tpu.memory_space<vmem>>, vector<16xf32>,
        %slice3A_588 = vector.extract_strided_slice %bitcast3A {offsets = [9], sizes = [1], strides = [1]} : vector<16xf32> to vector<1xf32>
        %squeeze3A_589 = vector.extract %slice3A_588[0] : f32 from vector<1xf32>
        %mul3A_590 = vector.broadcast %squeeze3A_589 : f32 to vector<16xf32>
        %mul3A_591 = arith.mulf %get3A_587, %mul3A_590 : vector<16xf32>
        %swap3A_592 = arith.index_cast %add3A_584 : i32 to index
        %swap3A_593 = arith.constant 0 : index
        %swap3A_594 = tpu.vector_load %arg14[%swap3A_592, %swap3A_593] {strides = array<i32>} : memref<512x16xf32, #tpu.memory_space<vmem>>, vector<16xf32>,
        tpu.vector_store %arg14[%swap3A_592, %swap3A_593], %mul3A_591 {strides = array<i32>} : memref<512x16xf32, #tpu.memory_space<vmem>>, vector<16xf32>,
        %mul3A_595 = arith.constant 16 : i32
        %mul3A_596 = arith.muli %scan3A_432, %mul3A_595 : i32
        %add3A_597 = arith.constant 10 : i32
        %add3A_598 = arith.addi %mul3A_596, %add3A_597 : i32
        %get3A_599 = arith.index_cast %add3A_598 : i32 to index
        %get3A_600 = arith.constant 0 : index
        %get3A_601 = tpu.vector_load %arg14[%get3A_599, %get3A_600] {strides = array<i32>} : memref<512x16xf32, #tpu.memory_space<vmem>>, vector<16xf32>,
        %slice3A_602 = vector.extract_strided_slice %bitcast3A {offsets = [10], sizes = [1], strides = [1]} : vector<16xf32> to vector<1xf32>
        %squeeze3A_603 = vector.extract %slice3A_602[0] : f32 from vector<1xf32>
        %mul3A_604 = vector.broadcast %squeeze3A_603 : f32 to vector<16xf32>
        %mul3A_605 = arith.mulf %get3A_601, %mul3A_604 : vector<16xf32>
        %swap3A_606 = arith.index_cast %add3A_598 : i32 to index
        %swap3A_607 = arith.constant 0 : index
        %swap3A_608 = tpu.vector_load %arg14[%swap3A_606, %swap3A_607] {strides = array<i32>} : memref<512x16xf32, #tpu.memory_space<vmem>>, vector<16xf32>,
        tpu.vector_store %arg14[%swap3A_606, %swap3A_607], %mul3A_605 {strides = array<i32>} : memref<512x16xf32, #tpu.memory_space<vmem>>, vector<16xf32>,
        %mul3A_609 = arith.constant 16 : i32
        %mul3A_610 = arith.muli %scan3A_432, %mul3A_609 : i32
        %add3A_611 = arith.constant 11 : i32
        %add3A_612 = arith.addi %mul3A_610, %add3A_611 : i32
        %get3A_613 = arith.index_cast %add3A_612 : i32 to index
        %get3A_614 = arith.constant 0 : index
        %get3A_615 = tpu.vector_load %arg14[%get3A_613, %get3A_614] {strides = array<i32>} : memref<512x16xf32, #tpu.memory_space<vmem>>, vector<16xf32>,
        %slice3A_616 = vector.extract_strided_slice %bitcast3A {offsets = [11], sizes = [1], strides = [1]} : vector<16xf32> to vector<1xf32>
        %squeeze3A_617 = vector.extract %slice3A_616[0] : f32 from vector<1xf32>
        %mul3A_618 = vector.broadcast %squeeze3A_617 : f32 to vector<16xf32>
        %mul3A_619 = arith.mulf %get3A_615, %mul3A_618 : vector<16xf32>
        %swap3A_620 = arith.index_cast %add3A_612 : i32 to index
        %swap3A_621 = arith.constant 0 : index
        %swap3A_622 = tpu.vector_load %arg14[%swap3A_620, %swap3A_621] {strides = array<i32>} : memref<512x16xf32, #tpu.memory_space<vmem>>, vector<16xf32>,
        tpu.vector_store %arg14[%swap3A_620, %swap3A_621], %mul3A_619 {strides = array<i32>} : memref<512x16xf32, #tpu.memory_space<vmem>>, vector<16xf32>,
        %mul3A_623 = arith.constant 16 : i32
        %mul3A_624 = arith.muli %scan3A_432, %mul3A_623 : i32
        %add3A_625 = arith.constant 12 : i32
        %add3A_626 = arith.addi %mul3A_624, %add3A_625 : i32
        %get3A_627 = arith.index_cast %add3A_626 : i32 to index
        %get3A_628 = arith.constant 0 : index
        %get3A_629 = tpu.vector_load %arg14[%get3A_627, %get3A_628] {strides = array<i32>} : memref<512x16xf32, #tpu.memory_space<vmem>>, vector<16xf32>,
        %slice3A_630 = vector.extract_strided_slice %bitcast3A {offsets = [12], sizes = [1], strides = [1]} : vector<16xf32> to vector<1xf32>
        %squeeze3A_631 = vector.extract %slice3A_630[0] : f32 from vector<1xf32>
        %mul3A_632 = vector.broadcast %squeeze3A_631 : f32 to vector<16xf32>
        %mul3A_633 = arith.mulf %get3A_629, %mul3A_632 : vector<16xf32>
        %swap3A_634 = arith.index_cast %add3A_626 : i32 to index
        %swap3A_635 = arith.constant 0 : index
        %swap3A_636 = tpu.vector_load %arg14[%swap3A_634, %swap3A_635] {strides = array<i32>} : memref<512x16xf32, #tpu.memory_space<vmem>>, vector<16xf32>,
        tpu.vector_store %arg14[%swap3A_634, %swap3A_635], %mul3A_633 {strides = array<i32>} : memref<512x16xf32, #tpu.memory_space<vmem>>, vector<16xf32>,
        %mul3A_637 = arith.constant 16 : i32
        %mul3A_638 = arith.muli %scan3A_432, %mul3A_637 : i32
        %add3A_639 = arith.constant 13 : i32
        %add3A_640 = arith.addi %mul3A_638, %add3A_639 : i32
        %get3A_641 = arith.index_cast %add3A_640 : i32 to index
        %get3A_642 = arith.constant 0 : index
        %get3A_643 = tpu.vector_load %arg14[%get3A_641, %get3A_642] {strides = array<i32>} : memref<512x16xf32, #tpu.memory_space<vmem>>, vector<16xf32>,
        %slice3A_644 = vector.extract_strided_slice %bitcast3A {offsets = [13], sizes = [1], strides = [1]} : vector<16xf32> to vector<1xf32>
        %squeeze3A_645 = vector.extract %slice3A_644[0] : f32 from vector<1xf32>
        %mul3A_646 = vector.broadcast %squeeze3A_645 : f32 to vector<16xf32>
        %mul3A_647 = arith.mulf %get3A_643, %mul3A_646 : vector<16xf32>
        %swap3A_648 = arith.index_cast %add3A_640 : i32 to index
        %swap3A_649 = arith.constant 0 : index
        %swap3A_650 = tpu.vector_load %arg14[%swap3A_648, %swap3A_649] {strides = array<i32>} : memref<512x16xf32, #tpu.memory_space<vmem>>, vector<16xf32>,
        tpu.vector_store %arg14[%swap3A_648, %swap3A_649], %mul3A_647 {strides = array<i32>} : memref<512x16xf32, #tpu.memory_space<vmem>>, vector<16xf32>,
        %mul3A_651 = arith.constant 16 : i32
        %mul3A_652 = arith.muli %scan3A_432, %mul3A_651 : i32
        %add3A_653 = arith.constant 14 : i32
        %add3A_654 = arith.addi %mul3A_652, %add3A_653 : i32
        %get3A_655 = arith.index_cast %add3A_654 : i32 to index
        %get3A_656 = arith.constant 0 : index
        %get3A_657 = tpu.vector_load %arg14[%get3A_655, %get3A_656] {strides = array<i32>} : memref<512x16xf32, #tpu.memory_space<vmem>>, vector<16xf32>,
        %slice3A_658 = vector.extract_strided_slice %bitcast3A {offsets = [14], sizes = [1], strides = [1]} : vector<16xf32> to vector<1xf32>
        %squeeze3A_659 = vector.extract %slice3A_658[0] : f32 from vector<1xf32>
        %mul3A_660 = vector.broadcast %squeeze3A_659 : f32 to vector<16xf32>
        %mul3A_661 = arith.mulf %get3A_657, %mul3A_660 : vector<16xf32>
        %swap3A_662 = arith.index_cast %add3A_654 : i32 to index
        %swap3A_663 = arith.constant 0 : index
        %swap3A_664 = tpu.vector_load %arg14[%swap3A_662, %swap3A_663] {strides = array<i32>} : memref<512x16xf32, #tpu.memory_space<vmem>>, vector<16xf32>,
        tpu.vector_store %arg14[%swap3A_662, %swap3A_663], %mul3A_661 {strides = array<i32>} : memref<512x16xf32, #tpu.memory_space<vmem>>, vector<16xf32>,
        %mul3A_665 = arith.constant 16 : i32
        %mul3A_666 = arith.muli %scan3A_432, %mul3A_665 : i32
        %add3A_667 = arith.constant 15 : i32
        %add3A_668 = arith.addi %mul3A_666, %add3A_667 : i32
        %get3A_669 = arith.index_cast %add3A_668 : i32 to index
        %get3A_670 = arith.constant 0 : index
        %get3A_671 = tpu.vector_load %arg14[%get3A_669, %get3A_670] {strides = array<i32>} : memref<512x16xf32, #tpu.memory_space<vmem>>, vector<16xf32>,
        %slice3A_672 = vector.extract_strided_slice %bitcast3A {offsets = [15], sizes = [1], strides = [1]} : vector<16xf32> to vector<1xf32>
        %squeeze3A_673 = vector.extract %slice3A_672[0] : f32 from vector<1xf32>
        %mul3A_674 = vector.broadcast %squeeze3A_673 : f32 to vector<16xf32>
        %mul3A_675 = arith.mulf %get3A_671, %mul3A_674 : vector<16xf32>
        %swap3A_676 = arith.index_cast %add3A_668 : i32 to index
        %swap3A_677 = arith.constant 0 : index
        %swap3A_678 = tpu.vector_load %arg14[%swap3A_676, %swap3A_677] {strides = array<i32>} : memref<512x16xf32, #tpu.memory_space<vmem>>, vector<16xf32>,
        tpu.vector_store %arg14[%swap3A_676, %swap3A_677], %mul3A_675 {strides = array<i32>} : memref<512x16xf32, #tpu.memory_space<vmem>>, vector<16xf32>,
      }
      %scan3A_391 = arith.constant 32 : i32
      %dma_start3A_392 = arith.constant 4 : i32
      %dma_start3A_393 = arith.constant 0 : i32
      %dma_start3A_394 = arith.constant 0 : i32
      %dma_start3A_395 = tpu.memref_slice %arg14[%dma_start3A_393, %dma_start3A_394] : memref<512x16xf32, #tpu.memory_space<vmem>> -> memref<128x16xf32, #tpu.memory_space<vmem>>
      %dma_start3A_396 = arith.constant 0 : i32
      %dma_start3A_397 = tpu.memref_slice %arg10[%dma_start3A_392, %dma_start3A_396] : memref<12x128xi32, #tpu.memory_space<vmem>> -> memref<1x128xi32, #tpu.memory_space<vmem>>
      %dma_start3A_398 = tpu.memref_squeeze %dma_start3A_397 : memref<1x128xi32, #tpu.memory_space<vmem>> -> memref<128xi32, #tpu.memory_space<vmem>>
      %dma_start3A_399 = arith.constant 0 : i32
      %dma_start3A_400 = arith.constant 0 : i32
      %dma_start3A_401 = tpu.memref_slice %arg6[%dma_start3A_399, %dma_start3A_400] : memref<50000x16xf32, #tpu.memory_space<vmem_shared>> -> memref<50000x16xf32, #tpu.memory_space<vmem_shared>>
      tpu.enqueue_indirect_dma source(%dma_start3A_395 : memref<128x16xf32, #tpu.memory_space<vmem>>) target(%dma_start3A_401 : memref<50000x16xf32, #tpu.memory_space<vmem_shared>>) offsets(%dma_start3A_398 : memref<128xi32, #tpu.memory_space<vmem>>) semaphore(%arg26 : memref<!tpu.dma_semaphore, #tpu.memory_space<semaphore_mem>>) {add = true}
      %dma_start3A_402 = arith.constant 5 : i32
      %dma_start3A_403 = arith.constant 128 : i32
      %dma_start3A_404 = arith.constant 0 : i32
      %dma_start3A_405 = tpu.memref_slice %arg14[%dma_start3A_403, %dma_start3A_404] : memref<512x16xf32, #tpu.memory_space<vmem>> -> memref<128x16xf32, #tpu.memory_space<vmem>>
      %dma_start3A_406 = arith.constant 0 : i32
      %dma_start3A_407 = tpu.memref_slice %arg10[%dma_start3A_402, %dma_start3A_406] : memref<12x128xi32, #tpu.memory_space<vmem>> -> memref<1x128xi32, #tpu.memory_space<vmem>>
      %dma_start3A_408 = tpu.memref_squeeze %dma_start3A_407 : memref<1x128xi32, #tpu.memory_space<vmem>> -> memref<128xi32, #tpu.memory_space<vmem>>
      %dma_start3A_409 = arith.constant 0 : i32
      %dma_start3A_410 = arith.constant 0 : i32
      %dma_start3A_411 = tpu.memref_slice %arg6[%dma_start3A_409, %dma_start3A_410] : memref<50000x16xf32, #tpu.memory_space<vmem_shared>> -> memref<50000x16xf32, #tpu.memory_space<vmem_shared>>
      tpu.enqueue_indirect_dma source(%dma_start3A_405 : memref<128x16xf32, #tpu.memory_space<vmem>>) target(%dma_start3A_411 : memref<50000x16xf32, #tpu.memory_space<vmem_shared>>) offsets(%dma_start3A_408 : memref<128xi32, #tpu.memory_space<vmem>>) semaphore(%arg26 : memref<!tpu.dma_semaphore, #tpu.memory_space<semaphore_mem>>) {add = true}
      %dma_start3A_412 = arith.constant 6 : i32
      %dma_start3A_413 = arith.constant 256 : i32
      %dma_start3A_414 = arith.constant 0 : i32
      %dma_start3A_415 = tpu.memref_slice %arg14[%dma_start3A_413, %dma_start3A_414] : memref<512x16xf32, #tpu.memory_space<vmem>> -> memref<128x16xf32, #tpu.memory_space<vmem>>
      %dma_start3A_416 = arith.constant 0 : i32
      %dma_start3A_417 = tpu.memref_slice %arg10[%dma_start3A_412, %dma_start3A_416] : memref<12x128xi32, #tpu.memory_space<vmem>> -> memref<1x128xi32, #tpu.memory_space<vmem>>
      %dma_start3A_418 = tpu.memref_squeeze %dma_start3A_417 : memref<1x128xi32, #tpu.memory_space<vmem>> -> memref<128xi32, #tpu.memory_space<vmem>>
      %dma_start3A_419 = arith.constant 0 : i32
      %dma_start3A_420 = arith.constant 0 : i32
      %dma_start3A_421 = tpu.memref_slice %arg6[%dma_start3A_419, %dma_start3A_420] : memref<50000x16xf32, #tpu.memory_space<vmem_shared>> -> memref<50000x16xf32, #tpu.memory_space<vmem_shared>>
      tpu.enqueue_indirect_dma source(%dma_start3A_415 : memref<128x16xf32, #tpu.memory_space<vmem>>) target(%dma_start3A_421 : memref<50000x16xf32, #tpu.memory_space<vmem_shared>>) offsets(%dma_start3A_418 : memref<128xi32, #tpu.memory_space<vmem>>) semaphore(%arg26 : memref<!tpu.dma_semaphore, #tpu.memory_space<semaphore_mem>>) {add = true}
      %dma_start3A_422 = arith.constant 7 : i32
      %dma_start3A_423 = arith.constant 384 : i32
      %dma_start3A_424 = arith.constant 0 : i32
      %dma_start3A_425 = tpu.memref_slice %arg14[%dma_start3A_423, %dma_start3A_424] : memref<512x16xf32, #tpu.memory_space<vmem>> -> memref<128x16xf32, #tpu.memory_space<vmem>>
      %dma_start3A_426 = arith.constant 0 : i32
      %dma_start3A_427 = tpu.memref_slice %arg10[%dma_start3A_422, %dma_start3A_426] : memref<12x128xi32, #tpu.memory_space<vmem>> -> memref<1x128xi32, #tpu.memory_space<vmem>>
      %dma_start3A_428 = tpu.memref_squeeze %dma_start3A_427 : memref<1x128xi32, #tpu.memory_space<vmem>> -> memref<128xi32, #tpu.memory_space<vmem>>
      %dma_start3A_429 = arith.constant 0 : i32
      %dma_start3A_430 = arith.constant 0 : i32
      %dma_start3A_431 = tpu.memref_slice %arg6[%dma_start3A_429, %dma_start3A_430] : memref<50000x16xf32, #tpu.memory_space<vmem_shared>> -> memref<50000x16xf32, #tpu.memory_space<vmem_shared>>
      tpu.enqueue_indirect_dma source(%dma_start3A_425 : memref<128x16xf32, #tpu.memory_space<vmem>>) target(%dma_start3A_431 : memref<50000x16xf32, #tpu.memory_space<vmem_shared>>) offsets(%dma_start3A_428 : memref<128xi32, #tpu.memory_space<vmem>>) semaphore(%arg26 : memref<!tpu.dma_semaphore, #tpu.memory_space<semaphore_mem>>) {add = true}
    }
    %scan3A_115 = arith.constant 25 : i32
    %dma_wait3A_116 = arith.constant 0 : i32
    %dma_wait3A_117 = arith.constant 0 : i32
    %dma_wait3A_118 = tpu.memref_slice %arg6[%dma_wait3A_116, %dma_wait3A_117] : memref<50000x16xf32, #tpu.memory_space<vmem_shared>> -> memref<512x16xf32, #tpu.memory_space<vmem_shared>>
    %dma_wait3A_119 = arith.constant 0 : i32
    %dma_wait3A_120 = arith.constant 0 : i32
    %dma_wait3A_121 = tpu.memref_slice %arg6[%dma_wait3A_119, %dma_wait3A_120] : memref<50000x16xf32, #tpu.memory_space<vmem_shared>> -> memref<512x16xf32, #tpu.memory_space<vmem_shared>>
    tpu.wait_dma2 semaphore(%arg26 : memref<!tpu.dma_semaphore, #tpu.memory_space<semaphore_mem>>) src(%arg14 : memref<512x16xf32, #tpu.memory_space<vmem>>) dst(%dma_wait3A_121 : memref<512x16xf32, #tpu.memory_space<vmem_shared>>)
    %barrier3A_122 = arith.constant 0 : index
    tpu.barrier barrier_id(%barrier3A_122)
    %eq3A_123 = arith.constant 0 : i32
    %eq3A_124 = arith.cmpi eq, %arg1, %eq3A_123 : i32
    %convert_element_type3A_125 = arith.extui %eq3A_124 : i1 to i32
    %cond3A_126 = arith.constant 0 : i32
    %cond3A_127 = arith.cmpi ne, %convert_element_type3A_125, %cond3A_126 : i32
    scf.if %cond3A_127 {
      %mul3A_133 = arith.constant 50000 : i32
      %mul3A_134 = arith.muli %arg0, %mul3A_133 : i32
      "tpu.region"() ({
        %run_scoped3A = tpu.sem_alloc : memref<!tpu.dma_semaphore, #tpu.memory_space<semaphore_mem>>
        %dma_start3A_135 = arith.constant 0 : i32
        %dma_start3A_136 = tpu.memref_slice %arg5[%mul3A_134, %dma_start3A_135] : memref<100000x16xf32, #tpu.memory_space<hbm>> -> memref<25000x16xf32, #tpu.memory_space<hbm>>
        %dma_start3A_137 = arith.constant 0 : i32
        %dma_start3A_138 = arith.constant 0 : i32
        %dma_start3A_139 = tpu.memref_slice %arg6[%dma_start3A_137, %dma_start3A_138] : memref<50000x16xf32, #tpu.memory_space<vmem_shared>> -> memref<25000x16xf32, #tpu.memory_space<vmem_shared>>
        tpu.enqueue_dma source(%dma_start3A_139 : memref<25000x16xf32, #tpu.memory_space<vmem_shared>>) target(%dma_start3A_136 : memref<25000x16xf32, #tpu.memory_space<hbm>>) target_semaphore(%run_scoped3A : memref<!tpu.dma_semaphore, #tpu.memory_space<semaphore_mem>>)
        %dma_wait3A_140 = arith.constant 0 : i32
        %dma_wait3A_141 = tpu.memref_slice %arg5[%mul3A_134, %dma_wait3A_140] : memref<100000x16xf32, #tpu.memory_space<hbm>> -> memref<25000x16xf32, #tpu.memory_space<hbm>>
        %dma_wait3A_142 = arith.constant 0 : i32
        %dma_wait3A_143 = arith.constant 0 : i32
        %dma_wait3A_144 = tpu.memref_slice %arg6[%dma_wait3A_142, %dma_wait3A_143] : memref<50000x16xf32, #tpu.memory_space<vmem_shared>> -> memref<25000x16xf32, #tpu.memory_space<vmem_shared>>
        tpu.wait_dma2 semaphore(%run_scoped3A : memref<!tpu.dma_semaphore, #tpu.memory_space<semaphore_mem>>) src(%dma_wait3A_144 : memref<25000x16xf32, #tpu.memory_space<vmem_shared>>) dst(%dma_wait3A_141 : memref<25000x16xf32, #tpu.memory_space<hbm>>)
        tpu.yield
      }) : () -> ()
    } else {
    }
    %eq3A_128 = arith.constant 8 : i32
    %eq3A_129 = arith.cmpi eq, %arg1, %eq3A_128 : i32
    %convert_element_type3A_130 = arith.extui %eq3A_129 : i1 to i32
    %cond3A_131 = arith.constant 0 : i32
    %cond3A_132 = arith.cmpi ne, %convert_element_type3A_130, %cond3A_131 : i32
    scf.if %cond3A_132 {
      %mul3A_133 = arith.constant 50000 : i32
      %mul3A_134 = arith.muli %arg0, %mul3A_133 : i32
      %add3A_135 = arith.constant 25000 : i32
      %add3A_136 = arith.addi %mul3A_134, %add3A_135 : i32
      "tpu.region"() ({
        %run_scoped3A = tpu.sem_alloc : memref<!tpu.dma_semaphore, #tpu.memory_space<semaphore_mem>>
        %dma_start3A_137 = arith.constant 0 : i32
        %dma_start3A_138 = tpu.memref_slice %arg5[%add3A_136, %dma_start3A_137] : memref<100000x16xf32, #tpu.memory_space<hbm>> -> memref<25000x16xf32, #tpu.memory_space<hbm>>
        %dma_start3A_139 = arith.constant 25000 : i32
        %dma_start3A_140 = arith.constant 0 : i32
        %dma_start3A_141 = tpu.memref_slice %arg6[%dma_start3A_139, %dma_start3A_140] : memref<50000x16xf32, #tpu.memory_space<vmem_shared>> -> memref<25000x16xf32, #tpu.memory_space<vmem_shared>>
        tpu.enqueue_dma source(%dma_start3A_141 : memref<25000x16xf32, #tpu.memory_space<vmem_shared>>) target(%dma_start3A_138 : memref<25000x16xf32, #tpu.memory_space<hbm>>) target_semaphore(%run_scoped3A : memref<!tpu.dma_semaphore, #tpu.memory_space<semaphore_mem>>)
        %dma_wait3A_142 = arith.constant 0 : i32
        %dma_wait3A_143 = tpu.memref_slice %arg5[%add3A_136, %dma_wait3A_142] : memref<100000x16xf32, #tpu.memory_space<hbm>> -> memref<25000x16xf32, #tpu.memory_space<hbm>>
        %dma_wait3A_144 = arith.constant 25000 : i32
        %dma_wait3A_145 = arith.constant 0 : i32
        %dma_wait3A_146 = tpu.memref_slice %arg6[%dma_wait3A_144, %dma_wait3A_145] : memref<50000x16xf32, #tpu.memory_space<vmem_shared>> -> memref<25000x16xf32, #tpu.memory_space<vmem_shared>>
        tpu.wait_dma2 semaphore(%run_scoped3A : memref<!tpu.dma_semaphore, #tpu.memory_space<semaphore_mem>>) src(%dma_wait3A_146 : memref<25000x16xf32, #tpu.memory_space<vmem_shared>>) dst(%dma_wait3A_143 : memref<25000x16xf32, #tpu.memory_space<hbm>>)
        tpu.yield
      }) : () -> ()
    } else {
    }
    return
  }
}

#map = affine_map<(d0, d1) -> (0, 0)>
module attributes {stable_mosaic.version = 14 : i64} {
  func.func @_edge_body(%arg0: i32, %arg1: i32, %arg2: memref<150000x16xf32, #tpu.memory_space<hbm>>, %arg3: memref<38400x128xi32, #tpu.memory_space<hbm>>, %arg4: memref<50000x16xf32, #tpu.memory_space<hbm>>, %arg5: memref<100000x16xf32, #tpu.memory_space<hbm>>, %arg6: memref<50000x16xf32, #tpu.memory_space<vmem_shared>>, %arg7: memref<12x128xi32, #tpu.memory_space<vmem>>, %arg8: memref<12x128xi32, #tpu.memory_space<vmem>>, %arg9: memref<12x128xi32, #tpu.memory_space<vmem>>, %arg10: memref<12x128xi32, #tpu.memory_space<vmem>>, %arg11: memref<512x16xf32, #tpu.memory_space<vmem>>, %arg12: memref<512x16xf32, #tpu.memory_space<vmem>>, %arg13: memref<512x16xf32, #tpu.memory_space<vmem>>, %arg14: memref<512x16xf32, #tpu.memory_space<vmem>>, %arg15: memref<!tpu.dma_semaphore, #tpu.memory_space<semaphore_mem>>, %arg16: memref<!tpu.dma_semaphore, #tpu.memory_space<semaphore_mem>>, %arg17: memref<!tpu.dma_semaphore, #tpu.memory_space<semaphore_mem>>, %arg18: memref<!tpu.dma_semaphore, #tpu.memory_space<semaphore_mem>>, %arg19: memref<!tpu.dma_semaphore, #tpu.memory_space<semaphore_mem>>, %arg20: memref<!tpu.dma_semaphore, #tpu.memory_space<semaphore_mem>>, %arg21: memref<!tpu.dma_semaphore, #tpu.memory_space<semaphore_mem>>, %arg22: memref<!tpu.dma_semaphore, #tpu.memory_space<semaphore_mem>>, %arg23: memref<!tpu.dma_semaphore, #tpu.memory_space<semaphore_mem>>, %arg24: memref<!tpu.dma_semaphore, #tpu.memory_space<semaphore_mem>>, %arg25: memref<!tpu.dma_semaphore, #tpu.memory_space<semaphore_mem>>, %arg26: memref<!tpu.dma_semaphore, #tpu.memory_space<semaphore_mem>>) attributes {dimension_semantics = [#tpu.dimension_semantics<core_parallel>, #tpu.dimension_semantics<subcore_parallel>], iteration_bounds = array<i64: 2, 16>, scalar_prefetch = 0 : i64, scratch_operands = 21 : i64, tpu.core_type = #tpu.core_type<sc_vector_subcore>, window_params = [{transform_indices = #map}, {transform_indices = #map}, {transform_indices = #map}, {transform_indices = #map}]} {
    %mul3A = arith.constant 16 : i32
    %mul3A_0 = arith.muli %arg0, %mul3A : i32
    %add3A = arith.addi %mul3A_0, %arg1 : i32
    %mul3A_1 = arith.constant 100 : i32
    %mul3A_2 = arith.muli %add3A, %mul3A_1 : i32
    %eq3A = arith.constant 0 : i32
    %eq3A_3 = arith.cmpi eq, %arg1, %eq3A : i32
    %convert_element_type3A = arith.extui %eq3A_3 : i1 to i32
    %cond3A = arith.constant 0 : i32
    %cond3A_4 = arith.cmpi ne, %convert_element_type3A, %cond3A : i32
    scf.if %cond3A_4 {
      "tpu.region"() ({
        %run_scoped3A = tpu.sem_alloc : memref<!tpu.dma_semaphore, #tpu.memory_space<semaphore_mem>>
        tpu.enqueue_dma source(%arg4 : memref<50000x16xf32, #tpu.memory_space<hbm>>) target(%arg6 : memref<50000x16xf32, #tpu.memory_space<vmem_shared>>) target_semaphore(%run_scoped3A : memref<!tpu.dma_semaphore, #tpu.memory_space<semaphore_mem>>)
        tpu.wait_dma2 semaphore(%run_scoped3A : memref<!tpu.dma_semaphore, #tpu.memory_space<semaphore_mem>>) src(%arg4 : memref<50000x16xf32, #tpu.memory_space<hbm>>) dst(%arg6 : memref<50000x16xf32, #tpu.memory_space<vmem_shared>>)
        tpu.yield
      }) : () -> ()
    } else {
    }
    %barrier3A = arith.constant 0 : index
    tpu.barrier barrier_id(%barrier3A)
    %add3A_5 = arith.constant 0 : i32
    %add3A_6 = arith.addi %mul3A_2, %add3A_5 : i32
    %mul3A_7 = arith.constant 12 : i32
    %mul3A_8 = arith.muli %mul3A_7, %add3A_6 : i32
    "tpu.region"() ({
      %run_scoped3A = tpu.sem_alloc : memref<!tpu.dma_semaphore, #tpu.memory_space<semaphore_mem>>
      %dma_start3A_133 = arith.constant 0 : i32
      %dma_start3A_134 = tpu.memref_slice %arg3[%mul3A_8, %dma_start3A_133] : memref<38400x128xi32, #tpu.memory_space<hbm>> -> memref<12x128xi32, #tpu.memory_space<hbm>>
      %dma_start3A_135 = arith.constant 0 : i32
      %dma_start3A_136 = tpu.memref_slice %arg3[%mul3A_8, %dma_start3A_135] : memref<38400x128xi32, #tpu.memory_space<hbm>> -> memref<12x128xi32, #tpu.memory_space<hbm>>
      tpu.enqueue_dma source(%dma_start3A_136 : memref<12x128xi32, #tpu.memory_space<hbm>>) target(%arg7 : memref<12x128xi32, #tpu.memory_space<vmem>>) target_semaphore(%run_scoped3A : memref<!tpu.dma_semaphore, #tpu.memory_space<semaphore_mem>>)
      %dma_wait3A_137 = arith.constant 0 : i32
      %dma_wait3A_138 = tpu.memref_slice %arg3[%mul3A_8, %dma_wait3A_137] : memref<38400x128xi32, #tpu.memory_space<hbm>> -> memref<12x128xi32, #tpu.memory_space<hbm>>
      %dma_wait3A_139 = arith.constant 0 : i32
      %dma_wait3A_140 = tpu.memref_slice %arg3[%mul3A_8, %dma_wait3A_139] : memref<38400x128xi32, #tpu.memory_space<hbm>> -> memref<12x128xi32, #tpu.memory_space<hbm>>
      tpu.wait_dma2 semaphore(%run_scoped3A : memref<!tpu.dma_semaphore, #tpu.memory_space<semaphore_mem>>) src(%dma_wait3A_140 : memref<12x128xi32, #tpu.memory_space<hbm>>) dst(%arg7 : memref<12x128xi32, #tpu.memory_space<vmem>>)
      tpu.yield
    }) : () -> ()
    %dma_start3A = arith.constant 0 : i32
    %dma_start3A_9 = arith.constant 0 : i32
    %dma_start3A_10 = arith.constant 0 : i32
    %dma_start3A_11 = tpu.memref_slice %arg11[%dma_start3A_9, %dma_start3A_10] : memref<512x16xf32, #tpu.memory_space<vmem>> -> memref<128x16xf32, #tpu.memory_space<vmem>>
    %dma_start3A_12 = arith.constant 0 : i32
    %dma_start3A_13 = tpu.memref_slice %arg7[%dma_start3A, %dma_start3A_12] : memref<12x128xi32, #tpu.memory_space<vmem>> -> memref<1x128xi32, #tpu.memory_space<vmem>>
    %dma_start3A_14 = tpu.memref_squeeze %dma_start3A_13 : memref<1x128xi32, #tpu.memory_space<vmem>> -> memref<128xi32, #tpu.memory_space<vmem>>
    %dma_start3A_15 = arith.constant 0 : i32
    %dma_start3A_16 = arith.constant 0 : i32
    %dma_start3A_17 = tpu.memref_slice %arg2[%dma_start3A_15, %dma_start3A_16] : memref<150000x16xf32, #tpu.memory_space<hbm>> -> memref<150000x16xf32, #tpu.memory_space<hbm>>
    tpu.enqueue_indirect_dma source(%dma_start3A_17 : memref<150000x16xf32, #tpu.memory_space<hbm>>) target(%dma_start3A_11 : memref<128x16xf32, #tpu.memory_space<vmem>>) offsets(%dma_start3A_14 : memref<128xi32, #tpu.memory_space<vmem>>) semaphore(%arg15 : memref<!tpu.dma_semaphore, #tpu.memory_space<semaphore_mem>>)
    %dma_start3A_18 = arith.constant 1 : i32
    %dma_start3A_19 = arith.constant 128 : i32
    %dma_start3A_20 = arith.constant 0 : i32
    %dma_start3A_21 = tpu.memref_slice %arg11[%dma_start3A_19, %dma_start3A_20] : memref<512x16xf32, #tpu.memory_space<vmem>> -> memref<128x16xf32, #tpu.memory_space<vmem>>
    %dma_start3A_22 = arith.constant 0 : i32
    %dma_start3A_23 = tpu.memref_slice %arg7[%dma_start3A_18, %dma_start3A_22] : memref<12x128xi32, #tpu.memory_space<vmem>> -> memref<1x128xi32, #tpu.memory_space<vmem>>
    %dma_start3A_24 = tpu.memref_squeeze %dma_start3A_23 : memref<1x128xi32, #tpu.memory_space<vmem>> -> memref<128xi32, #tpu.memory_space<vmem>>
    %dma_start3A_25 = arith.constant 0 : i32
    %dma_start3A_26 = arith.constant 0 : i32
    %dma_start3A_27 = tpu.memref_slice %arg2[%dma_start3A_25, %dma_start3A_26] : memref<150000x16xf32, #tpu.memory_space<hbm>> -> memref<150000x16xf32, #tpu.memory_space<hbm>>
    tpu.enqueue_indirect_dma source(%dma_start3A_27 : memref<150000x16xf32, #tpu.memory_space<hbm>>) target(%dma_start3A_21 : memref<128x16xf32, #tpu.memory_space<vmem>>) offsets(%dma_start3A_24 : memref<128xi32, #tpu.memory_space<vmem>>) semaphore(%arg15 : memref<!tpu.dma_semaphore, #tpu.memory_space<semaphore_mem>>)
    %dma_start3A_28 = arith.constant 2 : i32
    %dma_start3A_29 = arith.constant 256 : i32
    %dma_start3A_30 = arith.constant 0 : i32
    %dma_start3A_31 = tpu.memref_slice %arg11[%dma_start3A_29, %dma_start3A_30] : memref<512x16xf32, #tpu.memory_space<vmem>> -> memref<128x16xf32, #tpu.memory_space<vmem>>
    %dma_start3A_32 = arith.constant 0 : i32
    %dma_start3A_33 = tpu.memref_slice %arg7[%dma_start3A_28, %dma_start3A_32] : memref<12x128xi32, #tpu.memory_space<vmem>> -> memref<1x128xi32, #tpu.memory_space<vmem>>
    %dma_start3A_34 = tpu.memref_squeeze %dma_start3A_33 : memref<1x128xi32, #tpu.memory_space<vmem>> -> memref<128xi32, #tpu.memory_space<vmem>>
    %dma_start3A_35 = arith.constant 0 : i32
    %dma_start3A_36 = arith.constant 0 : i32
    %dma_start3A_37 = tpu.memref_slice %arg2[%dma_start3A_35, %dma_start3A_36] : memref<150000x16xf32, #tpu.memory_space<hbm>> -> memref<150000x16xf32, #tpu.memory_space<hbm>>
    tpu.enqueue_indirect_dma source(%dma_start3A_37 : memref<150000x16xf32, #tpu.memory_space<hbm>>) target(%dma_start3A_31 : memref<128x16xf32, #tpu.memory_space<vmem>>) offsets(%dma_start3A_34 : memref<128xi32, #tpu.memory_space<vmem>>) semaphore(%arg15 : memref<!tpu.dma_semaphore, #tpu.memory_space<semaphore_mem>>)
    %dma_start3A_38 = arith.constant 3 : i32
    %dma_start3A_39 = arith.constant 384 : i32
    %dma_start3A_40 = arith.constant 0 : i32
    %dma_start3A_41 = tpu.memref_slice %arg11[%dma_start3A_39, %dma_start3A_40] : memref<512x16xf32, #tpu.memory_space<vmem>> -> memref<128x16xf32, #tpu.memory_space<vmem>>
    %dma_start3A_42 = arith.constant 0 : i32
    %dma_start3A_43 = tpu.memref_slice %arg7[%dma_start3A_38, %dma_start3A_42] : memref<12x128xi32, #tpu.memory_space<vmem>> -> memref<1x128xi32, #tpu.memory_space<vmem>>
    %dma_start3A_44 = tpu.memref_squeeze %dma_start3A_43 : memref<1x128xi32, #tpu.memory_space<vmem>> -> memref<128xi32, #tpu.memory_space<vmem>>
    %dma_start3A_45 = arith.constant 0 : i32
    %dma_start3A_46 = arith.constant 0 : i32
    %dma_start3A_47 = tpu.memref_slice %arg2[%dma_start3A_45, %dma_start3A_46] : memref<150000x16xf32, #tpu.memory_space<hbm>> -> memref<150000x16xf32, #tpu.memory_space<hbm>>
    tpu.enqueue_indirect_dma source(%dma_start3A_47 : memref<150000x16xf32, #tpu.memory_space<hbm>>) target(%dma_start3A_41 : memref<128x16xf32, #tpu.memory_space<vmem>>) offsets(%dma_start3A_44 : memref<128xi32, #tpu.memory_space<vmem>>) semaphore(%arg15 : memref<!tpu.dma_semaphore, #tpu.memory_space<semaphore_mem>>)
    %add3A_48 = arith.constant 1 : i32
    %add3A_49 = arith.addi %mul3A_2, %add3A_48 : i32
    %mul3A_50 = arith.constant 12 : i32
    %mul3A_51 = arith.muli %mul3A_50, %add3A_49 : i32
    %dma_start3A_52 = arith.constant 0 : i32
    %dma_start3A_53 = tpu.memref_slice %arg3[%mul3A_51, %dma_start3A_52] : memref<38400x128xi32, #tpu.memory_space<hbm>> -> memref<12x128xi32, #tpu.memory_space<hbm>>
    %dma_start3A_54 = arith.constant 0 : i32
    %dma_start3A_55 = tpu.memref_slice %arg3[%mul3A_51, %dma_start3A_54] : memref<38400x128xi32, #tpu.memory_space<hbm>> -> memref<12x128xi32, #tpu.memory_space<hbm>>
    tpu.enqueue_dma source(%dma_start3A_55 : memref<12x128xi32, #tpu.memory_space<hbm>>) target(%arg8 : memref<12x128xi32, #tpu.memory_space<vmem>>) target_semaphore(%arg20 : memref<!tpu.dma_semaphore, #tpu.memory_space<semaphore_mem>>)
    %add3A_56 = arith.constant 2 : i32
    %add3A_57 = arith.addi %mul3A_2, %add3A_56 : i32
    %mul3A_58 = arith.constant 12 : i32
    %mul3A_59 = arith.muli %mul3A_58, %add3A_57 : i32
    %dma_start3A_60 = arith.constant 0 : i32
    %dma_start3A_61 = tpu.memref_slice %arg3[%mul3A_59, %dma_start3A_60] : memref<38400x128xi32, #tpu.memory_space<hbm>> -> memref<12x128xi32, #tpu.memory_space<hbm>>
    %dma_start3A_62 = arith.constant 0 : i32
    %dma_start3A_63 = tpu.memref_slice %arg3[%mul3A_59, %dma_start3A_62] : memref<38400x128xi32, #tpu.memory_space<hbm>> -> memref<12x128xi32, #tpu.memory_space<hbm>>
    tpu.enqueue_dma source(%dma_start3A_63 : memref<12x128xi32, #tpu.memory_space<hbm>>) target(%arg9 : memref<12x128xi32, #tpu.memory_space<vmem>>) target_semaphore(%arg21 : memref<!tpu.dma_semaphore, #tpu.memory_space<semaphore_mem>>)
    %add3A_64 = arith.constant 0 : i32
    %add3A_65 = arith.addi %mul3A_2, %add3A_64 : i32
    %mul3A_66 = arith.constant 12 : i32
    %mul3A_67 = arith.muli %mul3A_66, %add3A_65 : i32
    %dma_wait3A = arith.constant 0 : i32
    %dma_wait3A_68 = tpu.memref_slice %arg3[%mul3A_67, %dma_wait3A] : memref<38400x128xi32, #tpu.memory_space<hbm>> -> memref<12x128xi32, #tpu.memory_space<hbm>>
    %dma_wait3A_69 = arith.constant 0 : i32
    %dma_wait3A_70 = tpu.memref_slice %arg3[%mul3A_67, %dma_wait3A_69] : memref<38400x128xi32, #tpu.memory_space<hbm>> -> memref<12x128xi32, #tpu.memory_space<hbm>>
    tpu.wait_dma2 semaphore(%arg20 : memref<!tpu.dma_semaphore, #tpu.memory_space<semaphore_mem>>) src(%dma_wait3A_70 : memref<12x128xi32, #tpu.memory_space<hbm>>) dst(%arg8 : memref<12x128xi32, #tpu.memory_space<vmem>>)
    %dma_start3A_71 = arith.constant 0 : i32
    %dma_start3A_72 = arith.constant 0 : i32
    %dma_start3A_73 = arith.constant 0 : i32
    %dma_start3A_74 = tpu.memref_slice %arg12[%dma_start3A_72, %dma_start3A_73] : memref<512x16xf32, #tpu.memory_space<vmem>> -> memref<128x16xf32, #tpu.memory_space<vmem>>
    %dma_start3A_75 = arith.constant 0 : i32
    %dma_start3A_76 = tpu.memref_slice %arg8[%dma_start3A_71, %dma_start3A_75] : memref<12x128xi32, #tpu.memory_space<vmem>> -> memref<1x128xi32, #tpu.memory_space<vmem>>
    %dma_start3A_77 = tpu.memref_squeeze %dma_start3A_76 : memref<1x128xi32, #tpu.memory_space<vmem>> -> memref<128xi32, #tpu.memory_space<vmem>>
    %dma_start3A_78 = arith.constant 0 : i32
    %dma_start3A_79 = arith.constant 0 : i32
    %dma_start3A_80 = tpu.memref_slice %arg2[%dma_start3A_78, %dma_start3A_79] : memref<150000x16xf32, #tpu.memory_space<hbm>> -> memref<150000x16xf32, #tpu.memory_space<hbm>>
    tpu.enqueue_indirect_dma source(%dma_start3A_80 : memref<150000x16xf32, #tpu.memory_space<hbm>>) target(%dma_start3A_74 : memref<128x16xf32, #tpu.memory_space<vmem>>) offsets(%dma_start3A_77 : memref<128xi32, #tpu.memory_space<vmem>>) semaphore(%arg16 : memref<!tpu.dma_semaphore, #tpu.memory_space<semaphore_mem>>)
    %dma_start3A_81 = arith.constant 1 : i32
    %dma_start3A_82 = arith.constant 128 : i32
    %dma_start3A_83 = arith.constant 0 : i32
    %dma_start3A_84 = tpu.memref_slice %arg12[%dma_start3A_82, %dma_start3A_83] : memref<512x16xf32, #tpu.memory_space<vmem>> -> memref<128x16xf32, #tpu.memory_space<vmem>>
    %dma_start3A_85 = arith.constant 0 : i32
    %dma_start3A_86 = tpu.memref_slice %arg8[%dma_start3A_81, %dma_start3A_85] : memref<12x128xi32, #tpu.memory_space<vmem>> -> memref<1x128xi32, #tpu.memory_space<vmem>>
    %dma_start3A_87 = tpu.memref_squeeze %dma_start3A_86 : memref<1x128xi32, #tpu.memory_space<vmem>> -> memref<128xi32, #tpu.memory_space<vmem>>
    %dma_start3A_88 = arith.constant 0 : i32
    %dma_start3A_89 = arith.constant 0 : i32
    %dma_start3A_90 = tpu.memref_slice %arg2[%dma_start3A_88, %dma_start3A_89] : memref<150000x16xf32, #tpu.memory_space<hbm>> -> memref<150000x16xf32, #tpu.memory_space<hbm>>
    tpu.enqueue_indirect_dma source(%dma_start3A_90 : memref<150000x16xf32, #tpu.memory_space<hbm>>) target(%dma_start3A_84 : memref<128x16xf32, #tpu.memory_space<vmem>>) offsets(%dma_start3A_87 : memref<128xi32, #tpu.memory_space<vmem>>) semaphore(%arg16 : memref<!tpu.dma_semaphore, #tpu.memory_space<semaphore_mem>>)
    %dma_start3A_91 = arith.constant 2 : i32
    %dma_start3A_92 = arith.constant 256 : i32
    %dma_start3A_93 = arith.constant 0 : i32
    %dma_start3A_94 = tpu.memref_slice %arg12[%dma_start3A_92, %dma_start3A_93] : memref<512x16xf32, #tpu.memory_space<vmem>> -> memref<128x16xf32, #tpu.memory_space<vmem>>
    %dma_start3A_95 = arith.constant 0 : i32
    %dma_start3A_96 = tpu.memref_slice %arg8[%dma_start3A_91, %dma_start3A_95] : memref<12x128xi32, #tpu.memory_space<vmem>> -> memref<1x128xi32, #tpu.memory_space<vmem>>
    %dma_start3A_97 = tpu.memref_squeeze %dma_start3A_96 : memref<1x128xi32, #tpu.memory_space<vmem>> -> memref<128xi32, #tpu.memory_space<vmem>>
    %dma_start3A_98 = arith.constant 0 : i32
    %dma_start3A_99 = arith.constant 0 : i32
    %dma_start3A_100 = tpu.memref_slice %arg2[%dma_start3A_98, %dma_start3A_99] : memref<150000x16xf32, #tpu.memory_space<hbm>> -> memref<150000x16xf32, #tpu.memory_space<hbm>>
    tpu.enqueue_indirect_dma source(%dma_start3A_100 : memref<150000x16xf32, #tpu.memory_space<hbm>>) target(%dma_start3A_94 : memref<128x16xf32, #tpu.memory_space<vmem>>) offsets(%dma_start3A_97 : memref<128xi32, #tpu.memory_space<vmem>>) semaphore(%arg16 : memref<!tpu.dma_semaphore, #tpu.memory_space<semaphore_mem>>)
    %dma_start3A_101 = arith.constant 3 : i32
    %dma_start3A_102 = arith.constant 384 : i32
    %dma_start3A_103 = arith.constant 0 : i32
    %dma_start3A_104 = tpu.memref_slice %arg12[%dma_start3A_102, %dma_start3A_103] : memref<512x16xf32, #tpu.memory_space<vmem>> -> memref<128x16xf32, #tpu.memory_space<vmem>>
    %dma_start3A_105 = arith.constant 0 : i32
    %dma_start3A_106 = tpu.memref_slice %arg8[%dma_start3A_101, %dma_start3A_105] : memref<12x128xi32, #tpu.memory_space<vmem>> -> memref<1x128xi32, #tpu.memory_space<vmem>>
    %dma_start3A_107 = tpu.memref_squeeze %dma_start3A_106 : memref<1x128xi32, #tpu.memory_space<vmem>> -> memref<128xi32, #tpu.memory_space<vmem>>
    %dma_start3A_108 = arith.constant 0 : i32
    %dma_start3A_109 = arith.constant 0 : i32
    %dma_start3A_110 = tpu.memref_slice %arg2[%dma_start3A_108, %dma_start3A_109] : memref<150000x16xf32, #tpu.memory_space<hbm>> -> memref<150000x16xf32, #tpu.memory_space<hbm>>
    tpu.enqueue_indirect_dma source(%dma_start3A_110 : memref<150000x16xf32, #tpu.memory_space<hbm>>) target(%dma_start3A_104 : memref<128x16xf32, #tpu.memory_space<vmem>>) offsets(%dma_start3A_107 : memref<128xi32, #tpu.memory_space<vmem>>) semaphore(%arg16 : memref<!tpu.dma_semaphore, #tpu.memory_space<semaphore_mem>>)
    %scan3A = arith.constant 0 : i32
    %scan3A_111 = arith.constant 0 : i32
    %scan3A_112 = arith.constant 25 : i32
    %scan3A_113 = arith.addi %scan3A_111, %scan3A_112 : i32
    %scan3A_114 = arith.constant 1 : i32
    scf.for %scan3A_133 = %scan3A_111 to %scan3A_113 step %scan3A_114  : i32 {
      %mul3A_134 = arith.constant 4 : i32
      %mul3A_135 = arith.muli %mul3A_134, %scan3A_133 : i32
      %add3A_136 = arith.constant 0 : i32
      %add3A_137 = arith.addi %mul3A_135, %add3A_136 : i32
      %gt3A = arith.constant 0 : i32
      %gt3A_138 = arith.cmpi sgt, %add3A_137, %gt3A : i32
      %convert_element_type3A_139 = arith.extui %gt3A_138 : i1 to i32
      %cond3A_140 = arith.constant 0 : i32
      %cond3A_141 = arith.cmpi ne, %convert_element_type3A_139, %cond3A_140 : i32
      scf.if %cond3A_141 {
        %dma_wait3A_432 = arith.constant 0 : i32
        %dma_wait3A_433 = arith.constant 0 : i32
        %dma_wait3A_434 = tpu.memref_slice %arg6[%dma_wait3A_432, %dma_wait3A_433] : memref<50000x16xf32, #tpu.memory_space<vmem_shared>> -> memref<512x16xf32, #tpu.memory_space<vmem_shared>>
        %dma_wait3A_435 = arith.constant 0 : i32
        %dma_wait3A_436 = arith.constant 0 : i32
        %dma_wait3A_437 = tpu.memref_slice %arg6[%dma_wait3A_435, %dma_wait3A_436] : memref<50000x16xf32, #tpu.memory_space<vmem_shared>> -> memref<512x16xf32, #tpu.memory_space<vmem_shared>>
        tpu.wait_dma2 semaphore(%arg26 : memref<!tpu.dma_semaphore, #tpu.memory_space<semaphore_mem>>) src(%arg14 : memref<512x16xf32, #tpu.memory_space<vmem>>) dst(%dma_wait3A_437 : memref<512x16xf32, #tpu.memory_space<vmem_shared>>)
      } else {
      }
      %add3A_142 = arith.constant 3 : i32
      %add3A_143 = arith.addi %add3A_137, %add3A_142 : i32
      %lt3A = arith.constant 100 : i32
      %lt3A_144 = arith.cmpi slt, %add3A_143, %lt3A : i32
      %convert_element_type3A_145 = arith.extui %lt3A_144 : i1 to i32
      %cond3A_146 = arith.constant 0 : i32
      %cond3A_147 = arith.cmpi ne, %convert_element_type3A_145, %cond3A_146 : i32
      scf.if %cond3A_147 {
        %add3A_432 = arith.constant 3 : i32
        %add3A_433 = arith.addi %add3A_137, %add3A_432 : i32
        %add3A_434 = arith.addi %mul3A_2, %add3A_433 : i32
        %mul3A_435 = arith.constant 12 : i32
        %mul3A_436 = arith.muli %mul3A_435, %add3A_434 : i32
        %dma_start3A_437 = arith.constant 0 : i32
        %dma_start3A_438 = tpu.memref_slice %arg3[%mul3A_436, %dma_start3A_437] : memref<38400x128xi32, #tpu.memory_space<hbm>> -> memref<12x128xi32, #tpu.memory_space<hbm>>
        %dma_start3A_439 = arith.constant 0 : i32
        %dma_start3A_440 = tpu.memref_slice %arg3[%mul3A_436, %dma_start3A_439] : memref<38400x128xi32, #tpu.memory_space<hbm>> -> memref<12x128xi32, #tpu.memory_space<hbm>>
        tpu.enqueue_dma source(%dma_start3A_440 : memref<12x128xi32, #tpu.memory_space<hbm>>) target(%arg10 : memref<12x128xi32, #tpu.memory_space<vmem>>) target_semaphore(%arg22 : memref<!tpu.dma_semaphore, #tpu.memory_space<semaphore_mem>>)
      } else {
      }
      %add3A_148 = arith.constant 2 : i32
      %add3A_149 = arith.addi %add3A_137, %add3A_148 : i32
      %lt3A_150 = arith.constant 100 : i32
      %lt3A_151 = arith.cmpi slt, %add3A_149, %lt3A_150 : i32
      %convert_element_type3A_152 = arith.extui %lt3A_151 : i1 to i32
      %cond3A_153 = arith.constant 0 : i32
      %cond3A_154 = arith.cmpi ne, %convert_element_type3A_152, %cond3A_153 : i32
      scf.if %cond3A_154 {
        %add3A_432 = arith.constant 0 : i32
        %add3A_433 = arith.addi %mul3A_2, %add3A_432 : i32
        %mul3A_434 = arith.constant 12 : i32
        %mul3A_435 = arith.muli %mul3A_434, %add3A_433 : i32
        %dma_wait3A_436 = arith.constant 0 : i32
        %dma_wait3A_437 = tpu.memref_slice %arg3[%mul3A_435, %dma_wait3A_436] : memref<38400x128xi32, #tpu.memory_space<hbm>> -> memref<12x128xi32, #tpu.memory_space<hbm>>
        %dma_wait3A_438 = arith.constant 0 : i32
        %dma_wait3A_439 = tpu.memref_slice %arg3[%mul3A_435, %dma_wait3A_438] : memref<38400x128xi32, #tpu.memory_space<hbm>> -> memref<12x128xi32, #tpu.memory_space<hbm>>
        tpu.wait_dma2 semaphore(%arg21 : memref<!tpu.dma_semaphore, #tpu.memory_space<semaphore_mem>>) src(%dma_wait3A_439 : memref<12x128xi32, #tpu.memory_space<hbm>>) dst(%arg9 : memref<12x128xi32, #tpu.memory_space<vmem>>)
        %dma_start3A_440 = arith.constant 0 : i32
        %dma_start3A_441 = arith.constant 0 : i32
        %dma_start3A_442 = arith.constant 0 : i32
        %dma_start3A_443 = tpu.memref_slice %arg13[%dma_start3A_441, %dma_start3A_442] : memref<512x16xf32, #tpu.memory_space<vmem>> -> memref<128x16xf32, #tpu.memory_space<vmem>>
        %dma_start3A_444 = arith.constant 0 : i32
        %dma_start3A_445 = tpu.memref_slice %arg9[%dma_start3A_440, %dma_start3A_444] : memref<12x128xi32, #tpu.memory_space<vmem>> -> memref<1x128xi32, #tpu.memory_space<vmem>>
        %dma_start3A_446 = tpu.memref_squeeze %dma_start3A_445 : memref<1x128xi32, #tpu.memory_space<vmem>> -> memref<128xi32, #tpu.memory_space<vmem>>
        %dma_start3A_447 = arith.constant 0 : i32
        %dma_start3A_448 = arith.constant 0 : i32
        %dma_start3A_449 = tpu.memref_slice %arg2[%dma_start3A_447, %dma_start3A_448] : memref<150000x16xf32, #tpu.memory_space<hbm>> -> memref<150000x16xf32, #tpu.memory_space<hbm>>
        tpu.enqueue_indirect_dma source(%dma_start3A_449 : memref<150000x16xf32, #tpu.memory_space<hbm>>) target(%dma_start3A_443 : memref<128x16xf32, #tpu.memory_space<vmem>>) offsets(%dma_start3A_446 : memref<128xi32, #tpu.memory_space<vmem>>) semaphore(%arg17 : memref<!tpu.dma_semaphore, #tpu.memory_space<semaphore_mem>>)
        %dma_start3A_450 = arith.constant 1 : i32
        %dma_start3A_451 = arith.constant 128 : i32
        %dma_start3A_452 = arith.constant 0 : i32
        %dma_start3A_453 = tpu.memref_slice %arg13[%dma_start3A_451, %dma_start3A_452] : memref<512x16xf32, #tpu.memory_space<vmem>> -> memref<128x16xf32, #tpu.memory_space<vmem>>
        %dma_start3A_454 = arith.constant 0 : i32
        %dma_start3A_455 = tpu.memref_slice %arg9[%dma_start3A_450, %dma_start3A_454] : memref<12x128xi32, #tpu.memory_space<vmem>> -> memref<1x128xi32, #tpu.memory_space<vmem>>
        %dma_start3A_456 = tpu.memref_squeeze %dma_start3A_455 : memref<1x128xi32, #tpu.memory_space<vmem>> -> memref<128xi32, #tpu.memory_space<vmem>>
        %dma_start3A_457 = arith.constant 0 : i32
        %dma_start3A_458 = arith.constant 0 : i32
        %dma_start3A_459 = tpu.memref_slice %arg2[%dma_start3A_457, %dma_start3A_458] : memref<150000x16xf32, #tpu.memory_space<hbm>> -> memref<150000x16xf32, #tpu.memory_space<hbm>>
        tpu.enqueue_indirect_dma source(%dma_start3A_459 : memref<150000x16xf32, #tpu.memory_space<hbm>>) target(%dma_start3A_453 : memref<128x16xf32, #tpu.memory_space<vmem>>) offsets(%dma_start3A_456 : memref<128xi32, #tpu.memory_space<vmem>>) semaphore(%arg17 : memref<!tpu.dma_semaphore, #tpu.memory_space<semaphore_mem>>)
        %dma_start3A_460 = arith.constant 2 : i32
        %dma_start3A_461 = arith.constant 256 : i32
        %dma_start3A_462 = arith.constant 0 : i32
        %dma_start3A_463 = tpu.memref_slice %arg13[%dma_start3A_461, %dma_start3A_462] : memref<512x16xf32, #tpu.memory_space<vmem>> -> memref<128x16xf32, #tpu.memory_space<vmem>>
        %dma_start3A_464 = arith.constant 0 : i32
        %dma_start3A_465 = tpu.memref_slice %arg9[%dma_start3A_460, %dma_start3A_464] : memref<12x128xi32, #tpu.memory_space<vmem>> -> memref<1x128xi32, #tpu.memory_space<vmem>>
        %dma_start3A_466 = tpu.memref_squeeze %dma_start3A_465 : memref<1x128xi32, #tpu.memory_space<vmem>> -> memref<128xi32, #tpu.memory_space<vmem>>
        %dma_start3A_467 = arith.constant 0 : i32
        %dma_start3A_468 = arith.constant 0 : i32
        %dma_start3A_469 = tpu.memref_slice %arg2[%dma_start3A_467, %dma_start3A_468] : memref<150000x16xf32, #tpu.memory_space<hbm>> -> memref<150000x16xf32, #tpu.memory_space<hbm>>
        tpu.enqueue_indirect_dma source(%dma_start3A_469 : memref<150000x16xf32, #tpu.memory_space<hbm>>) target(%dma_start3A_463 : memref<128x16xf32, #tpu.memory_space<vmem>>) offsets(%dma_start3A_466 : memref<128xi32, #tpu.memory_space<vmem>>) semaphore(%arg17 : memref<!tpu.dma_semaphore, #tpu.memory_space<semaphore_mem>>)
        %dma_start3A_470 = arith.constant 3 : i32
        %dma_start3A_471 = arith.constant 384 : i32
        %dma_start3A_472 = arith.constant 0 : i32
        %dma_start3A_473 = tpu.memref_slice %arg13[%dma_start3A_471, %dma_start3A_472] : memref<512x16xf32, #tpu.memory_space<vmem>> -> memref<128x16xf32, #tpu.memory_space<vmem>>
        %dma_start3A_474 = arith.constant 0 : i32
        %dma_start3A_475 = tpu.memref_slice %arg9[%dma_start3A_470, %dma_start3A_474] : memref<12x128xi32, #tpu.memory_space<vmem>> -> memref<1x128xi32, #tpu.memory_space<vmem>>
        %dma_start3A_476 = tpu.memref_squeeze %dma_start3A_475 : memref<1x128xi32, #tpu.memory_space<vmem>> -> memref<128xi32, #tpu.memory_space<vmem>>
        %dma_start3A_477 = arith.constant 0 : i32
        %dma_start3A_478 = arith.constant 0 : i32
        %dma_start3A_479 = tpu.memref_slice %arg2[%dma_start3A_477, %dma_start3A_478] : memref<150000x16xf32, #tpu.memory_space<hbm>> -> memref<150000x16xf32, #tpu.memory_space<hbm>>
        tpu.enqueue_indirect_dma source(%dma_start3A_479 : memref<150000x16xf32, #tpu.memory_space<hbm>>) target(%dma_start3A_473 : memref<128x16xf32, #tpu.memory_space<vmem>>) offsets(%dma_start3A_476 : memref<128xi32, #tpu.memory_space<vmem>>) semaphore(%arg17 : memref<!tpu.dma_semaphore, #tpu.memory_space<semaphore_mem>>)
      } else {
      }
      %dma_wait3A_155 = arith.constant 0 : i32
      %dma_wait3A_156 = arith.constant 0 : i32
      %dma_wait3A_157 = tpu.memref_slice %arg2[%dma_wait3A_155, %dma_wait3A_156] : memref<150000x16xf32, #tpu.memory_space<hbm>> -> memref<512x16xf32, #tpu.memory_space<hbm>>
      %dma_wait3A_158 = arith.constant 0 : i32
      %dma_wait3A_159 = arith.constant 0 : i32
      %dma_wait3A_160 = tpu.memref_slice %arg2[%dma_wait3A_158, %dma_wait3A_159] : memref<150000x16xf32, #tpu.memory_space<hbm>> -> memref<512x16xf32, #tpu.memory_space<hbm>>
      tpu.wait_dma2 semaphore(%arg15 : memref<!tpu.dma_semaphore, #tpu.memory_space<semaphore_mem>>) src(%dma_wait3A_160 : memref<512x16xf32, #tpu.memory_space<hbm>>) dst(%arg11 : memref<512x16xf32, #tpu.memory_space<vmem>>)
      %scan3A_161 = arith.constant 0 : i32
      %scan3A_162 = arith.constant 0 : i32
      %scan3A_163 = arith.constant 32 : i32
      %scan3A_164 = arith.addi %scan3A_162, %scan3A_163 : i32
      %scan3A_165 = arith.constant 1 : i32
      scf.for %scan3A_432 = %scan3A_162 to %scan3A_164 step %scan3A_165  : i32 {
        %jit3A = arith.constant 8 : i32
        %div3A = arith.divsi %scan3A_432, %jit3A : i32
        %sign3A = arith.constant 0 : i32
        %sign3A_433 = arith.cmpi sgt, %scan3A_432, %sign3A : i32
        %sign3A_434 = arith.extui %sign3A_433 : i1 to i32
        %sign3A_435 = arith.constant 0 : i32
        %sign3A_436 = arith.cmpi slt, %scan3A_432, %sign3A_435 : i32
        %sign3A_437 = arith.extui %sign3A_436 : i1 to i32
        %sign3A_438 = arith.subi %sign3A_434, %sign3A_437 : i32
        %sign3A_439 = arith.constant 0 : i32
        %sign3A_440 = arith.cmpi sgt, %jit3A, %sign3A_439 : i32
        %sign3A_441 = arith.extui %sign3A_440 : i1 to i32
        %sign3A_442 = arith.constant 0 : i32
        %sign3A_443 = arith.cmpi slt, %jit3A, %sign3A_442 : i32
        %sign3A_444 = arith.extui %sign3A_443 : i1 to i32
        %sign3A_445 = arith.subi %sign3A_441, %sign3A_444 : i32
        %ne3A = arith.cmpi ne, %sign3A_438, %sign3A_445 : i32
        %rem3A = arith.remsi %scan3A_432, %jit3A : i32
        %ne3A_446 = arith.constant 0 : i32
        %ne3A_447 = arith.cmpi ne, %rem3A, %ne3A_446 : i32
        %and3A = arith.andi %ne3A, %ne3A_447 : i1
        %sub3A = arith.constant 1 : i32
        %sub3A_448 = arith.subi %div3A, %sub3A : i32
        %select_n3A = arith.select %and3A, %sub3A_448, %div3A : i32
        %mul3A_449 = arith.constant 8 : i32
        %mul3A_450 = arith.muli %mul3A_449, %select_n3A : i32
        %sub3A_451 = arith.subi %scan3A_432, %mul3A_450 : i32
        %add3A_452 = arith.constant 8 : i32
        %add3A_453 = arith.addi %add3A_452, %select_n3A : i32
        %mul3A_454 = arith.constant 16 : i32
        %mul3A_455 = arith.muli %sub3A_451, %mul3A_454 : i32
        %get3A = arith.index_cast %add3A_453 : i32 to index
        %get3A_456 = arith.index_cast %mul3A_455 : i32 to index
        %get3A_457 = tpu.vector_load %arg7[%get3A, %get3A_456] {strides = array<i32>} : memref<12x128xi32, #tpu.memory_space<vmem>>, vector<16xi32>,
        %bitcast3A = vector.bitcast %get3A_457 : vector<16xi32> to vector<16xf32>
        %mul3A_458 = arith.constant 16 : i32
        %mul3A_459 = arith.muli %scan3A_432, %mul3A_458 : i32
        %add3A_460 = arith.constant 0 : i32
        %add3A_461 = arith.addi %mul3A_459, %add3A_460 : i32
        %get3A_462 = arith.index_cast %add3A_461 : i32 to index
        %get3A_463 = arith.constant 0 : index
        %get3A_464 = tpu.vector_load %arg11[%get3A_462, %get3A_463] {strides = array<i32>} : memref<512x16xf32, #tpu.memory_space<vmem>>, vector<16xf32>,
        %slice3A = vector.extract_strided_slice %bitcast3A {offsets = [0], sizes = [1], strides = [1]} : vector<16xf32> to vector<1xf32>
        %squeeze3A = vector.extract %slice3A[0] : f32 from vector<1xf32>
        %mul3A_465 = vector.broadcast %squeeze3A : f32 to vector<16xf32>
        %mul3A_466 = arith.mulf %get3A_464, %mul3A_465 : vector<16xf32>
        %swap3A = arith.index_cast %add3A_461 : i32 to index
        %swap3A_467 = arith.constant 0 : index
        %swap3A_468 = tpu.vector_load %arg11[%swap3A, %swap3A_467] {strides = array<i32>} : memref<512x16xf32, #tpu.memory_space<vmem>>, vector<16xf32>,
        tpu.vector_store %arg11[%swap3A, %swap3A_467], %mul3A_466 {strides = array<i32>} : memref<512x16xf32, #tpu.memory_space<vmem>>, vector<16xf32>,
        %mul3A_469 = arith.constant 16 : i32
        %mul3A_470 = arith.muli %scan3A_432, %mul3A_469 : i32
        %add3A_471 = arith.constant 1 : i32
        %add3A_472 = arith.addi %mul3A_470, %add3A_471 : i32
        %get3A_473 = arith.index_cast %add3A_472 : i32 to index
        %get3A_474 = arith.constant 0 : index
        %get3A_475 = tpu.vector_load %arg11[%get3A_473, %get3A_474] {strides = array<i32>} : memref<512x16xf32, #tpu.memory_space<vmem>>, vector<16xf32>,
        %slice3A_476 = vector.extract_strided_slice %bitcast3A {offsets = [1], sizes = [1], strides = [1]} : vector<16xf32> to vector<1xf32>
        %squeeze3A_477 = vector.extract %slice3A_476[0] : f32 from vector<1xf32>
        %mul3A_478 = vector.broadcast %squeeze3A_477 : f32 to vector<16xf32>
        %mul3A_479 = arith.mulf %get3A_475, %mul3A_478 : vector<16xf32>
        %swap3A_480 = arith.index_cast %add3A_472 : i32 to index
        %swap3A_481 = arith.constant 0 : index
        %swap3A_482 = tpu.vector_load %arg11[%swap3A_480, %swap3A_481] {strides = array<i32>} : memref<512x16xf32, #tpu.memory_space<vmem>>, vector<16xf32>,
        tpu.vector_store %arg11[%swap3A_480, %swap3A_481], %mul3A_479 {strides = array<i32>} : memref<512x16xf32, #tpu.memory_space<vmem>>, vector<16xf32>,
        %mul3A_483 = arith.constant 16 : i32
        %mul3A_484 = arith.muli %scan3A_432, %mul3A_483 : i32
        %add3A_485 = arith.constant 2 : i32
        %add3A_486 = arith.addi %mul3A_484, %add3A_485 : i32
        %get3A_487 = arith.index_cast %add3A_486 : i32 to index
        %get3A_488 = arith.constant 0 : index
        %get3A_489 = tpu.vector_load %arg11[%get3A_487, %get3A_488] {strides = array<i32>} : memref<512x16xf32, #tpu.memory_space<vmem>>, vector<16xf32>,
        %slice3A_490 = vector.extract_strided_slice %bitcast3A {offsets = [2], sizes = [1], strides = [1]} : vector<16xf32> to vector<1xf32>
        %squeeze3A_491 = vector.extract %slice3A_490[0] : f32 from vector<1xf32>
        %mul3A_492 = vector.broadcast %squeeze3A_491 : f32 to vector<16xf32>
        %mul3A_493 = arith.mulf %get3A_489, %mul3A_492 : vector<16xf32>
        %swap3A_494 = arith.index_cast %add3A_486 : i32 to index
        %swap3A_495 = arith.constant 0 : index
        %swap3A_496 = tpu.vector_load %arg11[%swap3A_494, %swap3A_495] {strides = array<i32>} : memref<512x16xf32, #tpu.memory_space<vmem>>, vector<16xf32>,
        tpu.vector_store %arg11[%swap3A_494, %swap3A_495], %mul3A_493 {strides = array<i32>} : memref<512x16xf32, #tpu.memory_space<vmem>>, vector<16xf32>,
        %mul3A_497 = arith.constant 16 : i32
        %mul3A_498 = arith.muli %scan3A_432, %mul3A_497 : i32
        %add3A_499 = arith.constant 3 : i32
        %add3A_500 = arith.addi %mul3A_498, %add3A_499 : i32
        %get3A_501 = arith.index_cast %add3A_500 : i32 to index
        %get3A_502 = arith.constant 0 : index
        %get3A_503 = tpu.vector_load %arg11[%get3A_501, %get3A_502] {strides = array<i32>} : memref<512x16xf32, #tpu.memory_space<vmem>>, vector<16xf32>,
        %slice3A_504 = vector.extract_strided_slice %bitcast3A {offsets = [3], sizes = [1], strides = [1]} : vector<16xf32> to vector<1xf32>
        %squeeze3A_505 = vector.extract %slice3A_504[0] : f32 from vector<1xf32>
        %mul3A_506 = vector.broadcast %squeeze3A_505 : f32 to vector<16xf32>
        %mul3A_507 = arith.mulf %get3A_503, %mul3A_506 : vector<16xf32>
        %swap3A_508 = arith.index_cast %add3A_500 : i32 to index
        %swap3A_509 = arith.constant 0 : index
        %swap3A_510 = tpu.vector_load %arg11[%swap3A_508, %swap3A_509] {strides = array<i32>} : memref<512x16xf32, #tpu.memory_space<vmem>>, vector<16xf32>,
        tpu.vector_store %arg11[%swap3A_508, %swap3A_509], %mul3A_507 {strides = array<i32>} : memref<512x16xf32, #tpu.memory_space<vmem>>, vector<16xf32>,
        %mul3A_511 = arith.constant 16 : i32
        %mul3A_512 = arith.muli %scan3A_432, %mul3A_511 : i32
        %add3A_513 = arith.constant 4 : i32
        %add3A_514 = arith.addi %mul3A_512, %add3A_513 : i32
        %get3A_515 = arith.index_cast %add3A_514 : i32 to index
        %get3A_516 = arith.constant 0 : index
        %get3A_517 = tpu.vector_load %arg11[%get3A_515, %get3A_516] {strides = array<i32>} : memref<512x16xf32, #tpu.memory_space<vmem>>, vector<16xf32>,
        %slice3A_518 = vector.extract_strided_slice %bitcast3A {offsets = [4], sizes = [1], strides = [1]} : vector<16xf32> to vector<1xf32>
        %squeeze3A_519 = vector.extract %slice3A_518[0] : f32 from vector<1xf32>
        %mul3A_520 = vector.broadcast %squeeze3A_519 : f32 to vector<16xf32>
        %mul3A_521 = arith.mulf %get3A_517, %mul3A_520 : vector<16xf32>
        %swap3A_522 = arith.index_cast %add3A_514 : i32 to index
        %swap3A_523 = arith.constant 0 : index
        %swap3A_524 = tpu.vector_load %arg11[%swap3A_522, %swap3A_523] {strides = array<i32>} : memref<512x16xf32, #tpu.memory_space<vmem>>, vector<16xf32>,
        tpu.vector_store %arg11[%swap3A_522, %swap3A_523], %mul3A_521 {strides = array<i32>} : memref<512x16xf32, #tpu.memory_space<vmem>>, vector<16xf32>,
        %mul3A_525 = arith.constant 16 : i32
        %mul3A_526 = arith.muli %scan3A_432, %mul3A_525 : i32
        %add3A_527 = arith.constant 5 : i32
        %add3A_528 = arith.addi %mul3A_526, %add3A_527 : i32
        %get3A_529 = arith.index_cast %add3A_528 : i32 to index
        %get3A_530 = arith.constant 0 : index
        %get3A_531 = tpu.vector_load %arg11[%get3A_529, %get3A_530] {strides = array<i32>} : memref<512x16xf32, #tpu.memory_space<vmem>>, vector<16xf32>,
        %slice3A_532 = vector.extract_strided_slice %bitcast3A {offsets = [5], sizes = [1], strides = [1]} : vector<16xf32> to vector<1xf32>
        %squeeze3A_533 = vector.extract %slice3A_532[0] : f32 from vector<1xf32>
        %mul3A_534 = vector.broadcast %squeeze3A_533 : f32 to vector<16xf32>
        %mul3A_535 = arith.mulf %get3A_531, %mul3A_534 : vector<16xf32>
        %swap3A_536 = arith.index_cast %add3A_528 : i32 to index
        %swap3A_537 = arith.constant 0 : index
        %swap3A_538 = tpu.vector_load %arg11[%swap3A_536, %swap3A_537] {strides = array<i32>} : memref<512x16xf32, #tpu.memory_space<vmem>>, vector<16xf32>,
        tpu.vector_store %arg11[%swap3A_536, %swap3A_537], %mul3A_535 {strides = array<i32>} : memref<512x16xf32, #tpu.memory_space<vmem>>, vector<16xf32>,
        %mul3A_539 = arith.constant 16 : i32
        %mul3A_540 = arith.muli %scan3A_432, %mul3A_539 : i32
        %add3A_541 = arith.constant 6 : i32
        %add3A_542 = arith.addi %mul3A_540, %add3A_541 : i32
        %get3A_543 = arith.index_cast %add3A_542 : i32 to index
        %get3A_544 = arith.constant 0 : index
        %get3A_545 = tpu.vector_load %arg11[%get3A_543, %get3A_544] {strides = array<i32>} : memref<512x16xf32, #tpu.memory_space<vmem>>, vector<16xf32>,
        %slice3A_546 = vector.extract_strided_slice %bitcast3A {offsets = [6], sizes = [1], strides = [1]} : vector<16xf32> to vector<1xf32>
        %squeeze3A_547 = vector.extract %slice3A_546[0] : f32 from vector<1xf32>
        %mul3A_548 = vector.broadcast %squeeze3A_547 : f32 to vector<16xf32>
        %mul3A_549 = arith.mulf %get3A_545, %mul3A_548 : vector<16xf32>
        %swap3A_550 = arith.index_cast %add3A_542 : i32 to index
        %swap3A_551 = arith.constant 0 : index
        %swap3A_552 = tpu.vector_load %arg11[%swap3A_550, %swap3A_551] {strides = array<i32>} : memref<512x16xf32, #tpu.memory_space<vmem>>, vector<16xf32>,
        tpu.vector_store %arg11[%swap3A_550, %swap3A_551], %mul3A_549 {strides = array<i32>} : memref<512x16xf32, #tpu.memory_space<vmem>>, vector<16xf32>,
        %mul3A_553 = arith.constant 16 : i32
        %mul3A_554 = arith.muli %scan3A_432, %mul3A_553 : i32
        %add3A_555 = arith.constant 7 : i32
        %add3A_556 = arith.addi %mul3A_554, %add3A_555 : i32
        %get3A_557 = arith.index_cast %add3A_556 : i32 to index
        %get3A_558 = arith.constant 0 : index
        %get3A_559 = tpu.vector_load %arg11[%get3A_557, %get3A_558] {strides = array<i32>} : memref<512x16xf32, #tpu.memory_space<vmem>>, vector<16xf32>,
        %slice3A_560 = vector.extract_strided_slice %bitcast3A {offsets = [7], sizes = [1], strides = [1]} : vector<16xf32> to vector<1xf32>
        %squeeze3A_561 = vector.extract %slice3A_560[0] : f32 from vector<1xf32>
        %mul3A_562 = vector.broadcast %squeeze3A_561 : f32 to vector<16xf32>
        %mul3A_563 = arith.mulf %get3A_559, %mul3A_562 : vector<16xf32>
        %swap3A_564 = arith.index_cast %add3A_556 : i32 to index
        %swap3A_565 = arith.constant 0 : index
        %swap3A_566 = tpu.vector_load %arg11[%swap3A_564, %swap3A_565] {strides = array<i32>} : memref<512x16xf32, #tpu.memory_space<vmem>>, vector<16xf32>,
        tpu.vector_store %arg11[%swap3A_564, %swap3A_565], %mul3A_563 {strides = array<i32>} : memref<512x16xf32, #tpu.memory_space<vmem>>, vector<16xf32>,
        %mul3A_567 = arith.constant 16 : i32
        %mul3A_568 = arith.muli %scan3A_432, %mul3A_567 : i32
        %add3A_569 = arith.constant 8 : i32
        %add3A_570 = arith.addi %mul3A_568, %add3A_569 : i32
        %get3A_571 = arith.index_cast %add3A_570 : i32 to index
        %get3A_572 = arith.constant 0 : index
        %get3A_573 = tpu.vector_load %arg11[%get3A_571, %get3A_572] {strides = array<i32>} : memref<512x16xf32, #tpu.memory_space<vmem>>, vector<16xf32>,
        %slice3A_574 = vector.extract_strided_slice %bitcast3A {offsets = [8], sizes = [1], strides = [1]} : vector<16xf32> to vector<1xf32>
        %squeeze3A_575 = vector.extract %slice3A_574[0] : f32 from vector<1xf32>
        %mul3A_576 = vector.broadcast %squeeze3A_575 : f32 to vector<16xf32>
        %mul3A_577 = arith.mulf %get3A_573, %mul3A_576 : vector<16xf32>
        %swap3A_578 = arith.index_cast %add3A_570 : i32 to index
        %swap3A_579 = arith.constant 0 : index
        %swap3A_580 = tpu.vector_load %arg11[%swap3A_578, %swap3A_579] {strides = array<i32>} : memref<512x16xf32, #tpu.memory_space<vmem>>, vector<16xf32>,
        tpu.vector_store %arg11[%swap3A_578, %swap3A_579], %mul3A_577 {strides = array<i32>} : memref<512x16xf32, #tpu.memory_space<vmem>>, vector<16xf32>,
        %mul3A_581 = arith.constant 16 : i32
        %mul3A_582 = arith.muli %scan3A_432, %mul3A_581 : i32
        %add3A_583 = arith.constant 9 : i32
        %add3A_584 = arith.addi %mul3A_582, %add3A_583 : i32
        %get3A_585 = arith.index_cast %add3A_584 : i32 to index
        %get3A_586 = arith.constant 0 : index
        %get3A_587 = tpu.vector_load %arg11[%get3A_585, %get3A_586] {strides = array<i32>} : memref<512x16xf32, #tpu.memory_space<vmem>>, vector<16xf32>,
        %slice3A_588 = vector.extract_strided_slice %bitcast3A {offsets = [9], sizes = [1], strides = [1]} : vector<16xf32> to vector<1xf32>
        %squeeze3A_589 = vector.extract %slice3A_588[0] : f32 from vector<1xf32>
        %mul3A_590 = vector.broadcast %squeeze3A_589 : f32 to vector<16xf32>
        %mul3A_591 = arith.mulf %get3A_587, %mul3A_590 : vector<16xf32>
        %swap3A_592 = arith.index_cast %add3A_584 : i32 to index
        %swap3A_593 = arith.constant 0 : index
        %swap3A_594 = tpu.vector_load %arg11[%swap3A_592, %swap3A_593] {strides = array<i32>} : memref<512x16xf32, #tpu.memory_space<vmem>>, vector<16xf32>,
        tpu.vector_store %arg11[%swap3A_592, %swap3A_593], %mul3A_591 {strides = array<i32>} : memref<512x16xf32, #tpu.memory_space<vmem>>, vector<16xf32>,
        %mul3A_595 = arith.constant 16 : i32
        %mul3A_596 = arith.muli %scan3A_432, %mul3A_595 : i32
        %add3A_597 = arith.constant 10 : i32
        %add3A_598 = arith.addi %mul3A_596, %add3A_597 : i32
        %get3A_599 = arith.index_cast %add3A_598 : i32 to index
        %get3A_600 = arith.constant 0 : index
        %get3A_601 = tpu.vector_load %arg11[%get3A_599, %get3A_600] {strides = array<i32>} : memref<512x16xf32, #tpu.memory_space<vmem>>, vector<16xf32>,
        %slice3A_602 = vector.extract_strided_slice %bitcast3A {offsets = [10], sizes = [1], strides = [1]} : vector<16xf32> to vector<1xf32>
        %squeeze3A_603 = vector.extract %slice3A_602[0] : f32 from vector<1xf32>
        %mul3A_604 = vector.broadcast %squeeze3A_603 : f32 to vector<16xf32>
        %mul3A_605 = arith.mulf %get3A_601, %mul3A_604 : vector<16xf32>
        %swap3A_606 = arith.index_cast %add3A_598 : i32 to index
        %swap3A_607 = arith.constant 0 : index
        %swap3A_608 = tpu.vector_load %arg11[%swap3A_606, %swap3A_607] {strides = array<i32>} : memref<512x16xf32, #tpu.memory_space<vmem>>, vector<16xf32>,
        tpu.vector_store %arg11[%swap3A_606, %swap3A_607], %mul3A_605 {strides = array<i32>} : memref<512x16xf32, #tpu.memory_space<vmem>>, vector<16xf32>,
        %mul3A_609 = arith.constant 16 : i32
        %mul3A_610 = arith.muli %scan3A_432, %mul3A_609 : i32
        %add3A_611 = arith.constant 11 : i32
        %add3A_612 = arith.addi %mul3A_610, %add3A_611 : i32
        %get3A_613 = arith.index_cast %add3A_612 : i32 to index
        %get3A_614 = arith.constant 0 : index
        %get3A_615 = tpu.vector_load %arg11[%get3A_613, %get3A_614] {strides = array<i32>} : memref<512x16xf32, #tpu.memory_space<vmem>>, vector<16xf32>,
        %slice3A_616 = vector.extract_strided_slice %bitcast3A {offsets = [11], sizes = [1], strides = [1]} : vector<16xf32> to vector<1xf32>
        %squeeze3A_617 = vector.extract %slice3A_616[0] : f32 from vector<1xf32>
        %mul3A_618 = vector.broadcast %squeeze3A_617 : f32 to vector<16xf32>
        %mul3A_619 = arith.mulf %get3A_615, %mul3A_618 : vector<16xf32>
        %swap3A_620 = arith.index_cast %add3A_612 : i32 to index
        %swap3A_621 = arith.constant 0 : index
        %swap3A_622 = tpu.vector_load %arg11[%swap3A_620, %swap3A_621] {strides = array<i32>} : memref<512x16xf32, #tpu.memory_space<vmem>>, vector<16xf32>,
        tpu.vector_store %arg11[%swap3A_620, %swap3A_621], %mul3A_619 {strides = array<i32>} : memref<512x16xf32, #tpu.memory_space<vmem>>, vector<16xf32>,
        %mul3A_623 = arith.constant 16 : i32
        %mul3A_624 = arith.muli %scan3A_432, %mul3A_623 : i32
        %add3A_625 = arith.constant 12 : i32
        %add3A_626 = arith.addi %mul3A_624, %add3A_625 : i32
        %get3A_627 = arith.index_cast %add3A_626 : i32 to index
        %get3A_628 = arith.constant 0 : index
        %get3A_629 = tpu.vector_load %arg11[%get3A_627, %get3A_628] {strides = array<i32>} : memref<512x16xf32, #tpu.memory_space<vmem>>, vector<16xf32>,
        %slice3A_630 = vector.extract_strided_slice %bitcast3A {offsets = [12], sizes = [1], strides = [1]} : vector<16xf32> to vector<1xf32>
        %squeeze3A_631 = vector.extract %slice3A_630[0] : f32 from vector<1xf32>
        %mul3A_632 = vector.broadcast %squeeze3A_631 : f32 to vector<16xf32>
        %mul3A_633 = arith.mulf %get3A_629, %mul3A_632 : vector<16xf32>
        %swap3A_634 = arith.index_cast %add3A_626 : i32 to index
        %swap3A_635 = arith.constant 0 : index
        %swap3A_636 = tpu.vector_load %arg11[%swap3A_634, %swap3A_635] {strides = array<i32>} : memref<512x16xf32, #tpu.memory_space<vmem>>, vector<16xf32>,
        tpu.vector_store %arg11[%swap3A_634, %swap3A_635], %mul3A_633 {strides = array<i32>} : memref<512x16xf32, #tpu.memory_space<vmem>>, vector<16xf32>,
        %mul3A_637 = arith.constant 16 : i32
        %mul3A_638 = arith.muli %scan3A_432, %mul3A_637 : i32
        %add3A_639 = arith.constant 13 : i32
        %add3A_640 = arith.addi %mul3A_638, %add3A_639 : i32
        %get3A_641 = arith.index_cast %add3A_640 : i32 to index
        %get3A_642 = arith.constant 0 : index
        %get3A_643 = tpu.vector_load %arg11[%get3A_641, %get3A_642] {strides = array<i32>} : memref<512x16xf32, #tpu.memory_space<vmem>>, vector<16xf32>,
        %slice3A_644 = vector.extract_strided_slice %bitcast3A {offsets = [13], sizes = [1], strides = [1]} : vector<16xf32> to vector<1xf32>
        %squeeze3A_645 = vector.extract %slice3A_644[0] : f32 from vector<1xf32>
        %mul3A_646 = vector.broadcast %squeeze3A_645 : f32 to vector<16xf32>
        %mul3A_647 = arith.mulf %get3A_643, %mul3A_646 : vector<16xf32>
        %swap3A_648 = arith.index_cast %add3A_640 : i32 to index
        %swap3A_649 = arith.constant 0 : index
        %swap3A_650 = tpu.vector_load %arg11[%swap3A_648, %swap3A_649] {strides = array<i32>} : memref<512x16xf32, #tpu.memory_space<vmem>>, vector<16xf32>,
        tpu.vector_store %arg11[%swap3A_648, %swap3A_649], %mul3A_647 {strides = array<i32>} : memref<512x16xf32, #tpu.memory_space<vmem>>, vector<16xf32>,
        %mul3A_651 = arith.constant 16 : i32
        %mul3A_652 = arith.muli %scan3A_432, %mul3A_651 : i32
        %add3A_653 = arith.constant 14 : i32
        %add3A_654 = arith.addi %mul3A_652, %add3A_653 : i32
        %get3A_655 = arith.index_cast %add3A_654 : i32 to index
        %get3A_656 = arith.constant 0 : index
        %get3A_657 = tpu.vector_load %arg11[%get3A_655, %get3A_656] {strides = array<i32>} : memref<512x16xf32, #tpu.memory_space<vmem>>, vector<16xf32>,
        %slice3A_658 = vector.extract_strided_slice %bitcast3A {offsets = [14], sizes = [1], strides = [1]} : vector<16xf32> to vector<1xf32>
        %squeeze3A_659 = vector.extract %slice3A_658[0] : f32 from vector<1xf32>
        %mul3A_660 = vector.broadcast %squeeze3A_659 : f32 to vector<16xf32>
        %mul3A_661 = arith.mulf %get3A_657, %mul3A_660 : vector<16xf32>
        %swap3A_662 = arith.index_cast %add3A_654 : i32 to index
        %swap3A_663 = arith.constant 0 : index
        %swap3A_664 = tpu.vector_load %arg11[%swap3A_662, %swap3A_663] {strides = array<i32>} : memref<512x16xf32, #tpu.memory_space<vmem>>, vector<16xf32>,
        tpu.vector_store %arg11[%swap3A_662, %swap3A_663], %mul3A_661 {strides = array<i32>} : memref<512x16xf32, #tpu.memory_space<vmem>>, vector<16xf32>,
        %mul3A_665 = arith.constant 16 : i32
        %mul3A_666 = arith.muli %scan3A_432, %mul3A_665 : i32
        %add3A_667 = arith.constant 15 : i32
        %add3A_668 = arith.addi %mul3A_666, %add3A_667 : i32
        %get3A_669 = arith.index_cast %add3A_668 : i32 to index
        %get3A_670 = arith.constant 0 : index
        %get3A_671 = tpu.vector_load %arg11[%get3A_669, %get3A_670] {strides = array<i32>} : memref<512x16xf32, #tpu.memory_space<vmem>>, vector<16xf32>,
        %slice3A_672 = vector.extract_strided_slice %bitcast3A {offsets = [15], sizes = [1], strides = [1]} : vector<16xf32> to vector<1xf32>
        %squeeze3A_673 = vector.extract %slice3A_672[0] : f32 from vector<1xf32>
        %mul3A_674 = vector.broadcast %squeeze3A_673 : f32 to vector<16xf32>
        %mul3A_675 = arith.mulf %get3A_671, %mul3A_674 : vector<16xf32>
        %swap3A_676 = arith.index_cast %add3A_668 : i32 to index
        %swap3A_677 = arith.constant 0 : index
        %swap3A_678 = tpu.vector_load %arg11[%swap3A_676, %swap3A_677] {strides = array<i32>} : memref<512x16xf32, #tpu.memory_space<vmem>>, vector<16xf32>,
        tpu.vector_store %arg11[%swap3A_676, %swap3A_677], %mul3A_675 {strides = array<i32>} : memref<512x16xf32, #tpu.memory_space<vmem>>, vector<16xf32>,
      }
      %scan3A_166 = arith.constant 32 : i32
      %dma_start3A_167 = arith.constant 4 : i32
      %dma_start3A_168 = arith.constant 0 : i32
      %dma_start3A_169 = arith.constant 0 : i32
      %dma_start3A_170 = tpu.memref_slice %arg11[%dma_start3A_168, %dma_start3A_169] : memref<512x16xf32, #tpu.memory_space<vmem>> -> memref<128x16xf32, #tpu.memory_space<vmem>>
      %dma_start3A_171 = arith.constant 0 : i32
      %dma_start3A_172 = tpu.memref_slice %arg7[%dma_start3A_167, %dma_start3A_171] : memref<12x128xi32, #tpu.memory_space<vmem>> -> memref<1x128xi32, #tpu.memory_space<vmem>>
      %dma_start3A_173 = tpu.memref_squeeze %dma_start3A_172 : memref<1x128xi32, #tpu.memory_space<vmem>> -> memref<128xi32, #tpu.memory_space<vmem>>
      %dma_start3A_174 = arith.constant 0 : i32
      %dma_start3A_175 = arith.constant 0 : i32
      %dma_start3A_176 = tpu.memref_slice %arg6[%dma_start3A_174, %dma_start3A_175] : memref<50000x16xf32, #tpu.memory_space<vmem_shared>> -> memref<50000x16xf32, #tpu.memory_space<vmem_shared>>
      tpu.enqueue_indirect_dma source(%dma_start3A_170 : memref<128x16xf32, #tpu.memory_space<vmem>>) target(%dma_start3A_176 : memref<50000x16xf32, #tpu.memory_space<vmem_shared>>) offsets(%dma_start3A_173 : memref<128xi32, #tpu.memory_space<vmem>>) semaphore(%arg23 : memref<!tpu.dma_semaphore, #tpu.memory_space<semaphore_mem>>) {add = true}
      %dma_start3A_177 = arith.constant 5 : i32
      %dma_start3A_178 = arith.constant 128 : i32
      %dma_start3A_179 = arith.constant 0 : i32
      %dma_start3A_180 = tpu.memref_slice %arg11[%dma_start3A_178, %dma_start3A_179] : memref<512x16xf32, #tpu.memory_space<vmem>> -> memref<128x16xf32, #tpu.memory_space<vmem>>
      %dma_start3A_181 = arith.constant 0 : i32
      %dma_start3A_182 = tpu.memref_slice %arg7[%dma_start3A_177, %dma_start3A_181] : memref<12x128xi32, #tpu.memory_space<vmem>> -> memref<1x128xi32, #tpu.memory_space<vmem>>
      %dma_start3A_183 = tpu.memref_squeeze %dma_start3A_182 : memref<1x128xi32, #tpu.memory_space<vmem>> -> memref<128xi32, #tpu.memory_space<vmem>>
      %dma_start3A_184 = arith.constant 0 : i32
      %dma_start3A_185 = arith.constant 0 : i32
      %dma_start3A_186 = tpu.memref_slice %arg6[%dma_start3A_184, %dma_start3A_185] : memref<50000x16xf32, #tpu.memory_space<vmem_shared>> -> memref<50000x16xf32, #tpu.memory_space<vmem_shared>>
      tpu.enqueue_indirect_dma source(%dma_start3A_180 : memref<128x16xf32, #tpu.memory_space<vmem>>) target(%dma_start3A_186 : memref<50000x16xf32, #tpu.memory_space<vmem_shared>>) offsets(%dma_start3A_183 : memref<128xi32, #tpu.memory_space<vmem>>) semaphore(%arg23 : memref<!tpu.dma_semaphore, #tpu.memory_space<semaphore_mem>>) {add = true}
      %dma_start3A_187 = arith.constant 6 : i32
      %dma_start3A_188 = arith.constant 256 : i32
      %dma_start3A_189 = arith.constant 0 : i32
      %dma_start3A_190 = tpu.memref_slice %arg11[%dma_start3A_188, %dma_start3A_189] : memref<512x16xf32, #tpu.memory_space<vmem>> -> memref<128x16xf32, #tpu.memory_space<vmem>>
      %dma_start3A_191 = arith.constant 0 : i32
      %dma_start3A_192 = tpu.memref_slice %arg7[%dma_start3A_187, %dma_start3A_191] : memref<12x128xi32, #tpu.memory_space<vmem>> -> memref<1x128xi32, #tpu.memory_space<vmem>>
      %dma_start3A_193 = tpu.memref_squeeze %dma_start3A_192 : memref<1x128xi32, #tpu.memory_space<vmem>> -> memref<128xi32, #tpu.memory_space<vmem>>
      %dma_start3A_194 = arith.constant 0 : i32
      %dma_start3A_195 = arith.constant 0 : i32
      %dma_start3A_196 = tpu.memref_slice %arg6[%dma_start3A_194, %dma_start3A_195] : memref<50000x16xf32, #tpu.memory_space<vmem_shared>> -> memref<50000x16xf32, #tpu.memory_space<vmem_shared>>
      tpu.enqueue_indirect_dma source(%dma_start3A_190 : memref<128x16xf32, #tpu.memory_space<vmem>>) target(%dma_start3A_196 : memref<50000x16xf32, #tpu.memory_space<vmem_shared>>) offsets(%dma_start3A_193 : memref<128xi32, #tpu.memory_space<vmem>>) semaphore(%arg23 : memref<!tpu.dma_semaphore, #tpu.memory_space<semaphore_mem>>) {add = true}
      %dma_start3A_197 = arith.constant 7 : i32
      %dma_start3A_198 = arith.constant 384 : i32
      %dma_start3A_199 = arith.constant 0 : i32
      %dma_start3A_200 = tpu.memref_slice %arg11[%dma_start3A_198, %dma_start3A_199] : memref<512x16xf32, #tpu.memory_space<vmem>> -> memref<128x16xf32, #tpu.memory_space<vmem>>
      %dma_start3A_201 = arith.constant 0 : i32
      %dma_start3A_202 = tpu.memref_slice %arg7[%dma_start3A_197, %dma_start3A_201] : memref<12x128xi32, #tpu.memory_space<vmem>> -> memref<1x128xi32, #tpu.memory_space<vmem>>
      %dma_start3A_203 = tpu.memref_squeeze %dma_start3A_202 : memref<1x128xi32, #tpu.memory_space<vmem>> -> memref<128xi32, #tpu.memory_space<vmem>>
      %dma_start3A_204 = arith.constant 0 : i32
      %dma_start3A_205 = arith.constant 0 : i32
      %dma_start3A_206 = tpu.memref_slice %arg6[%dma_start3A_204, %dma_start3A_205] : memref<50000x16xf32, #tpu.memory_space<vmem_shared>> -> memref<50000x16xf32, #tpu.memory_space<vmem_shared>>
      tpu.enqueue_indirect_dma source(%dma_start3A_200 : memref<128x16xf32, #tpu.memory_space<vmem>>) target(%dma_start3A_206 : memref<50000x16xf32, #tpu.memory_space<vmem_shared>>) offsets(%dma_start3A_203 : memref<128xi32, #tpu.memory_space<vmem>>) semaphore(%arg23 : memref<!tpu.dma_semaphore, #tpu.memory_space<semaphore_mem>>) {add = true}
      %mul3A_207 = arith.constant 4 : i32
      %mul3A_208 = arith.muli %mul3A_207, %scan3A_133 : i32
      %add3A_209 = arith.constant 1 : i32
      %add3A_210 = arith.addi %mul3A_208, %add3A_209 : i32
      %gt3A_211 = arith.constant 0 : i32
      %gt3A_212 = arith.cmpi sgt, %add3A_210, %gt3A_211 : i32
      %convert_element_type3A_213 = arith.extui %gt3A_212 : i1 to i32
      %cond3A_214 = arith.constant 0 : i32
      %cond3A_215 = arith.cmpi ne, %convert_element_type3A_213, %cond3A_214 : i32
      scf.if %cond3A_215 {
        %dma_wait3A_432 = arith.constant 0 : i32
        %dma_wait3A_433 = arith.constant 0 : i32
        %dma_wait3A_434 = tpu.memref_slice %arg6[%dma_wait3A_432, %dma_wait3A_433] : memref<50000x16xf32, #tpu.memory_space<vmem_shared>> -> memref<512x16xf32, #tpu.memory_space<vmem_shared>>
        %dma_wait3A_435 = arith.constant 0 : i32
        %dma_wait3A_436 = arith.constant 0 : i32
        %dma_wait3A_437 = tpu.memref_slice %arg6[%dma_wait3A_435, %dma_wait3A_436] : memref<50000x16xf32, #tpu.memory_space<vmem_shared>> -> memref<512x16xf32, #tpu.memory_space<vmem_shared>>
        tpu.wait_dma2 semaphore(%arg23 : memref<!tpu.dma_semaphore, #tpu.memory_space<semaphore_mem>>) src(%arg11 : memref<512x16xf32, #tpu.memory_space<vmem>>) dst(%dma_wait3A_437 : memref<512x16xf32, #tpu.memory_space<vmem_shared>>)
      } else {
      }
      %add3A_216 = arith.constant 3 : i32
      %add3A_217 = arith.addi %add3A_210, %add3A_216 : i32
      %lt3A_218 = arith.constant 100 : i32
      %lt3A_219 = arith.cmpi slt, %add3A_217, %lt3A_218 : i32
      %convert_element_type3A_220 = arith.extui %lt3A_219 : i1 to i32
      %cond3A_221 = arith.constant 0 : i32
      %cond3A_222 = arith.cmpi ne, %convert_element_type3A_220, %cond3A_221 : i32
      scf.if %cond3A_222 {
        %add3A_432 = arith.constant 3 : i32
        %add3A_433 = arith.addi %add3A_210, %add3A_432 : i32
        %add3A_434 = arith.addi %mul3A_2, %add3A_433 : i32
        %mul3A_435 = arith.constant 12 : i32
        %mul3A_436 = arith.muli %mul3A_435, %add3A_434 : i32
        %dma_start3A_437 = arith.constant 0 : i32
        %dma_start3A_438 = tpu.memref_slice %arg3[%mul3A_436, %dma_start3A_437] : memref<38400x128xi32, #tpu.memory_space<hbm>> -> memref<12x128xi32, #tpu.memory_space<hbm>>
        %dma_start3A_439 = arith.constant 0 : i32
        %dma_start3A_440 = tpu.memref_slice %arg3[%mul3A_436, %dma_start3A_439] : memref<38400x128xi32, #tpu.memory_space<hbm>> -> memref<12x128xi32, #tpu.memory_space<hbm>>
        tpu.enqueue_dma source(%dma_start3A_440 : memref<12x128xi32, #tpu.memory_space<hbm>>) target(%arg7 : memref<12x128xi32, #tpu.memory_space<vmem>>) target_semaphore(%arg19 : memref<!tpu.dma_semaphore, #tpu.memory_space<semaphore_mem>>)
      } else {
      }
      %add3A_223 = arith.constant 2 : i32
      %add3A_224 = arith.addi %add3A_210, %add3A_223 : i32
      %lt3A_225 = arith.constant 100 : i32
      %lt3A_226 = arith.cmpi slt, %add3A_224, %lt3A_225 : i32
      %convert_element_type3A_227 = arith.extui %lt3A_226 : i1 to i32
      %cond3A_228 = arith.constant 0 : i32
      %cond3A_229 = arith.cmpi ne, %convert_element_type3A_227, %cond3A_228 : i32
      scf.if %cond3A_229 {
        %add3A_432 = arith.constant 0 : i32
        %add3A_433 = arith.addi %mul3A_2, %add3A_432 : i32
        %mul3A_434 = arith.constant 12 : i32
        %mul3A_435 = arith.muli %mul3A_434, %add3A_433 : i32
        %dma_wait3A_436 = arith.constant 0 : i32
        %dma_wait3A_437 = tpu.memref_slice %arg3[%mul3A_435, %dma_wait3A_436] : memref<38400x128xi32, #tpu.memory_space<hbm>> -> memref<12x128xi32, #tpu.memory_space<hbm>>
        %dma_wait3A_438 = arith.constant 0 : i32
        %dma_wait3A_439 = tpu.memref_slice %arg3[%mul3A_435, %dma_wait3A_438] : memref<38400x128xi32, #tpu.memory_space<hbm>> -> memref<12x128xi32, #tpu.memory_space<hbm>>
        tpu.wait_dma2 semaphore(%arg22 : memref<!tpu.dma_semaphore, #tpu.memory_space<semaphore_mem>>) src(%dma_wait3A_439 : memref<12x128xi32, #tpu.memory_space<hbm>>) dst(%arg10 : memref<12x128xi32, #tpu.memory_space<vmem>>)
        %dma_start3A_440 = arith.constant 0 : i32
        %dma_start3A_441 = arith.constant 0 : i32
        %dma_start3A_442 = arith.constant 0 : i32
        %dma_start3A_443 = tpu.memref_slice %arg14[%dma_start3A_441, %dma_start3A_442] : memref<512x16xf32, #tpu.memory_space<vmem>> -> memref<128x16xf32, #tpu.memory_space<vmem>>
        %dma_start3A_444 = arith.constant 0 : i32
        %dma_start3A_445 = tpu.memref_slice %arg10[%dma_start3A_440, %dma_start3A_444] : memref<12x128xi32, #tpu.memory_space<vmem>> -> memref<1x128xi32, #tpu.memory_space<vmem>>
        %dma_start3A_446 = tpu.memref_squeeze %dma_start3A_445 : memref<1x128xi32, #tpu.memory_space<vmem>> -> memref<128xi32, #tpu.memory_space<vmem>>
        %dma_start3A_447 = arith.constant 0 : i32
        %dma_start3A_448 = arith.constant 0 : i32
        %dma_start3A_449 = tpu.memref_slice %arg2[%dma_start3A_447, %dma_start3A_448] : memref<150000x16xf32, #tpu.memory_space<hbm>> -> memref<150000x16xf32, #tpu.memory_space<hbm>>
        tpu.enqueue_indirect_dma source(%dma_start3A_449 : memref<150000x16xf32, #tpu.memory_space<hbm>>) target(%dma_start3A_443 : memref<128x16xf32, #tpu.memory_space<vmem>>) offsets(%dma_start3A_446 : memref<128xi32, #tpu.memory_space<vmem>>) semaphore(%arg18 : memref<!tpu.dma_semaphore, #tpu.memory_space<semaphore_mem>>)
        %dma_start3A_450 = arith.constant 1 : i32
        %dma_start3A_451 = arith.constant 128 : i32
        %dma_start3A_452 = arith.constant 0 : i32
        %dma_start3A_453 = tpu.memref_slice %arg14[%dma_start3A_451, %dma_start3A_452] : memref<512x16xf32, #tpu.memory_space<vmem>> -> memref<128x16xf32, #tpu.memory_space<vmem>>
        %dma_start3A_454 = arith.constant 0 : i32
        %dma_start3A_455 = tpu.memref_slice %arg10[%dma_start3A_450, %dma_start3A_454] : memref<12x128xi32, #tpu.memory_space<vmem>> -> memref<1x128xi32, #tpu.memory_space<vmem>>
        %dma_start3A_456 = tpu.memref_squeeze %dma_start3A_455 : memref<1x128xi32, #tpu.memory_space<vmem>> -> memref<128xi32, #tpu.memory_space<vmem>>
        %dma_start3A_457 = arith.constant 0 : i32
        %dma_start3A_458 = arith.constant 0 : i32
        %dma_start3A_459 = tpu.memref_slice %arg2[%dma_start3A_457, %dma_start3A_458] : memref<150000x16xf32, #tpu.memory_space<hbm>> -> memref<150000x16xf32, #tpu.memory_space<hbm>>
        tpu.enqueue_indirect_dma source(%dma_start3A_459 : memref<150000x16xf32, #tpu.memory_space<hbm>>) target(%dma_start3A_453 : memref<128x16xf32, #tpu.memory_space<vmem>>) offsets(%dma_start3A_456 : memref<128xi32, #tpu.memory_space<vmem>>) semaphore(%arg18 : memref<!tpu.dma_semaphore, #tpu.memory_space<semaphore_mem>>)
        %dma_start3A_460 = arith.constant 2 : i32
        %dma_start3A_461 = arith.constant 256 : i32
        %dma_start3A_462 = arith.constant 0 : i32
        %dma_start3A_463 = tpu.memref_slice %arg14[%dma_start3A_461, %dma_start3A_462] : memref<512x16xf32, #tpu.memory_space<vmem>> -> memref<128x16xf32, #tpu.memory_space<vmem>>
        %dma_start3A_464 = arith.constant 0 : i32
        %dma_start3A_465 = tpu.memref_slice %arg10[%dma_start3A_460, %dma_start3A_464] : memref<12x128xi32, #tpu.memory_space<vmem>> -> memref<1x128xi32, #tpu.memory_space<vmem>>
        %dma_start3A_466 = tpu.memref_squeeze %dma_start3A_465 : memref<1x128xi32, #tpu.memory_space<vmem>> -> memref<128xi32, #tpu.memory_space<vmem>>
        %dma_start3A_467 = arith.constant 0 : i32
        %dma_start3A_468 = arith.constant 0 : i32
        %dma_start3A_469 = tpu.memref_slice %arg2[%dma_start3A_467, %dma_start3A_468] : memref<150000x16xf32, #tpu.memory_space<hbm>> -> memref<150000x16xf32, #tpu.memory_space<hbm>>
        tpu.enqueue_indirect_dma source(%dma_start3A_469 : memref<150000x16xf32, #tpu.memory_space<hbm>>) target(%dma_start3A_463 : memref<128x16xf32, #tpu.memory_space<vmem>>) offsets(%dma_start3A_466 : memref<128xi32, #tpu.memory_space<vmem>>) semaphore(%arg18 : memref<!tpu.dma_semaphore, #tpu.memory_space<semaphore_mem>>)
        %dma_start3A_470 = arith.constant 3 : i32
        %dma_start3A_471 = arith.constant 384 : i32
        %dma_start3A_472 = arith.constant 0 : i32
        %dma_start3A_473 = tpu.memref_slice %arg14[%dma_start3A_471, %dma_start3A_472] : memref<512x16xf32, #tpu.memory_space<vmem>> -> memref<128x16xf32, #tpu.memory_space<vmem>>
        %dma_start3A_474 = arith.constant 0 : i32
        %dma_start3A_475 = tpu.memref_slice %arg10[%dma_start3A_470, %dma_start3A_474] : memref<12x128xi32, #tpu.memory_space<vmem>> -> memref<1x128xi32, #tpu.memory_space<vmem>>
        %dma_start3A_476 = tpu.memref_squeeze %dma_start3A_475 : memref<1x128xi32, #tpu.memory_space<vmem>> -> memref<128xi32, #tpu.memory_space<vmem>>
        %dma_start3A_477 = arith.constant 0 : i32
        %dma_start3A_478 = arith.constant 0 : i32
        %dma_start3A_479 = tpu.memref_slice %arg2[%dma_start3A_477, %dma_start3A_478] : memref<150000x16xf32, #tpu.memory_space<hbm>> -> memref<150000x16xf32, #tpu.memory_space<hbm>>
        tpu.enqueue_indirect_dma source(%dma_start3A_479 : memref<150000x16xf32, #tpu.memory_space<hbm>>) target(%dma_start3A_473 : memref<128x16xf32, #tpu.memory_space<vmem>>) offsets(%dma_start3A_476 : memref<128xi32, #tpu.memory_space<vmem>>) semaphore(%arg18 : memref<!tpu.dma_semaphore, #tpu.memory_space<semaphore_mem>>)
      } else {
      }
      %dma_wait3A_230 = arith.constant 0 : i32
      %dma_wait3A_231 = arith.constant 0 : i32
      %dma_wait3A_232 = tpu.memref_slice %arg2[%dma_wait3A_230, %dma_wait3A_231] : memref<150000x16xf32, #tpu.memory_space<hbm>> -> memref<512x16xf32, #tpu.memory_space<hbm>>
      %dma_wait3A_233 = arith.constant 0 : i32
      %dma_wait3A_234 = arith.constant 0 : i32
      %dma_wait3A_235 = tpu.memref_slice %arg2[%dma_wait3A_233, %dma_wait3A_234] : memref<150000x16xf32, #tpu.memory_space<hbm>> -> memref<512x16xf32, #tpu.memory_space<hbm>>
      tpu.wait_dma2 semaphore(%arg16 : memref<!tpu.dma_semaphore, #tpu.memory_space<semaphore_mem>>) src(%dma_wait3A_235 : memref<512x16xf32, #tpu.memory_space<hbm>>) dst(%arg12 : memref<512x16xf32, #tpu.memory_space<vmem>>)
      %scan3A_236 = arith.constant 0 : i32
      %scan3A_237 = arith.constant 0 : i32
      %scan3A_238 = arith.constant 32 : i32
      %scan3A_239 = arith.addi %scan3A_237, %scan3A_238 : i32
      %scan3A_240 = arith.constant 1 : i32
      scf.for %scan3A_432 = %scan3A_237 to %scan3A_239 step %scan3A_240  : i32 {
        %jit3A = arith.constant 8 : i32
        %div3A = arith.divsi %scan3A_432, %jit3A : i32
        %sign3A = arith.constant 0 : i32
        %sign3A_433 = arith.cmpi sgt, %scan3A_432, %sign3A : i32
        %sign3A_434 = arith.extui %sign3A_433 : i1 to i32
        %sign3A_435 = arith.constant 0 : i32
        %sign3A_436 = arith.cmpi slt, %scan3A_432, %sign3A_435 : i32
        %sign3A_437 = arith.extui %sign3A_436 : i1 to i32
        %sign3A_438 = arith.subi %sign3A_434, %sign3A_437 : i32
        %sign3A_439 = arith.constant 0 : i32
        %sign3A_440 = arith.cmpi sgt, %jit3A, %sign3A_439 : i32
        %sign3A_441 = arith.extui %sign3A_440 : i1 to i32
        %sign3A_442 = arith.constant 0 : i32
        %sign3A_443 = arith.cmpi slt, %jit3A, %sign3A_442 : i32
        %sign3A_444 = arith.extui %sign3A_443 : i1 to i32
        %sign3A_445 = arith.subi %sign3A_441, %sign3A_444 : i32
        %ne3A = arith.cmpi ne, %sign3A_438, %sign3A_445 : i32
        %rem3A = arith.remsi %scan3A_432, %jit3A : i32
        %ne3A_446 = arith.constant 0 : i32
        %ne3A_447 = arith.cmpi ne, %rem3A, %ne3A_446 : i32
        %and3A = arith.andi %ne3A, %ne3A_447 : i1
        %sub3A = arith.constant 1 : i32
        %sub3A_448 = arith.subi %div3A, %sub3A : i32
        %select_n3A = arith.select %and3A, %sub3A_448, %div3A : i32
        %mul3A_449 = arith.constant 8 : i32
        %mul3A_450 = arith.muli %mul3A_449, %select_n3A : i32
        %sub3A_451 = arith.subi %scan3A_432, %mul3A_450 : i32
        %add3A_452 = arith.constant 8 : i32
        %add3A_453 = arith.addi %add3A_452, %select_n3A : i32
        %mul3A_454 = arith.constant 16 : i32
        %mul3A_455 = arith.muli %sub3A_451, %mul3A_454 : i32
        %get3A = arith.index_cast %add3A_453 : i32 to index
        %get3A_456 = arith.index_cast %mul3A_455 : i32 to index
        %get3A_457 = tpu.vector_load %arg8[%get3A, %get3A_456] {strides = array<i32>} : memref<12x128xi32, #tpu.memory_space<vmem>>, vector<16xi32>,
        %bitcast3A = vector.bitcast %get3A_457 : vector<16xi32> to vector<16xf32>
        %mul3A_458 = arith.constant 16 : i32
        %mul3A_459 = arith.muli %scan3A_432, %mul3A_458 : i32
        %add3A_460 = arith.constant 0 : i32
        %add3A_461 = arith.addi %mul3A_459, %add3A_460 : i32
        %get3A_462 = arith.index_cast %add3A_461 : i32 to index
        %get3A_463 = arith.constant 0 : index
        %get3A_464 = tpu.vector_load %arg12[%get3A_462, %get3A_463] {strides = array<i32>} : memref<512x16xf32, #tpu.memory_space<vmem>>, vector<16xf32>,
        %slice3A = vector.extract_strided_slice %bitcast3A {offsets = [0], sizes = [1], strides = [1]} : vector<16xf32> to vector<1xf32>
        %squeeze3A = vector.extract %slice3A[0] : f32 from vector<1xf32>
        %mul3A_465 = vector.broadcast %squeeze3A : f32 to vector<16xf32>
        %mul3A_466 = arith.mulf %get3A_464, %mul3A_465 : vector<16xf32>
        %swap3A = arith.index_cast %add3A_461 : i32 to index
        %swap3A_467 = arith.constant 0 : index
        %swap3A_468 = tpu.vector_load %arg12[%swap3A, %swap3A_467] {strides = array<i32>} : memref<512x16xf32, #tpu.memory_space<vmem>>, vector<16xf32>,
        tpu.vector_store %arg12[%swap3A, %swap3A_467], %mul3A_466 {strides = array<i32>} : memref<512x16xf32, #tpu.memory_space<vmem>>, vector<16xf32>,
        %mul3A_469 = arith.constant 16 : i32
        %mul3A_470 = arith.muli %scan3A_432, %mul3A_469 : i32
        %add3A_471 = arith.constant 1 : i32
        %add3A_472 = arith.addi %mul3A_470, %add3A_471 : i32
        %get3A_473 = arith.index_cast %add3A_472 : i32 to index
        %get3A_474 = arith.constant 0 : index
        %get3A_475 = tpu.vector_load %arg12[%get3A_473, %get3A_474] {strides = array<i32>} : memref<512x16xf32, #tpu.memory_space<vmem>>, vector<16xf32>,
        %slice3A_476 = vector.extract_strided_slice %bitcast3A {offsets = [1], sizes = [1], strides = [1]} : vector<16xf32> to vector<1xf32>
        %squeeze3A_477 = vector.extract %slice3A_476[0] : f32 from vector<1xf32>
        %mul3A_478 = vector.broadcast %squeeze3A_477 : f32 to vector<16xf32>
        %mul3A_479 = arith.mulf %get3A_475, %mul3A_478 : vector<16xf32>
        %swap3A_480 = arith.index_cast %add3A_472 : i32 to index
        %swap3A_481 = arith.constant 0 : index
        %swap3A_482 = tpu.vector_load %arg12[%swap3A_480, %swap3A_481] {strides = array<i32>} : memref<512x16xf32, #tpu.memory_space<vmem>>, vector<16xf32>,
        tpu.vector_store %arg12[%swap3A_480, %swap3A_481], %mul3A_479 {strides = array<i32>} : memref<512x16xf32, #tpu.memory_space<vmem>>, vector<16xf32>,
        %mul3A_483 = arith.constant 16 : i32
        %mul3A_484 = arith.muli %scan3A_432, %mul3A_483 : i32
        %add3A_485 = arith.constant 2 : i32
        %add3A_486 = arith.addi %mul3A_484, %add3A_485 : i32
        %get3A_487 = arith.index_cast %add3A_486 : i32 to index
        %get3A_488 = arith.constant 0 : index
        %get3A_489 = tpu.vector_load %arg12[%get3A_487, %get3A_488] {strides = array<i32>} : memref<512x16xf32, #tpu.memory_space<vmem>>, vector<16xf32>,
        %slice3A_490 = vector.extract_strided_slice %bitcast3A {offsets = [2], sizes = [1], strides = [1]} : vector<16xf32> to vector<1xf32>
        %squeeze3A_491 = vector.extract %slice3A_490[0] : f32 from vector<1xf32>
        %mul3A_492 = vector.broadcast %squeeze3A_491 : f32 to vector<16xf32>
        %mul3A_493 = arith.mulf %get3A_489, %mul3A_492 : vector<16xf32>
        %swap3A_494 = arith.index_cast %add3A_486 : i32 to index
        %swap3A_495 = arith.constant 0 : index
        %swap3A_496 = tpu.vector_load %arg12[%swap3A_494, %swap3A_495] {strides = array<i32>} : memref<512x16xf32, #tpu.memory_space<vmem>>, vector<16xf32>,
        tpu.vector_store %arg12[%swap3A_494, %swap3A_495], %mul3A_493 {strides = array<i32>} : memref<512x16xf32, #tpu.memory_space<vmem>>, vector<16xf32>,
        %mul3A_497 = arith.constant 16 : i32
        %mul3A_498 = arith.muli %scan3A_432, %mul3A_497 : i32
        %add3A_499 = arith.constant 3 : i32
        %add3A_500 = arith.addi %mul3A_498, %add3A_499 : i32
        %get3A_501 = arith.index_cast %add3A_500 : i32 to index
        %get3A_502 = arith.constant 0 : index
        %get3A_503 = tpu.vector_load %arg12[%get3A_501, %get3A_502] {strides = array<i32>} : memref<512x16xf32, #tpu.memory_space<vmem>>, vector<16xf32>,
        %slice3A_504 = vector.extract_strided_slice %bitcast3A {offsets = [3], sizes = [1], strides = [1]} : vector<16xf32> to vector<1xf32>
        %squeeze3A_505 = vector.extract %slice3A_504[0] : f32 from vector<1xf32>
        %mul3A_506 = vector.broadcast %squeeze3A_505 : f32 to vector<16xf32>
        %mul3A_507 = arith.mulf %get3A_503, %mul3A_506 : vector<16xf32>
        %swap3A_508 = arith.index_cast %add3A_500 : i32 to index
        %swap3A_509 = arith.constant 0 : index
        %swap3A_510 = tpu.vector_load %arg12[%swap3A_508, %swap3A_509] {strides = array<i32>} : memref<512x16xf32, #tpu.memory_space<vmem>>, vector<16xf32>,
        tpu.vector_store %arg12[%swap3A_508, %swap3A_509], %mul3A_507 {strides = array<i32>} : memref<512x16xf32, #tpu.memory_space<vmem>>, vector<16xf32>,
        %mul3A_511 = arith.constant 16 : i32
        %mul3A_512 = arith.muli %scan3A_432, %mul3A_511 : i32
        %add3A_513 = arith.constant 4 : i32
        %add3A_514 = arith.addi %mul3A_512, %add3A_513 : i32
        %get3A_515 = arith.index_cast %add3A_514 : i32 to index
        %get3A_516 = arith.constant 0 : index
        %get3A_517 = tpu.vector_load %arg12[%get3A_515, %get3A_516] {strides = array<i32>} : memref<512x16xf32, #tpu.memory_space<vmem>>, vector<16xf32>,
        %slice3A_518 = vector.extract_strided_slice %bitcast3A {offsets = [4], sizes = [1], strides = [1]} : vector<16xf32> to vector<1xf32>
        %squeeze3A_519 = vector.extract %slice3A_518[0] : f32 from vector<1xf32>
        %mul3A_520 = vector.broadcast %squeeze3A_519 : f32 to vector<16xf32>
        %mul3A_521 = arith.mulf %get3A_517, %mul3A_520 : vector<16xf32>
        %swap3A_522 = arith.index_cast %add3A_514 : i32 to index
        %swap3A_523 = arith.constant 0 : index
        %swap3A_524 = tpu.vector_load %arg12[%swap3A_522, %swap3A_523] {strides = array<i32>} : memref<512x16xf32, #tpu.memory_space<vmem>>, vector<16xf32>,
        tpu.vector_store %arg12[%swap3A_522, %swap3A_523], %mul3A_521 {strides = array<i32>} : memref<512x16xf32, #tpu.memory_space<vmem>>, vector<16xf32>,
        %mul3A_525 = arith.constant 16 : i32
        %mul3A_526 = arith.muli %scan3A_432, %mul3A_525 : i32
        %add3A_527 = arith.constant 5 : i32
        %add3A_528 = arith.addi %mul3A_526, %add3A_527 : i32
        %get3A_529 = arith.index_cast %add3A_528 : i32 to index
        %get3A_530 = arith.constant 0 : index
        %get3A_531 = tpu.vector_load %arg12[%get3A_529, %get3A_530] {strides = array<i32>} : memref<512x16xf32, #tpu.memory_space<vmem>>, vector<16xf32>,
        %slice3A_532 = vector.extract_strided_slice %bitcast3A {offsets = [5], sizes = [1], strides = [1]} : vector<16xf32> to vector<1xf32>
        %squeeze3A_533 = vector.extract %slice3A_532[0] : f32 from vector<1xf32>
        %mul3A_534 = vector.broadcast %squeeze3A_533 : f32 to vector<16xf32>
        %mul3A_535 = arith.mulf %get3A_531, %mul3A_534 : vector<16xf32>
        %swap3A_536 = arith.index_cast %add3A_528 : i32 to index
        %swap3A_537 = arith.constant 0 : index
        %swap3A_538 = tpu.vector_load %arg12[%swap3A_536, %swap3A_537] {strides = array<i32>} : memref<512x16xf32, #tpu.memory_space<vmem>>, vector<16xf32>,
        tpu.vector_store %arg12[%swap3A_536, %swap3A_537], %mul3A_535 {strides = array<i32>} : memref<512x16xf32, #tpu.memory_space<vmem>>, vector<16xf32>,
        %mul3A_539 = arith.constant 16 : i32
        %mul3A_540 = arith.muli %scan3A_432, %mul3A_539 : i32
        %add3A_541 = arith.constant 6 : i32
        %add3A_542 = arith.addi %mul3A_540, %add3A_541 : i32
        %get3A_543 = arith.index_cast %add3A_542 : i32 to index
        %get3A_544 = arith.constant 0 : index
        %get3A_545 = tpu.vector_load %arg12[%get3A_543, %get3A_544] {strides = array<i32>} : memref<512x16xf32, #tpu.memory_space<vmem>>, vector<16xf32>,
        %slice3A_546 = vector.extract_strided_slice %bitcast3A {offsets = [6], sizes = [1], strides = [1]} : vector<16xf32> to vector<1xf32>
        %squeeze3A_547 = vector.extract %slice3A_546[0] : f32 from vector<1xf32>
        %mul3A_548 = vector.broadcast %squeeze3A_547 : f32 to vector<16xf32>
        %mul3A_549 = arith.mulf %get3A_545, %mul3A_548 : vector<16xf32>
        %swap3A_550 = arith.index_cast %add3A_542 : i32 to index
        %swap3A_551 = arith.constant 0 : index
        %swap3A_552 = tpu.vector_load %arg12[%swap3A_550, %swap3A_551] {strides = array<i32>} : memref<512x16xf32, #tpu.memory_space<vmem>>, vector<16xf32>,
        tpu.vector_store %arg12[%swap3A_550, %swap3A_551], %mul3A_549 {strides = array<i32>} : memref<512x16xf32, #tpu.memory_space<vmem>>, vector<16xf32>,
        %mul3A_553 = arith.constant 16 : i32
        %mul3A_554 = arith.muli %scan3A_432, %mul3A_553 : i32
        %add3A_555 = arith.constant 7 : i32
        %add3A_556 = arith.addi %mul3A_554, %add3A_555 : i32
        %get3A_557 = arith.index_cast %add3A_556 : i32 to index
        %get3A_558 = arith.constant 0 : index
        %get3A_559 = tpu.vector_load %arg12[%get3A_557, %get3A_558] {strides = array<i32>} : memref<512x16xf32, #tpu.memory_space<vmem>>, vector<16xf32>,
        %slice3A_560 = vector.extract_strided_slice %bitcast3A {offsets = [7], sizes = [1], strides = [1]} : vector<16xf32> to vector<1xf32>
        %squeeze3A_561 = vector.extract %slice3A_560[0] : f32 from vector<1xf32>
        %mul3A_562 = vector.broadcast %squeeze3A_561 : f32 to vector<16xf32>
        %mul3A_563 = arith.mulf %get3A_559, %mul3A_562 : vector<16xf32>
        %swap3A_564 = arith.index_cast %add3A_556 : i32 to index
        %swap3A_565 = arith.constant 0 : index
        %swap3A_566 = tpu.vector_load %arg12[%swap3A_564, %swap3A_565] {strides = array<i32>} : memref<512x16xf32, #tpu.memory_space<vmem>>, vector<16xf32>,
        tpu.vector_store %arg12[%swap3A_564, %swap3A_565], %mul3A_563 {strides = array<i32>} : memref<512x16xf32, #tpu.memory_space<vmem>>, vector<16xf32>,
        %mul3A_567 = arith.constant 16 : i32
        %mul3A_568 = arith.muli %scan3A_432, %mul3A_567 : i32
        %add3A_569 = arith.constant 8 : i32
        %add3A_570 = arith.addi %mul3A_568, %add3A_569 : i32
        %get3A_571 = arith.index_cast %add3A_570 : i32 to index
        %get3A_572 = arith.constant 0 : index
        %get3A_573 = tpu.vector_load %arg12[%get3A_571, %get3A_572] {strides = array<i32>} : memref<512x16xf32, #tpu.memory_space<vmem>>, vector<16xf32>,
        %slice3A_574 = vector.extract_strided_slice %bitcast3A {offsets = [8], sizes = [1], strides = [1]} : vector<16xf32> to vector<1xf32>
        %squeeze3A_575 = vector.extract %slice3A_574[0] : f32 from vector<1xf32>
        %mul3A_576 = vector.broadcast %squeeze3A_575 : f32 to vector<16xf32>
        %mul3A_577 = arith.mulf %get3A_573, %mul3A_576 : vector<16xf32>
        %swap3A_578 = arith.index_cast %add3A_570 : i32 to index
        %swap3A_579 = arith.constant 0 : index
        %swap3A_580 = tpu.vector_load %arg12[%swap3A_578, %swap3A_579] {strides = array<i32>} : memref<512x16xf32, #tpu.memory_space<vmem>>, vector<16xf32>,
        tpu.vector_store %arg12[%swap3A_578, %swap3A_579], %mul3A_577 {strides = array<i32>} : memref<512x16xf32, #tpu.memory_space<vmem>>, vector<16xf32>,
        %mul3A_581 = arith.constant 16 : i32
        %mul3A_582 = arith.muli %scan3A_432, %mul3A_581 : i32
        %add3A_583 = arith.constant 9 : i32
        %add3A_584 = arith.addi %mul3A_582, %add3A_583 : i32
        %get3A_585 = arith.index_cast %add3A_584 : i32 to index
        %get3A_586 = arith.constant 0 : index
        %get3A_587 = tpu.vector_load %arg12[%get3A_585, %get3A_586] {strides = array<i32>} : memref<512x16xf32, #tpu.memory_space<vmem>>, vector<16xf32>,
        %slice3A_588 = vector.extract_strided_slice %bitcast3A {offsets = [9], sizes = [1], strides = [1]} : vector<16xf32> to vector<1xf32>
        %squeeze3A_589 = vector.extract %slice3A_588[0] : f32 from vector<1xf32>
        %mul3A_590 = vector.broadcast %squeeze3A_589 : f32 to vector<16xf32>
        %mul3A_591 = arith.mulf %get3A_587, %mul3A_590 : vector<16xf32>
        %swap3A_592 = arith.index_cast %add3A_584 : i32 to index
        %swap3A_593 = arith.constant 0 : index
        %swap3A_594 = tpu.vector_load %arg12[%swap3A_592, %swap3A_593] {strides = array<i32>} : memref<512x16xf32, #tpu.memory_space<vmem>>, vector<16xf32>,
        tpu.vector_store %arg12[%swap3A_592, %swap3A_593], %mul3A_591 {strides = array<i32>} : memref<512x16xf32, #tpu.memory_space<vmem>>, vector<16xf32>,
        %mul3A_595 = arith.constant 16 : i32
        %mul3A_596 = arith.muli %scan3A_432, %mul3A_595 : i32
        %add3A_597 = arith.constant 10 : i32
        %add3A_598 = arith.addi %mul3A_596, %add3A_597 : i32
        %get3A_599 = arith.index_cast %add3A_598 : i32 to index
        %get3A_600 = arith.constant 0 : index
        %get3A_601 = tpu.vector_load %arg12[%get3A_599, %get3A_600] {strides = array<i32>} : memref<512x16xf32, #tpu.memory_space<vmem>>, vector<16xf32>,
        %slice3A_602 = vector.extract_strided_slice %bitcast3A {offsets = [10], sizes = [1], strides = [1]} : vector<16xf32> to vector<1xf32>
        %squeeze3A_603 = vector.extract %slice3A_602[0] : f32 from vector<1xf32>
        %mul3A_604 = vector.broadcast %squeeze3A_603 : f32 to vector<16xf32>
        %mul3A_605 = arith.mulf %get3A_601, %mul3A_604 : vector<16xf32>
        %swap3A_606 = arith.index_cast %add3A_598 : i32 to index
        %swap3A_607 = arith.constant 0 : index
        %swap3A_608 = tpu.vector_load %arg12[%swap3A_606, %swap3A_607] {strides = array<i32>} : memref<512x16xf32, #tpu.memory_space<vmem>>, vector<16xf32>,
        tpu.vector_store %arg12[%swap3A_606, %swap3A_607], %mul3A_605 {strides = array<i32>} : memref<512x16xf32, #tpu.memory_space<vmem>>, vector<16xf32>,
        %mul3A_609 = arith.constant 16 : i32
        %mul3A_610 = arith.muli %scan3A_432, %mul3A_609 : i32
        %add3A_611 = arith.constant 11 : i32
        %add3A_612 = arith.addi %mul3A_610, %add3A_611 : i32
        %get3A_613 = arith.index_cast %add3A_612 : i32 to index
        %get3A_614 = arith.constant 0 : index
        %get3A_615 = tpu.vector_load %arg12[%get3A_613, %get3A_614] {strides = array<i32>} : memref<512x16xf32, #tpu.memory_space<vmem>>, vector<16xf32>,
        %slice3A_616 = vector.extract_strided_slice %bitcast3A {offsets = [11], sizes = [1], strides = [1]} : vector<16xf32> to vector<1xf32>
        %squeeze3A_617 = vector.extract %slice3A_616[0] : f32 from vector<1xf32>
        %mul3A_618 = vector.broadcast %squeeze3A_617 : f32 to vector<16xf32>
        %mul3A_619 = arith.mulf %get3A_615, %mul3A_618 : vector<16xf32>
        %swap3A_620 = arith.index_cast %add3A_612 : i32 to index
        %swap3A_621 = arith.constant 0 : index
        %swap3A_622 = tpu.vector_load %arg12[%swap3A_620, %swap3A_621] {strides = array<i32>} : memref<512x16xf32, #tpu.memory_space<vmem>>, vector<16xf32>,
        tpu.vector_store %arg12[%swap3A_620, %swap3A_621], %mul3A_619 {strides = array<i32>} : memref<512x16xf32, #tpu.memory_space<vmem>>, vector<16xf32>,
        %mul3A_623 = arith.constant 16 : i32
        %mul3A_624 = arith.muli %scan3A_432, %mul3A_623 : i32
        %add3A_625 = arith.constant 12 : i32
        %add3A_626 = arith.addi %mul3A_624, %add3A_625 : i32
        %get3A_627 = arith.index_cast %add3A_626 : i32 to index
        %get3A_628 = arith.constant 0 : index
        %get3A_629 = tpu.vector_load %arg12[%get3A_627, %get3A_628] {strides = array<i32>} : memref<512x16xf32, #tpu.memory_space<vmem>>, vector<16xf32>,
        %slice3A_630 = vector.extract_strided_slice %bitcast3A {offsets = [12], sizes = [1], strides = [1]} : vector<16xf32> to vector<1xf32>
        %squeeze3A_631 = vector.extract %slice3A_630[0] : f32 from vector<1xf32>
        %mul3A_632 = vector.broadcast %squeeze3A_631 : f32 to vector<16xf32>
        %mul3A_633 = arith.mulf %get3A_629, %mul3A_632 : vector<16xf32>
        %swap3A_634 = arith.index_cast %add3A_626 : i32 to index
        %swap3A_635 = arith.constant 0 : index
        %swap3A_636 = tpu.vector_load %arg12[%swap3A_634, %swap3A_635] {strides = array<i32>} : memref<512x16xf32, #tpu.memory_space<vmem>>, vector<16xf32>,
        tpu.vector_store %arg12[%swap3A_634, %swap3A_635], %mul3A_633 {strides = array<i32>} : memref<512x16xf32, #tpu.memory_space<vmem>>, vector<16xf32>,
        %mul3A_637 = arith.constant 16 : i32
        %mul3A_638 = arith.muli %scan3A_432, %mul3A_637 : i32
        %add3A_639 = arith.constant 13 : i32
        %add3A_640 = arith.addi %mul3A_638, %add3A_639 : i32
        %get3A_641 = arith.index_cast %add3A_640 : i32 to index
        %get3A_642 = arith.constant 0 : index
        %get3A_643 = tpu.vector_load %arg12[%get3A_641, %get3A_642] {strides = array<i32>} : memref<512x16xf32, #tpu.memory_space<vmem>>, vector<16xf32>,
        %slice3A_644 = vector.extract_strided_slice %bitcast3A {offsets = [13], sizes = [1], strides = [1]} : vector<16xf32> to vector<1xf32>
        %squeeze3A_645 = vector.extract %slice3A_644[0] : f32 from vector<1xf32>
        %mul3A_646 = vector.broadcast %squeeze3A_645 : f32 to vector<16xf32>
        %mul3A_647 = arith.mulf %get3A_643, %mul3A_646 : vector<16xf32>
        %swap3A_648 = arith.index_cast %add3A_640 : i32 to index
        %swap3A_649 = arith.constant 0 : index
        %swap3A_650 = tpu.vector_load %arg12[%swap3A_648, %swap3A_649] {strides = array<i32>} : memref<512x16xf32, #tpu.memory_space<vmem>>, vector<16xf32>,
        tpu.vector_store %arg12[%swap3A_648, %swap3A_649], %mul3A_647 {strides = array<i32>} : memref<512x16xf32, #tpu.memory_space<vmem>>, vector<16xf32>,
        %mul3A_651 = arith.constant 16 : i32
        %mul3A_652 = arith.muli %scan3A_432, %mul3A_651 : i32
        %add3A_653 = arith.constant 14 : i32
        %add3A_654 = arith.addi %mul3A_652, %add3A_653 : i32
        %get3A_655 = arith.index_cast %add3A_654 : i32 to index
        %get3A_656 = arith.constant 0 : index
        %get3A_657 = tpu.vector_load %arg12[%get3A_655, %get3A_656] {strides = array<i32>} : memref<512x16xf32, #tpu.memory_space<vmem>>, vector<16xf32>,
        %slice3A_658 = vector.extract_strided_slice %bitcast3A {offsets = [14], sizes = [1], strides = [1]} : vector<16xf32> to vector<1xf32>
        %squeeze3A_659 = vector.extract %slice3A_658[0] : f32 from vector<1xf32>
        %mul3A_660 = vector.broadcast %squeeze3A_659 : f32 to vector<16xf32>
        %mul3A_661 = arith.mulf %get3A_657, %mul3A_660 : vector<16xf32>
        %swap3A_662 = arith.index_cast %add3A_654 : i32 to index
        %swap3A_663 = arith.constant 0 : index
        %swap3A_664 = tpu.vector_load %arg12[%swap3A_662, %swap3A_663] {strides = array<i32>} : memref<512x16xf32, #tpu.memory_space<vmem>>, vector<16xf32>,
        tpu.vector_store %arg12[%swap3A_662, %swap3A_663], %mul3A_661 {strides = array<i32>} : memref<512x16xf32, #tpu.memory_space<vmem>>, vector<16xf32>,
        %mul3A_665 = arith.constant 16 : i32
        %mul3A_666 = arith.muli %scan3A_432, %mul3A_665 : i32
        %add3A_667 = arith.constant 15 : i32
        %add3A_668 = arith.addi %mul3A_666, %add3A_667 : i32
        %get3A_669 = arith.index_cast %add3A_668 : i32 to index
        %get3A_670 = arith.constant 0 : index
        %get3A_671 = tpu.vector_load %arg12[%get3A_669, %get3A_670] {strides = array<i32>} : memref<512x16xf32, #tpu.memory_space<vmem>>, vector<16xf32>,
        %slice3A_672 = vector.extract_strided_slice %bitcast3A {offsets = [15], sizes = [1], strides = [1]} : vector<16xf32> to vector<1xf32>
        %squeeze3A_673 = vector.extract %slice3A_672[0] : f32 from vector<1xf32>
        %mul3A_674 = vector.broadcast %squeeze3A_673 : f32 to vector<16xf32>
        %mul3A_675 = arith.mulf %get3A_671, %mul3A_674 : vector<16xf32>
        %swap3A_676 = arith.index_cast %add3A_668 : i32 to index
        %swap3A_677 = arith.constant 0 : index
        %swap3A_678 = tpu.vector_load %arg12[%swap3A_676, %swap3A_677] {strides = array<i32>} : memref<512x16xf32, #tpu.memory_space<vmem>>, vector<16xf32>,
        tpu.vector_store %arg12[%swap3A_676, %swap3A_677], %mul3A_675 {strides = array<i32>} : memref<512x16xf32, #tpu.memory_space<vmem>>, vector<16xf32>,
      }
      %scan3A_241 = arith.constant 32 : i32
      %dma_start3A_242 = arith.constant 4 : i32
      %dma_start3A_243 = arith.constant 0 : i32
      %dma_start3A_244 = arith.constant 0 : i32
      %dma_start3A_245 = tpu.memref_slice %arg12[%dma_start3A_243, %dma_start3A_244] : memref<512x16xf32, #tpu.memory_space<vmem>> -> memref<128x16xf32, #tpu.memory_space<vmem>>
      %dma_start3A_246 = arith.constant 0 : i32
      %dma_start3A_247 = tpu.memref_slice %arg8[%dma_start3A_242, %dma_start3A_246] : memref<12x128xi32, #tpu.memory_space<vmem>> -> memref<1x128xi32, #tpu.memory_space<vmem>>
      %dma_start3A_248 = tpu.memref_squeeze %dma_start3A_247 : memref<1x128xi32, #tpu.memory_space<vmem>> -> memref<128xi32, #tpu.memory_space<vmem>>
      %dma_start3A_249 = arith.constant 0 : i32
      %dma_start3A_250 = arith.constant 0 : i32
      %dma_start3A_251 = tpu.memref_slice %arg6[%dma_start3A_249, %dma_start3A_250] : memref<50000x16xf32, #tpu.memory_space<vmem_shared>> -> memref<50000x16xf32, #tpu.memory_space<vmem_shared>>
      tpu.enqueue_indirect_dma source(%dma_start3A_245 : memref<128x16xf32, #tpu.memory_space<vmem>>) target(%dma_start3A_251 : memref<50000x16xf32, #tpu.memory_space<vmem_shared>>) offsets(%dma_start3A_248 : memref<128xi32, #tpu.memory_space<vmem>>) semaphore(%arg24 : memref<!tpu.dma_semaphore, #tpu.memory_space<semaphore_mem>>) {add = true}
      %dma_start3A_252 = arith.constant 5 : i32
      %dma_start3A_253 = arith.constant 128 : i32
      %dma_start3A_254 = arith.constant 0 : i32
      %dma_start3A_255 = tpu.memref_slice %arg12[%dma_start3A_253, %dma_start3A_254] : memref<512x16xf32, #tpu.memory_space<vmem>> -> memref<128x16xf32, #tpu.memory_space<vmem>>
      %dma_start3A_256 = arith.constant 0 : i32
      %dma_start3A_257 = tpu.memref_slice %arg8[%dma_start3A_252, %dma_start3A_256] : memref<12x128xi32, #tpu.memory_space<vmem>> -> memref<1x128xi32, #tpu.memory_space<vmem>>
      %dma_start3A_258 = tpu.memref_squeeze %dma_start3A_257 : memref<1x128xi32, #tpu.memory_space<vmem>> -> memref<128xi32, #tpu.memory_space<vmem>>
      %dma_start3A_259 = arith.constant 0 : i32
      %dma_start3A_260 = arith.constant 0 : i32
      %dma_start3A_261 = tpu.memref_slice %arg6[%dma_start3A_259, %dma_start3A_260] : memref<50000x16xf32, #tpu.memory_space<vmem_shared>> -> memref<50000x16xf32, #tpu.memory_space<vmem_shared>>
      tpu.enqueue_indirect_dma source(%dma_start3A_255 : memref<128x16xf32, #tpu.memory_space<vmem>>) target(%dma_start3A_261 : memref<50000x16xf32, #tpu.memory_space<vmem_shared>>) offsets(%dma_start3A_258 : memref<128xi32, #tpu.memory_space<vmem>>) semaphore(%arg24 : memref<!tpu.dma_semaphore, #tpu.memory_space<semaphore_mem>>) {add = true}
      %dma_start3A_262 = arith.constant 6 : i32
      %dma_start3A_263 = arith.constant 256 : i32
      %dma_start3A_264 = arith.constant 0 : i32
      %dma_start3A_265 = tpu.memref_slice %arg12[%dma_start3A_263, %dma_start3A_264] : memref<512x16xf32, #tpu.memory_space<vmem>> -> memref<128x16xf32, #tpu.memory_space<vmem>>
      %dma_start3A_266 = arith.constant 0 : i32
      %dma_start3A_267 = tpu.memref_slice %arg8[%dma_start3A_262, %dma_start3A_266] : memref<12x128xi32, #tpu.memory_space<vmem>> -> memref<1x128xi32, #tpu.memory_space<vmem>>
      %dma_start3A_268 = tpu.memref_squeeze %dma_start3A_267 : memref<1x128xi32, #tpu.memory_space<vmem>> -> memref<128xi32, #tpu.memory_space<vmem>>
      %dma_start3A_269 = arith.constant 0 : i32
      %dma_start3A_270 = arith.constant 0 : i32
      %dma_start3A_271 = tpu.memref_slice %arg6[%dma_start3A_269, %dma_start3A_270] : memref<50000x16xf32, #tpu.memory_space<vmem_shared>> -> memref<50000x16xf32, #tpu.memory_space<vmem_shared>>
      tpu.enqueue_indirect_dma source(%dma_start3A_265 : memref<128x16xf32, #tpu.memory_space<vmem>>) target(%dma_start3A_271 : memref<50000x16xf32, #tpu.memory_space<vmem_shared>>) offsets(%dma_start3A_268 : memref<128xi32, #tpu.memory_space<vmem>>) semaphore(%arg24 : memref<!tpu.dma_semaphore, #tpu.memory_space<semaphore_mem>>) {add = true}
      %dma_start3A_272 = arith.constant 7 : i32
      %dma_start3A_273 = arith.constant 384 : i32
      %dma_start3A_274 = arith.constant 0 : i32
      %dma_start3A_275 = tpu.memref_slice %arg12[%dma_start3A_273, %dma_start3A_274] : memref<512x16xf32, #tpu.memory_space<vmem>> -> memref<128x16xf32, #tpu.memory_space<vmem>>
      %dma_start3A_276 = arith.constant 0 : i32
      %dma_start3A_277 = tpu.memref_slice %arg8[%dma_start3A_272, %dma_start3A_276] : memref<12x128xi32, #tpu.memory_space<vmem>> -> memref<1x128xi32, #tpu.memory_space<vmem>>
      %dma_start3A_278 = tpu.memref_squeeze %dma_start3A_277 : memref<1x128xi32, #tpu.memory_space<vmem>> -> memref<128xi32, #tpu.memory_space<vmem>>
      %dma_start3A_279 = arith.constant 0 : i32
      %dma_start3A_280 = arith.constant 0 : i32
      %dma_start3A_281 = tpu.memref_slice %arg6[%dma_start3A_279, %dma_start3A_280] : memref<50000x16xf32, #tpu.memory_space<vmem_shared>> -> memref<50000x16xf32, #tpu.memory_space<vmem_shared>>
      tpu.enqueue_indirect_dma source(%dma_start3A_275 : memref<128x16xf32, #tpu.memory_space<vmem>>) target(%dma_start3A_281 : memref<50000x16xf32, #tpu.memory_space<vmem_shared>>) offsets(%dma_start3A_278 : memref<128xi32, #tpu.memory_space<vmem>>) semaphore(%arg24 : memref<!tpu.dma_semaphore, #tpu.memory_space<semaphore_mem>>) {add = true}
      %mul3A_282 = arith.constant 4 : i32
      %mul3A_283 = arith.muli %mul3A_282, %scan3A_133 : i32
      %add3A_284 = arith.constant 2 : i32
      %add3A_285 = arith.addi %mul3A_283, %add3A_284 : i32
      %gt3A_286 = arith.constant 0 : i32
      %gt3A_287 = arith.cmpi sgt, %add3A_285, %gt3A_286 : i32
      %convert_element_type3A_288 = arith.extui %gt3A_287 : i1 to i32
      %cond3A_289 = arith.constant 0 : i32
      %cond3A_290 = arith.cmpi ne, %convert_element_type3A_288, %cond3A_289 : i32
      scf.if %cond3A_290 {
        %dma_wait3A_432 = arith.constant 0 : i32
        %dma_wait3A_433 = arith.constant 0 : i32
        %dma_wait3A_434 = tpu.memref_slice %arg6[%dma_wait3A_432, %dma_wait3A_433] : memref<50000x16xf32, #tpu.memory_space<vmem_shared>> -> memref<512x16xf32, #tpu.memory_space<vmem_shared>>
        %dma_wait3A_435 = arith.constant 0 : i32
        %dma_wait3A_436 = arith.constant 0 : i32
        %dma_wait3A_437 = tpu.memref_slice %arg6[%dma_wait3A_435, %dma_wait3A_436] : memref<50000x16xf32, #tpu.memory_space<vmem_shared>> -> memref<512x16xf32, #tpu.memory_space<vmem_shared>>
        tpu.wait_dma2 semaphore(%arg24 : memref<!tpu.dma_semaphore, #tpu.memory_space<semaphore_mem>>) src(%arg12 : memref<512x16xf32, #tpu.memory_space<vmem>>) dst(%dma_wait3A_437 : memref<512x16xf32, #tpu.memory_space<vmem_shared>>)
      } else {
      }
      %add3A_291 = arith.constant 3 : i32
      %add3A_292 = arith.addi %add3A_285, %add3A_291 : i32
      %lt3A_293 = arith.constant 100 : i32
      %lt3A_294 = arith.cmpi slt, %add3A_292, %lt3A_293 : i32
      %convert_element_type3A_295 = arith.extui %lt3A_294 : i1 to i32
      %cond3A_296 = arith.constant 0 : i32
      %cond3A_297 = arith.cmpi ne, %convert_element_type3A_295, %cond3A_296 : i32
      scf.if %cond3A_297 {
        %add3A_432 = arith.constant 3 : i32
        %add3A_433 = arith.addi %add3A_285, %add3A_432 : i32
        %add3A_434 = arith.addi %mul3A_2, %add3A_433 : i32
        %mul3A_435 = arith.constant 12 : i32
        %mul3A_436 = arith.muli %mul3A_435, %add3A_434 : i32
        %dma_start3A_437 = arith.constant 0 : i32
        %dma_start3A_438 = tpu.memref_slice %arg3[%mul3A_436, %dma_start3A_437] : memref<38400x128xi32, #tpu.memory_space<hbm>> -> memref<12x128xi32, #tpu.memory_space<hbm>>
        %dma_start3A_439 = arith.constant 0 : i32
        %dma_start3A_440 = tpu.memref_slice %arg3[%mul3A_436, %dma_start3A_439] : memref<38400x128xi32, #tpu.memory_space<hbm>> -> memref<12x128xi32, #tpu.memory_space<hbm>>
        tpu.enqueue_dma source(%dma_start3A_440 : memref<12x128xi32, #tpu.memory_space<hbm>>) target(%arg8 : memref<12x128xi32, #tpu.memory_space<vmem>>) target_semaphore(%arg20 : memref<!tpu.dma_semaphore, #tpu.memory_space<semaphore_mem>>)
      } else {
      }
      %add3A_298 = arith.constant 2 : i32
      %add3A_299 = arith.addi %add3A_285, %add3A_298 : i32
      %lt3A_300 = arith.constant 100 : i32
      %lt3A_301 = arith.cmpi slt, %add3A_299, %lt3A_300 : i32
      %convert_element_type3A_302 = arith.extui %lt3A_301 : i1 to i32
      %cond3A_303 = arith.constant 0 : i32
      %cond3A_304 = arith.cmpi ne, %convert_element_type3A_302, %cond3A_303 : i32
      scf.if %cond3A_304 {
        %add3A_432 = arith.constant 0 : i32
        %add3A_433 = arith.addi %mul3A_2, %add3A_432 : i32
        %mul3A_434 = arith.constant 12 : i32
        %mul3A_435 = arith.muli %mul3A_434, %add3A_433 : i32
        %dma_wait3A_436 = arith.constant 0 : i32
        %dma_wait3A_437 = tpu.memref_slice %arg3[%mul3A_435, %dma_wait3A_436] : memref<38400x128xi32, #tpu.memory_space<hbm>> -> memref<12x128xi32, #tpu.memory_space<hbm>>
        %dma_wait3A_438 = arith.constant 0 : i32
        %dma_wait3A_439 = tpu.memref_slice %arg3[%mul3A_435, %dma_wait3A_438] : memref<38400x128xi32, #tpu.memory_space<hbm>> -> memref<12x128xi32, #tpu.memory_space<hbm>>
        tpu.wait_dma2 semaphore(%arg19 : memref<!tpu.dma_semaphore, #tpu.memory_space<semaphore_mem>>) src(%dma_wait3A_439 : memref<12x128xi32, #tpu.memory_space<hbm>>) dst(%arg7 : memref<12x128xi32, #tpu.memory_space<vmem>>)
        %dma_start3A_440 = arith.constant 0 : i32
        %dma_start3A_441 = arith.constant 0 : i32
        %dma_start3A_442 = arith.constant 0 : i32
        %dma_start3A_443 = tpu.memref_slice %arg11[%dma_start3A_441, %dma_start3A_442] : memref<512x16xf32, #tpu.memory_space<vmem>> -> memref<128x16xf32, #tpu.memory_space<vmem>>
        %dma_start3A_444 = arith.constant 0 : i32
        %dma_start3A_445 = tpu.memref_slice %arg7[%dma_start3A_440, %dma_start3A_444] : memref<12x128xi32, #tpu.memory_space<vmem>> -> memref<1x128xi32, #tpu.memory_space<vmem>>
        %dma_start3A_446 = tpu.memref_squeeze %dma_start3A_445 : memref<1x128xi32, #tpu.memory_space<vmem>> -> memref<128xi32, #tpu.memory_space<vmem>>
        %dma_start3A_447 = arith.constant 0 : i32
        %dma_start3A_448 = arith.constant 0 : i32
        %dma_start3A_449 = tpu.memref_slice %arg2[%dma_start3A_447, %dma_start3A_448] : memref<150000x16xf32, #tpu.memory_space<hbm>> -> memref<150000x16xf32, #tpu.memory_space<hbm>>
        tpu.enqueue_indirect_dma source(%dma_start3A_449 : memref<150000x16xf32, #tpu.memory_space<hbm>>) target(%dma_start3A_443 : memref<128x16xf32, #tpu.memory_space<vmem>>) offsets(%dma_start3A_446 : memref<128xi32, #tpu.memory_space<vmem>>) semaphore(%arg15 : memref<!tpu.dma_semaphore, #tpu.memory_space<semaphore_mem>>)
        %dma_start3A_450 = arith.constant 1 : i32
        %dma_start3A_451 = arith.constant 128 : i32
        %dma_start3A_452 = arith.constant 0 : i32
        %dma_start3A_453 = tpu.memref_slice %arg11[%dma_start3A_451, %dma_start3A_452] : memref<512x16xf32, #tpu.memory_space<vmem>> -> memref<128x16xf32, #tpu.memory_space<vmem>>
        %dma_start3A_454 = arith.constant 0 : i32
        %dma_start3A_455 = tpu.memref_slice %arg7[%dma_start3A_450, %dma_start3A_454] : memref<12x128xi32, #tpu.memory_space<vmem>> -> memref<1x128xi32, #tpu.memory_space<vmem>>
        %dma_start3A_456 = tpu.memref_squeeze %dma_start3A_455 : memref<1x128xi32, #tpu.memory_space<vmem>> -> memref<128xi32, #tpu.memory_space<vmem>>
        %dma_start3A_457 = arith.constant 0 : i32
        %dma_start3A_458 = arith.constant 0 : i32
        %dma_start3A_459 = tpu.memref_slice %arg2[%dma_start3A_457, %dma_start3A_458] : memref<150000x16xf32, #tpu.memory_space<hbm>> -> memref<150000x16xf32, #tpu.memory_space<hbm>>
        tpu.enqueue_indirect_dma source(%dma_start3A_459 : memref<150000x16xf32, #tpu.memory_space<hbm>>) target(%dma_start3A_453 : memref<128x16xf32, #tpu.memory_space<vmem>>) offsets(%dma_start3A_456 : memref<128xi32, #tpu.memory_space<vmem>>) semaphore(%arg15 : memref<!tpu.dma_semaphore, #tpu.memory_space<semaphore_mem>>)
        %dma_start3A_460 = arith.constant 2 : i32
        %dma_start3A_461 = arith.constant 256 : i32
        %dma_start3A_462 = arith.constant 0 : i32
        %dma_start3A_463 = tpu.memref_slice %arg11[%dma_start3A_461, %dma_start3A_462] : memref<512x16xf32, #tpu.memory_space<vmem>> -> memref<128x16xf32, #tpu.memory_space<vmem>>
        %dma_start3A_464 = arith.constant 0 : i32
        %dma_start3A_465 = tpu.memref_slice %arg7[%dma_start3A_460, %dma_start3A_464] : memref<12x128xi32, #tpu.memory_space<vmem>> -> memref<1x128xi32, #tpu.memory_space<vmem>>
        %dma_start3A_466 = tpu.memref_squeeze %dma_start3A_465 : memref<1x128xi32, #tpu.memory_space<vmem>> -> memref<128xi32, #tpu.memory_space<vmem>>
        %dma_start3A_467 = arith.constant 0 : i32
        %dma_start3A_468 = arith.constant 0 : i32
        %dma_start3A_469 = tpu.memref_slice %arg2[%dma_start3A_467, %dma_start3A_468] : memref<150000x16xf32, #tpu.memory_space<hbm>> -> memref<150000x16xf32, #tpu.memory_space<hbm>>
        tpu.enqueue_indirect_dma source(%dma_start3A_469 : memref<150000x16xf32, #tpu.memory_space<hbm>>) target(%dma_start3A_463 : memref<128x16xf32, #tpu.memory_space<vmem>>) offsets(%dma_start3A_466 : memref<128xi32, #tpu.memory_space<vmem>>) semaphore(%arg15 : memref<!tpu.dma_semaphore, #tpu.memory_space<semaphore_mem>>)
        %dma_start3A_470 = arith.constant 3 : i32
        %dma_start3A_471 = arith.constant 384 : i32
        %dma_start3A_472 = arith.constant 0 : i32
        %dma_start3A_473 = tpu.memref_slice %arg11[%dma_start3A_471, %dma_start3A_472] : memref<512x16xf32, #tpu.memory_space<vmem>> -> memref<128x16xf32, #tpu.memory_space<vmem>>
        %dma_start3A_474 = arith.constant 0 : i32
        %dma_start3A_475 = tpu.memref_slice %arg7[%dma_start3A_470, %dma_start3A_474] : memref<12x128xi32, #tpu.memory_space<vmem>> -> memref<1x128xi32, #tpu.memory_space<vmem>>
        %dma_start3A_476 = tpu.memref_squeeze %dma_start3A_475 : memref<1x128xi32, #tpu.memory_space<vmem>> -> memref<128xi32, #tpu.memory_space<vmem>>
        %dma_start3A_477 = arith.constant 0 : i32
        %dma_start3A_478 = arith.constant 0 : i32
        %dma_start3A_479 = tpu.memref_slice %arg2[%dma_start3A_477, %dma_start3A_478] : memref<150000x16xf32, #tpu.memory_space<hbm>> -> memref<150000x16xf32, #tpu.memory_space<hbm>>
        tpu.enqueue_indirect_dma source(%dma_start3A_479 : memref<150000x16xf32, #tpu.memory_space<hbm>>) target(%dma_start3A_473 : memref<128x16xf32, #tpu.memory_space<vmem>>) offsets(%dma_start3A_476 : memref<128xi32, #tpu.memory_space<vmem>>) semaphore(%arg15 : memref<!tpu.dma_semaphore, #tpu.memory_space<semaphore_mem>>)
      } else {
      }
      %dma_wait3A_305 = arith.constant 0 : i32
      %dma_wait3A_306 = arith.constant 0 : i32
      %dma_wait3A_307 = tpu.memref_slice %arg2[%dma_wait3A_305, %dma_wait3A_306] : memref<150000x16xf32, #tpu.memory_space<hbm>> -> memref<512x16xf32, #tpu.memory_space<hbm>>
      %dma_wait3A_308 = arith.constant 0 : i32
      %dma_wait3A_309 = arith.constant 0 : i32
      %dma_wait3A_310 = tpu.memref_slice %arg2[%dma_wait3A_308, %dma_wait3A_309] : memref<150000x16xf32, #tpu.memory_space<hbm>> -> memref<512x16xf32, #tpu.memory_space<hbm>>
      tpu.wait_dma2 semaphore(%arg17 : memref<!tpu.dma_semaphore, #tpu.memory_space<semaphore_mem>>) src(%dma_wait3A_310 : memref<512x16xf32, #tpu.memory_space<hbm>>) dst(%arg13 : memref<512x16xf32, #tpu.memory_space<vmem>>)
      %scan3A_311 = arith.constant 0 : i32
      %scan3A_312 = arith.constant 0 : i32
      %scan3A_313 = arith.constant 32 : i32
      %scan3A_314 = arith.addi %scan3A_312, %scan3A_313 : i32
      %scan3A_315 = arith.constant 1 : i32
      scf.for %scan3A_432 = %scan3A_312 to %scan3A_314 step %scan3A_315  : i32 {
        %jit3A = arith.constant 8 : i32
        %div3A = arith.divsi %scan3A_432, %jit3A : i32
        %sign3A = arith.constant 0 : i32
        %sign3A_433 = arith.cmpi sgt, %scan3A_432, %sign3A : i32
        %sign3A_434 = arith.extui %sign3A_433 : i1 to i32
        %sign3A_435 = arith.constant 0 : i32
        %sign3A_436 = arith.cmpi slt, %scan3A_432, %sign3A_435 : i32
        %sign3A_437 = arith.extui %sign3A_436 : i1 to i32
        %sign3A_438 = arith.subi %sign3A_434, %sign3A_437 : i32
        %sign3A_439 = arith.constant 0 : i32
        %sign3A_440 = arith.cmpi sgt, %jit3A, %sign3A_439 : i32
        %sign3A_441 = arith.extui %sign3A_440 : i1 to i32
        %sign3A_442 = arith.constant 0 : i32
        %sign3A_443 = arith.cmpi slt, %jit3A, %sign3A_442 : i32
        %sign3A_444 = arith.extui %sign3A_443 : i1 to i32
        %sign3A_445 = arith.subi %sign3A_441, %sign3A_444 : i32
        %ne3A = arith.cmpi ne, %sign3A_438, %sign3A_445 : i32
        %rem3A = arith.remsi %scan3A_432, %jit3A : i32
        %ne3A_446 = arith.constant 0 : i32
        %ne3A_447 = arith.cmpi ne, %rem3A, %ne3A_446 : i32
        %and3A = arith.andi %ne3A, %ne3A_447 : i1
        %sub3A = arith.constant 1 : i32
        %sub3A_448 = arith.subi %div3A, %sub3A : i32
        %select_n3A = arith.select %and3A, %sub3A_448, %div3A : i32
        %mul3A_449 = arith.constant 8 : i32
        %mul3A_450 = arith.muli %mul3A_449, %select_n3A : i32
        %sub3A_451 = arith.subi %scan3A_432, %mul3A_450 : i32
        %add3A_452 = arith.constant 8 : i32
        %add3A_453 = arith.addi %add3A_452, %select_n3A : i32
        %mul3A_454 = arith.constant 16 : i32
        %mul3A_455 = arith.muli %sub3A_451, %mul3A_454 : i32
        %get3A = arith.index_cast %add3A_453 : i32 to index
        %get3A_456 = arith.index_cast %mul3A_455 : i32 to index
        %get3A_457 = tpu.vector_load %arg9[%get3A, %get3A_456] {strides = array<i32>} : memref<12x128xi32, #tpu.memory_space<vmem>>, vector<16xi32>,
        %bitcast3A = vector.bitcast %get3A_457 : vector<16xi32> to vector<16xf32>
        %mul3A_458 = arith.constant 16 : i32
        %mul3A_459 = arith.muli %scan3A_432, %mul3A_458 : i32
        %add3A_460 = arith.constant 0 : i32
        %add3A_461 = arith.addi %mul3A_459, %add3A_460 : i32
        %get3A_462 = arith.index_cast %add3A_461 : i32 to index
        %get3A_463 = arith.constant 0 : index
        %get3A_464 = tpu.vector_load %arg13[%get3A_462, %get3A_463] {strides = array<i32>} : memref<512x16xf32, #tpu.memory_space<vmem>>, vector<16xf32>,
        %slice3A = vector.extract_strided_slice %bitcast3A {offsets = [0], sizes = [1], strides = [1]} : vector<16xf32> to vector<1xf32>
        %squeeze3A = vector.extract %slice3A[0] : f32 from vector<1xf32>
        %mul3A_465 = vector.broadcast %squeeze3A : f32 to vector<16xf32>
        %mul3A_466 = arith.mulf %get3A_464, %mul3A_465 : vector<16xf32>
        %swap3A = arith.index_cast %add3A_461 : i32 to index
        %swap3A_467 = arith.constant 0 : index
        %swap3A_468 = tpu.vector_load %arg13[%swap3A, %swap3A_467] {strides = array<i32>} : memref<512x16xf32, #tpu.memory_space<vmem>>, vector<16xf32>,
        tpu.vector_store %arg13[%swap3A, %swap3A_467], %mul3A_466 {strides = array<i32>} : memref<512x16xf32, #tpu.memory_space<vmem>>, vector<16xf32>,
        %mul3A_469 = arith.constant 16 : i32
        %mul3A_470 = arith.muli %scan3A_432, %mul3A_469 : i32
        %add3A_471 = arith.constant 1 : i32
        %add3A_472 = arith.addi %mul3A_470, %add3A_471 : i32
        %get3A_473 = arith.index_cast %add3A_472 : i32 to index
        %get3A_474 = arith.constant 0 : index
        %get3A_475 = tpu.vector_load %arg13[%get3A_473, %get3A_474] {strides = array<i32>} : memref<512x16xf32, #tpu.memory_space<vmem>>, vector<16xf32>,
        %slice3A_476 = vector.extract_strided_slice %bitcast3A {offsets = [1], sizes = [1], strides = [1]} : vector<16xf32> to vector<1xf32>
        %squeeze3A_477 = vector.extract %slice3A_476[0] : f32 from vector<1xf32>
        %mul3A_478 = vector.broadcast %squeeze3A_477 : f32 to vector<16xf32>
        %mul3A_479 = arith.mulf %get3A_475, %mul3A_478 : vector<16xf32>
        %swap3A_480 = arith.index_cast %add3A_472 : i32 to index
        %swap3A_481 = arith.constant 0 : index
        %swap3A_482 = tpu.vector_load %arg13[%swap3A_480, %swap3A_481] {strides = array<i32>} : memref<512x16xf32, #tpu.memory_space<vmem>>, vector<16xf32>,
        tpu.vector_store %arg13[%swap3A_480, %swap3A_481], %mul3A_479 {strides = array<i32>} : memref<512x16xf32, #tpu.memory_space<vmem>>, vector<16xf32>,
        %mul3A_483 = arith.constant 16 : i32
        %mul3A_484 = arith.muli %scan3A_432, %mul3A_483 : i32
        %add3A_485 = arith.constant 2 : i32
        %add3A_486 = arith.addi %mul3A_484, %add3A_485 : i32
        %get3A_487 = arith.index_cast %add3A_486 : i32 to index
        %get3A_488 = arith.constant 0 : index
        %get3A_489 = tpu.vector_load %arg13[%get3A_487, %get3A_488] {strides = array<i32>} : memref<512x16xf32, #tpu.memory_space<vmem>>, vector<16xf32>,
        %slice3A_490 = vector.extract_strided_slice %bitcast3A {offsets = [2], sizes = [1], strides = [1]} : vector<16xf32> to vector<1xf32>
        %squeeze3A_491 = vector.extract %slice3A_490[0] : f32 from vector<1xf32>
        %mul3A_492 = vector.broadcast %squeeze3A_491 : f32 to vector<16xf32>
        %mul3A_493 = arith.mulf %get3A_489, %mul3A_492 : vector<16xf32>
        %swap3A_494 = arith.index_cast %add3A_486 : i32 to index
        %swap3A_495 = arith.constant 0 : index
        %swap3A_496 = tpu.vector_load %arg13[%swap3A_494, %swap3A_495] {strides = array<i32>} : memref<512x16xf32, #tpu.memory_space<vmem>>, vector<16xf32>,
        tpu.vector_store %arg13[%swap3A_494, %swap3A_495], %mul3A_493 {strides = array<i32>} : memref<512x16xf32, #tpu.memory_space<vmem>>, vector<16xf32>,
        %mul3A_497 = arith.constant 16 : i32
        %mul3A_498 = arith.muli %scan3A_432, %mul3A_497 : i32
        %add3A_499 = arith.constant 3 : i32
        %add3A_500 = arith.addi %mul3A_498, %add3A_499 : i32
        %get3A_501 = arith.index_cast %add3A_500 : i32 to index
        %get3A_502 = arith.constant 0 : index
        %get3A_503 = tpu.vector_load %arg13[%get3A_501, %get3A_502] {strides = array<i32>} : memref<512x16xf32, #tpu.memory_space<vmem>>, vector<16xf32>,
        %slice3A_504 = vector.extract_strided_slice %bitcast3A {offsets = [3], sizes = [1], strides = [1]} : vector<16xf32> to vector<1xf32>
        %squeeze3A_505 = vector.extract %slice3A_504[0] : f32 from vector<1xf32>
        %mul3A_506 = vector.broadcast %squeeze3A_505 : f32 to vector<16xf32>
        %mul3A_507 = arith.mulf %get3A_503, %mul3A_506 : vector<16xf32>
        %swap3A_508 = arith.index_cast %add3A_500 : i32 to index
        %swap3A_509 = arith.constant 0 : index
        %swap3A_510 = tpu.vector_load %arg13[%swap3A_508, %swap3A_509] {strides = array<i32>} : memref<512x16xf32, #tpu.memory_space<vmem>>, vector<16xf32>,
        tpu.vector_store %arg13[%swap3A_508, %swap3A_509], %mul3A_507 {strides = array<i32>} : memref<512x16xf32, #tpu.memory_space<vmem>>, vector<16xf32>,
        %mul3A_511 = arith.constant 16 : i32
        %mul3A_512 = arith.muli %scan3A_432, %mul3A_511 : i32
        %add3A_513 = arith.constant 4 : i32
        %add3A_514 = arith.addi %mul3A_512, %add3A_513 : i32
        %get3A_515 = arith.index_cast %add3A_514 : i32 to index
        %get3A_516 = arith.constant 0 : index
        %get3A_517 = tpu.vector_load %arg13[%get3A_515, %get3A_516] {strides = array<i32>} : memref<512x16xf32, #tpu.memory_space<vmem>>, vector<16xf32>,
        %slice3A_518 = vector.extract_strided_slice %bitcast3A {offsets = [4], sizes = [1], strides = [1]} : vector<16xf32> to vector<1xf32>
        %squeeze3A_519 = vector.extract %slice3A_518[0] : f32 from vector<1xf32>
        %mul3A_520 = vector.broadcast %squeeze3A_519 : f32 to vector<16xf32>
        %mul3A_521 = arith.mulf %get3A_517, %mul3A_520 : vector<16xf32>
        %swap3A_522 = arith.index_cast %add3A_514 : i32 to index
        %swap3A_523 = arith.constant 0 : index
        %swap3A_524 = tpu.vector_load %arg13[%swap3A_522, %swap3A_523] {strides = array<i32>} : memref<512x16xf32, #tpu.memory_space<vmem>>, vector<16xf32>,
        tpu.vector_store %arg13[%swap3A_522, %swap3A_523], %mul3A_521 {strides = array<i32>} : memref<512x16xf32, #tpu.memory_space<vmem>>, vector<16xf32>,
        %mul3A_525 = arith.constant 16 : i32
        %mul3A_526 = arith.muli %scan3A_432, %mul3A_525 : i32
        %add3A_527 = arith.constant 5 : i32
        %add3A_528 = arith.addi %mul3A_526, %add3A_527 : i32
        %get3A_529 = arith.index_cast %add3A_528 : i32 to index
        %get3A_530 = arith.constant 0 : index
        %get3A_531 = tpu.vector_load %arg13[%get3A_529, %get3A_530] {strides = array<i32>} : memref<512x16xf32, #tpu.memory_space<vmem>>, vector<16xf32>,
        %slice3A_532 = vector.extract_strided_slice %bitcast3A {offsets = [5], sizes = [1], strides = [1]} : vector<16xf32> to vector<1xf32>
        %squeeze3A_533 = vector.extract %slice3A_532[0] : f32 from vector<1xf32>
        %mul3A_534 = vector.broadcast %squeeze3A_533 : f32 to vector<16xf32>
        %mul3A_535 = arith.mulf %get3A_531, %mul3A_534 : vector<16xf32>
        %swap3A_536 = arith.index_cast %add3A_528 : i32 to index
        %swap3A_537 = arith.constant 0 : index
        %swap3A_538 = tpu.vector_load %arg13[%swap3A_536, %swap3A_537] {strides = array<i32>} : memref<512x16xf32, #tpu.memory_space<vmem>>, vector<16xf32>,
        tpu.vector_store %arg13[%swap3A_536, %swap3A_537], %mul3A_535 {strides = array<i32>} : memref<512x16xf32, #tpu.memory_space<vmem>>, vector<16xf32>,
        %mul3A_539 = arith.constant 16 : i32
        %mul3A_540 = arith.muli %scan3A_432, %mul3A_539 : i32
        %add3A_541 = arith.constant 6 : i32
        %add3A_542 = arith.addi %mul3A_540, %add3A_541 : i32
        %get3A_543 = arith.index_cast %add3A_542 : i32 to index
        %get3A_544 = arith.constant 0 : index
        %get3A_545 = tpu.vector_load %arg13[%get3A_543, %get3A_544] {strides = array<i32>} : memref<512x16xf32, #tpu.memory_space<vmem>>, vector<16xf32>,
        %slice3A_546 = vector.extract_strided_slice %bitcast3A {offsets = [6], sizes = [1], strides = [1]} : vector<16xf32> to vector<1xf32>
        %squeeze3A_547 = vector.extract %slice3A_546[0] : f32 from vector<1xf32>
        %mul3A_548 = vector.broadcast %squeeze3A_547 : f32 to vector<16xf32>
        %mul3A_549 = arith.mulf %get3A_545, %mul3A_548 : vector<16xf32>
        %swap3A_550 = arith.index_cast %add3A_542 : i32 to index
        %swap3A_551 = arith.constant 0 : index
        %swap3A_552 = tpu.vector_load %arg13[%swap3A_550, %swap3A_551] {strides = array<i32>} : memref<512x16xf32, #tpu.memory_space<vmem>>, vector<16xf32>,
        tpu.vector_store %arg13[%swap3A_550, %swap3A_551], %mul3A_549 {strides = array<i32>} : memref<512x16xf32, #tpu.memory_space<vmem>>, vector<16xf32>,
        %mul3A_553 = arith.constant 16 : i32
        %mul3A_554 = arith.muli %scan3A_432, %mul3A_553 : i32
        %add3A_555 = arith.constant 7 : i32
        %add3A_556 = arith.addi %mul3A_554, %add3A_555 : i32
        %get3A_557 = arith.index_cast %add3A_556 : i32 to index
        %get3A_558 = arith.constant 0 : index
        %get3A_559 = tpu.vector_load %arg13[%get3A_557, %get3A_558] {strides = array<i32>} : memref<512x16xf32, #tpu.memory_space<vmem>>, vector<16xf32>,
        %slice3A_560 = vector.extract_strided_slice %bitcast3A {offsets = [7], sizes = [1], strides = [1]} : vector<16xf32> to vector<1xf32>
        %squeeze3A_561 = vector.extract %slice3A_560[0] : f32 from vector<1xf32>
        %mul3A_562 = vector.broadcast %squeeze3A_561 : f32 to vector<16xf32>
        %mul3A_563 = arith.mulf %get3A_559, %mul3A_562 : vector<16xf32>
        %swap3A_564 = arith.index_cast %add3A_556 : i32 to index
        %swap3A_565 = arith.constant 0 : index
        %swap3A_566 = tpu.vector_load %arg13[%swap3A_564, %swap3A_565] {strides = array<i32>} : memref<512x16xf32, #tpu.memory_space<vmem>>, vector<16xf32>,
        tpu.vector_store %arg13[%swap3A_564, %swap3A_565], %mul3A_563 {strides = array<i32>} : memref<512x16xf32, #tpu.memory_space<vmem>>, vector<16xf32>,
        %mul3A_567 = arith.constant 16 : i32
        %mul3A_568 = arith.muli %scan3A_432, %mul3A_567 : i32
        %add3A_569 = arith.constant 8 : i32
        %add3A_570 = arith.addi %mul3A_568, %add3A_569 : i32
        %get3A_571 = arith.index_cast %add3A_570 : i32 to index
        %get3A_572 = arith.constant 0 : index
        %get3A_573 = tpu.vector_load %arg13[%get3A_571, %get3A_572] {strides = array<i32>} : memref<512x16xf32, #tpu.memory_space<vmem>>, vector<16xf32>,
        %slice3A_574 = vector.extract_strided_slice %bitcast3A {offsets = [8], sizes = [1], strides = [1]} : vector<16xf32> to vector<1xf32>
        %squeeze3A_575 = vector.extract %slice3A_574[0] : f32 from vector<1xf32>
        %mul3A_576 = vector.broadcast %squeeze3A_575 : f32 to vector<16xf32>
        %mul3A_577 = arith.mulf %get3A_573, %mul3A_576 : vector<16xf32>
        %swap3A_578 = arith.index_cast %add3A_570 : i32 to index
        %swap3A_579 = arith.constant 0 : index
        %swap3A_580 = tpu.vector_load %arg13[%swap3A_578, %swap3A_579] {strides = array<i32>} : memref<512x16xf32, #tpu.memory_space<vmem>>, vector<16xf32>,
        tpu.vector_store %arg13[%swap3A_578, %swap3A_579], %mul3A_577 {strides = array<i32>} : memref<512x16xf32, #tpu.memory_space<vmem>>, vector<16xf32>,
        %mul3A_581 = arith.constant 16 : i32
        %mul3A_582 = arith.muli %scan3A_432, %mul3A_581 : i32
        %add3A_583 = arith.constant 9 : i32
        %add3A_584 = arith.addi %mul3A_582, %add3A_583 : i32
        %get3A_585 = arith.index_cast %add3A_584 : i32 to index
        %get3A_586 = arith.constant 0 : index
        %get3A_587 = tpu.vector_load %arg13[%get3A_585, %get3A_586] {strides = array<i32>} : memref<512x16xf32, #tpu.memory_space<vmem>>, vector<16xf32>,
        %slice3A_588 = vector.extract_strided_slice %bitcast3A {offsets = [9], sizes = [1], strides = [1]} : vector<16xf32> to vector<1xf32>
        %squeeze3A_589 = vector.extract %slice3A_588[0] : f32 from vector<1xf32>
        %mul3A_590 = vector.broadcast %squeeze3A_589 : f32 to vector<16xf32>
        %mul3A_591 = arith.mulf %get3A_587, %mul3A_590 : vector<16xf32>
        %swap3A_592 = arith.index_cast %add3A_584 : i32 to index
        %swap3A_593 = arith.constant 0 : index
        %swap3A_594 = tpu.vector_load %arg13[%swap3A_592, %swap3A_593] {strides = array<i32>} : memref<512x16xf32, #tpu.memory_space<vmem>>, vector<16xf32>,
        tpu.vector_store %arg13[%swap3A_592, %swap3A_593], %mul3A_591 {strides = array<i32>} : memref<512x16xf32, #tpu.memory_space<vmem>>, vector<16xf32>,
        %mul3A_595 = arith.constant 16 : i32
        %mul3A_596 = arith.muli %scan3A_432, %mul3A_595 : i32
        %add3A_597 = arith.constant 10 : i32
        %add3A_598 = arith.addi %mul3A_596, %add3A_597 : i32
        %get3A_599 = arith.index_cast %add3A_598 : i32 to index
        %get3A_600 = arith.constant 0 : index
        %get3A_601 = tpu.vector_load %arg13[%get3A_599, %get3A_600] {strides = array<i32>} : memref<512x16xf32, #tpu.memory_space<vmem>>, vector<16xf32>,
        %slice3A_602 = vector.extract_strided_slice %bitcast3A {offsets = [10], sizes = [1], strides = [1]} : vector<16xf32> to vector<1xf32>
        %squeeze3A_603 = vector.extract %slice3A_602[0] : f32 from vector<1xf32>
        %mul3A_604 = vector.broadcast %squeeze3A_603 : f32 to vector<16xf32>
        %mul3A_605 = arith.mulf %get3A_601, %mul3A_604 : vector<16xf32>
        %swap3A_606 = arith.index_cast %add3A_598 : i32 to index
        %swap3A_607 = arith.constant 0 : index
        %swap3A_608 = tpu.vector_load %arg13[%swap3A_606, %swap3A_607] {strides = array<i32>} : memref<512x16xf32, #tpu.memory_space<vmem>>, vector<16xf32>,
        tpu.vector_store %arg13[%swap3A_606, %swap3A_607], %mul3A_605 {strides = array<i32>} : memref<512x16xf32, #tpu.memory_space<vmem>>, vector<16xf32>,
        %mul3A_609 = arith.constant 16 : i32
        %mul3A_610 = arith.muli %scan3A_432, %mul3A_609 : i32
        %add3A_611 = arith.constant 11 : i32
        %add3A_612 = arith.addi %mul3A_610, %add3A_611 : i32
        %get3A_613 = arith.index_cast %add3A_612 : i32 to index
        %get3A_614 = arith.constant 0 : index
        %get3A_615 = tpu.vector_load %arg13[%get3A_613, %get3A_614] {strides = array<i32>} : memref<512x16xf32, #tpu.memory_space<vmem>>, vector<16xf32>,
        %slice3A_616 = vector.extract_strided_slice %bitcast3A {offsets = [11], sizes = [1], strides = [1]} : vector<16xf32> to vector<1xf32>
        %squeeze3A_617 = vector.extract %slice3A_616[0] : f32 from vector<1xf32>
        %mul3A_618 = vector.broadcast %squeeze3A_617 : f32 to vector<16xf32>
        %mul3A_619 = arith.mulf %get3A_615, %mul3A_618 : vector<16xf32>
        %swap3A_620 = arith.index_cast %add3A_612 : i32 to index
        %swap3A_621 = arith.constant 0 : index
        %swap3A_622 = tpu.vector_load %arg13[%swap3A_620, %swap3A_621] {strides = array<i32>} : memref<512x16xf32, #tpu.memory_space<vmem>>, vector<16xf32>,
        tpu.vector_store %arg13[%swap3A_620, %swap3A_621], %mul3A_619 {strides = array<i32>} : memref<512x16xf32, #tpu.memory_space<vmem>>, vector<16xf32>,
        %mul3A_623 = arith.constant 16 : i32
        %mul3A_624 = arith.muli %scan3A_432, %mul3A_623 : i32
        %add3A_625 = arith.constant 12 : i32
        %add3A_626 = arith.addi %mul3A_624, %add3A_625 : i32
        %get3A_627 = arith.index_cast %add3A_626 : i32 to index
        %get3A_628 = arith.constant 0 : index
        %get3A_629 = tpu.vector_load %arg13[%get3A_627, %get3A_628] {strides = array<i32>} : memref<512x16xf32, #tpu.memory_space<vmem>>, vector<16xf32>,
        %slice3A_630 = vector.extract_strided_slice %bitcast3A {offsets = [12], sizes = [1], strides = [1]} : vector<16xf32> to vector<1xf32>
        %squeeze3A_631 = vector.extract %slice3A_630[0] : f32 from vector<1xf32>
        %mul3A_632 = vector.broadcast %squeeze3A_631 : f32 to vector<16xf32>
        %mul3A_633 = arith.mulf %get3A_629, %mul3A_632 : vector<16xf32>
        %swap3A_634 = arith.index_cast %add3A_626 : i32 to index
        %swap3A_635 = arith.constant 0 : index
        %swap3A_636 = tpu.vector_load %arg13[%swap3A_634, %swap3A_635] {strides = array<i32>} : memref<512x16xf32, #tpu.memory_space<vmem>>, vector<16xf32>,
        tpu.vector_store %arg13[%swap3A_634, %swap3A_635], %mul3A_633 {strides = array<i32>} : memref<512x16xf32, #tpu.memory_space<vmem>>, vector<16xf32>,
        %mul3A_637 = arith.constant 16 : i32
        %mul3A_638 = arith.muli %scan3A_432, %mul3A_637 : i32
        %add3A_639 = arith.constant 13 : i32
        %add3A_640 = arith.addi %mul3A_638, %add3A_639 : i32
        %get3A_641 = arith.index_cast %add3A_640 : i32 to index
        %get3A_642 = arith.constant 0 : index
        %get3A_643 = tpu.vector_load %arg13[%get3A_641, %get3A_642] {strides = array<i32>} : memref<512x16xf32, #tpu.memory_space<vmem>>, vector<16xf32>,
        %slice3A_644 = vector.extract_strided_slice %bitcast3A {offsets = [13], sizes = [1], strides = [1]} : vector<16xf32> to vector<1xf32>
        %squeeze3A_645 = vector.extract %slice3A_644[0] : f32 from vector<1xf32>
        %mul3A_646 = vector.broadcast %squeeze3A_645 : f32 to vector<16xf32>
        %mul3A_647 = arith.mulf %get3A_643, %mul3A_646 : vector<16xf32>
        %swap3A_648 = arith.index_cast %add3A_640 : i32 to index
        %swap3A_649 = arith.constant 0 : index
        %swap3A_650 = tpu.vector_load %arg13[%swap3A_648, %swap3A_649] {strides = array<i32>} : memref<512x16xf32, #tpu.memory_space<vmem>>, vector<16xf32>,
        tpu.vector_store %arg13[%swap3A_648, %swap3A_649], %mul3A_647 {strides = array<i32>} : memref<512x16xf32, #tpu.memory_space<vmem>>, vector<16xf32>,
        %mul3A_651 = arith.constant 16 : i32
        %mul3A_652 = arith.muli %scan3A_432, %mul3A_651 : i32
        %add3A_653 = arith.constant 14 : i32
        %add3A_654 = arith.addi %mul3A_652, %add3A_653 : i32
        %get3A_655 = arith.index_cast %add3A_654 : i32 to index
        %get3A_656 = arith.constant 0 : index
        %get3A_657 = tpu.vector_load %arg13[%get3A_655, %get3A_656] {strides = array<i32>} : memref<512x16xf32, #tpu.memory_space<vmem>>, vector<16xf32>,
        %slice3A_658 = vector.extract_strided_slice %bitcast3A {offsets = [14], sizes = [1], strides = [1]} : vector<16xf32> to vector<1xf32>
        %squeeze3A_659 = vector.extract %slice3A_658[0] : f32 from vector<1xf32>
        %mul3A_660 = vector.broadcast %squeeze3A_659 : f32 to vector<16xf32>
        %mul3A_661 = arith.mulf %get3A_657, %mul3A_660 : vector<16xf32>
        %swap3A_662 = arith.index_cast %add3A_654 : i32 to index
        %swap3A_663 = arith.constant 0 : index
        %swap3A_664 = tpu.vector_load %arg13[%swap3A_662, %swap3A_663] {strides = array<i32>} : memref<512x16xf32, #tpu.memory_space<vmem>>, vector<16xf32>,
        tpu.vector_store %arg13[%swap3A_662, %swap3A_663], %mul3A_661 {strides = array<i32>} : memref<512x16xf32, #tpu.memory_space<vmem>>, vector<16xf32>,
        %mul3A_665 = arith.constant 16 : i32
        %mul3A_666 = arith.muli %scan3A_432, %mul3A_665 : i32
        %add3A_667 = arith.constant 15 : i32
        %add3A_668 = arith.addi %mul3A_666, %add3A_667 : i32
        %get3A_669 = arith.index_cast %add3A_668 : i32 to index
        %get3A_670 = arith.constant 0 : index
        %get3A_671 = tpu.vector_load %arg13[%get3A_669, %get3A_670] {strides = array<i32>} : memref<512x16xf32, #tpu.memory_space<vmem>>, vector<16xf32>,
        %slice3A_672 = vector.extract_strided_slice %bitcast3A {offsets = [15], sizes = [1], strides = [1]} : vector<16xf32> to vector<1xf32>
        %squeeze3A_673 = vector.extract %slice3A_672[0] : f32 from vector<1xf32>
        %mul3A_674 = vector.broadcast %squeeze3A_673 : f32 to vector<16xf32>
        %mul3A_675 = arith.mulf %get3A_671, %mul3A_674 : vector<16xf32>
        %swap3A_676 = arith.index_cast %add3A_668 : i32 to index
        %swap3A_677 = arith.constant 0 : index
        %swap3A_678 = tpu.vector_load %arg13[%swap3A_676, %swap3A_677] {strides = array<i32>} : memref<512x16xf32, #tpu.memory_space<vmem>>, vector<16xf32>,
        tpu.vector_store %arg13[%swap3A_676, %swap3A_677], %mul3A_675 {strides = array<i32>} : memref<512x16xf32, #tpu.memory_space<vmem>>, vector<16xf32>,
      }
      %scan3A_316 = arith.constant 32 : i32
      %dma_start3A_317 = arith.constant 4 : i32
      %dma_start3A_318 = arith.constant 0 : i32
      %dma_start3A_319 = arith.constant 0 : i32
      %dma_start3A_320 = tpu.memref_slice %arg13[%dma_start3A_318, %dma_start3A_319] : memref<512x16xf32, #tpu.memory_space<vmem>> -> memref<128x16xf32, #tpu.memory_space<vmem>>
      %dma_start3A_321 = arith.constant 0 : i32
      %dma_start3A_322 = tpu.memref_slice %arg9[%dma_start3A_317, %dma_start3A_321] : memref<12x128xi32, #tpu.memory_space<vmem>> -> memref<1x128xi32, #tpu.memory_space<vmem>>
      %dma_start3A_323 = tpu.memref_squeeze %dma_start3A_322 : memref<1x128xi32, #tpu.memory_space<vmem>> -> memref<128xi32, #tpu.memory_space<vmem>>
      %dma_start3A_324 = arith.constant 0 : i32
      %dma_start3A_325 = arith.constant 0 : i32
      %dma_start3A_326 = tpu.memref_slice %arg6[%dma_start3A_324, %dma_start3A_325] : memref<50000x16xf32, #tpu.memory_space<vmem_shared>> -> memref<50000x16xf32, #tpu.memory_space<vmem_shared>>
      tpu.enqueue_indirect_dma source(%dma_start3A_320 : memref<128x16xf32, #tpu.memory_space<vmem>>) target(%dma_start3A_326 : memref<50000x16xf32, #tpu.memory_space<vmem_shared>>) offsets(%dma_start3A_323 : memref<128xi32, #tpu.memory_space<vmem>>) semaphore(%arg25 : memref<!tpu.dma_semaphore, #tpu.memory_space<semaphore_mem>>) {add = true}
      %dma_start3A_327 = arith.constant 5 : i32
      %dma_start3A_328 = arith.constant 128 : i32
      %dma_start3A_329 = arith.constant 0 : i32
      %dma_start3A_330 = tpu.memref_slice %arg13[%dma_start3A_328, %dma_start3A_329] : memref<512x16xf32, #tpu.memory_space<vmem>> -> memref<128x16xf32, #tpu.memory_space<vmem>>
      %dma_start3A_331 = arith.constant 0 : i32
      %dma_start3A_332 = tpu.memref_slice %arg9[%dma_start3A_327, %dma_start3A_331] : memref<12x128xi32, #tpu.memory_space<vmem>> -> memref<1x128xi32, #tpu.memory_space<vmem>>
      %dma_start3A_333 = tpu.memref_squeeze %dma_start3A_332 : memref<1x128xi32, #tpu.memory_space<vmem>> -> memref<128xi32, #tpu.memory_space<vmem>>
      %dma_start3A_334 = arith.constant 0 : i32
      %dma_start3A_335 = arith.constant 0 : i32
      %dma_start3A_336 = tpu.memref_slice %arg6[%dma_start3A_334, %dma_start3A_335] : memref<50000x16xf32, #tpu.memory_space<vmem_shared>> -> memref<50000x16xf32, #tpu.memory_space<vmem_shared>>
      tpu.enqueue_indirect_dma source(%dma_start3A_330 : memref<128x16xf32, #tpu.memory_space<vmem>>) target(%dma_start3A_336 : memref<50000x16xf32, #tpu.memory_space<vmem_shared>>) offsets(%dma_start3A_333 : memref<128xi32, #tpu.memory_space<vmem>>) semaphore(%arg25 : memref<!tpu.dma_semaphore, #tpu.memory_space<semaphore_mem>>) {add = true}
      %dma_start3A_337 = arith.constant 6 : i32
      %dma_start3A_338 = arith.constant 256 : i32
      %dma_start3A_339 = arith.constant 0 : i32
      %dma_start3A_340 = tpu.memref_slice %arg13[%dma_start3A_338, %dma_start3A_339] : memref<512x16xf32, #tpu.memory_space<vmem>> -> memref<128x16xf32, #tpu.memory_space<vmem>>
      %dma_start3A_341 = arith.constant 0 : i32
      %dma_start3A_342 = tpu.memref_slice %arg9[%dma_start3A_337, %dma_start3A_341] : memref<12x128xi32, #tpu.memory_space<vmem>> -> memref<1x128xi32, #tpu.memory_space<vmem>>
      %dma_start3A_343 = tpu.memref_squeeze %dma_start3A_342 : memref<1x128xi32, #tpu.memory_space<vmem>> -> memref<128xi32, #tpu.memory_space<vmem>>
      %dma_start3A_344 = arith.constant 0 : i32
      %dma_start3A_345 = arith.constant 0 : i32
      %dma_start3A_346 = tpu.memref_slice %arg6[%dma_start3A_344, %dma_start3A_345] : memref<50000x16xf32, #tpu.memory_space<vmem_shared>> -> memref<50000x16xf32, #tpu.memory_space<vmem_shared>>
      tpu.enqueue_indirect_dma source(%dma_start3A_340 : memref<128x16xf32, #tpu.memory_space<vmem>>) target(%dma_start3A_346 : memref<50000x16xf32, #tpu.memory_space<vmem_shared>>) offsets(%dma_start3A_343 : memref<128xi32, #tpu.memory_space<vmem>>) semaphore(%arg25 : memref<!tpu.dma_semaphore, #tpu.memory_space<semaphore_mem>>) {add = true}
      %dma_start3A_347 = arith.constant 7 : i32
      %dma_start3A_348 = arith.constant 384 : i32
      %dma_start3A_349 = arith.constant 0 : i32
      %dma_start3A_350 = tpu.memref_slice %arg13[%dma_start3A_348, %dma_start3A_349] : memref<512x16xf32, #tpu.memory_space<vmem>> -> memref<128x16xf32, #tpu.memory_space<vmem>>
      %dma_start3A_351 = arith.constant 0 : i32
      %dma_start3A_352 = tpu.memref_slice %arg9[%dma_start3A_347, %dma_start3A_351] : memref<12x128xi32, #tpu.memory_space<vmem>> -> memref<1x128xi32, #tpu.memory_space<vmem>>
      %dma_start3A_353 = tpu.memref_squeeze %dma_start3A_352 : memref<1x128xi32, #tpu.memory_space<vmem>> -> memref<128xi32, #tpu.memory_space<vmem>>
      %dma_start3A_354 = arith.constant 0 : i32
      %dma_start3A_355 = arith.constant 0 : i32
      %dma_start3A_356 = tpu.memref_slice %arg6[%dma_start3A_354, %dma_start3A_355] : memref<50000x16xf32, #tpu.memory_space<vmem_shared>> -> memref<50000x16xf32, #tpu.memory_space<vmem_shared>>
      tpu.enqueue_indirect_dma source(%dma_start3A_350 : memref<128x16xf32, #tpu.memory_space<vmem>>) target(%dma_start3A_356 : memref<50000x16xf32, #tpu.memory_space<vmem_shared>>) offsets(%dma_start3A_353 : memref<128xi32, #tpu.memory_space<vmem>>) semaphore(%arg25 : memref<!tpu.dma_semaphore, #tpu.memory_space<semaphore_mem>>) {add = true}
      %mul3A_357 = arith.constant 4 : i32
      %mul3A_358 = arith.muli %mul3A_357, %scan3A_133 : i32
      %add3A_359 = arith.constant 3 : i32
      %add3A_360 = arith.addi %mul3A_358, %add3A_359 : i32
      %gt3A_361 = arith.constant 0 : i32
      %gt3A_362 = arith.cmpi sgt, %add3A_360, %gt3A_361 : i32
      %convert_element_type3A_363 = arith.extui %gt3A_362 : i1 to i32
      %cond3A_364 = arith.constant 0 : i32
      %cond3A_365 = arith.cmpi ne, %convert_element_type3A_363, %cond3A_364 : i32
      scf.if %cond3A_365 {
        %dma_wait3A_432 = arith.constant 0 : i32
        %dma_wait3A_433 = arith.constant 0 : i32
        %dma_wait3A_434 = tpu.memref_slice %arg6[%dma_wait3A_432, %dma_wait3A_433] : memref<50000x16xf32, #tpu.memory_space<vmem_shared>> -> memref<512x16xf32, #tpu.memory_space<vmem_shared>>
        %dma_wait3A_435 = arith.constant 0 : i32
        %dma_wait3A_436 = arith.constant 0 : i32
        %dma_wait3A_437 = tpu.memref_slice %arg6[%dma_wait3A_435, %dma_wait3A_436] : memref<50000x16xf32, #tpu.memory_space<vmem_shared>> -> memref<512x16xf32, #tpu.memory_space<vmem_shared>>
        tpu.wait_dma2 semaphore(%arg25 : memref<!tpu.dma_semaphore, #tpu.memory_space<semaphore_mem>>) src(%arg13 : memref<512x16xf32, #tpu.memory_space<vmem>>) dst(%dma_wait3A_437 : memref<512x16xf32, #tpu.memory_space<vmem_shared>>)
      } else {
      }
      %add3A_366 = arith.constant 3 : i32
      %add3A_367 = arith.addi %add3A_360, %add3A_366 : i32
      %lt3A_368 = arith.constant 100 : i32
      %lt3A_369 = arith.cmpi slt, %add3A_367, %lt3A_368 : i32
      %convert_element_type3A_370 = arith.extui %lt3A_369 : i1 to i32
      %cond3A_371 = arith.constant 0 : i32
      %cond3A_372 = arith.cmpi ne, %convert_element_type3A_370, %cond3A_371 : i32
      scf.if %cond3A_372 {
        %add3A_432 = arith.constant 3 : i32
        %add3A_433 = arith.addi %add3A_360, %add3A_432 : i32
        %add3A_434 = arith.addi %mul3A_2, %add3A_433 : i32
        %mul3A_435 = arith.constant 12 : i32
        %mul3A_436 = arith.muli %mul3A_435, %add3A_434 : i32
        %dma_start3A_437 = arith.constant 0 : i32
        %dma_start3A_438 = tpu.memref_slice %arg3[%mul3A_436, %dma_start3A_437] : memref<38400x128xi32, #tpu.memory_space<hbm>> -> memref<12x128xi32, #tpu.memory_space<hbm>>
        %dma_start3A_439 = arith.constant 0 : i32
        %dma_start3A_440 = tpu.memref_slice %arg3[%mul3A_436, %dma_start3A_439] : memref<38400x128xi32, #tpu.memory_space<hbm>> -> memref<12x128xi32, #tpu.memory_space<hbm>>
        tpu.enqueue_dma source(%dma_start3A_440 : memref<12x128xi32, #tpu.memory_space<hbm>>) target(%arg9 : memref<12x128xi32, #tpu.memory_space<vmem>>) target_semaphore(%arg21 : memref<!tpu.dma_semaphore, #tpu.memory_space<semaphore_mem>>)
      } else {
      }
      %add3A_373 = arith.constant 2 : i32
      %add3A_374 = arith.addi %add3A_360, %add3A_373 : i32
      %lt3A_375 = arith.constant 100 : i32
      %lt3A_376 = arith.cmpi slt, %add3A_374, %lt3A_375 : i32
      %convert_element_type3A_377 = arith.extui %lt3A_376 : i1 to i32
      %cond3A_378 = arith.constant 0 : i32
      %cond3A_379 = arith.cmpi ne, %convert_element_type3A_377, %cond3A_378 : i32
      scf.if %cond3A_379 {
        %add3A_432 = arith.constant 0 : i32
        %add3A_433 = arith.addi %mul3A_2, %add3A_432 : i32
        %mul3A_434 = arith.constant 12 : i32
        %mul3A_435 = arith.muli %mul3A_434, %add3A_433 : i32
        %dma_wait3A_436 = arith.constant 0 : i32
        %dma_wait3A_437 = tpu.memref_slice %arg3[%mul3A_435, %dma_wait3A_436] : memref<38400x128xi32, #tpu.memory_space<hbm>> -> memref<12x128xi32, #tpu.memory_space<hbm>>
        %dma_wait3A_438 = arith.constant 0 : i32
        %dma_wait3A_439 = tpu.memref_slice %arg3[%mul3A_435, %dma_wait3A_438] : memref<38400x128xi32, #tpu.memory_space<hbm>> -> memref<12x128xi32, #tpu.memory_space<hbm>>
        tpu.wait_dma2 semaphore(%arg20 : memref<!tpu.dma_semaphore, #tpu.memory_space<semaphore_mem>>) src(%dma_wait3A_439 : memref<12x128xi32, #tpu.memory_space<hbm>>) dst(%arg8 : memref<12x128xi32, #tpu.memory_space<vmem>>)
        %dma_start3A_440 = arith.constant 0 : i32
        %dma_start3A_441 = arith.constant 0 : i32
        %dma_start3A_442 = arith.constant 0 : i32
        %dma_start3A_443 = tpu.memref_slice %arg12[%dma_start3A_441, %dma_start3A_442] : memref<512x16xf32, #tpu.memory_space<vmem>> -> memref<128x16xf32, #tpu.memory_space<vmem>>
        %dma_start3A_444 = arith.constant 0 : i32
        %dma_start3A_445 = tpu.memref_slice %arg8[%dma_start3A_440, %dma_start3A_444] : memref<12x128xi32, #tpu.memory_space<vmem>> -> memref<1x128xi32, #tpu.memory_space<vmem>>
        %dma_start3A_446 = tpu.memref_squeeze %dma_start3A_445 : memref<1x128xi32, #tpu.memory_space<vmem>> -> memref<128xi32, #tpu.memory_space<vmem>>
        %dma_start3A_447 = arith.constant 0 : i32
        %dma_start3A_448 = arith.constant 0 : i32
        %dma_start3A_449 = tpu.memref_slice %arg2[%dma_start3A_447, %dma_start3A_448] : memref<150000x16xf32, #tpu.memory_space<hbm>> -> memref<150000x16xf32, #tpu.memory_space<hbm>>
        tpu.enqueue_indirect_dma source(%dma_start3A_449 : memref<150000x16xf32, #tpu.memory_space<hbm>>) target(%dma_start3A_443 : memref<128x16xf32, #tpu.memory_space<vmem>>) offsets(%dma_start3A_446 : memref<128xi32, #tpu.memory_space<vmem>>) semaphore(%arg16 : memref<!tpu.dma_semaphore, #tpu.memory_space<semaphore_mem>>)
        %dma_start3A_450 = arith.constant 1 : i32
        %dma_start3A_451 = arith.constant 128 : i32
        %dma_start3A_452 = arith.constant 0 : i32
        %dma_start3A_453 = tpu.memref_slice %arg12[%dma_start3A_451, %dma_start3A_452] : memref<512x16xf32, #tpu.memory_space<vmem>> -> memref<128x16xf32, #tpu.memory_space<vmem>>
        %dma_start3A_454 = arith.constant 0 : i32
        %dma_start3A_455 = tpu.memref_slice %arg8[%dma_start3A_450, %dma_start3A_454] : memref<12x128xi32, #tpu.memory_space<vmem>> -> memref<1x128xi32, #tpu.memory_space<vmem>>
        %dma_start3A_456 = tpu.memref_squeeze %dma_start3A_455 : memref<1x128xi32, #tpu.memory_space<vmem>> -> memref<128xi32, #tpu.memory_space<vmem>>
        %dma_start3A_457 = arith.constant 0 : i32
        %dma_start3A_458 = arith.constant 0 : i32
        %dma_start3A_459 = tpu.memref_slice %arg2[%dma_start3A_457, %dma_start3A_458] : memref<150000x16xf32, #tpu.memory_space<hbm>> -> memref<150000x16xf32, #tpu.memory_space<hbm>>
        tpu.enqueue_indirect_dma source(%dma_start3A_459 : memref<150000x16xf32, #tpu.memory_space<hbm>>) target(%dma_start3A_453 : memref<128x16xf32, #tpu.memory_space<vmem>>) offsets(%dma_start3A_456 : memref<128xi32, #tpu.memory_space<vmem>>) semaphore(%arg16 : memref<!tpu.dma_semaphore, #tpu.memory_space<semaphore_mem>>)
        %dma_start3A_460 = arith.constant 2 : i32
        %dma_start3A_461 = arith.constant 256 : i32
        %dma_start3A_462 = arith.constant 0 : i32
        %dma_start3A_463 = tpu.memref_slice %arg12[%dma_start3A_461, %dma_start3A_462] : memref<512x16xf32, #tpu.memory_space<vmem>> -> memref<128x16xf32, #tpu.memory_space<vmem>>
        %dma_start3A_464 = arith.constant 0 : i32
        %dma_start3A_465 = tpu.memref_slice %arg8[%dma_start3A_460, %dma_start3A_464] : memref<12x128xi32, #tpu.memory_space<vmem>> -> memref<1x128xi32, #tpu.memory_space<vmem>>
        %dma_start3A_466 = tpu.memref_squeeze %dma_start3A_465 : memref<1x128xi32, #tpu.memory_space<vmem>> -> memref<128xi32, #tpu.memory_space<vmem>>
        %dma_start3A_467 = arith.constant 0 : i32
        %dma_start3A_468 = arith.constant 0 : i32
        %dma_start3A_469 = tpu.memref_slice %arg2[%dma_start3A_467, %dma_start3A_468] : memref<150000x16xf32, #tpu.memory_space<hbm>> -> memref<150000x16xf32, #tpu.memory_space<hbm>>
        tpu.enqueue_indirect_dma source(%dma_start3A_469 : memref<150000x16xf32, #tpu.memory_space<hbm>>) target(%dma_start3A_463 : memref<128x16xf32, #tpu.memory_space<vmem>>) offsets(%dma_start3A_466 : memref<128xi32, #tpu.memory_space<vmem>>) semaphore(%arg16 : memref<!tpu.dma_semaphore, #tpu.memory_space<semaphore_mem>>)
        %dma_start3A_470 = arith.constant 3 : i32
        %dma_start3A_471 = arith.constant 384 : i32
        %dma_start3A_472 = arith.constant 0 : i32
        %dma_start3A_473 = tpu.memref_slice %arg12[%dma_start3A_471, %dma_start3A_472] : memref<512x16xf32, #tpu.memory_space<vmem>> -> memref<128x16xf32, #tpu.memory_space<vmem>>
        %dma_start3A_474 = arith.constant 0 : i32
        %dma_start3A_475 = tpu.memref_slice %arg8[%dma_start3A_470, %dma_start3A_474] : memref<12x128xi32, #tpu.memory_space<vmem>> -> memref<1x128xi32, #tpu.memory_space<vmem>>
        %dma_start3A_476 = tpu.memref_squeeze %dma_start3A_475 : memref<1x128xi32, #tpu.memory_space<vmem>> -> memref<128xi32, #tpu.memory_space<vmem>>
        %dma_start3A_477 = arith.constant 0 : i32
        %dma_start3A_478 = arith.constant 0 : i32
        %dma_start3A_479 = tpu.memref_slice %arg2[%dma_start3A_477, %dma_start3A_478] : memref<150000x16xf32, #tpu.memory_space<hbm>> -> memref<150000x16xf32, #tpu.memory_space<hbm>>
        tpu.enqueue_indirect_dma source(%dma_start3A_479 : memref<150000x16xf32, #tpu.memory_space<hbm>>) target(%dma_start3A_473 : memref<128x16xf32, #tpu.memory_space<vmem>>) offsets(%dma_start3A_476 : memref<128xi32, #tpu.memory_space<vmem>>) semaphore(%arg16 : memref<!tpu.dma_semaphore, #tpu.memory_space<semaphore_mem>>)
      } else {
      }
      %dma_wait3A_380 = arith.constant 0 : i32
      %dma_wait3A_381 = arith.constant 0 : i32
      %dma_wait3A_382 = tpu.memref_slice %arg2[%dma_wait3A_380, %dma_wait3A_381] : memref<150000x16xf32, #tpu.memory_space<hbm>> -> memref<512x16xf32, #tpu.memory_space<hbm>>
      %dma_wait3A_383 = arith.constant 0 : i32
      %dma_wait3A_384 = arith.constant 0 : i32
      %dma_wait3A_385 = tpu.memref_slice %arg2[%dma_wait3A_383, %dma_wait3A_384] : memref<150000x16xf32, #tpu.memory_space<hbm>> -> memref<512x16xf32, #tpu.memory_space<hbm>>
      tpu.wait_dma2 semaphore(%arg18 : memref<!tpu.dma_semaphore, #tpu.memory_space<semaphore_mem>>) src(%dma_wait3A_385 : memref<512x16xf32, #tpu.memory_space<hbm>>) dst(%arg14 : memref<512x16xf32, #tpu.memory_space<vmem>>)
      %scan3A_386 = arith.constant 0 : i32
      %scan3A_387 = arith.constant 0 : i32
      %scan3A_388 = arith.constant 32 : i32
      %scan3A_389 = arith.addi %scan3A_387, %scan3A_388 : i32
      %scan3A_390 = arith.constant 1 : i32
      scf.for %scan3A_432 = %scan3A_387 to %scan3A_389 step %scan3A_390  : i32 {
        %jit3A = arith.constant 8 : i32
        %div3A = arith.divsi %scan3A_432, %jit3A : i32
        %sign3A = arith.constant 0 : i32
        %sign3A_433 = arith.cmpi sgt, %scan3A_432, %sign3A : i32
        %sign3A_434 = arith.extui %sign3A_433 : i1 to i32
        %sign3A_435 = arith.constant 0 : i32
        %sign3A_436 = arith.cmpi slt, %scan3A_432, %sign3A_435 : i32
        %sign3A_437 = arith.extui %sign3A_436 : i1 to i32
        %sign3A_438 = arith.subi %sign3A_434, %sign3A_437 : i32
        %sign3A_439 = arith.constant 0 : i32
        %sign3A_440 = arith.cmpi sgt, %jit3A, %sign3A_439 : i32
        %sign3A_441 = arith.extui %sign3A_440 : i1 to i32
        %sign3A_442 = arith.constant 0 : i32
        %sign3A_443 = arith.cmpi slt, %jit3A, %sign3A_442 : i32
        %sign3A_444 = arith.extui %sign3A_443 : i1 to i32
        %sign3A_445 = arith.subi %sign3A_441, %sign3A_444 : i32
        %ne3A = arith.cmpi ne, %sign3A_438, %sign3A_445 : i32
        %rem3A = arith.remsi %scan3A_432, %jit3A : i32
        %ne3A_446 = arith.constant 0 : i32
        %ne3A_447 = arith.cmpi ne, %rem3A, %ne3A_446 : i32
        %and3A = arith.andi %ne3A, %ne3A_447 : i1
        %sub3A = arith.constant 1 : i32
        %sub3A_448 = arith.subi %div3A, %sub3A : i32
        %select_n3A = arith.select %and3A, %sub3A_448, %div3A : i32
        %mul3A_449 = arith.constant 8 : i32
        %mul3A_450 = arith.muli %mul3A_449, %select_n3A : i32
        %sub3A_451 = arith.subi %scan3A_432, %mul3A_450 : i32
        %add3A_452 = arith.constant 8 : i32
        %add3A_453 = arith.addi %add3A_452, %select_n3A : i32
        %mul3A_454 = arith.constant 16 : i32
        %mul3A_455 = arith.muli %sub3A_451, %mul3A_454 : i32
        %get3A = arith.index_cast %add3A_453 : i32 to index
        %get3A_456 = arith.index_cast %mul3A_455 : i32 to index
        %get3A_457 = tpu.vector_load %arg10[%get3A, %get3A_456] {strides = array<i32>} : memref<12x128xi32, #tpu.memory_space<vmem>>, vector<16xi32>,
        %bitcast3A = vector.bitcast %get3A_457 : vector<16xi32> to vector<16xf32>
        %mul3A_458 = arith.constant 16 : i32
        %mul3A_459 = arith.muli %scan3A_432, %mul3A_458 : i32
        %add3A_460 = arith.constant 0 : i32
        %add3A_461 = arith.addi %mul3A_459, %add3A_460 : i32
        %get3A_462 = arith.index_cast %add3A_461 : i32 to index
        %get3A_463 = arith.constant 0 : index
        %get3A_464 = tpu.vector_load %arg14[%get3A_462, %get3A_463] {strides = array<i32>} : memref<512x16xf32, #tpu.memory_space<vmem>>, vector<16xf32>,
        %slice3A = vector.extract_strided_slice %bitcast3A {offsets = [0], sizes = [1], strides = [1]} : vector<16xf32> to vector<1xf32>
        %squeeze3A = vector.extract %slice3A[0] : f32 from vector<1xf32>
        %mul3A_465 = vector.broadcast %squeeze3A : f32 to vector<16xf32>
        %mul3A_466 = arith.mulf %get3A_464, %mul3A_465 : vector<16xf32>
        %swap3A = arith.index_cast %add3A_461 : i32 to index
        %swap3A_467 = arith.constant 0 : index
        %swap3A_468 = tpu.vector_load %arg14[%swap3A, %swap3A_467] {strides = array<i32>} : memref<512x16xf32, #tpu.memory_space<vmem>>, vector<16xf32>,
        tpu.vector_store %arg14[%swap3A, %swap3A_467], %mul3A_466 {strides = array<i32>} : memref<512x16xf32, #tpu.memory_space<vmem>>, vector<16xf32>,
        %mul3A_469 = arith.constant 16 : i32
        %mul3A_470 = arith.muli %scan3A_432, %mul3A_469 : i32
        %add3A_471 = arith.constant 1 : i32
        %add3A_472 = arith.addi %mul3A_470, %add3A_471 : i32
        %get3A_473 = arith.index_cast %add3A_472 : i32 to index
        %get3A_474 = arith.constant 0 : index
        %get3A_475 = tpu.vector_load %arg14[%get3A_473, %get3A_474] {strides = array<i32>} : memref<512x16xf32, #tpu.memory_space<vmem>>, vector<16xf32>,
        %slice3A_476 = vector.extract_strided_slice %bitcast3A {offsets = [1], sizes = [1], strides = [1]} : vector<16xf32> to vector<1xf32>
        %squeeze3A_477 = vector.extract %slice3A_476[0] : f32 from vector<1xf32>
        %mul3A_478 = vector.broadcast %squeeze3A_477 : f32 to vector<16xf32>
        %mul3A_479 = arith.mulf %get3A_475, %mul3A_478 : vector<16xf32>
        %swap3A_480 = arith.index_cast %add3A_472 : i32 to index
        %swap3A_481 = arith.constant 0 : index
        %swap3A_482 = tpu.vector_load %arg14[%swap3A_480, %swap3A_481] {strides = array<i32>} : memref<512x16xf32, #tpu.memory_space<vmem>>, vector<16xf32>,
        tpu.vector_store %arg14[%swap3A_480, %swap3A_481], %mul3A_479 {strides = array<i32>} : memref<512x16xf32, #tpu.memory_space<vmem>>, vector<16xf32>,
        %mul3A_483 = arith.constant 16 : i32
        %mul3A_484 = arith.muli %scan3A_432, %mul3A_483 : i32
        %add3A_485 = arith.constant 2 : i32
        %add3A_486 = arith.addi %mul3A_484, %add3A_485 : i32
        %get3A_487 = arith.index_cast %add3A_486 : i32 to index
        %get3A_488 = arith.constant 0 : index
        %get3A_489 = tpu.vector_load %arg14[%get3A_487, %get3A_488] {strides = array<i32>} : memref<512x16xf32, #tpu.memory_space<vmem>>, vector<16xf32>,
        %slice3A_490 = vector.extract_strided_slice %bitcast3A {offsets = [2], sizes = [1], strides = [1]} : vector<16xf32> to vector<1xf32>
        %squeeze3A_491 = vector.extract %slice3A_490[0] : f32 from vector<1xf32>
        %mul3A_492 = vector.broadcast %squeeze3A_491 : f32 to vector<16xf32>
        %mul3A_493 = arith.mulf %get3A_489, %mul3A_492 : vector<16xf32>
        %swap3A_494 = arith.index_cast %add3A_486 : i32 to index
        %swap3A_495 = arith.constant 0 : index
        %swap3A_496 = tpu.vector_load %arg14[%swap3A_494, %swap3A_495] {strides = array<i32>} : memref<512x16xf32, #tpu.memory_space<vmem>>, vector<16xf32>,
        tpu.vector_store %arg14[%swap3A_494, %swap3A_495], %mul3A_493 {strides = array<i32>} : memref<512x16xf32, #tpu.memory_space<vmem>>, vector<16xf32>,
        %mul3A_497 = arith.constant 16 : i32
        %mul3A_498 = arith.muli %scan3A_432, %mul3A_497 : i32
        %add3A_499 = arith.constant 3 : i32
        %add3A_500 = arith.addi %mul3A_498, %add3A_499 : i32
        %get3A_501 = arith.index_cast %add3A_500 : i32 to index
        %get3A_502 = arith.constant 0 : index
        %get3A_503 = tpu.vector_load %arg14[%get3A_501, %get3A_502] {strides = array<i32>} : memref<512x16xf32, #tpu.memory_space<vmem>>, vector<16xf32>,
        %slice3A_504 = vector.extract_strided_slice %bitcast3A {offsets = [3], sizes = [1], strides = [1]} : vector<16xf32> to vector<1xf32>
        %squeeze3A_505 = vector.extract %slice3A_504[0] : f32 from vector<1xf32>
        %mul3A_506 = vector.broadcast %squeeze3A_505 : f32 to vector<16xf32>
        %mul3A_507 = arith.mulf %get3A_503, %mul3A_506 : vector<16xf32>
        %swap3A_508 = arith.index_cast %add3A_500 : i32 to index
        %swap3A_509 = arith.constant 0 : index
        %swap3A_510 = tpu.vector_load %arg14[%swap3A_508, %swap3A_509] {strides = array<i32>} : memref<512x16xf32, #tpu.memory_space<vmem>>, vector<16xf32>,
        tpu.vector_store %arg14[%swap3A_508, %swap3A_509], %mul3A_507 {strides = array<i32>} : memref<512x16xf32, #tpu.memory_space<vmem>>, vector<16xf32>,
        %mul3A_511 = arith.constant 16 : i32
        %mul3A_512 = arith.muli %scan3A_432, %mul3A_511 : i32
        %add3A_513 = arith.constant 4 : i32
        %add3A_514 = arith.addi %mul3A_512, %add3A_513 : i32
        %get3A_515 = arith.index_cast %add3A_514 : i32 to index
        %get3A_516 = arith.constant 0 : index
        %get3A_517 = tpu.vector_load %arg14[%get3A_515, %get3A_516] {strides = array<i32>} : memref<512x16xf32, #tpu.memory_space<vmem>>, vector<16xf32>,
        %slice3A_518 = vector.extract_strided_slice %bitcast3A {offsets = [4], sizes = [1], strides = [1]} : vector<16xf32> to vector<1xf32>
        %squeeze3A_519 = vector.extract %slice3A_518[0] : f32 from vector<1xf32>
        %mul3A_520 = vector.broadcast %squeeze3A_519 : f32 to vector<16xf32>
        %mul3A_521 = arith.mulf %get3A_517, %mul3A_520 : vector<16xf32>
        %swap3A_522 = arith.index_cast %add3A_514 : i32 to index
        %swap3A_523 = arith.constant 0 : index
        %swap3A_524 = tpu.vector_load %arg14[%swap3A_522, %swap3A_523] {strides = array<i32>} : memref<512x16xf32, #tpu.memory_space<vmem>>, vector<16xf32>,
        tpu.vector_store %arg14[%swap3A_522, %swap3A_523], %mul3A_521 {strides = array<i32>} : memref<512x16xf32, #tpu.memory_space<vmem>>, vector<16xf32>,
        %mul3A_525 = arith.constant 16 : i32
        %mul3A_526 = arith.muli %scan3A_432, %mul3A_525 : i32
        %add3A_527 = arith.constant 5 : i32
        %add3A_528 = arith.addi %mul3A_526, %add3A_527 : i32
        %get3A_529 = arith.index_cast %add3A_528 : i32 to index
        %get3A_530 = arith.constant 0 : index
        %get3A_531 = tpu.vector_load %arg14[%get3A_529, %get3A_530] {strides = array<i32>} : memref<512x16xf32, #tpu.memory_space<vmem>>, vector<16xf32>,
        %slice3A_532 = vector.extract_strided_slice %bitcast3A {offsets = [5], sizes = [1], strides = [1]} : vector<16xf32> to vector<1xf32>
        %squeeze3A_533 = vector.extract %slice3A_532[0] : f32 from vector<1xf32>
        %mul3A_534 = vector.broadcast %squeeze3A_533 : f32 to vector<16xf32>
        %mul3A_535 = arith.mulf %get3A_531, %mul3A_534 : vector<16xf32>
        %swap3A_536 = arith.index_cast %add3A_528 : i32 to index
        %swap3A_537 = arith.constant 0 : index
        %swap3A_538 = tpu.vector_load %arg14[%swap3A_536, %swap3A_537] {strides = array<i32>} : memref<512x16xf32, #tpu.memory_space<vmem>>, vector<16xf32>,
        tpu.vector_store %arg14[%swap3A_536, %swap3A_537], %mul3A_535 {strides = array<i32>} : memref<512x16xf32, #tpu.memory_space<vmem>>, vector<16xf32>,
        %mul3A_539 = arith.constant 16 : i32
        %mul3A_540 = arith.muli %scan3A_432, %mul3A_539 : i32
        %add3A_541 = arith.constant 6 : i32
        %add3A_542 = arith.addi %mul3A_540, %add3A_541 : i32
        %get3A_543 = arith.index_cast %add3A_542 : i32 to index
        %get3A_544 = arith.constant 0 : index
        %get3A_545 = tpu.vector_load %arg14[%get3A_543, %get3A_544] {strides = array<i32>} : memref<512x16xf32, #tpu.memory_space<vmem>>, vector<16xf32>,
        %slice3A_546 = vector.extract_strided_slice %bitcast3A {offsets = [6], sizes = [1], strides = [1]} : vector<16xf32> to vector<1xf32>
        %squeeze3A_547 = vector.extract %slice3A_546[0] : f32 from vector<1xf32>
        %mul3A_548 = vector.broadcast %squeeze3A_547 : f32 to vector<16xf32>
        %mul3A_549 = arith.mulf %get3A_545, %mul3A_548 : vector<16xf32>
        %swap3A_550 = arith.index_cast %add3A_542 : i32 to index
        %swap3A_551 = arith.constant 0 : index
        %swap3A_552 = tpu.vector_load %arg14[%swap3A_550, %swap3A_551] {strides = array<i32>} : memref<512x16xf32, #tpu.memory_space<vmem>>, vector<16xf32>,
        tpu.vector_store %arg14[%swap3A_550, %swap3A_551], %mul3A_549 {strides = array<i32>} : memref<512x16xf32, #tpu.memory_space<vmem>>, vector<16xf32>,
        %mul3A_553 = arith.constant 16 : i32
        %mul3A_554 = arith.muli %scan3A_432, %mul3A_553 : i32
        %add3A_555 = arith.constant 7 : i32
        %add3A_556 = arith.addi %mul3A_554, %add3A_555 : i32
        %get3A_557 = arith.index_cast %add3A_556 : i32 to index
        %get3A_558 = arith.constant 0 : index
        %get3A_559 = tpu.vector_load %arg14[%get3A_557, %get3A_558] {strides = array<i32>} : memref<512x16xf32, #tpu.memory_space<vmem>>, vector<16xf32>,
        %slice3A_560 = vector.extract_strided_slice %bitcast3A {offsets = [7], sizes = [1], strides = [1]} : vector<16xf32> to vector<1xf32>
        %squeeze3A_561 = vector.extract %slice3A_560[0] : f32 from vector<1xf32>
        %mul3A_562 = vector.broadcast %squeeze3A_561 : f32 to vector<16xf32>
        %mul3A_563 = arith.mulf %get3A_559, %mul3A_562 : vector<16xf32>
        %swap3A_564 = arith.index_cast %add3A_556 : i32 to index
        %swap3A_565 = arith.constant 0 : index
        %swap3A_566 = tpu.vector_load %arg14[%swap3A_564, %swap3A_565] {strides = array<i32>} : memref<512x16xf32, #tpu.memory_space<vmem>>, vector<16xf32>,
        tpu.vector_store %arg14[%swap3A_564, %swap3A_565], %mul3A_563 {strides = array<i32>} : memref<512x16xf32, #tpu.memory_space<vmem>>, vector<16xf32>,
        %mul3A_567 = arith.constant 16 : i32
        %mul3A_568 = arith.muli %scan3A_432, %mul3A_567 : i32
        %add3A_569 = arith.constant 8 : i32
        %add3A_570 = arith.addi %mul3A_568, %add3A_569 : i32
        %get3A_571 = arith.index_cast %add3A_570 : i32 to index
        %get3A_572 = arith.constant 0 : index
        %get3A_573 = tpu.vector_load %arg14[%get3A_571, %get3A_572] {strides = array<i32>} : memref<512x16xf32, #tpu.memory_space<vmem>>, vector<16xf32>,
        %slice3A_574 = vector.extract_strided_slice %bitcast3A {offsets = [8], sizes = [1], strides = [1]} : vector<16xf32> to vector<1xf32>
        %squeeze3A_575 = vector.extract %slice3A_574[0] : f32 from vector<1xf32>
        %mul3A_576 = vector.broadcast %squeeze3A_575 : f32 to vector<16xf32>
        %mul3A_577 = arith.mulf %get3A_573, %mul3A_576 : vector<16xf32>
        %swap3A_578 = arith.index_cast %add3A_570 : i32 to index
        %swap3A_579 = arith.constant 0 : index
        %swap3A_580 = tpu.vector_load %arg14[%swap3A_578, %swap3A_579] {strides = array<i32>} : memref<512x16xf32, #tpu.memory_space<vmem>>, vector<16xf32>,
        tpu.vector_store %arg14[%swap3A_578, %swap3A_579], %mul3A_577 {strides = array<i32>} : memref<512x16xf32, #tpu.memory_space<vmem>>, vector<16xf32>,
        %mul3A_581 = arith.constant 16 : i32
        %mul3A_582 = arith.muli %scan3A_432, %mul3A_581 : i32
        %add3A_583 = arith.constant 9 : i32
        %add3A_584 = arith.addi %mul3A_582, %add3A_583 : i32
        %get3A_585 = arith.index_cast %add3A_584 : i32 to index
        %get3A_586 = arith.constant 0 : index
        %get3A_587 = tpu.vector_load %arg14[%get3A_585, %get3A_586] {strides = array<i32>} : memref<512x16xf32, #tpu.memory_space<vmem>>, vector<16xf32>,
        %slice3A_588 = vector.extract_strided_slice %bitcast3A {offsets = [9], sizes = [1], strides = [1]} : vector<16xf32> to vector<1xf32>
        %squeeze3A_589 = vector.extract %slice3A_588[0] : f32 from vector<1xf32>
        %mul3A_590 = vector.broadcast %squeeze3A_589 : f32 to vector<16xf32>
        %mul3A_591 = arith.mulf %get3A_587, %mul3A_590 : vector<16xf32>
        %swap3A_592 = arith.index_cast %add3A_584 : i32 to index
        %swap3A_593 = arith.constant 0 : index
        %swap3A_594 = tpu.vector_load %arg14[%swap3A_592, %swap3A_593] {strides = array<i32>} : memref<512x16xf32, #tpu.memory_space<vmem>>, vector<16xf32>,
        tpu.vector_store %arg14[%swap3A_592, %swap3A_593], %mul3A_591 {strides = array<i32>} : memref<512x16xf32, #tpu.memory_space<vmem>>, vector<16xf32>,
        %mul3A_595 = arith.constant 16 : i32
        %mul3A_596 = arith.muli %scan3A_432, %mul3A_595 : i32
        %add3A_597 = arith.constant 10 : i32
        %add3A_598 = arith.addi %mul3A_596, %add3A_597 : i32
        %get3A_599 = arith.index_cast %add3A_598 : i32 to index
        %get3A_600 = arith.constant 0 : index
        %get3A_601 = tpu.vector_load %arg14[%get3A_599, %get3A_600] {strides = array<i32>} : memref<512x16xf32, #tpu.memory_space<vmem>>, vector<16xf32>,
        %slice3A_602 = vector.extract_strided_slice %bitcast3A {offsets = [10], sizes = [1], strides = [1]} : vector<16xf32> to vector<1xf32>
        %squeeze3A_603 = vector.extract %slice3A_602[0] : f32 from vector<1xf32>
        %mul3A_604 = vector.broadcast %squeeze3A_603 : f32 to vector<16xf32>
        %mul3A_605 = arith.mulf %get3A_601, %mul3A_604 : vector<16xf32>
        %swap3A_606 = arith.index_cast %add3A_598 : i32 to index
        %swap3A_607 = arith.constant 0 : index
        %swap3A_608 = tpu.vector_load %arg14[%swap3A_606, %swap3A_607] {strides = array<i32>} : memref<512x16xf32, #tpu.memory_space<vmem>>, vector<16xf32>,
        tpu.vector_store %arg14[%swap3A_606, %swap3A_607], %mul3A_605 {strides = array<i32>} : memref<512x16xf32, #tpu.memory_space<vmem>>, vector<16xf32>,
        %mul3A_609 = arith.constant 16 : i32
        %mul3A_610 = arith.muli %scan3A_432, %mul3A_609 : i32
        %add3A_611 = arith.constant 11 : i32
        %add3A_612 = arith.addi %mul3A_610, %add3A_611 : i32
        %get3A_613 = arith.index_cast %add3A_612 : i32 to index
        %get3A_614 = arith.constant 0 : index
        %get3A_615 = tpu.vector_load %arg14[%get3A_613, %get3A_614] {strides = array<i32>} : memref<512x16xf32, #tpu.memory_space<vmem>>, vector<16xf32>,
        %slice3A_616 = vector.extract_strided_slice %bitcast3A {offsets = [11], sizes = [1], strides = [1]} : vector<16xf32> to vector<1xf32>
        %squeeze3A_617 = vector.extract %slice3A_616[0] : f32 from vector<1xf32>
        %mul3A_618 = vector.broadcast %squeeze3A_617 : f32 to vector<16xf32>
        %mul3A_619 = arith.mulf %get3A_615, %mul3A_618 : vector<16xf32>
        %swap3A_620 = arith.index_cast %add3A_612 : i32 to index
        %swap3A_621 = arith.constant 0 : index
        %swap3A_622 = tpu.vector_load %arg14[%swap3A_620, %swap3A_621] {strides = array<i32>} : memref<512x16xf32, #tpu.memory_space<vmem>>, vector<16xf32>,
        tpu.vector_store %arg14[%swap3A_620, %swap3A_621], %mul3A_619 {strides = array<i32>} : memref<512x16xf32, #tpu.memory_space<vmem>>, vector<16xf32>,
        %mul3A_623 = arith.constant 16 : i32
        %mul3A_624 = arith.muli %scan3A_432, %mul3A_623 : i32
        %add3A_625 = arith.constant 12 : i32
        %add3A_626 = arith.addi %mul3A_624, %add3A_625 : i32
        %get3A_627 = arith.index_cast %add3A_626 : i32 to index
        %get3A_628 = arith.constant 0 : index
        %get3A_629 = tpu.vector_load %arg14[%get3A_627, %get3A_628] {strides = array<i32>} : memref<512x16xf32, #tpu.memory_space<vmem>>, vector<16xf32>,
        %slice3A_630 = vector.extract_strided_slice %bitcast3A {offsets = [12], sizes = [1], strides = [1]} : vector<16xf32> to vector<1xf32>
        %squeeze3A_631 = vector.extract %slice3A_630[0] : f32 from vector<1xf32>
        %mul3A_632 = vector.broadcast %squeeze3A_631 : f32 to vector<16xf32>
        %mul3A_633 = arith.mulf %get3A_629, %mul3A_632 : vector<16xf32>
        %swap3A_634 = arith.index_cast %add3A_626 : i32 to index
        %swap3A_635 = arith.constant 0 : index
        %swap3A_636 = tpu.vector_load %arg14[%swap3A_634, %swap3A_635] {strides = array<i32>} : memref<512x16xf32, #tpu.memory_space<vmem>>, vector<16xf32>,
        tpu.vector_store %arg14[%swap3A_634, %swap3A_635], %mul3A_633 {strides = array<i32>} : memref<512x16xf32, #tpu.memory_space<vmem>>, vector<16xf32>,
        %mul3A_637 = arith.constant 16 : i32
        %mul3A_638 = arith.muli %scan3A_432, %mul3A_637 : i32
        %add3A_639 = arith.constant 13 : i32
        %add3A_640 = arith.addi %mul3A_638, %add3A_639 : i32
        %get3A_641 = arith.index_cast %add3A_640 : i32 to index
        %get3A_642 = arith.constant 0 : index
        %get3A_643 = tpu.vector_load %arg14[%get3A_641, %get3A_642] {strides = array<i32>} : memref<512x16xf32, #tpu.memory_space<vmem>>, vector<16xf32>,
        %slice3A_644 = vector.extract_strided_slice %bitcast3A {offsets = [13], sizes = [1], strides = [1]} : vector<16xf32> to vector<1xf32>
        %squeeze3A_645 = vector.extract %slice3A_644[0] : f32 from vector<1xf32>
        %mul3A_646 = vector.broadcast %squeeze3A_645 : f32 to vector<16xf32>
        %mul3A_647 = arith.mulf %get3A_643, %mul3A_646 : vector<16xf32>
        %swap3A_648 = arith.index_cast %add3A_640 : i32 to index
        %swap3A_649 = arith.constant 0 : index
        %swap3A_650 = tpu.vector_load %arg14[%swap3A_648, %swap3A_649] {strides = array<i32>} : memref<512x16xf32, #tpu.memory_space<vmem>>, vector<16xf32>,
        tpu.vector_store %arg14[%swap3A_648, %swap3A_649], %mul3A_647 {strides = array<i32>} : memref<512x16xf32, #tpu.memory_space<vmem>>, vector<16xf32>,
        %mul3A_651 = arith.constant 16 : i32
        %mul3A_652 = arith.muli %scan3A_432, %mul3A_651 : i32
        %add3A_653 = arith.constant 14 : i32
        %add3A_654 = arith.addi %mul3A_652, %add3A_653 : i32
        %get3A_655 = arith.index_cast %add3A_654 : i32 to index
        %get3A_656 = arith.constant 0 : index
        %get3A_657 = tpu.vector_load %arg14[%get3A_655, %get3A_656] {strides = array<i32>} : memref<512x16xf32, #tpu.memory_space<vmem>>, vector<16xf32>,
        %slice3A_658 = vector.extract_strided_slice %bitcast3A {offsets = [14], sizes = [1], strides = [1]} : vector<16xf32> to vector<1xf32>
        %squeeze3A_659 = vector.extract %slice3A_658[0] : f32 from vector<1xf32>
        %mul3A_660 = vector.broadcast %squeeze3A_659 : f32 to vector<16xf32>
        %mul3A_661 = arith.mulf %get3A_657, %mul3A_660 : vector<16xf32>
        %swap3A_662 = arith.index_cast %add3A_654 : i32 to index
        %swap3A_663 = arith.constant 0 : index
        %swap3A_664 = tpu.vector_load %arg14[%swap3A_662, %swap3A_663] {strides = array<i32>} : memref<512x16xf32, #tpu.memory_space<vmem>>, vector<16xf32>,
        tpu.vector_store %arg14[%swap3A_662, %swap3A_663], %mul3A_661 {strides = array<i32>} : memref<512x16xf32, #tpu.memory_space<vmem>>, vector<16xf32>,
        %mul3A_665 = arith.constant 16 : i32
        %mul3A_666 = arith.muli %scan3A_432, %mul3A_665 : i32
        %add3A_667 = arith.constant 15 : i32
        %add3A_668 = arith.addi %mul3A_666, %add3A_667 : i32
        %get3A_669 = arith.index_cast %add3A_668 : i32 to index
        %get3A_670 = arith.constant 0 : index
        %get3A_671 = tpu.vector_load %arg14[%get3A_669, %get3A_670] {strides = array<i32>} : memref<512x16xf32, #tpu.memory_space<vmem>>, vector<16xf32>,
        %slice3A_672 = vector.extract_strided_slice %bitcast3A {offsets = [15], sizes = [1], strides = [1]} : vector<16xf32> to vector<1xf32>
        %squeeze3A_673 = vector.extract %slice3A_672[0] : f32 from vector<1xf32>
        %mul3A_674 = vector.broadcast %squeeze3A_673 : f32 to vector<16xf32>
        %mul3A_675 = arith.mulf %get3A_671, %mul3A_674 : vector<16xf32>
        %swap3A_676 = arith.index_cast %add3A_668 : i32 to index
        %swap3A_677 = arith.constant 0 : index
        %swap3A_678 = tpu.vector_load %arg14[%swap3A_676, %swap3A_677] {strides = array<i32>} : memref<512x16xf32, #tpu.memory_space<vmem>>, vector<16xf32>,
        tpu.vector_store %arg14[%swap3A_676, %swap3A_677], %mul3A_675 {strides = array<i32>} : memref<512x16xf32, #tpu.memory_space<vmem>>, vector<16xf32>,
      }
      %scan3A_391 = arith.constant 32 : i32
      %dma_start3A_392 = arith.constant 4 : i32
      %dma_start3A_393 = arith.constant 0 : i32
      %dma_start3A_394 = arith.constant 0 : i32
      %dma_start3A_395 = tpu.memref_slice %arg14[%dma_start3A_393, %dma_start3A_394] : memref<512x16xf32, #tpu.memory_space<vmem>> -> memref<128x16xf32, #tpu.memory_space<vmem>>
      %dma_start3A_396 = arith.constant 0 : i32
      %dma_start3A_397 = tpu.memref_slice %arg10[%dma_start3A_392, %dma_start3A_396] : memref<12x128xi32, #tpu.memory_space<vmem>> -> memref<1x128xi32, #tpu.memory_space<vmem>>
      %dma_start3A_398 = tpu.memref_squeeze %dma_start3A_397 : memref<1x128xi32, #tpu.memory_space<vmem>> -> memref<128xi32, #tpu.memory_space<vmem>>
      %dma_start3A_399 = arith.constant 0 : i32
      %dma_start3A_400 = arith.constant 0 : i32
      %dma_start3A_401 = tpu.memref_slice %arg6[%dma_start3A_399, %dma_start3A_400] : memref<50000x16xf32, #tpu.memory_space<vmem_shared>> -> memref<50000x16xf32, #tpu.memory_space<vmem_shared>>
      tpu.enqueue_indirect_dma source(%dma_start3A_395 : memref<128x16xf32, #tpu.memory_space<vmem>>) target(%dma_start3A_401 : memref<50000x16xf32, #tpu.memory_space<vmem_shared>>) offsets(%dma_start3A_398 : memref<128xi32, #tpu.memory_space<vmem>>) semaphore(%arg26 : memref<!tpu.dma_semaphore, #tpu.memory_space<semaphore_mem>>) {add = true}
      %dma_start3A_402 = arith.constant 5 : i32
      %dma_start3A_403 = arith.constant 128 : i32
      %dma_start3A_404 = arith.constant 0 : i32
      %dma_start3A_405 = tpu.memref_slice %arg14[%dma_start3A_403, %dma_start3A_404] : memref<512x16xf32, #tpu.memory_space<vmem>> -> memref<128x16xf32, #tpu.memory_space<vmem>>
      %dma_start3A_406 = arith.constant 0 : i32
      %dma_start3A_407 = tpu.memref_slice %arg10[%dma_start3A_402, %dma_start3A_406] : memref<12x128xi32, #tpu.memory_space<vmem>> -> memref<1x128xi32, #tpu.memory_space<vmem>>
      %dma_start3A_408 = tpu.memref_squeeze %dma_start3A_407 : memref<1x128xi32, #tpu.memory_space<vmem>> -> memref<128xi32, #tpu.memory_space<vmem>>
      %dma_start3A_409 = arith.constant 0 : i32
      %dma_start3A_410 = arith.constant 0 : i32
      %dma_start3A_411 = tpu.memref_slice %arg6[%dma_start3A_409, %dma_start3A_410] : memref<50000x16xf32, #tpu.memory_space<vmem_shared>> -> memref<50000x16xf32, #tpu.memory_space<vmem_shared>>
      tpu.enqueue_indirect_dma source(%dma_start3A_405 : memref<128x16xf32, #tpu.memory_space<vmem>>) target(%dma_start3A_411 : memref<50000x16xf32, #tpu.memory_space<vmem_shared>>) offsets(%dma_start3A_408 : memref<128xi32, #tpu.memory_space<vmem>>) semaphore(%arg26 : memref<!tpu.dma_semaphore, #tpu.memory_space<semaphore_mem>>) {add = true}
      %dma_start3A_412 = arith.constant 6 : i32
      %dma_start3A_413 = arith.constant 256 : i32
      %dma_start3A_414 = arith.constant 0 : i32
      %dma_start3A_415 = tpu.memref_slice %arg14[%dma_start3A_413, %dma_start3A_414] : memref<512x16xf32, #tpu.memory_space<vmem>> -> memref<128x16xf32, #tpu.memory_space<vmem>>
      %dma_start3A_416 = arith.constant 0 : i32
      %dma_start3A_417 = tpu.memref_slice %arg10[%dma_start3A_412, %dma_start3A_416] : memref<12x128xi32, #tpu.memory_space<vmem>> -> memref<1x128xi32, #tpu.memory_space<vmem>>
      %dma_start3A_418 = tpu.memref_squeeze %dma_start3A_417 : memref<1x128xi32, #tpu.memory_space<vmem>> -> memref<128xi32, #tpu.memory_space<vmem>>
      %dma_start3A_419 = arith.constant 0 : i32
      %dma_start3A_420 = arith.constant 0 : i32
      %dma_start3A_421 = tpu.memref_slice %arg6[%dma_start3A_419, %dma_start3A_420] : memref<50000x16xf32, #tpu.memory_space<vmem_shared>> -> memref<50000x16xf32, #tpu.memory_space<vmem_shared>>
      tpu.enqueue_indirect_dma source(%dma_start3A_415 : memref<128x16xf32, #tpu.memory_space<vmem>>) target(%dma_start3A_421 : memref<50000x16xf32, #tpu.memory_space<vmem_shared>>) offsets(%dma_start3A_418 : memref<128xi32, #tpu.memory_space<vmem>>) semaphore(%arg26 : memref<!tpu.dma_semaphore, #tpu.memory_space<semaphore_mem>>) {add = true}
      %dma_start3A_422 = arith.constant 7 : i32
      %dma_start3A_423 = arith.constant 384 : i32
      %dma_start3A_424 = arith.constant 0 : i32
      %dma_start3A_425 = tpu.memref_slice %arg14[%dma_start3A_423, %dma_start3A_424] : memref<512x16xf32, #tpu.memory_space<vmem>> -> memref<128x16xf32, #tpu.memory_space<vmem>>
      %dma_start3A_426 = arith.constant 0 : i32
      %dma_start3A_427 = tpu.memref_slice %arg10[%dma_start3A_422, %dma_start3A_426] : memref<12x128xi32, #tpu.memory_space<vmem>> -> memref<1x128xi32, #tpu.memory_space<vmem>>
      %dma_start3A_428 = tpu.memref_squeeze %dma_start3A_427 : memref<1x128xi32, #tpu.memory_space<vmem>> -> memref<128xi32, #tpu.memory_space<vmem>>
      %dma_start3A_429 = arith.constant 0 : i32
      %dma_start3A_430 = arith.constant 0 : i32
      %dma_start3A_431 = tpu.memref_slice %arg6[%dma_start3A_429, %dma_start3A_430] : memref<50000x16xf32, #tpu.memory_space<vmem_shared>> -> memref<50000x16xf32, #tpu.memory_space<vmem_shared>>
      tpu.enqueue_indirect_dma source(%dma_start3A_425 : memref<128x16xf32, #tpu.memory_space<vmem>>) target(%dma_start3A_431 : memref<50000x16xf32, #tpu.memory_space<vmem_shared>>) offsets(%dma_start3A_428 : memref<128xi32, #tpu.memory_space<vmem>>) semaphore(%arg26 : memref<!tpu.dma_semaphore, #tpu.memory_space<semaphore_mem>>) {add = true}
    }
    %scan3A_115 = arith.constant 25 : i32
    %dma_wait3A_116 = arith.constant 0 : i32
    %dma_wait3A_117 = arith.constant 0 : i32
    %dma_wait3A_118 = tpu.memref_slice %arg6[%dma_wait3A_116, %dma_wait3A_117] : memref<50000x16xf32, #tpu.memory_space<vmem_shared>> -> memref<512x16xf32, #tpu.memory_space<vmem_shared>>
    %dma_wait3A_119 = arith.constant 0 : i32
    %dma_wait3A_120 = arith.constant 0 : i32
    %dma_wait3A_121 = tpu.memref_slice %arg6[%dma_wait3A_119, %dma_wait3A_120] : memref<50000x16xf32, #tpu.memory_space<vmem_shared>> -> memref<512x16xf32, #tpu.memory_space<vmem_shared>>
    tpu.wait_dma2 semaphore(%arg26 : memref<!tpu.dma_semaphore, #tpu.memory_space<semaphore_mem>>) src(%arg14 : memref<512x16xf32, #tpu.memory_space<vmem>>) dst(%dma_wait3A_121 : memref<512x16xf32, #tpu.memory_space<vmem_shared>>)
    %barrier3A_122 = arith.constant 0 : index
    tpu.barrier barrier_id(%barrier3A_122)
    %eq3A_123 = arith.constant 0 : i32
    %eq3A_124 = arith.cmpi eq, %arg1, %eq3A_123 : i32
    %convert_element_type3A_125 = arith.extui %eq3A_124 : i1 to i32
    %cond3A_126 = arith.constant 0 : i32
    %cond3A_127 = arith.cmpi ne, %convert_element_type3A_125, %cond3A_126 : i32
    scf.if %cond3A_127 {
      %mul3A_133 = arith.constant 50000 : i32
      %mul3A_134 = arith.muli %arg0, %mul3A_133 : i32
      "tpu.region"() ({
        %run_scoped3A = tpu.sem_alloc : memref<!tpu.dma_semaphore, #tpu.memory_space<semaphore_mem>>
        %dma_start3A_135 = arith.constant 0 : i32
        %dma_start3A_136 = tpu.memref_slice %arg5[%mul3A_134, %dma_start3A_135] : memref<100000x16xf32, #tpu.memory_space<hbm>> -> memref<25000x16xf32, #tpu.memory_space<hbm>>
        %dma_start3A_137 = arith.constant 0 : i32
        %dma_start3A_138 = arith.constant 0 : i32
        %dma_start3A_139 = tpu.memref_slice %arg6[%dma_start3A_137, %dma_start3A_138] : memref<50000x16xf32, #tpu.memory_space<vmem_shared>> -> memref<25000x16xf32, #tpu.memory_space<vmem_shared>>
        tpu.enqueue_dma source(%dma_start3A_139 : memref<25000x16xf32, #tpu.memory_space<vmem_shared>>) target(%dma_start3A_136 : memref<25000x16xf32, #tpu.memory_space<hbm>>) target_semaphore(%run_scoped3A : memref<!tpu.dma_semaphore, #tpu.memory_space<semaphore_mem>>)
        %dma_wait3A_140 = arith.constant 0 : i32
        %dma_wait3A_141 = tpu.memref_slice %arg5[%mul3A_134, %dma_wait3A_140] : memref<100000x16xf32, #tpu.memory_space<hbm>> -> memref<25000x16xf32, #tpu.memory_space<hbm>>
        %dma_wait3A_142 = arith.constant 0 : i32
        %dma_wait3A_143 = arith.constant 0 : i32
        %dma_wait3A_144 = tpu.memref_slice %arg6[%dma_wait3A_142, %dma_wait3A_143] : memref<50000x16xf32, #tpu.memory_space<vmem_shared>> -> memref<25000x16xf32, #tpu.memory_space<vmem_shared>>
        tpu.wait_dma2 semaphore(%run_scoped3A : memref<!tpu.dma_semaphore, #tpu.memory_space<semaphore_mem>>) src(%dma_wait3A_144 : memref<25000x16xf32, #tpu.memory_space<vmem_shared>>) dst(%dma_wait3A_141 : memref<25000x16xf32, #tpu.memory_space<hbm>>)
        tpu.yield
      }) : () -> ()
    } else {
    }
    %eq3A_128 = arith.constant 8 : i32
    %eq3A_129 = arith.cmpi eq, %arg1, %eq3A_128 : i32
    %convert_element_type3A_130 = arith.extui %eq3A_129 : i1 to i32
    %cond3A_131 = arith.constant 0 : i32
    %cond3A_132 = arith.cmpi ne, %convert_element_type3A_130, %cond3A_131 : i32
    scf.if %cond3A_132 {
      %mul3A_133 = arith.constant 50000 : i32
      %mul3A_134 = arith.muli %arg0, %mul3A_133 : i32
      %add3A_135 = arith.constant 25000 : i32
      %add3A_136 = arith.addi %mul3A_134, %add3A_135 : i32
      "tpu.region"() ({
        %run_scoped3A = tpu.sem_alloc : memref<!tpu.dma_semaphore, #tpu.memory_space<semaphore_mem>>
        %dma_start3A_137 = arith.constant 0 : i32
        %dma_start3A_138 = tpu.memref_slice %arg5[%add3A_136, %dma_start3A_137] : memref<100000x16xf32, #tpu.memory_space<hbm>> -> memref<25000x16xf32, #tpu.memory_space<hbm>>
        %dma_start3A_139 = arith.constant 25000 : i32
        %dma_start3A_140 = arith.constant 0 : i32
        %dma_start3A_141 = tpu.memref_slice %arg6[%dma_start3A_139, %dma_start3A_140] : memref<50000x16xf32, #tpu.memory_space<vmem_shared>> -> memref<25000x16xf32, #tpu.memory_space<vmem_shared>>
        tpu.enqueue_dma source(%dma_start3A_141 : memref<25000x16xf32, #tpu.memory_space<vmem_shared>>) target(%dma_start3A_138 : memref<25000x16xf32, #tpu.memory_space<hbm>>) target_semaphore(%run_scoped3A : memref<!tpu.dma_semaphore, #tpu.memory_space<semaphore_mem>>)
        %dma_wait3A_142 = arith.constant 0 : i32
        %dma_wait3A_143 = tpu.memref_slice %arg5[%add3A_136, %dma_wait3A_142] : memref<100000x16xf32, #tpu.memory_space<hbm>> -> memref<25000x16xf32, #tpu.memory_space<hbm>>
        %dma_wait3A_144 = arith.constant 25000 : i32
        %dma_wait3A_145 = arith.constant 0 : i32
        %dma_wait3A_146 = tpu.memref_slice %arg6[%dma_wait3A_144, %dma_wait3A_145] : memref<50000x16xf32, #tpu.memory_space<vmem_shared>> -> memref<25000x16xf32, #tpu.memory_space<vmem_shared>>
        tpu.wait_dma2 semaphore(%run_scoped3A : memref<!tpu.dma_semaphore, #tpu.memory_space<semaphore_mem>>) src(%dma_wait3A_146 : memref<25000x16xf32, #tpu.memory_space<vmem_shared>>) dst(%dma_wait3A_143 : memref<25000x16xf32, #tpu.memory_space<hbm>>)
        tpu.yield
      }) : () -> ()
    } else {
    }
    return
  }
}

module attributes {stable_mosaic.version = 14 : i64} {
  func.func @_embed_proj_body(%arg0: memref<6250x128xf32, #tpu.memory_space<vmem>>, %arg1: memref<128x128xf32, #tpu.memory_space<vmem>>, %arg2: memref<128xf32, #tpu.memory_space<vmem>>, %arg3: memref<128xf32, #tpu.memory_space<vmem>>, %arg4: memref<128xf32, #tpu.memory_space<vmem>>, %arg5: memref<128x128xf32, #tpu.memory_space<vmem>>, %arg6: memref<3x128x128xf32, #tpu.memory_space<vmem>>, %arg7: memref<3x6250x128xf32, #tpu.memory_space<vmem>>) attributes {dimension_semantics = [], scalar_prefetch = 0 : i64, scratch_operands = 0 : i64, tpu.core_type = #tpu.core_type<tc>} {
    %get3A = arith.constant 0 : index
    %get3A_0 = arith.constant 0 : index
    %get3A_1 = vector.load %arg0[%get3A, %get3A_0] : memref<6250x128xf32, #tpu.memory_space<vmem>>, vector<6250x128xf32>
    %get3A_2 = arith.constant 0 : index
    %get3A_3 = arith.constant 0 : index
    %get3A_4 = vector.load %arg1[%get3A_2, %get3A_3] : memref<128x128xf32, #tpu.memory_space<vmem>>, vector<128x128xf32>
    %dot_general3A = arith.constant dense<0.000000e+00> : vector<6250x128xf32>
    %dot_general3A_5 = tpu.matmul %get3A_1, %get3A_4, %dot_general3A {dimension_numbers = #tpu.dot_dimension_numbers<[1], [0], [0], [1], [0, 0, 1, 1], [], []>, transpose_lhs_hint = false} : vector<6250x128xf32>, vector<128x128xf32>, vector<6250x128xf32> -> vector<6250x128xf32>
    %get3A_6 = arith.constant 0 : index
    %get3A_7 = vector.load %arg2[%get3A_6] : memref<128xf32, #tpu.memory_space<vmem>>, vector<128xf32>
    %broadcast_in_dim3A = vector.shape_cast %get3A_7 : vector<128xf32> to vector<1x128xf32>
    %add3A = vector.broadcast %broadcast_in_dim3A : vector<1x128xf32> to vector<6250x128xf32>
    %add3A_8 = arith.addf %dot_general3A_5, %add3A : vector<6250x128xf32>
    %get3A_9 = arith.constant 0 : index
    %get3A_10 = arith.constant 0 : index
    %get3A_11 = vector.load %arg5[%get3A_9, %get3A_10] : memref<128x128xf32, #tpu.memory_space<vmem>>, vector<128x128xf32>
    %get3A_12 = arith.constant 0 : index
    %get3A_13 = vector.load %arg3[%get3A_12] : memref<128xf32, #tpu.memory_space<vmem>>, vector<128xf32>
    %get3A_14 = arith.constant 0 : index
    %get3A_15 = vector.load %arg4[%get3A_14] : memref<128xf32, #tpu.memory_space<vmem>>, vector<128xf32>
    %reduce_sum3A = arith.constant dense<0.000000e+00> : vector<128xf32>
    %reduce_sum3A_16 = vector.multi_reduction <add>, %add3A_8, %reduce_sum3A [0] : vector<6250x128xf32> to vector<128xf32>
    %broadcast_in_dim3A_17 = vector.shape_cast %reduce_sum3A_16 : vector<128xf32> to vector<1x128xf32>
    %div3A = arith.constant 6.250000e+03 : f32
    %div3A_18 = vector.broadcast %div3A : f32 to vector<1x128xf32>
    %div3A_19 = arith.divf %broadcast_in_dim3A_17, %div3A_18 : vector<1x128xf32>
    %dot_general3A_20 = arith.constant dense<0.000000e+00> : vector<1x128xf32>
    %dot_general3A_21 = tpu.matmul %div3A_19, %get3A_11, %dot_general3A_20 {dimension_numbers = #tpu.dot_dimension_numbers<[1], [0], [0], [1], [0, 0, 1, 1], [], []>, transpose_lhs_hint = false} : vector<1x128xf32>, vector<128x128xf32>, vector<1x128xf32> -> vector<1x128xf32>
    %mul3A = arith.mulf %add3A_8, %add3A_8 : vector<6250x128xf32>
    %reduce_sum3A_22 = arith.constant dense<0.000000e+00> : vector<128xf32>
    %reduce_sum3A_23 = vector.multi_reduction <add>, %mul3A, %reduce_sum3A_22 [0] : vector<6250x128xf32> to vector<128xf32>
    %broadcast_in_dim3A_24 = vector.shape_cast %reduce_sum3A_23 : vector<128xf32> to vector<1x128xf32>
    %div3A_25 = arith.constant 6.250000e+03 : f32
    %div3A_26 = vector.broadcast %div3A_25 : f32 to vector<1x128xf32>
    %div3A_27 = arith.divf %broadcast_in_dim3A_24, %div3A_26 : vector<1x128xf32>
    %dot_general3A_28 = arith.constant dense<0.000000e+00> : vector<1x128xf32>
    %dot_general3A_29 = tpu.matmul %div3A_27, %get3A_11, %dot_general3A_28 {dimension_numbers = #tpu.dot_dimension_numbers<[1], [0], [0], [1], [0, 0, 1, 1], [], []>, transpose_lhs_hint = false} : vector<1x128xf32>, vector<128x128xf32>, vector<1x128xf32> -> vector<1x128xf32>
    %mul3A_30 = arith.mulf %dot_general3A_21, %dot_general3A_21 : vector<1x128xf32>
    %sub3A = arith.subf %dot_general3A_29, %mul3A_30 : vector<1x128xf32>
    %sub3A_31 = vector.broadcast %dot_general3A_21 : vector<1x128xf32> to vector<6250x128xf32>
    %sub3A_32 = arith.subf %add3A_8, %sub3A_31 : vector<6250x128xf32>
    %broadcast_in_dim3A_33 = vector.shape_cast %get3A_13 : vector<128xf32> to vector<1x128xf32>
    %mul3A_34 = vector.broadcast %broadcast_in_dim3A_33 : vector<1x128xf32> to vector<6250x128xf32>
    %mul3A_35 = arith.mulf %mul3A_34, %sub3A_32 : vector<6250x128xf32>
    %add3A_36 = arith.constant 9.99999974E-6 : f32
    %add3A_37 = vector.broadcast %add3A_36 : f32 to vector<1x128xf32>
    %add3A_38 = arith.addf %sub3A, %add3A_37 : vector<1x128xf32>
    %sqrt3A = math.sqrt %add3A_38 : vector<1x128xf32>
    %div3A_39 = vector.broadcast %sqrt3A : vector<1x128xf32> to vector<6250x128xf32>
    %div3A_40 = arith.divf %mul3A_35, %div3A_39 : vector<6250x128xf32>
    %broadcast_in_dim3A_41 = vector.shape_cast %get3A_15 : vector<128xf32> to vector<1x128xf32>
    %add3A_42 = vector.broadcast %broadcast_in_dim3A_41 : vector<1x128xf32> to vector<6250x128xf32>
    %add3A_43 = arith.addf %div3A_40, %add3A_42 : vector<6250x128xf32>
    %max3A = arith.constant 0.000000e+00 : f32
    %max3A_44 = vector.broadcast %max3A : f32 to vector<6250x128xf32>
    %max3A_45 = arith.maximumf %add3A_43, %max3A_44 : vector<6250x128xf32>
    %get3A_46 = arith.constant 0 : index
    %get3A_47 = arith.constant 0 : index
    %get3A_48 = arith.constant 0 : index
    %get3A_49 = vector.load %arg6[%get3A_46, %get3A_47, %get3A_48] : memref<3x128x128xf32, #tpu.memory_space<vmem>>, vector<1x128x128xf32>
    %get3A_50 = vector.shape_cast %get3A_49 : vector<1x128x128xf32> to vector<128x128xf32>
    %dot_general3A_51 = arith.constant dense<0.000000e+00> : vector<6250x128xf32>
    %dot_general3A_52 = tpu.matmul %max3A_45, %get3A_50, %dot_general3A_51 {dimension_numbers = #tpu.dot_dimension_numbers<[1], [0], [0], [1], [0, 0, 1, 1], [], []>, transpose_lhs_hint = false} : vector<6250x128xf32>, vector<128x128xf32>, vector<6250x128xf32> -> vector<6250x128xf32>
    %swap3A = arith.constant 0 : index
    %swap3A_53 = arith.constant 0 : index
    %swap3A_54 = arith.constant 0 : index
    %swap3A_55 = vector.load %arg7[%swap3A, %swap3A_53, %swap3A_54] : memref<3x6250x128xf32, #tpu.memory_space<vmem>>, vector<1x6250x128xf32>
    %swap3A_56 = vector.shape_cast %swap3A_55 : vector<1x6250x128xf32> to vector<6250x128xf32>
    %swap3A_57 = vector.shape_cast %dot_general3A_52 : vector<6250x128xf32> to vector<1x6250x128xf32>
    tpu.vector_store %arg7[%swap3A, %swap3A_53, %swap3A_54], %swap3A_57 {strides = array<i32>} : memref<3x6250x128xf32, #tpu.memory_space<vmem>>, vector<1x6250x128xf32>,
    %get3A_58 = arith.constant 1 : index
    %get3A_59 = arith.constant 0 : index
    %get3A_60 = arith.constant 0 : index
    %get3A_61 = vector.load %arg6[%get3A_58, %get3A_59, %get3A_60] : memref<3x128x128xf32, #tpu.memory_space<vmem>>, vector<1x128x128xf32>
    %get3A_62 = vector.shape_cast %get3A_61 : vector<1x128x128xf32> to vector<128x128xf32>
    %dot_general3A_63 = arith.constant dense<0.000000e+00> : vector<6250x128xf32>
    %dot_general3A_64 = tpu.matmul %max3A_45, %get3A_62, %dot_general3A_63 {dimension_numbers = #tpu.dot_dimension_numbers<[1], [0], [0], [1], [0, 0, 1, 1], [], []>, transpose_lhs_hint = false} : vector<6250x128xf32>, vector<128x128xf32>, vector<6250x128xf32> -> vector<6250x128xf32>
    %swap3A_65 = arith.constant 1 : index
    %swap3A_66 = arith.constant 0 : index
    %swap3A_67 = arith.constant 0 : index
    %swap3A_68 = vector.load %arg7[%swap3A_65, %swap3A_66, %swap3A_67] : memref<3x6250x128xf32, #tpu.memory_space<vmem>>, vector<1x6250x128xf32>
    %swap3A_69 = vector.shape_cast %swap3A_68 : vector<1x6250x128xf32> to vector<6250x128xf32>
    %swap3A_70 = vector.shape_cast %dot_general3A_64 : vector<6250x128xf32> to vector<1x6250x128xf32>
    tpu.vector_store %arg7[%swap3A_65, %swap3A_66, %swap3A_67], %swap3A_70 {strides = array<i32>} : memref<3x6250x128xf32, #tpu.memory_space<vmem>>, vector<1x6250x128xf32>,
    %get3A_71 = arith.constant 2 : index
    %get3A_72 = arith.constant 0 : index
    %get3A_73 = arith.constant 0 : index
    %get3A_74 = vector.load %arg6[%get3A_71, %get3A_72, %get3A_73] : memref<3x128x128xf32, #tpu.memory_space<vmem>>, vector<1x128x128xf32>
    %get3A_75 = vector.shape_cast %get3A_74 : vector<1x128x128xf32> to vector<128x128xf32>
    %dot_general3A_76 = arith.constant dense<0.000000e+00> : vector<6250x128xf32>
    %dot_general3A_77 = tpu.matmul %max3A_45, %get3A_75, %dot_general3A_76 {dimension_numbers = #tpu.dot_dimension_numbers<[1], [0], [0], [1], [0, 0, 1, 1], [], []>, transpose_lhs_hint = false} : vector<6250x128xf32>, vector<128x128xf32>, vector<6250x128xf32> -> vector<6250x128xf32>
    %swap3A_78 = arith.constant 2 : index
    %swap3A_79 = arith.constant 0 : index
    %swap3A_80 = arith.constant 0 : index
    %swap3A_81 = vector.load %arg7[%swap3A_78, %swap3A_79, %swap3A_80] : memref<3x6250x128xf32, #tpu.memory_space<vmem>>, vector<1x6250x128xf32>
    %swap3A_82 = vector.shape_cast %swap3A_81 : vector<1x6250x128xf32> to vector<6250x128xf32>
    %swap3A_83 = vector.shape_cast %dot_general3A_77 : vector<6250x128xf32> to vector<1x6250x128xf32>
    tpu.vector_store %arg7[%swap3A_78, %swap3A_79, %swap3A_80], %swap3A_83 {strides = array<i32>} : memref<3x6250x128xf32, #tpu.memory_space<vmem>>, vector<1x6250x128xf32>,
    return
  }
}

module attributes {stable_mosaic.version = 14 : i64} {
  func.func @_gru1_body(%arg0: memref<12500x128xf32, #tpu.memory_space<vmem>>, %arg1: memref<3x128x128xf32, #tpu.memory_space<vmem>>, %arg2: memref<3x128xf32, #tpu.memory_space<vmem>>, %arg3: memref<3x128xf32, #tpu.memory_space<vmem>>, %arg4: memref<3x128x128xf32, #tpu.memory_space<vmem>>, %arg5: memref<6250x128xf32, #tpu.memory_space<vmem>>, %arg6: memref<3x6250x128xf32, #tpu.memory_space<vmem>>) attributes {dimension_semantics = [], scalar_prefetch = 0 : i64, scratch_operands = 0 : i64, tpu.core_type = #tpu.core_type<tc>} {
    %get3A = arith.constant 0 : index
    %get3A_0 = arith.constant 0 : index
    %get3A_1 = vector.load %arg0[%get3A, %get3A_0] : memref<12500x128xf32, #tpu.memory_space<vmem>>, vector<6250x128xf32>
    %get3A_2 = arith.constant 6250 : index
    %get3A_3 = arith.constant 0 : index
    %get3A_4 = vector.load %arg0[%get3A_2, %get3A_3] : memref<12500x128xf32, #tpu.memory_space<vmem>>, vector<6250x128xf32>
    %add3A = arith.addf %get3A_1, %get3A_4 : vector<6250x128xf32>
    %get3A_5 = arith.constant 0 : index
    %get3A_6 = arith.constant 0 : index
    %get3A_7 = arith.constant 0 : index
    %get3A_8 = vector.load %arg1[%get3A_5, %get3A_6, %get3A_7] : memref<3x128x128xf32, #tpu.memory_space<vmem>>, vector<3x128x128xf32>
    %get3A_9 = arith.constant 0 : index
    %get3A_10 = arith.constant 0 : index
    %get3A_11 = vector.load %arg2[%get3A_9, %get3A_10] : memref<3x128xf32, #tpu.memory_space<vmem>>, vector<3x128xf32>
    %slice3A = vector.extract_strided_slice %get3A_8 {offsets = [0, 0, 0], sizes = [1, 128, 128], strides = [1, 1, 1]} : vector<3x128x128xf32> to vector<1x128x128xf32>
    %squeeze3A = vector.shape_cast %slice3A : vector<1x128x128xf32> to vector<128x128xf32>
    %dot_general3A = arith.constant dense<0.000000e+00> : vector<6250x128xf32>
    %dot_general3A_12 = tpu.matmul %add3A, %squeeze3A, %dot_general3A {dimension_numbers = #tpu.dot_dimension_numbers<[1], [0], [0], [1], [0, 0, 1, 1], [], []>, transpose_lhs_hint = false} : vector<6250x128xf32>, vector<128x128xf32>, vector<6250x128xf32> -> vector<6250x128xf32>
    %slice3A_13 = vector.extract_strided_slice %get3A_11 {offsets = [0, 0], sizes = [1, 128], strides = [1, 1]} : vector<3x128xf32> to vector<1x128xf32>
    %squeeze3A_14 = vector.shape_cast %slice3A_13 : vector<1x128xf32> to vector<128xf32>
    %broadcast_in_dim3A = vector.shape_cast %squeeze3A_14 : vector<128xf32> to vector<1x128xf32>
    %add3A_15 = vector.broadcast %broadcast_in_dim3A : vector<1x128xf32> to vector<6250x128xf32>
    %add3A_16 = arith.addf %dot_general3A_12, %add3A_15 : vector<6250x128xf32>
    %slice3A_17 = vector.extract_strided_slice %get3A_8 {offsets = [1, 0, 0], sizes = [1, 128, 128], strides = [1, 1, 1]} : vector<3x128x128xf32> to vector<1x128x128xf32>
    %squeeze3A_18 = vector.shape_cast %slice3A_17 : vector<1x128x128xf32> to vector<128x128xf32>
    %dot_general3A_19 = arith.constant dense<0.000000e+00> : vector<6250x128xf32>
    %dot_general3A_20 = tpu.matmul %add3A, %squeeze3A_18, %dot_general3A_19 {dimension_numbers = #tpu.dot_dimension_numbers<[1], [0], [0], [1], [0, 0, 1, 1], [], []>, transpose_lhs_hint = false} : vector<6250x128xf32>, vector<128x128xf32>, vector<6250x128xf32> -> vector<6250x128xf32>
    %slice3A_21 = vector.extract_strided_slice %get3A_11 {offsets = [1, 0], sizes = [1, 128], strides = [1, 1]} : vector<3x128xf32> to vector<1x128xf32>
    %squeeze3A_22 = vector.shape_cast %slice3A_21 : vector<1x128xf32> to vector<128xf32>
    %broadcast_in_dim3A_23 = vector.shape_cast %squeeze3A_22 : vector<128xf32> to vector<1x128xf32>
    %add3A_24 = vector.broadcast %broadcast_in_dim3A_23 : vector<1x128xf32> to vector<6250x128xf32>
    %add3A_25 = arith.addf %dot_general3A_20, %add3A_24 : vector<6250x128xf32>
    %slice3A_26 = vector.extract_strided_slice %get3A_8 {offsets = [2, 0, 0], sizes = [1, 128, 128], strides = [1, 1, 1]} : vector<3x128x128xf32> to vector<1x128x128xf32>
    %squeeze3A_27 = vector.shape_cast %slice3A_26 : vector<1x128x128xf32> to vector<128x128xf32>
    %dot_general3A_28 = arith.constant dense<0.000000e+00> : vector<6250x128xf32>
    %dot_general3A_29 = tpu.matmul %add3A, %squeeze3A_27, %dot_general3A_28 {dimension_numbers = #tpu.dot_dimension_numbers<[1], [0], [0], [1], [0, 0, 1, 1], [], []>, transpose_lhs_hint = false} : vector<6250x128xf32>, vector<128x128xf32>, vector<6250x128xf32> -> vector<6250x128xf32>
    %slice3A_30 = vector.extract_strided_slice %get3A_11 {offsets = [2, 0], sizes = [1, 128], strides = [1, 1]} : vector<3x128xf32> to vector<1x128xf32>
    %squeeze3A_31 = vector.shape_cast %slice3A_30 : vector<1x128xf32> to vector<128xf32>
    %broadcast_in_dim3A_32 = vector.shape_cast %squeeze3A_31 : vector<128xf32> to vector<1x128xf32>
    %add3A_33 = vector.broadcast %broadcast_in_dim3A_32 : vector<1x128xf32> to vector<6250x128xf32>
    %add3A_34 = arith.addf %dot_general3A_29, %add3A_33 : vector<6250x128xf32>
    %get3A_35 = arith.constant 0 : index
    %get3A_36 = arith.constant 0 : index
    %get3A_37 = vector.load %arg3[%get3A_35, %get3A_36] : memref<3x128xf32, #tpu.memory_space<vmem>>, vector<1x128xf32>
    %get3A_38 = vector.shape_cast %get3A_37 : vector<1x128xf32> to vector<128xf32>
    %broadcast_in_dim3A_39 = vector.shape_cast %get3A_38 : vector<128xf32> to vector<1x128xf32>
    %add3A_40 = vector.broadcast %broadcast_in_dim3A_39 : vector<1x128xf32> to vector<6250x128xf32>
    %add3A_41 = arith.addf %add3A_16, %add3A_40 : vector<6250x128xf32>
    %logistic3A = arith.negf %add3A_41 : vector<6250x128xf32>
    %logistic3A_42 = math.exp %logistic3A : vector<6250x128xf32>
    %logistic3A_43 = arith.constant 1.000000e+00 : f32
    %logistic3A_44 = vector.broadcast %logistic3A_43 : f32 to vector<6250x128xf32>
    %logistic3A_45 = arith.addf %logistic3A_44, %logistic3A_42 : vector<6250x128xf32>
    %logistic3A_46 = arith.divf %logistic3A_44, %logistic3A_45 : vector<6250x128xf32>
    %get3A_47 = arith.constant 1 : index
    %get3A_48 = arith.constant 0 : index
    %get3A_49 = vector.load %arg3[%get3A_47, %get3A_48] : memref<3x128xf32, #tpu.memory_space<vmem>>, vector<1x128xf32>
    %get3A_50 = vector.shape_cast %get3A_49 : vector<1x128xf32> to vector<128xf32>
    %broadcast_in_dim3A_51 = vector.shape_cast %get3A_50 : vector<128xf32> to vector<1x128xf32>
    %add3A_52 = vector.broadcast %broadcast_in_dim3A_51 : vector<1x128xf32> to vector<6250x128xf32>
    %add3A_53 = arith.addf %add3A_25, %add3A_52 : vector<6250x128xf32>
    %logistic3A_54 = arith.negf %add3A_53 : vector<6250x128xf32>
    %logistic3A_55 = math.exp %logistic3A_54 : vector<6250x128xf32>
    %logistic3A_56 = arith.constant 1.000000e+00 : f32
    %logistic3A_57 = vector.broadcast %logistic3A_56 : f32 to vector<6250x128xf32>
    %logistic3A_58 = arith.addf %logistic3A_57, %logistic3A_55 : vector<6250x128xf32>
    %logistic3A_59 = arith.divf %logistic3A_57, %logistic3A_58 : vector<6250x128xf32>
    %get3A_60 = arith.constant 2 : index
    %get3A_61 = arith.constant 0 : index
    %get3A_62 = vector.load %arg3[%get3A_60, %get3A_61] : memref<3x128xf32, #tpu.memory_space<vmem>>, vector<1x128xf32>
    %get3A_63 = vector.shape_cast %get3A_62 : vector<1x128xf32> to vector<128xf32>
    %broadcast_in_dim3A_64 = vector.shape_cast %get3A_63 : vector<128xf32> to vector<1x128xf32>
    %mul3A = vector.broadcast %broadcast_in_dim3A_64 : vector<1x128xf32> to vector<6250x128xf32>
    %mul3A_65 = arith.mulf %logistic3A_46, %mul3A : vector<6250x128xf32>
    %add3A_66 = arith.addf %add3A_34, %mul3A_65 : vector<6250x128xf32>
    %tanh3A = math.tanh %add3A_66 : vector<6250x128xf32>
    %sub3A = arith.constant 1.000000e+00 : f32
    %sub3A_67 = vector.broadcast %sub3A : f32 to vector<6250x128xf32>
    %sub3A_68 = arith.subf %sub3A_67, %logistic3A_59 : vector<6250x128xf32>
    %mul3A_69 = arith.mulf %sub3A_68, %tanh3A : vector<6250x128xf32>
    %swap3A = arith.constant 0 : index
    %swap3A_70 = arith.constant 0 : index
    %swap3A_71 = vector.load %arg5[%swap3A, %swap3A_70] : memref<6250x128xf32, #tpu.memory_space<vmem>>, vector<6250x128xf32>
    tpu.vector_store %arg5[%swap3A, %swap3A_70], %mul3A_69 {strides = array<i32>} : memref<6250x128xf32, #tpu.memory_space<vmem>>, vector<6250x128xf32>,
    %get3A_72 = arith.constant 0 : index
    %get3A_73 = arith.constant 0 : index
    %get3A_74 = arith.constant 0 : index
    %get3A_75 = vector.load %arg4[%get3A_72, %get3A_73, %get3A_74] : memref<3x128x128xf32, #tpu.memory_space<vmem>>, vector<1x128x128xf32>
    %get3A_76 = vector.shape_cast %get3A_75 : vector<1x128x128xf32> to vector<128x128xf32>
    %dot_general3A_77 = arith.constant dense<0.000000e+00> : vector<6250x128xf32>
    %dot_general3A_78 = tpu.matmul %mul3A_69, %get3A_76, %dot_general3A_77 {dimension_numbers = #tpu.dot_dimension_numbers<[1], [0], [0], [1], [0, 0, 1, 1], [], []>, transpose_lhs_hint = false} : vector<6250x128xf32>, vector<128x128xf32>, vector<6250x128xf32> -> vector<6250x128xf32>
    %swap3A_79 = arith.constant 0 : index
    %swap3A_80 = arith.constant 0 : index
    %swap3A_81 = arith.constant 0 : index
    %swap3A_82 = vector.load %arg6[%swap3A_79, %swap3A_80, %swap3A_81] : memref<3x6250x128xf32, #tpu.memory_space<vmem>>, vector<1x6250x128xf32>
    %swap3A_83 = vector.shape_cast %swap3A_82 : vector<1x6250x128xf32> to vector<6250x128xf32>
    %swap3A_84 = vector.shape_cast %dot_general3A_78 : vector<6250x128xf32> to vector<1x6250x128xf32>
    tpu.vector_store %arg6[%swap3A_79, %swap3A_80, %swap3A_81], %swap3A_84 {strides = array<i32>} : memref<3x6250x128xf32, #tpu.memory_space<vmem>>, vector<1x6250x128xf32>,
    %get3A_85 = arith.constant 1 : index
    %get3A_86 = arith.constant 0 : index
    %get3A_87 = arith.constant 0 : index
    %get3A_88 = vector.load %arg4[%get3A_85, %get3A_86, %get3A_87] : memref<3x128x128xf32, #tpu.memory_space<vmem>>, vector<1x128x128xf32>
    %get3A_89 = vector.shape_cast %get3A_88 : vector<1x128x128xf32> to vector<128x128xf32>
    %dot_general3A_90 = arith.constant dense<0.000000e+00> : vector<6250x128xf32>
    %dot_general3A_91 = tpu.matmul %mul3A_69, %get3A_89, %dot_general3A_90 {dimension_numbers = #tpu.dot_dimension_numbers<[1], [0], [0], [1], [0, 0, 1, 1], [], []>, transpose_lhs_hint = false} : vector<6250x128xf32>, vector<128x128xf32>, vector<6250x128xf32> -> vector<6250x128xf32>
    %swap3A_92 = arith.constant 1 : index
    %swap3A_93 = arith.constant 0 : index
    %swap3A_94 = arith.constant 0 : index
    %swap3A_95 = vector.load %arg6[%swap3A_92, %swap3A_93, %swap3A_94] : memref<3x6250x128xf32, #tpu.memory_space<vmem>>, vector<1x6250x128xf32>
    %swap3A_96 = vector.shape_cast %swap3A_95 : vector<1x6250x128xf32> to vector<6250x128xf32>
    %swap3A_97 = vector.shape_cast %dot_general3A_91 : vector<6250x128xf32> to vector<1x6250x128xf32>
    tpu.vector_store %arg6[%swap3A_92, %swap3A_93, %swap3A_94], %swap3A_97 {strides = array<i32>} : memref<3x6250x128xf32, #tpu.memory_space<vmem>>, vector<1x6250x128xf32>,
    %get3A_98 = arith.constant 2 : index
    %get3A_99 = arith.constant 0 : index
    %get3A_100 = arith.constant 0 : index
    %get3A_101 = vector.load %arg4[%get3A_98, %get3A_99, %get3A_100] : memref<3x128x128xf32, #tpu.memory_space<vmem>>, vector<1x128x128xf32>
    %get3A_102 = vector.shape_cast %get3A_101 : vector<1x128x128xf32> to vector<128x128xf32>
    %dot_general3A_103 = arith.constant dense<0.000000e+00> : vector<6250x128xf32>
    %dot_general3A_104 = tpu.matmul %mul3A_69, %get3A_102, %dot_general3A_103 {dimension_numbers = #tpu.dot_dimension_numbers<[1], [0], [0], [1], [0, 0, 1, 1], [], []>, transpose_lhs_hint = false} : vector<6250x128xf32>, vector<128x128xf32>, vector<6250x128xf32> -> vector<6250x128xf32>
    %swap3A_105 = arith.constant 2 : index
    %swap3A_106 = arith.constant 0 : index
    %swap3A_107 = arith.constant 0 : index
    %swap3A_108 = vector.load %arg6[%swap3A_105, %swap3A_106, %swap3A_107] : memref<3x6250x128xf32, #tpu.memory_space<vmem>>, vector<1x6250x128xf32>
    %swap3A_109 = vector.shape_cast %swap3A_108 : vector<1x6250x128xf32> to vector<6250x128xf32>
    %swap3A_110 = vector.shape_cast %dot_general3A_104 : vector<6250x128xf32> to vector<1x6250x128xf32>
    tpu.vector_store %arg6[%swap3A_105, %swap3A_106, %swap3A_107], %swap3A_110 {strides = array<i32>} : memref<3x6250x128xf32, #tpu.memory_space<vmem>>, vector<1x6250x128xf32>,
    return
  }
}

module attributes {stable_mosaic.version = 14 : i64} {
  func.func @_final_body(%arg0: memref<12500x128xf32, #tpu.memory_space<vmem>>, %arg1: memref<6250x128xf32, #tpu.memory_space<vmem>>, %arg2: memref<3x128x128xf32, #tpu.memory_space<vmem>>, %arg3: memref<3x128xf32, #tpu.memory_space<vmem>>, %arg4: memref<3x128x128xf32, #tpu.memory_space<vmem>>, %arg5: memref<3x128xf32, #tpu.memory_space<vmem>>, %arg6: memref<128x128xf32, #tpu.memory_space<vmem>>, %arg7: memref<128xf32, #tpu.memory_space<vmem>>, %arg8: memref<128xf32, #tpu.memory_space<vmem>>, %arg9: memref<128x128xf32, #tpu.memory_space<vmem>>, %arg10: memref<128xf32, #tpu.memory_space<vmem>>, %arg11: memref<128xf32, #tpu.memory_space<vmem>>, %arg12: memref<128xf32, #tpu.memory_space<vmem>>, %arg13: memref<128x16xf32, #tpu.memory_space<vmem>>, %arg14: memref<16xf32, #tpu.memory_space<vmem>>, %arg15: memref<128x128xf32, #tpu.memory_space<vmem>>, %arg16: memref<128xf32, #tpu.memory_space<vmem>>, %arg17: memref<128xf32, #tpu.memory_space<vmem>>, %arg18: memref<128xf32, #tpu.memory_space<vmem>>, %arg19: memref<128x128xf32, #tpu.memory_space<vmem>>, %arg20: memref<128xf32, #tpu.memory_space<vmem>>, %arg21: memref<6250x16xf32, #tpu.memory_space<vmem>>, %arg22: memref<6250x128xf32, #tpu.memory_space<vmem>>) attributes {dimension_semantics = [], scalar_prefetch = 0 : i64, scratch_operands = 0 : i64, tpu.core_type = #tpu.core_type<tc>} {
    %get3A = arith.constant 0 : index
    %get3A_0 = arith.constant 0 : index
    %get3A_1 = vector.load %arg0[%get3A, %get3A_0] : memref<12500x128xf32, #tpu.memory_space<vmem>>, vector<6250x128xf32>
    %get3A_2 = arith.constant 6250 : index
    %get3A_3 = arith.constant 0 : index
    %get3A_4 = vector.load %arg0[%get3A_2, %get3A_3] : memref<12500x128xf32, #tpu.memory_space<vmem>>, vector<6250x128xf32>
    %add3A = arith.addf %get3A_1, %get3A_4 : vector<6250x128xf32>
    %get3A_5 = arith.constant 0 : index
    %get3A_6 = arith.constant 0 : index
    %get3A_7 = vector.load %arg1[%get3A_5, %get3A_6] : memref<6250x128xf32, #tpu.memory_space<vmem>>, vector<6250x128xf32>
    %get3A_8 = arith.constant 0 : index
    %get3A_9 = arith.constant 0 : index
    %get3A_10 = arith.constant 0 : index
    %get3A_11 = vector.load %arg2[%get3A_8, %get3A_9, %get3A_10] : memref<3x128x128xf32, #tpu.memory_space<vmem>>, vector<3x128x128xf32>
    %get3A_12 = arith.constant 0 : index
    %get3A_13 = arith.constant 0 : index
    %get3A_14 = vector.load %arg3[%get3A_12, %get3A_13] : memref<3x128xf32, #tpu.memory_space<vmem>>, vector<3x128xf32>
    %slice3A = vector.extract_strided_slice %get3A_11 {offsets = [0, 0, 0], sizes = [1, 128, 128], strides = [1, 1, 1]} : vector<3x128x128xf32> to vector<1x128x128xf32>
    %squeeze3A = vector.shape_cast %slice3A : vector<1x128x128xf32> to vector<128x128xf32>
    %dot_general3A = arith.constant dense<0.000000e+00> : vector<6250x128xf32>
    %dot_general3A_15 = tpu.matmul %add3A, %squeeze3A, %dot_general3A {dimension_numbers = #tpu.dot_dimension_numbers<[1], [0], [0], [1], [0, 0, 1, 1], [], []>, transpose_lhs_hint = false} : vector<6250x128xf32>, vector<128x128xf32>, vector<6250x128xf32> -> vector<6250x128xf32>
    %slice3A_16 = vector.extract_strided_slice %get3A_14 {offsets = [0, 0], sizes = [1, 128], strides = [1, 1]} : vector<3x128xf32> to vector<1x128xf32>
    %squeeze3A_17 = vector.shape_cast %slice3A_16 : vector<1x128xf32> to vector<128xf32>
    %broadcast_in_dim3A = vector.shape_cast %squeeze3A_17 : vector<128xf32> to vector<1x128xf32>
    %add3A_18 = vector.broadcast %broadcast_in_dim3A : vector<1x128xf32> to vector<6250x128xf32>
    %add3A_19 = arith.addf %dot_general3A_15, %add3A_18 : vector<6250x128xf32>
    %slice3A_20 = vector.extract_strided_slice %get3A_11 {offsets = [1, 0, 0], sizes = [1, 128, 128], strides = [1, 1, 1]} : vector<3x128x128xf32> to vector<1x128x128xf32>
    %squeeze3A_21 = vector.shape_cast %slice3A_20 : vector<1x128x128xf32> to vector<128x128xf32>
    %dot_general3A_22 = arith.constant dense<0.000000e+00> : vector<6250x128xf32>
    %dot_general3A_23 = tpu.matmul %add3A, %squeeze3A_21, %dot_general3A_22 {dimension_numbers = #tpu.dot_dimension_numbers<[1], [0], [0], [1], [0, 0, 1, 1], [], []>, transpose_lhs_hint = false} : vector<6250x128xf32>, vector<128x128xf32>, vector<6250x128xf32> -> vector<6250x128xf32>
    %slice3A_24 = vector.extract_strided_slice %get3A_14 {offsets = [1, 0], sizes = [1, 128], strides = [1, 1]} : vector<3x128xf32> to vector<1x128xf32>
    %squeeze3A_25 = vector.shape_cast %slice3A_24 : vector<1x128xf32> to vector<128xf32>
    %broadcast_in_dim3A_26 = vector.shape_cast %squeeze3A_25 : vector<128xf32> to vector<1x128xf32>
    %add3A_27 = vector.broadcast %broadcast_in_dim3A_26 : vector<1x128xf32> to vector<6250x128xf32>
    %add3A_28 = arith.addf %dot_general3A_23, %add3A_27 : vector<6250x128xf32>
    %slice3A_29 = vector.extract_strided_slice %get3A_11 {offsets = [2, 0, 0], sizes = [1, 128, 128], strides = [1, 1, 1]} : vector<3x128x128xf32> to vector<1x128x128xf32>
    %squeeze3A_30 = vector.shape_cast %slice3A_29 : vector<1x128x128xf32> to vector<128x128xf32>
    %dot_general3A_31 = arith.constant dense<0.000000e+00> : vector<6250x128xf32>
    %dot_general3A_32 = tpu.matmul %add3A, %squeeze3A_30, %dot_general3A_31 {dimension_numbers = #tpu.dot_dimension_numbers<[1], [0], [0], [1], [0, 0, 1, 1], [], []>, transpose_lhs_hint = false} : vector<6250x128xf32>, vector<128x128xf32>, vector<6250x128xf32> -> vector<6250x128xf32>
    %slice3A_33 = vector.extract_strided_slice %get3A_14 {offsets = [2, 0], sizes = [1, 128], strides = [1, 1]} : vector<3x128xf32> to vector<1x128xf32>
    %squeeze3A_34 = vector.shape_cast %slice3A_33 : vector<1x128xf32> to vector<128xf32>
    %broadcast_in_dim3A_35 = vector.shape_cast %squeeze3A_34 : vector<128xf32> to vector<1x128xf32>
    %add3A_36 = vector.broadcast %broadcast_in_dim3A_35 : vector<1x128xf32> to vector<6250x128xf32>
    %add3A_37 = arith.addf %dot_general3A_32, %add3A_36 : vector<6250x128xf32>
    %get3A_38 = arith.constant 0 : index
    %get3A_39 = arith.constant 0 : index
    %get3A_40 = arith.constant 0 : index
    %get3A_41 = vector.load %arg4[%get3A_38, %get3A_39, %get3A_40] : memref<3x128x128xf32, #tpu.memory_space<vmem>>, vector<3x128x128xf32>
    %get3A_42 = arith.constant 0 : index
    %get3A_43 = arith.constant 0 : index
    %get3A_44 = vector.load %arg5[%get3A_42, %get3A_43] : memref<3x128xf32, #tpu.memory_space<vmem>>, vector<3x128xf32>
    %slice3A_45 = vector.extract_strided_slice %get3A_41 {offsets = [0, 0, 0], sizes = [1, 128, 128], strides = [1, 1, 1]} : vector<3x128x128xf32> to vector<1x128x128xf32>
    %squeeze3A_46 = vector.shape_cast %slice3A_45 : vector<1x128x128xf32> to vector<128x128xf32>
    %dot_general3A_47 = arith.constant dense<0.000000e+00> : vector<6250x128xf32>
    %dot_general3A_48 = tpu.matmul %get3A_7, %squeeze3A_46, %dot_general3A_47 {dimension_numbers = #tpu.dot_dimension_numbers<[1], [0], [0], [1], [0, 0, 1, 1], [], []>, transpose_lhs_hint = false} : vector<6250x128xf32>, vector<128x128xf32>, vector<6250x128xf32> -> vector<6250x128xf32>
    %slice3A_49 = vector.extract_strided_slice %get3A_44 {offsets = [0, 0], sizes = [1, 128], strides = [1, 1]} : vector<3x128xf32> to vector<1x128xf32>
    %squeeze3A_50 = vector.shape_cast %slice3A_49 : vector<1x128xf32> to vector<128xf32>
    %broadcast_in_dim3A_51 = vector.shape_cast %squeeze3A_50 : vector<128xf32> to vector<1x128xf32>
    %add3A_52 = vector.broadcast %broadcast_in_dim3A_51 : vector<1x128xf32> to vector<6250x128xf32>
    %add3A_53 = arith.addf %dot_general3A_48, %add3A_52 : vector<6250x128xf32>
    %slice3A_54 = vector.extract_strided_slice %get3A_41 {offsets = [1, 0, 0], sizes = [1, 128, 128], strides = [1, 1, 1]} : vector<3x128x128xf32> to vector<1x128x128xf32>
    %squeeze3A_55 = vector.shape_cast %slice3A_54 : vector<1x128x128xf32> to vector<128x128xf32>
    %dot_general3A_56 = arith.constant dense<0.000000e+00> : vector<6250x128xf32>
    %dot_general3A_57 = tpu.matmul %get3A_7, %squeeze3A_55, %dot_general3A_56 {dimension_numbers = #tpu.dot_dimension_numbers<[1], [0], [0], [1], [0, 0, 1, 1], [], []>, transpose_lhs_hint = false} : vector<6250x128xf32>, vector<128x128xf32>, vector<6250x128xf32> -> vector<6250x128xf32>
    %slice3A_58 = vector.extract_strided_slice %get3A_44 {offsets = [1, 0], sizes = [1, 128], strides = [1, 1]} : vector<3x128xf32> to vector<1x128xf32>
    %squeeze3A_59 = vector.shape_cast %slice3A_58 : vector<1x128xf32> to vector<128xf32>
    %broadcast_in_dim3A_60 = vector.shape_cast %squeeze3A_59 : vector<128xf32> to vector<1x128xf32>
    %add3A_61 = vector.broadcast %broadcast_in_dim3A_60 : vector<1x128xf32> to vector<6250x128xf32>
    %add3A_62 = arith.addf %dot_general3A_57, %add3A_61 : vector<6250x128xf32>
    %slice3A_63 = vector.extract_strided_slice %get3A_41 {offsets = [2, 0, 0], sizes = [1, 128, 128], strides = [1, 1, 1]} : vector<3x128x128xf32> to vector<1x128x128xf32>
    %squeeze3A_64 = vector.shape_cast %slice3A_63 : vector<1x128x128xf32> to vector<128x128xf32>
    %dot_general3A_65 = arith.constant dense<0.000000e+00> : vector<6250x128xf32>
    %dot_general3A_66 = tpu.matmul %get3A_7, %squeeze3A_64, %dot_general3A_65 {dimension_numbers = #tpu.dot_dimension_numbers<[1], [0], [0], [1], [0, 0, 1, 1], [], []>, transpose_lhs_hint = false} : vector<6250x128xf32>, vector<128x128xf32>, vector<6250x128xf32> -> vector<6250x128xf32>
    %slice3A_67 = vector.extract_strided_slice %get3A_44 {offsets = [2, 0], sizes = [1, 128], strides = [1, 1]} : vector<3x128xf32> to vector<1x128xf32>
    %squeeze3A_68 = vector.shape_cast %slice3A_67 : vector<1x128xf32> to vector<128xf32>
    %broadcast_in_dim3A_69 = vector.shape_cast %squeeze3A_68 : vector<128xf32> to vector<1x128xf32>
    %add3A_70 = vector.broadcast %broadcast_in_dim3A_69 : vector<1x128xf32> to vector<6250x128xf32>
    %add3A_71 = arith.addf %dot_general3A_66, %add3A_70 : vector<6250x128xf32>
    %add3A_72 = arith.addf %add3A_19, %add3A_53 : vector<6250x128xf32>
    %logistic3A = arith.negf %add3A_72 : vector<6250x128xf32>
    %logistic3A_73 = math.exp %logistic3A : vector<6250x128xf32>
    %logistic3A_74 = arith.constant 1.000000e+00 : f32
    %logistic3A_75 = vector.broadcast %logistic3A_74 : f32 to vector<6250x128xf32>
    %logistic3A_76 = arith.addf %logistic3A_75, %logistic3A_73 : vector<6250x128xf32>
    %logistic3A_77 = arith.divf %logistic3A_75, %logistic3A_76 : vector<6250x128xf32>
    %add3A_78 = arith.addf %add3A_28, %add3A_62 : vector<6250x128xf32>
    %logistic3A_79 = arith.negf %add3A_78 : vector<6250x128xf32>
    %logistic3A_80 = math.exp %logistic3A_79 : vector<6250x128xf32>
    %logistic3A_81 = arith.constant 1.000000e+00 : f32
    %logistic3A_82 = vector.broadcast %logistic3A_81 : f32 to vector<6250x128xf32>
    %logistic3A_83 = arith.addf %logistic3A_82, %logistic3A_80 : vector<6250x128xf32>
    %logistic3A_84 = arith.divf %logistic3A_82, %logistic3A_83 : vector<6250x128xf32>
    %mul3A = arith.mulf %logistic3A_77, %add3A_71 : vector<6250x128xf32>
    %add3A_85 = arith.addf %add3A_37, %mul3A : vector<6250x128xf32>
    %tanh3A = math.tanh %add3A_85 : vector<6250x128xf32>
    %sub3A = arith.constant 1.000000e+00 : f32
    %sub3A_86 = vector.broadcast %sub3A : f32 to vector<6250x128xf32>
    %sub3A_87 = arith.subf %sub3A_86, %logistic3A_84 : vector<6250x128xf32>
    %mul3A_88 = arith.mulf %sub3A_87, %tanh3A : vector<6250x128xf32>
    %mul3A_89 = arith.mulf %logistic3A_84, %get3A_7 : vector<6250x128xf32>
    %add3A_90 = arith.addf %mul3A_88, %mul3A_89 : vector<6250x128xf32>
    %get3A_91 = arith.constant 0 : index
    %get3A_92 = arith.constant 0 : index
    %get3A_93 = vector.load %arg6[%get3A_91, %get3A_92] : memref<128x128xf32, #tpu.memory_space<vmem>>, vector<128x128xf32>
    %get3A_94 = arith.constant 0 : index
    %get3A_95 = vector.load %arg7[%get3A_94] : memref<128xf32, #tpu.memory_space<vmem>>, vector<128xf32>
    %get3A_96 = arith.constant 0 : index
    %get3A_97 = vector.load %arg8[%get3A_96] : memref<128xf32, #tpu.memory_space<vmem>>, vector<128xf32>
    %reduce_sum3A = arith.constant dense<0.000000e+00> : vector<128xf32>
    %reduce_sum3A_98 = vector.multi_reduction <add>, %add3A_90, %reduce_sum3A [0] : vector<6250x128xf32> to vector<128xf32>
    %broadcast_in_dim3A_99 = vector.shape_cast %reduce_sum3A_98 : vector<128xf32> to vector<1x128xf32>
    %div3A = arith.constant 6.250000e+03 : f32
    %div3A_100 = vector.broadcast %div3A : f32 to vector<1x128xf32>
    %div3A_101 = arith.divf %broadcast_in_dim3A_99, %div3A_100 : vector<1x128xf32>
    %dot_general3A_102 = arith.constant dense<0.000000e+00> : vector<1x128xf32>
    %dot_general3A_103 = tpu.matmul %div3A_101, %get3A_93, %dot_general3A_102 {dimension_numbers = #tpu.dot_dimension_numbers<[1], [0], [0], [1], [0, 0, 1, 1], [], []>, transpose_lhs_hint = false} : vector<1x128xf32>, vector<128x128xf32>, vector<1x128xf32> -> vector<1x128xf32>
    %mul3A_104 = arith.mulf %add3A_90, %add3A_90 : vector<6250x128xf32>
    %reduce_sum3A_105 = arith.constant dense<0.000000e+00> : vector<128xf32>
    %reduce_sum3A_106 = vector.multi_reduction <add>, %mul3A_104, %reduce_sum3A_105 [0] : vector<6250x128xf32> to vector<128xf32>
    %broadcast_in_dim3A_107 = vector.shape_cast %reduce_sum3A_106 : vector<128xf32> to vector<1x128xf32>
    %div3A_108 = arith.constant 6.250000e+03 : f32
    %div3A_109 = vector.broadcast %div3A_108 : f32 to vector<1x128xf32>
    %div3A_110 = arith.divf %broadcast_in_dim3A_107, %div3A_109 : vector<1x128xf32>
    %dot_general3A_111 = arith.constant dense<0.000000e+00> : vector<1x128xf32>
    %dot_general3A_112 = tpu.matmul %div3A_110, %get3A_93, %dot_general3A_111 {dimension_numbers = #tpu.dot_dimension_numbers<[1], [0], [0], [1], [0, 0, 1, 1], [], []>, transpose_lhs_hint = false} : vector<1x128xf32>, vector<128x128xf32>, vector<1x128xf32> -> vector<1x128xf32>
    %mul3A_113 = arith.mulf %dot_general3A_103, %dot_general3A_103 : vector<1x128xf32>
    %sub3A_114 = arith.subf %dot_general3A_112, %mul3A_113 : vector<1x128xf32>
    %sub3A_115 = vector.broadcast %dot_general3A_103 : vector<1x128xf32> to vector<6250x128xf32>
    %sub3A_116 = arith.subf %add3A_90, %sub3A_115 : vector<6250x128xf32>
    %broadcast_in_dim3A_117 = vector.shape_cast %get3A_95 : vector<128xf32> to vector<1x128xf32>
    %mul3A_118 = vector.broadcast %broadcast_in_dim3A_117 : vector<1x128xf32> to vector<6250x128xf32>
    %mul3A_119 = arith.mulf %mul3A_118, %sub3A_116 : vector<6250x128xf32>
    %add3A_120 = arith.constant 9.99999974E-6 : f32
    %add3A_121 = vector.broadcast %add3A_120 : f32 to vector<1x128xf32>
    %add3A_122 = arith.addf %sub3A_114, %add3A_121 : vector<1x128xf32>
    %sqrt3A = math.sqrt %add3A_122 : vector<1x128xf32>
    %div3A_123 = vector.broadcast %sqrt3A : vector<1x128xf32> to vector<6250x128xf32>
    %div3A_124 = arith.divf %mul3A_119, %div3A_123 : vector<6250x128xf32>
    %broadcast_in_dim3A_125 = vector.shape_cast %get3A_97 : vector<128xf32> to vector<1x128xf32>
    %add3A_126 = vector.broadcast %broadcast_in_dim3A_125 : vector<1x128xf32> to vector<6250x128xf32>
    %add3A_127 = arith.addf %div3A_124, %add3A_126 : vector<6250x128xf32>
    %get3A_128 = arith.constant 0 : index
    %get3A_129 = arith.constant 0 : index
    %get3A_130 = vector.load %arg9[%get3A_128, %get3A_129] : memref<128x128xf32, #tpu.memory_space<vmem>>, vector<128x128xf32>
    %dot_general3A_131 = arith.constant dense<0.000000e+00> : vector<6250x128xf32>
    %dot_general3A_132 = tpu.matmul %add3A_127, %get3A_130, %dot_general3A_131 {dimension_numbers = #tpu.dot_dimension_numbers<[1], [0], [0], [1], [0, 0, 1, 1], [], []>, transpose_lhs_hint = false} : vector<6250x128xf32>, vector<128x128xf32>, vector<6250x128xf32> -> vector<6250x128xf32>
    %get3A_133 = arith.constant 0 : index
    %get3A_134 = vector.load %arg10[%get3A_133] : memref<128xf32, #tpu.memory_space<vmem>>, vector<128xf32>
    %broadcast_in_dim3A_135 = vector.shape_cast %get3A_134 : vector<128xf32> to vector<1x128xf32>
    %add3A_136 = vector.broadcast %broadcast_in_dim3A_135 : vector<1x128xf32> to vector<6250x128xf32>
    %add3A_137 = arith.addf %dot_general3A_132, %add3A_136 : vector<6250x128xf32>
    %get3A_138 = arith.constant 0 : index
    %get3A_139 = vector.load %arg11[%get3A_138] : memref<128xf32, #tpu.memory_space<vmem>>, vector<128xf32>
    %get3A_140 = arith.constant 0 : index
    %get3A_141 = vector.load %arg12[%get3A_140] : memref<128xf32, #tpu.memory_space<vmem>>, vector<128xf32>
    %reduce_sum3A_142 = arith.constant dense<0.000000e+00> : vector<128xf32>
    %reduce_sum3A_143 = vector.multi_reduction <add>, %add3A_137, %reduce_sum3A_142 [0] : vector<6250x128xf32> to vector<128xf32>
    %broadcast_in_dim3A_144 = vector.shape_cast %reduce_sum3A_143 : vector<128xf32> to vector<1x128xf32>
    %div3A_145 = arith.constant 6.250000e+03 : f32
    %div3A_146 = vector.broadcast %div3A_145 : f32 to vector<1x128xf32>
    %div3A_147 = arith.divf %broadcast_in_dim3A_144, %div3A_146 : vector<1x128xf32>
    %dot_general3A_148 = arith.constant dense<0.000000e+00> : vector<1x128xf32>
    %dot_general3A_149 = tpu.matmul %div3A_147, %get3A_93, %dot_general3A_148 {dimension_numbers = #tpu.dot_dimension_numbers<[1], [0], [0], [1], [0, 0, 1, 1], [], []>, transpose_lhs_hint = false} : vector<1x128xf32>, vector<128x128xf32>, vector<1x128xf32> -> vector<1x128xf32>
    %mul3A_150 = arith.mulf %add3A_137, %add3A_137 : vector<6250x128xf32>
    %reduce_sum3A_151 = arith.constant dense<0.000000e+00> : vector<128xf32>
    %reduce_sum3A_152 = vector.multi_reduction <add>, %mul3A_150, %reduce_sum3A_151 [0] : vector<6250x128xf32> to vector<128xf32>
    %broadcast_in_dim3A_153 = vector.shape_cast %reduce_sum3A_152 : vector<128xf32> to vector<1x128xf32>
    %div3A_154 = arith.constant 6.250000e+03 : f32
    %div3A_155 = vector.broadcast %div3A_154 : f32 to vector<1x128xf32>
    %div3A_156 = arith.divf %broadcast_in_dim3A_153, %div3A_155 : vector<1x128xf32>
    %dot_general3A_157 = arith.constant dense<0.000000e+00> : vector<1x128xf32>
    %dot_general3A_158 = tpu.matmul %div3A_156, %get3A_93, %dot_general3A_157 {dimension_numbers = #tpu.dot_dimension_numbers<[1], [0], [0], [1], [0, 0, 1, 1], [], []>, transpose_lhs_hint = false} : vector<1x128xf32>, vector<128x128xf32>, vector<1x128xf32> -> vector<1x128xf32>
    %mul3A_159 = arith.mulf %dot_general3A_149, %dot_general3A_149 : vector<1x128xf32>
    %sub3A_160 = arith.subf %dot_general3A_158, %mul3A_159 : vector<1x128xf32>
    %sub3A_161 = vector.broadcast %dot_general3A_149 : vector<1x128xf32> to vector<6250x128xf32>
    %sub3A_162 = arith.subf %add3A_137, %sub3A_161 : vector<6250x128xf32>
    %broadcast_in_dim3A_163 = vector.shape_cast %get3A_139 : vector<128xf32> to vector<1x128xf32>
    %mul3A_164 = vector.broadcast %broadcast_in_dim3A_163 : vector<1x128xf32> to vector<6250x128xf32>
    %mul3A_165 = arith.mulf %mul3A_164, %sub3A_162 : vector<6250x128xf32>
    %add3A_166 = arith.constant 9.99999974E-6 : f32
    %add3A_167 = vector.broadcast %add3A_166 : f32 to vector<1x128xf32>
    %add3A_168 = arith.addf %sub3A_160, %add3A_167 : vector<1x128xf32>
    %sqrt3A_169 = math.sqrt %add3A_168 : vector<1x128xf32>
    %div3A_170 = vector.broadcast %sqrt3A_169 : vector<1x128xf32> to vector<6250x128xf32>
    %div3A_171 = arith.divf %mul3A_165, %div3A_170 : vector<6250x128xf32>
    %broadcast_in_dim3A_172 = vector.shape_cast %get3A_141 : vector<128xf32> to vector<1x128xf32>
    %add3A_173 = vector.broadcast %broadcast_in_dim3A_172 : vector<1x128xf32> to vector<6250x128xf32>
    %add3A_174 = arith.addf %div3A_171, %add3A_173 : vector<6250x128xf32>
    %max3A = arith.constant 0.000000e+00 : f32
    %max3A_175 = vector.broadcast %max3A : f32 to vector<6250x128xf32>
    %max3A_176 = arith.maximumf %add3A_174, %max3A_175 : vector<6250x128xf32>
    %get3A_177 = arith.constant 0 : index
    %get3A_178 = arith.constant 0 : index
    %get3A_179 = vector.load %arg13[%get3A_177, %get3A_178] : memref<128x16xf32, #tpu.memory_space<vmem>>, vector<128x16xf32>
    %dot_general3A_180 = arith.constant dense<0.000000e+00> : vector<6250x16xf32>
    %dot_general3A_181 = tpu.matmul %max3A_176, %get3A_179, %dot_general3A_180 {dimension_numbers = #tpu.dot_dimension_numbers<[1], [0], [0], [1], [0, 0, 1, 1], [], []>, transpose_lhs_hint = false} : vector<6250x128xf32>, vector<128x16xf32>, vector<6250x16xf32> -> vector<6250x16xf32>
    %get3A_182 = arith.constant 0 : index
    %get3A_183 = vector.load %arg14[%get3A_182] : memref<16xf32, #tpu.memory_space<vmem>>, vector<16xf32>
    %broadcast_in_dim3A_184 = vector.shape_cast %get3A_183 : vector<16xf32> to vector<1x16xf32>
    %add3A_185 = vector.broadcast %broadcast_in_dim3A_184 : vector<1x16xf32> to vector<6250x16xf32>
    %add3A_186 = arith.addf %dot_general3A_181, %add3A_185 : vector<6250x16xf32>
    %swap3A = arith.constant 0 : index
    %swap3A_187 = arith.constant 0 : index
    %swap3A_188 = vector.load %arg21[%swap3A, %swap3A_187] : memref<6250x16xf32, #tpu.memory_space<vmem>>, vector<6250x16xf32>
    tpu.vector_store %arg21[%swap3A, %swap3A_187], %add3A_186 {strides = array<i32>} : memref<6250x16xf32, #tpu.memory_space<vmem>>, vector<6250x16xf32>,
    %get3A_189 = arith.constant 0 : index
    %get3A_190 = arith.constant 0 : index
    %get3A_191 = vector.load %arg15[%get3A_189, %get3A_190] : memref<128x128xf32, #tpu.memory_space<vmem>>, vector<128x128xf32>
    %dot_general3A_192 = arith.constant dense<0.000000e+00> : vector<6250x128xf32>
    %dot_general3A_193 = tpu.matmul %add3A_127, %get3A_191, %dot_general3A_192 {dimension_numbers = #tpu.dot_dimension_numbers<[1], [0], [0], [1], [0, 0, 1, 1], [], []>, transpose_lhs_hint = false} : vector<6250x128xf32>, vector<128x128xf32>, vector<6250x128xf32> -> vector<6250x128xf32>
    %get3A_194 = arith.constant 0 : index
    %get3A_195 = vector.load %arg16[%get3A_194] : memref<128xf32, #tpu.memory_space<vmem>>, vector<128xf32>
    %broadcast_in_dim3A_196 = vector.shape_cast %get3A_195 : vector<128xf32> to vector<1x128xf32>
    %add3A_197 = vector.broadcast %broadcast_in_dim3A_196 : vector<1x128xf32> to vector<6250x128xf32>
    %add3A_198 = arith.addf %dot_general3A_193, %add3A_197 : vector<6250x128xf32>
    %get3A_199 = arith.constant 0 : index
    %get3A_200 = vector.load %arg17[%get3A_199] : memref<128xf32, #tpu.memory_space<vmem>>, vector<128xf32>
    %get3A_201 = arith.constant 0 : index
    %get3A_202 = vector.load %arg18[%get3A_201] : memref<128xf32, #tpu.memory_space<vmem>>, vector<128xf32>
    %reduce_sum3A_203 = arith.constant dense<0.000000e+00> : vector<128xf32>
    %reduce_sum3A_204 = vector.multi_reduction <add>, %add3A_198, %reduce_sum3A_203 [0] : vector<6250x128xf32> to vector<128xf32>
    %broadcast_in_dim3A_205 = vector.shape_cast %reduce_sum3A_204 : vector<128xf32> to vector<1x128xf32>
    %div3A_206 = arith.constant 6.250000e+03 : f32
    %div3A_207 = vector.broadcast %div3A_206 : f32 to vector<1x128xf32>
    %div3A_208 = arith.divf %broadcast_in_dim3A_205, %div3A_207 : vector<1x128xf32>
    %dot_general3A_209 = arith.constant dense<0.000000e+00> : vector<1x128xf32>
    %dot_general3A_210 = tpu.matmul %div3A_208, %get3A_93, %dot_general3A_209 {dimension_numbers = #tpu.dot_dimension_numbers<[1], [0], [0], [1], [0, 0, 1, 1], [], []>, transpose_lhs_hint = false} : vector<1x128xf32>, vector<128x128xf32>, vector<1x128xf32> -> vector<1x128xf32>
    %mul3A_211 = arith.mulf %add3A_198, %add3A_198 : vector<6250x128xf32>
    %reduce_sum3A_212 = arith.constant dense<0.000000e+00> : vector<128xf32>
    %reduce_sum3A_213 = vector.multi_reduction <add>, %mul3A_211, %reduce_sum3A_212 [0] : vector<6250x128xf32> to vector<128xf32>
    %broadcast_in_dim3A_214 = vector.shape_cast %reduce_sum3A_213 : vector<128xf32> to vector<1x128xf32>
    %div3A_215 = arith.constant 6.250000e+03 : f32
    %div3A_216 = vector.broadcast %div3A_215 : f32 to vector<1x128xf32>
    %div3A_217 = arith.divf %broadcast_in_dim3A_214, %div3A_216 : vector<1x128xf32>
    %dot_general3A_218 = arith.constant dense<0.000000e+00> : vector<1x128xf32>
    %dot_general3A_219 = tpu.matmul %div3A_217, %get3A_93, %dot_general3A_218 {dimension_numbers = #tpu.dot_dimension_numbers<[1], [0], [0], [1], [0, 0, 1, 1], [], []>, transpose_lhs_hint = false} : vector<1x128xf32>, vector<128x128xf32>, vector<1x128xf32> -> vector<1x128xf32>
    %mul3A_220 = arith.mulf %dot_general3A_210, %dot_general3A_210 : vector<1x128xf32>
    %sub3A_221 = arith.subf %dot_general3A_219, %mul3A_220 : vector<1x128xf32>
    %sub3A_222 = vector.broadcast %dot_general3A_210 : vector<1x128xf32> to vector<6250x128xf32>
    %sub3A_223 = arith.subf %add3A_198, %sub3A_222 : vector<6250x128xf32>
    %broadcast_in_dim3A_224 = vector.shape_cast %get3A_200 : vector<128xf32> to vector<1x128xf32>
    %mul3A_225 = vector.broadcast %broadcast_in_dim3A_224 : vector<1x128xf32> to vector<6250x128xf32>
    %mul3A_226 = arith.mulf %mul3A_225, %sub3A_223 : vector<6250x128xf32>
    %add3A_227 = arith.constant 9.99999974E-6 : f32
    %add3A_228 = vector.broadcast %add3A_227 : f32 to vector<1x128xf32>
    %add3A_229 = arith.addf %sub3A_221, %add3A_228 : vector<1x128xf32>
    %sqrt3A_230 = math.sqrt %add3A_229 : vector<1x128xf32>
    %div3A_231 = vector.broadcast %sqrt3A_230 : vector<1x128xf32> to vector<6250x128xf32>
    %div3A_232 = arith.divf %mul3A_226, %div3A_231 : vector<6250x128xf32>
    %broadcast_in_dim3A_233 = vector.shape_cast %get3A_202 : vector<128xf32> to vector<1x128xf32>
    %add3A_234 = vector.broadcast %broadcast_in_dim3A_233 : vector<1x128xf32> to vector<6250x128xf32>
    %add3A_235 = arith.addf %div3A_232, %add3A_234 : vector<6250x128xf32>
    %max3A_236 = arith.constant 0.000000e+00 : f32
    %max3A_237 = vector.broadcast %max3A_236 : f32 to vector<6250x128xf32>
    %max3A_238 = arith.maximumf %add3A_235, %max3A_237 : vector<6250x128xf32>
    %get3A_239 = arith.constant 0 : index
    %get3A_240 = arith.constant 0 : index
    %get3A_241 = vector.load %arg19[%get3A_239, %get3A_240] : memref<128x128xf32, #tpu.memory_space<vmem>>, vector<128x128xf32>
    %dot_general3A_242 = arith.constant dense<0.000000e+00> : vector<6250x128xf32>
    %dot_general3A_243 = tpu.matmul %max3A_238, %get3A_241, %dot_general3A_242 {dimension_numbers = #tpu.dot_dimension_numbers<[1], [0], [0], [1], [0, 0, 1, 1], [], []>, transpose_lhs_hint = false} : vector<6250x128xf32>, vector<128x128xf32>, vector<6250x128xf32> -> vector<6250x128xf32>
    %get3A_244 = arith.constant 0 : index
    %get3A_245 = vector.load %arg20[%get3A_244] : memref<128xf32, #tpu.memory_space<vmem>>, vector<128xf32>
    %broadcast_in_dim3A_246 = vector.shape_cast %get3A_245 : vector<128xf32> to vector<1x128xf32>
    %add3A_247 = vector.broadcast %broadcast_in_dim3A_246 : vector<1x128xf32> to vector<6250x128xf32>
    %add3A_248 = arith.addf %dot_general3A_243, %add3A_247 : vector<6250x128xf32>
    %swap3A_249 = arith.constant 0 : index
    %swap3A_250 = arith.constant 0 : index
    %swap3A_251 = vector.load %arg22[%swap3A_249, %swap3A_250] : memref<6250x128xf32, #tpu.memory_space<vmem>>, vector<6250x128xf32>
    tpu.vector_store %arg22[%swap3A_249, %swap3A_250], %add3A_248 {strides = array<i32>} : memref<6250x128xf32, #tpu.memory_space<vmem>>, vector<6250x128xf32>,
    return
  }
}

</mosaic_0001>

<sc_bundles>
// kernel: kernel.10.cloned.1.call-start
scs
__scs_entry_jumppad:
0x0: {  	(pc) =	sbr.rel $0x88, $3  }
0x1: {  	(tag) =	ssettag $0x0;
	lr =	simm.s32 $0x1  }
0x2: {  	[smem:$0x3F86] =	sst lr;
	_ =	strace $0xD0000000  }
0x3: {  	_ = 	snop  }
0x4: {  	_ = 	snop  }
0x5: {  	_ = 	snop  }
0x6: {  	_ = 	snop  }
0x7: {  	_ = 	snop  }
__scs_overlays_trampoline_lowered:
0x8: {  	[smem:$0x3F95] =	sst s0  }
0x9: {  	[smem:$0x3F96] =	sst s1  }
0xa: {  	[smem:$0x3F97] =	sst s2  }
0xb: {  	[smem:$0x3F98] =	sst s3  }
0xc: {  	[smem:$0x3F99] =	sst s4  }
0xd: {  	[smem:$0x3F9A] =	sst s5  }
0xe: {  	[smem:$0x3F9B] =	sst s6  }
0xf: {  	[smem:$0x3F9C] =	sst s7  }
0x10: {  	[smem:$0x3F9D] =	sst s8  }
0x11: {  	[smem:$0x3F9E] =	sst s9;
	s0 =	simm.s32 @!p0 $0x0  }
0x12: {  	s1 =	sld [smem:$0x3F84];
	s0 =	simm.s32 @p0 $0x1  }
0x13: {  	[smem:$0x3F9F] =	sst s0;
	s0 =	simm.s32 @!p1 $0x0  }
0x14: {  	s2 =	sld [smem:$0x3F83];
	s0 =	simm.s32 @p1 $0x1  }
0x15: {  	[smem:$0x3FA0] =	sst s0;
	s0 =	simm.s32 @!p2 $0x0  }
0x16: {  	s3 =	sld [smem:$0x3FDB];
	s0 =	simm.s32 @p2 $0x1  }
0x17: {  	s4 =	simm.s32 $0x1BF5;
	[smem:$0x3FA2] =	sst s0  }
0x18: {  	s0 =	sld [smem:$0x3F85];
	_ =	swait.ge [sflag:s4], $0x0  }
0x19: {  	s7 =	sld [smem:$0x3F86]  }
0x1a: {  	s8 =	sadd.s32 $0xFFFFE003, lr  }
0x1b: {  	s9 =	sadd.s32 $0xFFFFFEF7, lr;
	s5 =	simm.s32 $0xFFFFFFFF;
	p2 =	slt.u32 s8, $0xFFFFF086  }
0x1c: {  	p1 =	slt.u32 s9, $0xF7A;
	s5 =	simm.s32 @!p2 $0x0  }
0x1d: {  	s5 =	simm.s32 @p1 $0x1;
	p0 =	seq.s32 s7, s2  }
0x1e: {  	s7 =	smul.u32 @!p0 $0xF7A, s2;
	p2 =	seq.s32 @!p0 s5, $0x0  }
0x1f: {  	s9 =	smul.u32 $0xF7A, s1;
	s8 =	simm.s32 @!p0 $0x1BF5;
	p2 =	por !p2, p0  }
0x20: {  	[sflag:s8] =	ssyncset.s32 @!p0 $0xFFFFF086;
	s6 =	sadd.s32 @!p0 s3, s7;
	s7 =	simm.s32 @!p0 $0x108  }
0x21: {  	s3 =	sadd.s32 s3, s9;
	s6 =	sadd.s32 @!p0 $0x88, s6;
	s7 =	simm.s32 @p2 $0x1082  }
0x22: {  	[simem:s7], [sflag:s8] =	dma.local @!p0 [hbm:s6], $0xF7A  }
0x23: {  	s9 =	sor.u32 $0xD0000000, s2;
	s6 =	simm.s32 $0x108;
	_ =	swait.ge @!p0 [sflag:s8], $0x0  }
0x24: {  	s3 =	sadd.s32 $0x88, s3;
	s6 =	simm.s32 @!p1 $0x1082;
	[sflag:s4] =	ssyncset.s32 $0xFFFFF086  }
0x25: {  	[simem:s6], [sflag:s4] =	dma.local [hbm:s3], $0xF7A  }
0x26: {  	[smem:$0x3F86] =	sst s1;
	(tag) =	ssettag s2;
	_ =	strace s9  }
0x27: {  	s1 =	sld [smem:$0x3F96]  }
0x28: {  	s2 =	sld [smem:$0x3F97]  }
0x29: {  	s4 =	sld [smem:$0x3F99]  }
0x2a: {  	p0 =	seq.s32 s5, $0x0;
	s5 =	sld [smem:$0x3F9A]  }
0x2b: {  	s6 =	sld [smem:$0x3F9B]  }
0x2c: {  	s7 =	sld [smem:$0x3F9C]  }
0x2d: {  	s3 =	simm.s32 $0x108;
	s8 =	sld [smem:$0x3F9D]  }
0x2e: {  	s3 =	simm.s32 @!p0 $0x1082;
	s9 =	sld [smem:$0x3F9E]  }
0x2f: {  	lr =	sadd.s32 s0, s3;
	s0 =	sld [smem:$0x3F95]  }
0x30: {  	s3 =	sld [smem:$0x3F98]  }
0x31: {  	[smem:$0x3FA1] =	sst s10  }
0x32: {  	s10 =	sld [smem:$0x3F9F];
	_ =	sdelay $0x3  }
0x33: {  	p0 =	seq.s32 s10, $0x1;
	s10 =	sld [smem:$0x3FA1];
	_ =	sdelay $0x3  }
0x34: {  	[smem:$0x3FA1] =	sst s10  }
0x35: {  	s10 =	sld [smem:$0x3FA0];
	_ =	sdelay $0x3  }
0x36: {  	p1 =	seq.s32 s10, $0x1;
	s10 =	sld [smem:$0x3FA1];
	_ =	sdelay $0x3  }
0x37: {  	[smem:$0x3FA1] =	sst s10  }
0x38: {  	s10 =	sld [smem:$0x3FA2]  }
0x39: {  	_ = 	snop;
	(pc) =	sbr.ind lr, $3  }
0x3a: {  	_ = 	snop  }
0x3b: {  	_ = 	snop  }
0x3c: {  	p2 =	seq.s32 s10, $0x1;
	s10 =	sld [smem:$0x3FA1]  }
0x3d: {  	_ =	shalt  }
0x3e: {  	_ =	shalt  }
0x3f: {  	_ =	shalt  }
0x40: {  	_ =	shalt  }
0x41: {  	_ =	shalt  }
0x42: {  	_ =	shalt  }
0x43: {  	_ =	shalt  }
0x44: {  	_ =	shalt  }
0x45: {  	_ =	shalt  }
0x46: {  	_ =	shalt  }
0x47: {  	_ =	shalt  }
0x48: {  	_ =	shalt  }
0x49: {  	_ =	shalt  }
0x4a: {  	_ =	shalt  }
0x4b: {  	_ =	shalt  }
0x4c: {  	_ =	shalt  }
0x4d: {  	_ =	shalt  }
0x4e: {  	_ =	shalt  }
0x4f: {  	_ =	shalt  }
0x50: {  	_ =	shalt  }
0x51: {  	_ =	shalt  }
0x52: {  	_ =	shalt  }
0x53: {  	_ =	shalt  }
0x54: {  	_ =	shalt  }
0x55: {  	_ =	shalt  }
0x56: {  	_ =	shalt  }
0x57: {  	_ =	shalt  }
0x58: {  	_ =	shalt  }
0x59: {  	_ =	shalt  }
0x5a: {  	_ =	shalt  }
0x5b: {  	_ =	shalt  }
0x5c: {  	_ =	shalt  }
0x5d: {  	_ =	shalt  }
0x5e: {  	_ =	shalt  }
0x5f: {  	_ =	shalt  }
0x60: {  	_ =	shalt  }
0x61: {  	_ =	shalt  }
0x62: {  	_ =	shalt  }
0x63: {  	_ =	shalt  }
0x64: {  	_ =	shalt  }
0x65: {  	_ =	shalt  }
0x66: {  	_ =	shalt  }
0x67: {  	_ =	shalt  }
0x68: {  	_ =	shalt  }
0x69: {  	_ =	shalt  }
0x6a: {  	_ =	shalt  }
0x6b: {  	_ =	shalt  }
0x6c: {  	_ =	shalt  }
0x6d: {  	_ =	shalt  }
0x6e: {  	_ =	shalt  }
0x6f: {  	_ =	shalt  }
0x70: {  	_ =	shalt  }
0x71: {  	_ =	shalt  }
0x72: {  	_ =	shalt  }
0x73: {  	_ =	shalt  }
0x74: {  	_ =	shalt  }
0x75: {  	_ =	shalt  }
0x76: {  	_ =	shalt  }
0x77: {  	_ =	shalt  }
0x78: {  	_ =	shalt  }
0x79: {  	_ =	shalt  }
0x7a: {  	_ =	shalt  }
0x7b: {  	_ =	shalt  }
0x7c: {  	_ =	shalt  }
0x7d: {  	_ =	shalt  }
0x7e: {  	_ =	shalt  }
0x7f: {  	_ =	shalt  }
0x80: {  	_ =	shalt  }
0x81: {  	_ =	shalt  }
0x82: {  	_ =	shalt  }
0x83: {  	_ =	shalt  }
0x84: {  	_ =	shalt  }
0x85: {  	_ =	shalt  }
0x86: {  	_ =	shalt  }
0x87: {  	_ =	shalt  }
.Lfunc_end0:
.L_simem_size_0:
called_computation.1_lowered:
.L_overlay_start_0:
0x88: {  	s2 =	sld [smem:$0x3FD9]  }
0x89: {  	s3 =	sld [smem:$0x3FFE];
	_ =	sdelay $0x1  }
0x8a: {  	s1 =	srdreg.scid  }
0x8b: {  	s0 =	sand.u32 $0x1, s1  }
0x8c: {  	s14 =	sshll.u32 s0, $0xA;
	s2 =	sadd.s32 s3, s2  }
0x8d: {  	s2 =	sadd.s32 s2, s14  }
0x8e: {  	[smem:$0x3FAD] =	sst s2  }
0x8f: {  	_ = 	snop  }
0x90: {  	s2 =	sld [smem:$0x3FD0];
	_ =	sdelay $0x2  }
0x91: {  	s15 =	simm.s32 $0xA;
	s4 =	simm.s32 $0x10  }
0x92: {  	[smem:s4], [sflag:s15] =	dma.local [hbm:s2], $0x1  }
0x93: {  	_ =	swait.eq [sflag:s15], $0x1  }
0x94: {  	[sflag:s15] =	ssyncset.done $0x0  }
0x95: {  	[sflag:s15] =	ssyncadd.s32 $0xFFFFFFFF  }
0x96: {  	s16 =	sld [smem:$0x11];
	(tm) =	ssettm $0x1  }
0x97: {  	s17 =	sld [smem:$0x3FFB];
	_ =	sdelay $0x3  }
0x98: {  	_ =	strace s17  }
0x99: {  	s3 =	sld [smem:$0x3FFC];
	_ =	sdelay $0x3  }
0x9a: {  	_ =	strace s3  }
0x9b: {  	s3 =	sld [smem:$0x3FFD];
	_ =	sdelay $0x3  }
0x9c: {  	_ =	strace s3  }
0x9d: {  	_ =	strace $0x8FFFFFFF  }
0x9e: {  	s18 =	sld [smem:$0x3FDB];
	_ =	sdelay $0x1  }
0x9f: {  	s19 =	simm.s32 $_scs_section_size  }
0xa0: {  	s5 =	simm.s32 $_size__tile_overlayer_lowered;
	s6 =	simm.s32 $_tile_overlayer_lowered  }
0xa1: {  	s22 =	simm.s32 $0x1BFF;
	s21 =	sshll.u32 s6, $0x1;
	s3 =	sadd.s32 s19, s18  }
0xa2: {  	s7 =	simm.s32 $0x0;
	s20 =	sshll.u32 s5, $0x1;
	s5 =	sadd.s32 s21, s3  }
0xa3: {  	[timem:s7], [sflag:s22] =	dma.local [hbm:s5], s20  }
0xa4: {  	_ =	swait.ge [sflag:s22], s20  }
0xa5: {  	s4 =	ssub.s32 $0x0, s20;
	[sflag:s22] =	ssyncset.done $0x0  }
0xa6: {  	[sflag:s22] =	ssyncadd.s32 s4;
	_ =	sdelay $0x1  }
0xa7: {  	s23 =	simm.s32 $0x1B8B  }
0xa8: {  	_ =	swait.ge [sflag:s23], $0x1  }
0xa9: {  	[sflag:s23] =	ssyncset.done $0x0  }
0xaa: {  	s25 =	simm.s32 $0x1B8E;
	s24 =	sld [smem:$0x3FFE];
	[sflag:s23] =	ssyncadd.s32 $0xFFFFFFFF  }
0xab: {  	s26 =	simm.s32 $execute0_lowered;
	[smem:$0x3FD2] =	sst s25  }
0xac: {  	s5 =	sshll.u32 s26, $0x1;
	_ =	strace $0x80000049;
	[dreg:$0x1] =	wrdreg $0xFFFFFFFF  }
0xad: {  	s28 =	simm.s32 $_size_execute0_lowered;
	s3 =	sadd.s32 s3, s5;
	[dreg:$0x0] =	wrdreg $0x0  }
0xae: {  	s5 =	sshll.u32 s28, $0x1;
	[dreg:$0x2] =	wrdreg s3  }
0xaf: {  	[dreg:$0x3] =	wrdreg s5  }
0xb0: {  	[dreg:$0x4] =	wrdreg $0xC0  }
0xb1: {  	_ =	task [dreg:s7], $0x5FFFF  }
0xb2: {  	[dreg:$0x1] =	wrdreg $0xFFFFFFFF  }
0xb3: {  	[dreg:$0x0] =	wrdreg $0x60  }
0xb4: {  	[dreg:$0x2] =	wrdreg s24  }
0xb5: {  	[dreg:$0x3] =	wrdreg s16  }
0xb6: {  	[dreg:$0x4] =	wrdreg $0x0  }
0xb7: {  	[dreg:$0x5] =	wrdreg $0x9  }
0xb8: {  	_ =	task.clear_ibuf [dreg:s7], $0x6FFFF;
	_ =	strace $0x90000049  }
0xb9: {  	s29 =	simm.s32 $0x9;
	_ =	strace $0x8000004B  }
0xba: {  	_ =	swait.ge [sflag:s29], $0x1  }
0xbb: {  	[sflag:s29] =	ssyncadd.s32 $0xFFFFFFFF  }
0xbc: {  	_ =	strace $0x9000004B  }
0xbd: {  	_ =	sfence  }
0xbe: {  	s30 =	sld [smem:$0x0];
	_ =	sdelay $0x2  }
0xbf: {  	s31 =	sshll.u32 s1, $0xD;
	s1 =	sshrl.u32 s1, $0x2  }
0xc0: {  	s3 =	sand.u32 $0x4000, s31;
	s1 =	sadd.s32 s1, s30  }
0xc1: {  	s0 =	sor.u32 s3, s0;
	s1 =	sshll.u32 s1, $0x11  }
0xc2: {  	s0 =	sor.u32 s1, s0  }
0xc3: {  	s0 =	sadd.s32 $0x8F2B, s0  }
0xc4: {  	[sflag:s0] =	ssyncadd.remote.s32 $0x1  }
0xc5: {  	_ =	sfence.sel $0xFFFF  }
0xc6: {  	[dreg:$0x0] =	wrdreg $0xFFFFFFFF;
	(pc) =	sbr.abs _section_cstart, $3  }
0xc7: {  	[dreg:$0x1] =	wrdreg $0xFFFFFFFF  }
0xc8: {  	_ =	task.clear_ibuf [dreg:s7], $0x2FFFF;
	_ =	strace $0x9FFFFFFF  }
0xc9: {  	(tm) =	ssettm $0x7FFFFFFF  }
tec
execute0_lowered:
.L_overlay_start_1:
0x0: {  	(tag) =	ssettag $0x1  }
0x1: {  	s0 =	rddreg [dreg:$0x0]  }
0x2: {  	s2 =	rddreg [dreg:$0x2];
	s1 =	srdreg.scid;
	s3 =	simm.s32 $0x0  }
0x3: {  	s20 =	stileid.u32;
	s19 =	simm.s32 $0x80;
	s13 =	simm.s32 $0x7  }
0x4: {  	s15 =	simm.s32 $0x13350;
	s16 =	simm.s32 $0x1;
	s17 =	simm.s32 $0x8  }
0x5: {  	s29 =	simm.s32 $0x13B50;
	s18 =	simm.s32 $0x15350;
	s31 =	simm.s32 $0x3  }
0x6: {  	s30 =	simm.s32 $0xB;
	s14 =	simm.s32 $0x0;
	s1 =	sand.u32 $0x1, s1  }
0x7: {  	[smem:$0x7FF] =	sst s3;
	s4 =	sadd.s32 $0x19600, s0;
	s25 =	sadd.s32 $0x61A80, s2  }
0x8: {  	p0 =	sne.s32 s20, $0x0;
	p1 =	seq.s32 s20, $0x8;
	s5 =	sshll.u32 s1, $0x4  }
0x9: {  	_ =	strace $0x8000004A;
	s7 =	ssub.s32 $0x2, s1;
	s21 =	smul.u32 $0xC3500, s1  }
0xa: {  	s1 =	smul.u32 $0x186A0, s1;
	s28 =	sshrl.u32 s25, $0x3;
	s25 =	simm.s32 $0x11B50  }
0xb: {  	s6 =	sor.u32 s20, s5;
	s5 =	sadd.s32 $0x62A00, s0;
	s0 =	sadd.s32 $0xF8A00, s0  }
0xc: {  	s9 =	sshrl.u32 s7, $0x1;
	[dreg:$0xc] =	wrdreg s28;
	s8 =	smul.u32 $0x25800, s6  }
0xd: {  	s10 =	smul.u32 $0x4B00, s6;
	s7 =	ssub.s32 s7, s9;
	s23 =	sshrl.u32 s21, $0x3  }
0xe: {  	s6 =	smul.u32 $0x64, s6;
	s21 =	simm.s32 $0x9;
	s24 =	sadd.s32 s0, s23  }
0xf: {  	s0 =	sadd.s32 s0, s1;
	s26 =	smax.u32 s7, $0x1;
	s7 =	simm.s32 $0x12350  }
0x10: {  	s23 =	simm.s32 $0x4;
	s8 =	sshrl.u32 s8, $0x3;
	s10 =	sadd.s32 s5, s10  }
0x11: {  	s22 =	sor.u32 $0x3, s6;
	s11 =	sadd.s32 $0x5, s6;
	[dreg:$0x9] =	wrdreg s0  }
0x12: {  	s12 =	sadd.s32 $0x6, s6;
	[dreg:$0xa] =	wrdreg s26;
	s0 =	sshrl.u32 @!p0 s2, $0x3  }
0x13: {  	s26 =	simm.s32 $0xD550;
	s8 =	sadd.s32 s5, s8;
	[dreg:$0x4] =	wrdreg s10  }
.Ltmp0:
0x14: {  	s10 =	sadd.s32 $0xC0, s10;
	[dreg:$0x7] =	wrdreg s22;
	(pc) =	sbr.rel .LBB2_1-.Ltmp0, $4  }
0x15: {  	[dreg:$0xb] =	wrdreg s0;
	s22 =	simm.s32 $0x14B50;
	s0 =	simm.s32 $0xA  }
0x16: {  	[dreg:$0x5] =	wrdreg s10;
	s8 =	sadd.s32 $0x180, s8;
	s10 =	sadd.s32 $0x4, s6  }
0x17: {  	s6 =	sadd.s32 $0xC350, s24;
	s24 =	simm.s32 $0x2;
	[dreg:$0x6] =	wrdreg s8  }
0x18: {  	[dreg:$0x8] =	wrdreg s6;
	s8 =	simm.s32 $0x12B50;
	s6 =	simm.s32 $0x14350  }
.LBB2_14:
0x19: {  	s1 =	rddreg [dreg:$0x8]  }
0x1a: {  	s3 =	rddreg [dreg:$0xc];
	s9 =	simm.s32 $0x1E0D  }
0x1b: {  	[hbm:s1], [sflag:s9] =	dma.local [spmem:s3], $0xC350  }
0x1c: {  	s14 =	rddreg [dreg:$0xd]  }
.LBB2_15:
0x1d: {  	s1 =	simm.s32 $0xD  }
0x1e: {  	_ =	swait.ge [sflag:s1], $0xC350  }
0x1f: {  	[sflag:s1] =	ssyncset.done $0x0  }
0x20: {  	[sflag:s1] =	ssyncadd.s32 $0xFFFF3CB0  }
.LBB2_16:
0x21: {  	s14 =	sadd.s32 $0x1, s14;
	s1 =	rddreg [dreg:$0xa]  }
0x22: {  	p2 =	sne.s32 s14, s1  }
.Ltmp1:
0x23: {  	_ = 	snop;
	(pc) =	sbr.rel @!p2 .LBB2_17-.Ltmp1, $1  }
0x24: {  	_ =	sdelay $0x3  }
.LBB2_1:
0x25: {  	[dreg:$0xd] =	wrdreg s14  }
0x26: {  	s3 =	rddreg [dreg:$0x1]  }
0x27: {  	s1 =	simm.s32 @!p0 $0x1C0D;
	s9 =	rddreg [dreg:$0xb]  }
0x28: {  	[spmem:s9], [sflag:s1] =	dma.local @!p0 [hbm:s3], $0x186A0  }
0x29: {  	s1 =	simm.s32 @!p0 $0xD  }
0x2a: {  	_ =	swait.ge @!p0 [sflag:s1], $0x186A0  }
0x2b: {  	[sflag:s1] =	ssyncset.done @!p0 $0x0  }
0x2c: {  	[sflag:s1] =	ssyncadd.s32 @!p0 $0xFFFE7960  }
0x2d: {  	s20 =	simm.s32 $0xC350;
	[bflag:$0x0] =	sbarrier.arrive $0xFFFF  }
0x2e: {  	s28 =	simm.s32 $0xD;
	s1 =	simm.s32 $0x0;
	s14 =	rddreg [dreg:$0x4]  }
0x2f: {  	[tilespmem:s20], [sflag:$0xD] =	stream.linear.gather [hbm4b:s14+s1], $0x600, $0x38;
	[tilespmem:$0x15B50] =	vst v63  }
0x30: {  	_ =	swait.ge [sflag:s28], $0x600  }
0x31: {  	[sflag:s28] =	ssyncset.done $0x0  }
0x32: {  	s14 =	simm.s32 $0xDB50;
	[sflag:s28] =	ssyncadd.s32 $0xFFFFFA00  }
0x33: {  	[tilespmem:s14], [sflag:$0x1] =	stream.indirect.gather [hbm4b:s4+s19], $0x10, s20, s19, $0xb8;
	[tilespmem:$0x15B50] =	vst v63  }
0x34: {  	s28 =	simm.s32 $0xE350;
	s20 =	simm.s32 $0xC3D0  }
0x35: {  	[tilespmem:s28], [sflag:$0x1] =	stream.indirect.gather [hbm4b:s4+s19], $0x10, s20, s19, $0xb8;
	[tilespmem:$0x15B50] =	vst v63  }
0x36: {  	s9 =	simm.s32 $0xC450;
	s14 =	simm.s32 $0xEB50  }
0x37: {  	[tilespmem:s14], [sflag:$0x1] =	stream.indirect.gather [hbm4b:s4+s19], $0x10, s9, s19, $0xb8;
	[tilespmem:$0x15B50] =	vst v63  }
0x38: {  	s20 =	simm.s32 $0xC4D0;
	s28 =	simm.s32 $0xF350  }
0x39: {  	[tilespmem:s28], [sflag:$0x1] =	stream.indirect.gather [hbm4b:s4+s19], $0x10, s20, s19, $0xb8;
	[tilespmem:$0x15B50] =	vst v63  }
0x3a: {  	s14 =	rddreg [dreg:$0x5];
	s9 =	simm.s32 $0xC950  }
0x3b: {  	[tilespmem:s9], [sflag:$0x6] =	stream.linear.gather [hbm4b:s14+s1], $0x600, $0x38;
	[tilespmem:$0x15B50] =	vst v63  }
0x3c: {  	s3 =	simm.s32 $0x6;
	s20 =	rddreg [dreg:$0x6];
	s28 =	simm.s32 $0xCF50  }
0x3d: {  	[tilespmem:s28], [sflag:$0x7] =	stream.linear.gather [hbm4b:s20+s1], $0x600, $0x38;
	[tilespmem:$0x15B50] =	vst v63  }
0x3e: {  	_ =	swait.ge [sflag:s3], $0x600  }
0x3f: {  	[sflag:s3] =	ssyncset.done $0x0  }
0x40: {  	s14 =	simm.s32 $0xFB50;
	[sflag:s3] =	ssyncadd.s32 $0xFFFFFA00  }
0x41: {  	[tilespmem:s14], [sflag:$0x2] =	stream.indirect.gather [hbm4b:s4+s19], $0x10, s9, s19, $0xb8;
	[tilespmem:$0x15B50] =	vst v63  }
0x42: {  	s20 =	simm.s32 $0xC9D0;
	s28 =	simm.s32 $0x10350  }
0x43: {  	[tilespmem:s28], [sflag:$0x2] =	stream.indirect.gather [hbm4b:s4+s19], $0x10, s20, s19, $0xb8;
	[tilespmem:$0x15B50] =	vst v63  }
0x44: {  	s9 =	simm.s32 $0xCA50;
	s14 =	simm.s32 $0x10B50  }
0x45: {  	[tilespmem:s14], [sflag:$0x2] =	stream.indirect.gather [hbm4b:s4+s19], $0x10, s9, s19, $0xb8;
	[tilespmem:$0x15B50] =	vst v63  }
0x46: {  	s20 =	simm.s32 $0xCAD0;
	s28 =	simm.s32 $0x11350  }
0x47: {  	[tilespmem:s28], [sflag:$0x2] =	stream.indirect.gather [hbm4b:s4+s19], $0x10, s20, s19, $0xb8;
	[tilespmem:$0x15B50] =	vst v63  }
0x48: {  	s20 =	simm.s32 $0x0  }
.LBB2_2:
0x49: {  	s3 =	sshll.u32 s20, $0x2;
	p2 =	seq.s32 s20, $0x0;
	s9 =	rddreg [dreg:$0x7]  }
0x4a: {  	s1 =	simm.s32 @!p2 $0xC;
	s9 =	sadd.s32 s3, s9  }
0x4b: {  	_ =	swait.ge @!p2 [sflag:s1], $0x2000;
	s9 =	smul.u32 $0xC0, s9  }
0x4c: {  	[sflag:s1] =	ssyncset.done @!p2 $0x0  }
0x4d: {  	s14 =	simm.s32 $0x0;
	[sflag:s1] =	ssyncadd.s32 @!p2 $0xFFFFE000;
	s9 =	sadd.s32 s5, s9  }
0x4e: {  	[tilespmem:s26], [sflag:$0x8] =	stream.linear.gather [hbm4b:s9+s14], $0x600, $0x38;
	[tilespmem:$0x15B50] =	vst v63  }
0x4f: {  	_ =	swait.ge [sflag:s13], $0x600  }
0x50: {  	[sflag:s13] =	ssyncset.done $0x0  }
0x51: {  	s9 =	simm.s32 $0xCF50;
	[sflag:s13] =	ssyncadd.s32 $0xFFFFFA00  }
0x52: {  	[tilespmem:s25], [sflag:$0x3] =	stream.indirect.gather [hbm4b:s4+s19], $0x10, s9, s19, $0xb8;
	[tilespmem:$0x15B50] =	vst v63  }
0x53: {  	s14 =	simm.s32 $0xCFD0  }
0x54: {  	[tilespmem:s7], [sflag:$0x3] =	stream.indirect.gather [hbm4b:s4+s19], $0x10, s14, s19, $0xb8;
	[tilespmem:$0x15B50] =	vst v63  }
0x55: {  	s9 =	simm.s32 $0xD050  }
0x56: {  	[tilespmem:s8], [sflag:$0x3] =	stream.indirect.gather [hbm4b:s4+s19], $0x10, s9, s19, $0xb8;
	[tilespmem:$0x15B50] =	vst v63  }
0x57: {  	s14 =	simm.s32 $0xD0D0  }
0x58: {  	[tilespmem:s15], [sflag:$0x3] =	stream.indirect.gather [hbm4b:s4+s19], $0x10, s14, s19, $0xb8;
	[tilespmem:$0x15B50] =	vst v63  }
0x59: {  	_ =	swait.ge [sflag:s16], $0x2000  }
0x5a: {  	[sflag:s16] =	ssyncset.done $0x0  }
0x5b: {  	s14 =	simm.s32 $0xDBD0;
	[sflag:s16] =	ssyncadd.s32 $0xFFFFE000  }
0x5c: {  	s1 =	simm.s32 $0xC750;
	v1 =	vld [tilespmem:s14+$0xFFFFFFB0]  }
0x5d: {  	s28 =	simm.s32 $0xDBD0;
	s9 =	simm.s32 $0x1;
	v0 =	vld [tilespmem:s1+$0x0]  }
.LBB2_3:
0x5e: {  	p2 =	sne.s32 s9, $0x1F;
	v2 =	vld [tilespmem:s14+$0xFFFFFF90]  }
0x5f: {  	v3 =	vld [tilespmem:s14+$0xFFFFFF80]  }
0x60: {  	v4 =	vld [tilespmem:s14+$0xFFFFFFA0]  }
0x61: {  	v5 =	vld [tilespmem:s14+$0xFFFFFFF0]  }
0x62: {  	v6 =	vbroadcast v0, $0x0;
	v7 =	vbroadcast v0, $0x1;
	v8 =	vld [tilespmem:s14+$0xFFFFFFD0]  }
0x63: {  	v9 =	vbroadcast v0, $0x2;
	v10 =	vbroadcast v0, $0x3;
	v11 =	vld [tilespmem:s14+$0xFFFFFFC0]  }
0x64: {  	v3 =	vmul.f32 v6, v3;
	v2 =	vmul.f32 v2, v7;
	v6 =	vld [tilespmem:s14+$0xFFFFFFE0]  }
0x65: {  	v1 =	vmul.f32 v1, v10;
	v4 =	vmul.f32 v4, v9;
	v7 =	vld [tilespmem:s14+$0x30]  }
0x66: {  	v9 =	vbroadcast v0, $0x5;
	[tilespmem:s14+$0xFFFFFF80] =	vst v3;
	v3 =	vbroadcast v0, $0x4;
	v10 =	vld [tilespmem:s14+$0x10]  }
0x67: {  	v12 =	vbroadcast v0, $0x7;
	[tilespmem:s14+$0xFFFFFF90] =	vst v2;
	v2 =	vbroadcast v0, $0x6;
	v13 =	vld [tilespmem:s14+$0x0]  }
0x68: {  	[tilespmem:s14+$0xFFFFFFA0] =	vst v4;
	v3 =	vmul.f32 v11, v3;
	v4 =	vmul.f32 v8, v9;
	v8 =	vld [tilespmem:s14+$0x20]  }
0x69: {  	[tilespmem:s14+$0xFFFFFFB0] =	vst v1;
	v1 =	vmul.f32 v6, v2;
	v2 =	vmul.f32 v5, v12;
	v5 =	vld [tilespmem:s14+$0x70]  }
0x6a: {  	v6 =	vbroadcast v0, $0x9;
	[tilespmem:s14+$0xFFFFFFC0] =	vst v3;
	v3 =	vbroadcast v0, $0x8;
	v9 =	vld [tilespmem:s14+$0x50]  }
0x6b: {  	v11 =	vbroadcast v0, $0xB;
	[tilespmem:s14+$0xFFFFFFD0] =	vst v4;
	v4 =	vbroadcast v0, $0xA;
	v12 =	vld [tilespmem:s14+$0x40]  }
0x6c: {  	[tilespmem:s14+$0xFFFFFFE0] =	vst v1;
	v1 =	vmul.f32 v13, v3;
	v3 =	vmul.f32 v10, v6;
	v6 =	vld [tilespmem:s14+$0x60]  }
0x6d: {  	[tilespmem:s14+$0xFFFFFFF0] =	vst v2;
	v2 =	vmul.f32 v8, v4;
	v4 =	vmul.f32 v7, v11  }
0x6e: {  	v7 =	vbroadcast v0, $0xD;
	[tilespmem:s14+$0x0] =	vst v1;
	v1 =	vbroadcast v0, $0xC  }
0x6f: {  	[tilespmem:s14+$0x10] =	vst v3;
	v3 =	vbroadcast v0, $0xE;
	v0 =	vbroadcast v0, $0xF  }
0x70: {  	[tilespmem:s14+$0x20] =	vst v2;
	v1 =	vmul.f32 v12, v1;
	v2 =	vmul.f32 v9, v7  }
0x71: {  	[tilespmem:s14+$0x30] =	vst v4;
	v3 =	vmul.f32 v6, v3;
	v0 =	vmul.f32 v5, v0  }
.Ltmp2:
0x72: {  	[tilespmem:s14+$0x40] =	vst v1;
	(pc) =	sbr.rel @p2 .LBB2_3-.Ltmp2, $4  }
0x73: {  	[tilespmem:s14+$0x50] =	vst v2  }
0x74: {  	s14 =	sadd.s32 $0x100, s14;
	[tilespmem:s28+$0x60] =	vst v3  }
0x75: {  	s1 =	sadd.s32 $0x10, s1;
	v1 =	vld [tilespmem:s14+$0xFFFFFFB0];
	[tilespmem:s28+$0x70] =	vst v0;
	s28 =	smov.u32 s14  }
0x76: {  	s9 =	sadd.s32 $0x1, s9;
	v0 =	vld [tilespmem:s1+$0x0]  }
0x77: {  	_ = 	snop  }
0x78: {  	v2 =	vld [tilespmem:s14+$0xFFFFFF80]  }
0x79: {  	v3 =	vld [tilespmem:s14+$0xFFFFFF90]  }
0x7a: {  	v4 =	vld [tilespmem:s14+$0xFFFFFFA0]  }
0x7b: {  	v5 =	vbroadcast v0, $0x0  }
0x7c: {  	v7 =	vld [tilespmem:s14+$0xFFFFFFC0];
	v6 =	vbroadcast v0, $0x1  }
0x7d: {  	v8 =	vld [tilespmem:s14+$0xFFFFFFD0];
	v9 =	vbroadcast v0, $0x2;
	v2 =	vmul.f32 v5, v2  }
0x7e: {  	v51 =	vld [tilespmem:s14+$0xFFFFFFE0];
	v50 =	vbroadcast v0, $0x3;
	v3 =	vmul.f32 v3, v6  }
0x7f: {  	v53 =	vld [tilespmem:s14+$0x10];
	v4 =	vmul.f32 v4, v9;
	[tilespmem:s14+$0xFFFFFF80] =	vst v2;
	v2 =	vbroadcast v0, $0x4  }
0x80: {  	v52 =	vbroadcast v0, $0x5;
	v1 =	vmul.f32 v1, v50;
	[tilespmem:s14+$0xFFFFFF90] =	vst v3;
	v3 =	vld [tilespmem:s14+$0x0]  }
0x81: {  	v10 =	vld [tilespmem:s14+$0xFFFFFFF0];
	v11 =	vbroadcast v0, $0x6;
	[tilespmem:s14+$0xFFFFFFA0] =	vst v4;
	v2 =	vmul.f32 v7, v2  }
0x82: {  	v55 =	vld [tilespmem:s14+$0x20];
	v56 =	vbroadcast v0, $0x9;
	v5 =	vmul.f32 v8, v52;
	[tilespmem:s14+$0xFFFFFFB0] =	vst v1  }
0x83: {  	v6 =	vmul.f32 v51, v11;
	v1 =	vld [tilespmem:s14+$0x30];
	[tilespmem:s14+$0xFFFFFFC0] =	vst v2;
	v2 =	vbroadcast v0, $0x8  }
0x84: {  	v57 =	vld [tilespmem:s14+$0x40];
	v54 =	vbroadcast v0, $0x7;
	v60 =	vmul.f32 v53, v56;
	[tilespmem:s14+$0xFFFFFFD0] =	vst v5  }
0x85: {  	v58 =	vld [tilespmem:s14+$0x50];
	v59 =	vbroadcast v0, $0xA;
	[tilespmem:s14+$0xFFFFFFE0] =	vst v6;
	v2 =	vmul.f32 v3, v2  }
0x86: {  	v61 =	vld [tilespmem:s14+$0x60];
	v4 =	vmul.f32 v10, v54;
	[tilespmem:s14+$0x10] =	vst v60;
	v3 =	vbroadcast v0, $0xB  }
0x87: {  	v62 =	vld [tilespmem:s14+$0x70];
	v7 =	vmul.f32 v55, v59;
	[tilespmem:s14+$0x0] =	vst v2;
	v2 =	vbroadcast v0, $0xC  }
0x88: {  	[tilespmem:s14+$0xFFFFFFF0] =	vst v4;
	v1 =	vmul.f32 v1, v3;
	v3 =	vbroadcast v0, $0xD  }
0x89: {  	v63 =	vbroadcast v0, $0xE;
	[tilespmem:s14+$0x20] =	vst v7;
	v2 =	vmul.f32 v57, v2  }
0x8a: {  	v0 =	vbroadcast v0, $0xF;
	v3 =	vmul.f32 v58, v3;
	[tilespmem:s14+$0x30] =	vst v1  }
0x8b: {  	v1 =	vmul.f32 v61, v63;
	[tilespmem:s14+$0x40] =	vst v2  }
0x8c: {  	v0 =	vmul.f32 v62, v0;
	[tilespmem:s14+$0x50] =	vst v3  }
0x8d: {  	[tilespmem:s28+$0x60] =	vst v1  }
0x8e: {  	s1 =	simm.s32 $0xDB50;
	s9 =	simm.s32 $0xC550;
	[tilespmem:s28+$0x70] =	vst v0  }
0x8f: {  	[spmem:s2] =	stream.indirect.scatter.add.f32 [tilespmem:s1], [sflag:$0x9], $0x10, s9, s19, $0xb8;
	[tilespmem:$0x15B50] =	vst v63  }
0x90: {  	p2 =	seq.s32 s20, $0x18;
	s14 =	simm.s32 $0xC5D0;
	s9 =	simm.s32 $0xE350  }
0x91: {  	[spmem:s2] =	stream.indirect.scatter.add.f32 [tilespmem:s9], [sflag:$0x9], $0x10, s14, s19, $0xb8;
	[tilespmem:$0x15B50] =	vst v63  }
0x92: {  	s1 =	sadd.s32 @!p2 s3, s10;
	s9 =	simm.s32 $0xEB50;
	s14 =	simm.s32 $0xC650  }
0x93: {  	[spmem:s2] =	stream.indirect.scatter.add.f32 [tilespmem:s9], [sflag:$0x9], $0x10, s14, s19, $0xb8;
	[tilespmem:$0x15B50] =	vst v63  }
0x94: {  	s1 =	smul.u32 @!p2 $0xC0, s1;
	s9 =	simm.s32 $0xF350;
	s14 =	simm.s32 $0xC6D0  }
0x95: {  	[spmem:s2] =	stream.indirect.scatter.add.f32 [tilespmem:s9], [sflag:$0x9], $0x10, s14, s19, $0xb8;
	[tilespmem:$0x15B50] =	vst v63  }
0x96: {  	_ =	swait.ge [sflag:s21], $0x2000  }
0x97: {  	s1 =	sadd.s32 @!p2 s5, s1;
	[sflag:s21] =	ssyncset.done $0x0  }
0x98: {  	s9 =	simm.s32 @!p2 $0x0;
	s14 =	simm.s32 @!p2 $0xC350;
	[sflag:s21] =	ssyncadd.s32 $0xFFFFE000  }
0x99: {  	[tilespmem:s14], [sflag:$0x5] =	stream.linear.gather @!p2 [hbm4b:s1+s9], $0x600, $0x38;
	[tilespmem:$0x15B50] =	vst v63  }
0x9a: {  	_ =	swait.ge [sflag:s17], $0x600  }
0x9b: {  	[sflag:s17] =	ssyncset.done $0x0  }
0x9c: {  	[sflag:s17] =	ssyncadd.s32 $0xFFFFFA00  }
0x9d: {  	[tilespmem:s29], [sflag:$0x4] =	stream.indirect.gather [hbm4b:s4+s19], $0x10, s26, s19, $0xb8;
	[tilespmem:$0x15B50] =	vst v63  }
0x9e: {  	s14 =	simm.s32 $0xD5D0  }
0x9f: {  	[tilespmem:s6], [sflag:$0x4] =	stream.indirect.gather [hbm4b:s4+s19], $0x10, s14, s19, $0xb8;
	[tilespmem:$0x15B50] =	vst v63  }
0xa0: {  	s9 =	simm.s32 $0xD650  }
0xa1: {  	[tilespmem:s22], [sflag:$0x4] =	stream.indirect.gather [hbm4b:s4+s19], $0x10, s9, s19, $0xb8;
	[tilespmem:$0x15B50] =	vst v63  }
0xa2: {  	s14 =	simm.s32 $0xD6D0  }
0xa3: {  	[tilespmem:s18], [sflag:$0x4] =	stream.indirect.gather [hbm4b:s4+s19], $0x10, s14, s19, $0xb8;
	[tilespmem:$0x15B50] =	vst v63  }
0xa4: {  	_ =	swait.ge [sflag:s24], $0x2000  }
0xa5: {  	[sflag:s24] =	ssyncset.done $0x0  }
0xa6: {  	s14 =	simm.s32 $0xFBD0;
	[sflag:s24] =	ssyncadd.s32 $0xFFFFE000  }
0xa7: {  	s1 =	simm.s32 $0xCD50;
	v1 =	vld [tilespmem:s14+$0xFFFFFFB0]  }
0xa8: {  	s28 =	simm.s32 $0xFBD0;
	s9 =	simm.s32 $0x1;
	v0 =	vld [tilespmem:s1+$0x0]  }
.LBB2_5:
0xa9: {  	p3 =	sne.s32 s9, $0x1F;
	v2 =	vld [tilespmem:s14+$0xFFFFFF90]  }
0xaa: {  	v3 =	vld [tilespmem:s14+$0xFFFFFF80]  }
0xab: {  	v4 =	vld [tilespmem:s14+$0xFFFFFFA0]  }
0xac: {  	v5 =	vld [tilespmem:s14+$0xFFFFFFF0]  }
0xad: {  	v6 =	vbroadcast v0, $0x0;
	v7 =	vbroadcast v0, $0x1;
	v8 =	vld [tilespmem:s14+$0xFFFFFFD0]  }
0xae: {  	v9 =	vbroadcast v0, $0x2;
	v10 =	vbroadcast v0, $0x3;
	v11 =	vld [tilespmem:s14+$0xFFFFFFC0]  }
0xaf: {  	v3 =	vmul.f32 v6, v3;
	v2 =	vmul.f32 v2, v7;
	v6 =	vld [tilespmem:s14+$0xFFFFFFE0]  }
0xb0: {  	v1 =	vmul.f32 v1, v10;
	v4 =	vmul.f32 v4, v9;
	v7 =	vld [tilespmem:s14+$0x30]  }
0xb1: {  	v9 =	vbroadcast v0, $0x5;
	[tilespmem:s14+$0xFFFFFF80] =	vst v3;
	v3 =	vbroadcast v0, $0x4;
	v10 =	vld [tilespmem:s14+$0x10]  }
0xb2: {  	v12 =	vbroadcast v0, $0x7;
	[tilespmem:s14+$0xFFFFFF90] =	vst v2;
	v2 =	vbroadcast v0, $0x6;
	v13 =	vld [tilespmem:s14+$0x0]  }
0xb3: {  	[tilespmem:s14+$0xFFFFFFA0] =	vst v4;
	v3 =	vmul.f32 v11, v3;
	v4 =	vmul.f32 v8, v9;
	v8 =	vld [tilespmem:s14+$0x20]  }
0xb4: {  	[tilespmem:s14+$0xFFFFFFB0] =	vst v1;
	v1 =	vmul.f32 v6, v2;
	v2 =	vmul.f32 v5, v12;
	v5 =	vld [tilespmem:s14+$0x70]  }
0xb5: {  	v6 =	vbroadcast v0, $0x9;
	[tilespmem:s14+$0xFFFFFFC0] =	vst v3;
	v3 =	vbroadcast v0, $0x8;
	v9 =	vld [tilespmem:s14+$0x50]  }
0xb6: {  	v11 =	vbroadcast v0, $0xB;
	[tilespmem:s14+$0xFFFFFFD0] =	vst v4;
	v4 =	vbroadcast v0, $0xA;
	v12 =	vld [tilespmem:s14+$0x40]  }
0xb7: {  	[tilespmem:s14+$0xFFFFFFE0] =	vst v1;
	v1 =	vmul.f32 v13, v3;
	v3 =	vmul.f32 v10, v6;
	v6 =	vld [tilespmem:s14+$0x60]  }
0xb8: {  	[tilespmem:s14+$0xFFFFFFF0] =	vst v2;
	v2 =	vmul.f32 v8, v4;
	v4 =	vmul.f32 v7, v11  }
0xb9: {  	v7 =	vbroadcast v0, $0xD;
	[tilespmem:s14+$0x0] =	vst v1;
	v1 =	vbroadcast v0, $0xC  }
0xba: {  	[tilespmem:s14+$0x10] =	vst v3;
	v3 =	vbroadcast v0, $0xE;
	v0 =	vbroadcast v0, $0xF  }
0xbb: {  	[tilespmem:s14+$0x20] =	vst v2;
	v1 =	vmul.f32 v12, v1;
	v2 =	vmul.f32 v9, v7  }
0xbc: {  	[tilespmem:s14+$0x30] =	vst v4;
	v3 =	vmul.f32 v6, v3;
	v0 =	vmul.f32 v5, v0  }
.Ltmp3:
0xbd: {  	[tilespmem:s14+$0x40] =	vst v1;
	(pc) =	sbr.rel @p3 .LBB2_5-.Ltmp3, $4  }
0xbe: {  	[tilespmem:s14+$0x50] =	vst v2  }
0xbf: {  	s14 =	sadd.s32 $0x100, s14;
	[tilespmem:s28+$0x60] =	vst v3  }
0xc0: {  	s1 =	sadd.s32 $0x10, s1;
	v1 =	vld [tilespmem:s14+$0xFFFFFFB0];
	[tilespmem:s28+$0x70] =	vst v0;
	s28 =	smov.u32 s14  }
0xc1: {  	s9 =	sadd.s32 $0x1, s9;
	v0 =	vld [tilespmem:s1+$0x0]  }
0xc2: {  	_ = 	snop  }
0xc3: {  	v2 =	vld [tilespmem:s14+$0xFFFFFF80]  }
0xc4: {  	v3 =	vld [tilespmem:s14+$0xFFFFFF90]  }
0xc5: {  	v4 =	vld [tilespmem:s14+$0xFFFFFFA0]  }
0xc6: {  	v5 =	vbroadcast v0, $0x0  }
0xc7: {  	v7 =	vld [tilespmem:s14+$0xFFFFFFC0];
	v6 =	vbroadcast v0, $0x1  }
0xc8: {  	v8 =	vld [tilespmem:s14+$0xFFFFFFD0];
	v9 =	vbroadcast v0, $0x2;
	v2 =	vmul.f32 v5, v2  }
0xc9: {  	v51 =	vld [tilespmem:s14+$0xFFFFFFE0];
	v50 =	vbroadcast v0, $0x3;
	v3 =	vmul.f32 v3, v6  }
0xca: {  	v53 =	vld [tilespmem:s14+$0x10];
	v4 =	vmul.f32 v4, v9;
	[tilespmem:s14+$0xFFFFFF80] =	vst v2;
	v2 =	vbroadcast v0, $0x4  }
0xcb: {  	v52 =	vbroadcast v0, $0x5;
	v1 =	vmul.f32 v1, v50;
	[tilespmem:s14+$0xFFFFFF90] =	vst v3;
	v3 =	vld [tilespmem:s14+$0x0]  }
0xcc: {  	v10 =	vld [tilespmem:s14+$0xFFFFFFF0];
	v11 =	vbroadcast v0, $0x6;
	[tilespmem:s14+$0xFFFFFFA0] =	vst v4;
	v2 =	vmul.f32 v7, v2  }
0xcd: {  	v55 =	vld [tilespmem:s14+$0x20];
	v56 =	vbroadcast v0, $0x9;
	v5 =	vmul.f32 v8, v52;
	[tilespmem:s14+$0xFFFFFFB0] =	vst v1  }
0xce: {  	v6 =	vmul.f32 v51, v11;
	v1 =	vld [tilespmem:s14+$0x30];
	[tilespmem:s14+$0xFFFFFFC0] =	vst v2;
	v2 =	vbroadcast v0, $0x8  }
0xcf: {  	v57 =	vld [tilespmem:s14+$0x40];
	v54 =	vbroadcast v0, $0x7;
	v60 =	vmul.f32 v53, v56;
	[tilespmem:s14+$0xFFFFFFD0] =	vst v5  }
0xd0: {  	v58 =	vld [tilespmem:s14+$0x50];
	v59 =	vbroadcast v0, $0xA;
	[tilespmem:s14+$0xFFFFFFE0] =	vst v6;
	v2 =	vmul.f32 v3, v2  }
0xd1: {  	v61 =	vld [tilespmem:s14+$0x60];
	v4 =	vmul.f32 v10, v54;
	[tilespmem:s14+$0x10] =	vst v60;
	v3 =	vbroadcast v0, $0xB  }
0xd2: {  	v62 =	vld [tilespmem:s14+$0x70];
	v7 =	vmul.f32 v55, v59;
	[tilespmem:s14+$0x0] =	vst v2;
	v2 =	vbroadcast v0, $0xC  }
0xd3: {  	[tilespmem:s14+$0xFFFFFFF0] =	vst v4;
	v1 =	vmul.f32 v1, v3;
	v3 =	vbroadcast v0, $0xD  }
0xd4: {  	v63 =	vbroadcast v0, $0xE;
	[tilespmem:s14+$0x20] =	vst v7;
	v2 =	vmul.f32 v57, v2  }
0xd5: {  	v0 =	vbroadcast v0, $0xF;
	v3 =	vmul.f32 v58, v3;
	[tilespmem:s14+$0x30] =	vst v1  }
0xd6: {  	v1 =	vmul.f32 v61, v63;
	[tilespmem:s14+$0x40] =	vst v2  }
0xd7: {  	v0 =	vmul.f32 v62, v0;
	[tilespmem:s14+$0x50] =	vst v3  }
0xd8: {  	[tilespmem:s28+$0x60] =	vst v1  }
0xd9: {  	s1 =	simm.s32 $0xFB50;
	s9 =	simm.s32 $0xCB50;
	[tilespmem:s28+$0x70] =	vst v0  }
0xda: {  	[spmem:s2] =	stream.indirect.scatter.add.f32 [tilespmem:s1], [sflag:$0xA], $0x10, s9, s19, $0xb8;
	[tilespmem:$0x15B50] =	vst v63  }
0xdb: {  	s14 =	simm.s32 $0xCBD0;
	s9 =	simm.s32 $0x10350  }
0xdc: {  	[spmem:s2] =	stream.indirect.scatter.add.f32 [tilespmem:s9], [sflag:$0xA], $0x10, s14, s19, $0xb8;
	[tilespmem:$0x15B50] =	vst v63  }
0xdd: {  	s1 =	sadd.s32 @!p2 s3, s11;
	s9 =	simm.s32 $0x10B50;
	s14 =	simm.s32 $0xCC50  }
0xde: {  	[spmem:s2] =	stream.indirect.scatter.add.f32 [tilespmem:s9], [sflag:$0xA], $0x10, s14, s19, $0xb8;
	[tilespmem:$0x15B50] =	vst v63  }
0xdf: {  	s1 =	smul.u32 @!p2 $0xC0, s1;
	s9 =	simm.s32 $0x11350;
	s14 =	simm.s32 $0xCCD0  }
0xe0: {  	[spmem:s2] =	stream.indirect.scatter.add.f32 [tilespmem:s9], [sflag:$0xA], $0x10, s14, s19, $0xb8;
	[tilespmem:$0x15B50] =	vst v63  }
0xe1: {  	_ =	swait.ge [sflag:s0], $0x2000  }
0xe2: {  	s1 =	sadd.s32 @!p2 s5, s1;
	[sflag:s0] =	ssyncset.done $0x0  }
0xe3: {  	s9 =	simm.s32 @!p2 $0x0;
	s14 =	simm.s32 @!p2 $0xC950;
	[sflag:s0] =	ssyncadd.s32 $0xFFFFE000  }
0xe4: {  	[tilespmem:s14], [sflag:$0x6] =	stream.linear.gather @!p2 [hbm4b:s1+s9], $0x600, $0x38;
	[tilespmem:$0x15B50] =	vst v63  }
0xe5: {  	s1 =	simm.s32 @!p2 $0x5  }
0xe6: {  	_ =	swait.ge @!p2 [sflag:s1], $0x600  }
0xe7: {  	s9 =	simm.s32 @!p2 $0xC350;
	[sflag:s1] =	ssyncset.done @!p2 $0x0  }
0xe8: {  	s14 =	simm.s32 @!p2 $0xDB50;
	[sflag:s1] =	ssyncadd.s32 @!p2 $0xFFFFFA00;
	s1 =	simm.s32 @!p2 $0x80  }
0xe9: {  	[tilespmem:s14], [sflag:$0x1] =	stream.indirect.gather @!p2 [hbm4b:s4+s1], $0x10, s9, s1, $0xb8;
	[tilespmem:$0x15B50] =	vst v63  }
0xea: {  	s9 =	simm.s32 @!p2 $0xC3D0;
	s14 =	simm.s32 @!p2 $0xE350  }
0xeb: {  	[tilespmem:s14], [sflag:$0x1] =	stream.indirect.gather @!p2 [hbm4b:s4+s1], $0x10, s9, s1, $0xb8;
	[tilespmem:$0x15B50] =	vst v63  }
0xec: {  	s9 =	simm.s32 @!p2 $0xC450;
	s14 =	simm.s32 @!p2 $0xEB50  }
0xed: {  	[tilespmem:s14], [sflag:$0x1] =	stream.indirect.gather @!p2 [hbm4b:s4+s1], $0x10, s9, s1, $0xb8;
	[tilespmem:$0x15B50] =	vst v63  }
0xee: {  	s9 =	simm.s32 @!p2 $0xC4D0;
	s14 =	simm.s32 @!p2 $0xF350  }
0xef: {  	[tilespmem:s14], [sflag:$0x1] =	stream.indirect.gather @!p2 [hbm4b:s4+s1], $0x10, s9, s1, $0xb8;
	[tilespmem:$0x15B50] =	vst v63  }
0xf0: {  	_ =	swait.ge [sflag:s31], $0x2000  }
0xf1: {  	[sflag:s31] =	ssyncset.done $0x0  }
0xf2: {  	s14 =	simm.s32 $0x11BD0;
	[sflag:s31] =	ssyncadd.s32 $0xFFFFE000  }
0xf3: {  	s1 =	simm.s32 $0xD350;
	v1 =	vld [tilespmem:s14+$0xFFFFFFB0]  }
0xf4: {  	s28 =	simm.s32 $0x11BD0;
	s9 =	simm.s32 $0x1;
	v0 =	vld [tilespmem:s1+$0x0]  }
.LBB2_7:
0xf5: {  	p3 =	sne.s32 s9, $0x1F;
	v2 =	vld [tilespmem:s14+$0xFFFFFF90]  }
0xf6: {  	v3 =	vld [tilespmem:s14+$0xFFFFFF80]  }
0xf7: {  	v4 =	vld [tilespmem:s14+$0xFFFFFFA0]  }
0xf8: {  	v5 =	vld [tilespmem:s14+$0xFFFFFFF0]  }
0xf9: {  	v6 =	vbroadcast v0, $0x0;
	v7 =	vbroadcast v0, $0x1;
	v8 =	vld [tilespmem:s14+$0xFFFFFFD0]  }
0xfa: {  	v9 =	vbroadcast v0, $0x2;
	v10 =	vbroadcast v0, $0x3;
	v11 =	vld [tilespmem:s14+$0xFFFFFFC0]  }
0xfb: {  	v3 =	vmul.f32 v6, v3;
	v2 =	vmul.f32 v2, v7;
	v6 =	vld [tilespmem:s14+$0xFFFFFFE0]  }
0xfc: {  	v1 =	vmul.f32 v1, v10;
	v4 =	vmul.f32 v4, v9;
	v7 =	vld [tilespmem:s14+$0x30]  }
0xfd: {  	v9 =	vbroadcast v0, $0x5;
	[tilespmem:s14+$0xFFFFFF80] =	vst v3;
	v3 =	vbroadcast v0, $0x4;
	v10 =	vld [tilespmem:s14+$0x10]  }
0xfe: {  	v12 =	vbroadcast v0, $0x7;
	[tilespmem:s14+$0xFFFFFF90] =	vst v2;
	v2 =	vbroadcast v0, $0x6;
	v13 =	vld [tilespmem:s14+$0x0]  }
0xff: {  	[tilespmem:s14+$0xFFFFFFA0] =	vst v4;
	v3 =	vmul.f32 v11, v3;
	v4 =	vmul.f32 v8, v9;
	v8 =	vld [tilespmem:s14+$0x20]  }
0x100: {  	[tilespmem:s14+$0xFFFFFFB0] =	vst v1;
	v1 =	vmul.f32 v6, v2;
	v2 =	vmul.f32 v5, v12;
	v5 =	vld [tilespmem:s14+$0x70]  }
0x101: {  	v6 =	vbroadcast v0, $0x9;
	[tilespmem:s14+$0xFFFFFFC0] =	vst v3;
	v3 =	vbroadcast v0, $0x8;
	v9 =	vld [tilespmem:s14+$0x50]  }
0x102: {  	v11 =	vbroadcast v0, $0xB;
	[tilespmem:s14+$0xFFFFFFD0] =	vst v4;
	v4 =	vbroadcast v0, $0xA;
	v12 =	vld [tilespmem:s14+$0x40]  }
0x103: {  	[tilespmem:s14+$0xFFFFFFE0] =	vst v1;
	v1 =	vmul.f32 v13, v3;
	v3 =	vmul.f32 v10, v6;
	v6 =	vld [tilespmem:s14+$0x60]  }
0x104: {  	[tilespmem:s14+$0xFFFFFFF0] =	vst v2;
	v2 =	vmul.f32 v8, v4;
	v4 =	vmul.f32 v7, v11  }
0x105: {  	v7 =	vbroadcast v0, $0xD;
	[tilespmem:s14+$0x0] =	vst v1;
	v1 =	vbroadcast v0, $0xC  }
0x106: {  	[tilespmem:s14+$0x10] =	vst v3;
	v3 =	vbroadcast v0, $0xE;
	v0 =	vbroadcast v0, $0xF  }
0x107: {  	[tilespmem:s14+$0x20] =	vst v2;
	v1 =	vmul.f32 v12, v1;
	v2 =	vmul.f32 v9, v7  }
0x108: {  	[tilespmem:s14+$0x30] =	vst v4;
	v3 =	vmul.f32 v6, v3;
	v0 =	vmul.f32 v5, v0  }
.Ltmp4:
0x109: {  	[tilespmem:s14+$0x40] =	vst v1;
	(pc) =	sbr.rel @p3 .LBB2_7-.Ltmp4, $4  }
0x10a: {  	[tilespmem:s14+$0x50] =	vst v2  }
0x10b: {  	s14 =	sadd.s32 $0x100, s14;
	[tilespmem:s28+$0x60] =	vst v3  }
0x10c: {  	s1 =	sadd.s32 $0x10, s1;
	v1 =	vld [tilespmem:s14+$0xFFFFFFB0];
	[tilespmem:s28+$0x70] =	vst v0;
	s28 =	smov.u32 s14  }
0x10d: {  	s9 =	sadd.s32 $0x1, s9;
	v0 =	vld [tilespmem:s1+$0x0]  }
0x10e: {  	_ = 	snop  }
0x10f: {  	v2 =	vld [tilespmem:s14+$0xFFFFFF80]  }
0x110: {  	v3 =	vld [tilespmem:s14+$0xFFFFFF90]  }
0x111: {  	v4 =	vld [tilespmem:s14+$0xFFFFFFA0]  }
0x112: {  	v5 =	vbroadcast v0, $0x0  }
0x113: {  	v7 =	vld [tilespmem:s14+$0xFFFFFFC0];
	v6 =	vbroadcast v0, $0x1  }
0x114: {  	v8 =	vld [tilespmem:s14+$0xFFFFFFD0];
	v9 =	vbroadcast v0, $0x2;
	v2 =	vmul.f32 v5, v2  }
0x115: {  	v51 =	vld [tilespmem:s14+$0xFFFFFFE0];
	v50 =	vbroadcast v0, $0x3;
	v3 =	vmul.f32 v3, v6  }
0x116: {  	v53 =	vld [tilespmem:s14+$0x10];
	v4 =	vmul.f32 v4, v9;
	[tilespmem:s14+$0xFFFFFF80] =	vst v2;
	v2 =	vbroadcast v0, $0x4  }
0x117: {  	v52 =	vbroadcast v0, $0x5;
	v1 =	vmul.f32 v1, v50;
	[tilespmem:s14+$0xFFFFFF90] =	vst v3;
	v3 =	vld [tilespmem:s14+$0x0]  }
0x118: {  	v10 =	vld [tilespmem:s14+$0xFFFFFFF0];
	v11 =	vbroadcast v0, $0x6;
	[tilespmem:s14+$0xFFFFFFA0] =	vst v4;
	v2 =	vmul.f32 v7, v2  }
0x119: {  	v55 =	vld [tilespmem:s14+$0x20];
	v56 =	vbroadcast v0, $0x9;
	v5 =	vmul.f32 v8, v52;
	[tilespmem:s14+$0xFFFFFFB0] =	vst v1  }
0x11a: {  	v6 =	vmul.f32 v51, v11;
	v1 =	vld [tilespmem:s14+$0x30];
	[tilespmem:s14+$0xFFFFFFC0] =	vst v2;
	v2 =	vbroadcast v0, $0x8  }
0x11b: {  	v57 =	vld [tilespmem:s14+$0x40];
	v54 =	vbroadcast v0, $0x7;
	v60 =	vmul.f32 v53, v56;
	[tilespmem:s14+$0xFFFFFFD0] =	vst v5  }
0x11c: {  	v58 =	vld [tilespmem:s14+$0x50];
	v59 =	vbroadcast v0, $0xA;
	[tilespmem:s14+$0xFFFFFFE0] =	vst v6;
	v2 =	vmul.f32 v3, v2  }
0x11d: {  	v61 =	vld [tilespmem:s14+$0x60];
	v4 =	vmul.f32 v10, v54;
	[tilespmem:s14+$0x10] =	vst v60;
	v3 =	vbroadcast v0, $0xB  }
0x11e: {  	v62 =	vld [tilespmem:s14+$0x70];
	v7 =	vmul.f32 v55, v59;
	[tilespmem:s14+$0x0] =	vst v2;
	v2 =	vbroadcast v0, $0xC  }
0x11f: {  	[tilespmem:s14+$0xFFFFFFF0] =	vst v4;
	v1 =	vmul.f32 v1, v3;
	v3 =	vbroadcast v0, $0xD  }
0x120: {  	v63 =	vbroadcast v0, $0xE;
	[tilespmem:s14+$0x20] =	vst v7;
	v2 =	vmul.f32 v57, v2  }
0x121: {  	v0 =	vbroadcast v0, $0xF;
	v3 =	vmul.f32 v58, v3;
	[tilespmem:s14+$0x30] =	vst v1  }
0x122: {  	v1 =	vmul.f32 v61, v63;
	[tilespmem:s14+$0x40] =	vst v2  }
0x123: {  	v0 =	vmul.f32 v62, v0;
	[tilespmem:s14+$0x50] =	vst v3  }
0x124: {  	[tilespmem:s28+$0x60] =	vst v1  }
0x125: {  	s1 =	simm.s32 $0xD150;
	[tilespmem:s28+$0x70] =	vst v0  }
0x126: {  	[spmem:s2] =	stream.indirect.scatter.add.f32 [tilespmem:s25], [sflag:$0xB], $0x10, s1, s19, $0xb8;
	[tilespmem:$0x15B50] =	vst v63  }
0x127: {  	s9 =	simm.s32 $0xD1D0  }
0x128: {  	[spmem:s2] =	stream.indirect.scatter.add.f32 [tilespmem:s7], [sflag:$0xB], $0x10, s9, s19, $0xb8;
	[tilespmem:$0x15B50] =	vst v63  }
0x129: {  	s14 =	simm.s32 $0xD250  }
0x12a: {  	[spmem:s2] =	stream.indirect.scatter.add.f32 [tilespmem:s8], [sflag:$0xB], $0x10, s14, s19, $0xb8;
	[tilespmem:$0x15B50] =	vst v63  }
0x12b: {  	s28 =	simm.s32 $0xD2D0;
	s1 =	sadd.s32 @!p2 s3, s12  }
0x12c: {  	[spmem:s2] =	stream.indirect.scatter.add.f32 [tilespmem:s15], [sflag:$0xB], $0x10, s28, s19, $0xb8;
	[tilespmem:$0x15B50] =	vst v63  }
0x12d: {  	s1 =	smul.u32 @!p2 $0xC0, s1;
	_ =	swait.ge [sflag:s30], $0x2000  }
0x12e: {  	s3 =	simm.s32 @!p2 $0x0;
	[sflag:s30] =	ssyncset.done $0x0  }
0x12f: {  	s9 =	simm.s32 @!p2 $0xCF50;
	s1 =	sadd.s32 @!p2 s5, s1;
	[sflag:s30] =	ssyncadd.s32 $0xFFFFE000  }
0x130: {  	[tilespmem:s9], [sflag:$0x7] =	stream.linear.gather @!p2 [hbm4b:s1+s3], $0x600, $0x38;
	[tilespmem:$0x15B50] =	vst v63  }
0x131: {  	s1 =	simm.s32 @!p2 $0x6  }
0x132: {  	_ =	swait.ge @!p2 [sflag:s1], $0x600  }
0x133: {  	s3 =	simm.s32 @!p2 $0xC950;
	[sflag:s1] =	ssyncset.done @!p2 $0x0  }
0x134: {  	s9 =	simm.s32 @!p2 $0xFB50;
	[sflag:s1] =	ssyncadd.s32 @!p2 $0xFFFFFA00;
	s1 =	simm.s32 @!p2 $0x80  }
0x135: {  	[tilespmem:s9], [sflag:$0x2] =	stream.indirect.gather @!p2 [hbm4b:s4+s1], $0x10, s3, s1, $0xb8;
	[tilespmem:$0x15B50] =	vst v63  }
0x136: {  	s3 =	simm.s32 @!p2 $0xC9D0;
	s9 =	simm.s32 @!p2 $0x10350  }
0x137: {  	[tilespmem:s9], [sflag:$0x2] =	stream.indirect.gather @!p2 [hbm4b:s4+s1], $0x10, s3, s1, $0xb8;
	[tilespmem:$0x15B50] =	vst v63  }
0x138: {  	s3 =	simm.s32 @!p2 $0xCA50;
	s9 =	simm.s32 @!p2 $0x10B50  }
0x139: {  	[tilespmem:s9], [sflag:$0x2] =	stream.indirect.gather @!p2 [hbm4b:s4+s1], $0x10, s3, s1, $0xb8;
	[tilespmem:$0x15B50] =	vst v63  }
0x13a: {  	s3 =	simm.s32 @!p2 $0xCAD0;
	s9 =	simm.s32 @!p2 $0x11350  }
0x13b: {  	[tilespmem:s9], [sflag:$0x2] =	stream.indirect.gather @!p2 [hbm4b:s4+s1], $0x10, s3, s1, $0xb8;
	[tilespmem:$0x15B50] =	vst v63  }
0x13c: {  	_ =	swait.ge [sflag:s23], $0x2000  }
0x13d: {  	[sflag:s23] =	ssyncset.done $0x0  }
0x13e: {  	s3 =	simm.s32 $0x13BD0;
	[sflag:s23] =	ssyncadd.s32 $0xFFFFE000  }
0x13f: {  	s1 =	simm.s32 $0xD950;
	v1 =	vld [tilespmem:s3+$0xFFFFFFB0]  }
0x140: {  	s14 =	simm.s32 $0x13BD0;
	s9 =	simm.s32 $0x1;
	v0 =	vld [tilespmem:s1+$0x0]  }
.LBB2_9:
0x141: {  	p2 =	sne.s32 s9, $0x1F;
	v2 =	vld [tilespmem:s3+$0xFFFFFF90]  }
0x142: {  	v3 =	vld [tilespmem:s3+$0xFFFFFF80]  }
0x143: {  	v4 =	vld [tilespmem:s3+$0xFFFFFFA0]  }
0x144: {  	v5 =	vld [tilespmem:s3+$0xFFFFFFF0]  }
0x145: {  	v6 =	vbroadcast v0, $0x0;
	v7 =	vbroadcast v0, $0x1;
	v8 =	vld [tilespmem:s3+$0xFFFFFFD0]  }
0x146: {  	v9 =	vbroadcast v0, $0x2;
	v10 =	vbroadcast v0, $0x3;
	v11 =	vld [tilespmem:s3+$0xFFFFFFC0]  }
0x147: {  	v3 =	vmul.f32 v6, v3;
	v2 =	vmul.f32 v2, v7;
	v6 =	vld [tilespmem:s3+$0xFFFFFFE0]  }
0x148: {  	v1 =	vmul.f32 v1, v10;
	v4 =	vmul.f32 v4, v9;
	v7 =	vld [tilespmem:s3+$0x30]  }
0x149: {  	v9 =	vbroadcast v0, $0x5;
	[tilespmem:s3+$0xFFFFFF80] =	vst v3;
	v3 =	vbroadcast v0, $0x4;
	v10 =	vld [tilespmem:s3+$0x10]  }
0x14a: {  	v12 =	vbroadcast v0, $0x7;
	[tilespmem:s3+$0xFFFFFF90] =	vst v2;
	v2 =	vbroadcast v0, $0x6;
	v13 =	vld [tilespmem:s3+$0x0]  }
0x14b: {  	[tilespmem:s3+$0xFFFFFFA0] =	vst v4;
	v3 =	vmul.f32 v11, v3;
	v4 =	vmul.f32 v8, v9;
	v8 =	vld [tilespmem:s3+$0x20]  }
0x14c: {  	[tilespmem:s3+$0xFFFFFFB0] =	vst v1;
	v1 =	vmul.f32 v6, v2;
	v2 =	vmul.f32 v5, v12;
	v5 =	vld [tilespmem:s3+$0x70]  }
0x14d: {  	v6 =	vbroadcast v0, $0x9;
	[tilespmem:s3+$0xFFFFFFC0] =	vst v3;
	v3 =	vbroadcast v0, $0x8;
	v9 =	vld [tilespmem:s3+$0x50]  }
0x14e: {  	v11 =	vbroadcast v0, $0xB;
	[tilespmem:s3+$0xFFFFFFD0] =	vst v4;
	v4 =	vbroadcast v0, $0xA;
	v12 =	vld [tilespmem:s3+$0x40]  }
0x14f: {  	[tilespmem:s3+$0xFFFFFFE0] =	vst v1;
	v1 =	vmul.f32 v13, v3;
	v3 =	vmul.f32 v10, v6;
	v6 =	vld [tilespmem:s3+$0x60]  }
0x150: {  	[tilespmem:s3+$0xFFFFFFF0] =	vst v2;
	v2 =	vmul.f32 v8, v4;
	v4 =	vmul.f32 v7, v11  }
0x151: {  	v7 =	vbroadcast v0, $0xD;
	[tilespmem:s3+$0x0] =	vst v1;
	v1 =	vbroadcast v0, $0xC  }
0x152: {  	[tilespmem:s3+$0x10] =	vst v3;
	v3 =	vbroadcast v0, $0xE;
	v0 =	vbroadcast v0, $0xF  }
0x153: {  	[tilespmem:s3+$0x20] =	vst v2;
	v1 =	vmul.f32 v12, v1;
	v2 =	vmul.f32 v9, v7  }
0x154: {  	[tilespmem:s3+$0x30] =	vst v4;
	v3 =	vmul.f32 v6, v3;
	v0 =	vmul.f32 v5, v0  }
.Ltmp5:
0x155: {  	[tilespmem:s3+$0x40] =	vst v1;
	(pc) =	sbr.rel @p2 .LBB2_9-.Ltmp5, $4  }
0x156: {  	[tilespmem:s3+$0x50] =	vst v2  }
0x157: {  	s3 =	sadd.s32 $0x100, s3;
	[tilespmem:s14+$0x60] =	vst v3  }
0x158: {  	s1 =	sadd.s32 $0x10, s1;
	v1 =	vld [tilespmem:s3+$0xFFFFFFB0];
	[tilespmem:s14+$0x70] =	vst v0;
	s14 =	smov.u32 s3  }
0x159: {  	s9 =	sadd.s32 $0x1, s9;
	v0 =	vld [tilespmem:s1+$0x0]  }
0x15a: {  	_ = 	snop  }
0x15b: {  	v2 =	vld [tilespmem:s3+$0xFFFFFF80]  }
0x15c: {  	v3 =	vld [tilespmem:s3+$0xFFFFFF90]  }
0x15d: {  	v4 =	vld [tilespmem:s3+$0xFFFFFFA0]  }
0x15e: {  	v5 =	vbroadcast v0, $0x0  }
0x15f: {  	v8 =	vld [tilespmem:s3+$0xFFFFFFD0];
	v6 =	vbroadcast v0, $0x1  }
0x160: {  	v42 =	vld [tilespmem:s3+$0xFFFFFFE0];
	v9 =	vbroadcast v0, $0x2;
	v2 =	vmul.f32 v5, v2  }
0x161: {  	v46 =	vld [tilespmem:s3+$0x10];
	v41 =	vbroadcast v0, $0x3;
	v3 =	vmul.f32 v3, v6  }
0x162: {  	v7 =	vld [tilespmem:s3+$0xFFFFFFC0];
	v44 =	vbroadcast v0, $0x5;
	v4 =	vmul.f32 v4, v9;
	[tilespmem:s3+$0xFFFFFF80] =	vst v2  }
0x163: {  	v10 =	vld [tilespmem:s3+$0xFFFFFFF0];
	v11 =	vbroadcast v0, $0x6;
	v1 =	vmul.f32 v1, v41;
	[tilespmem:s3+$0xFFFFFF90] =	vst v3  }
0x164: {  	v48 =	vld [tilespmem:s3+$0x20];
	v51 =	vbroadcast v0, $0x9;
	v5 =	vmul.f32 v8, v44;
	[tilespmem:s3+$0xFFFFFFA0] =	vst v4  }
0x165: {  	v49 =	vld [tilespmem:s3+$0x30];
	v43 =	vbroadcast v0, $0x4;
	v6 =	vmul.f32 v42, v11;
	[tilespmem:s3+$0xFFFFFFB0] =	vst v1  }
0x166: {  	v45 =	vld [tilespmem:s3+$0x0];
	v47 =	vbroadcast v0, $0x7;
	v56 =	vmul.f32 v46, v51;
	[tilespmem:s3+$0xFFFFFFD0] =	vst v5  }
0x167: {  	v53 =	vld [tilespmem:s3+$0x50];
	v54 =	vbroadcast v0, $0xA;
	v2 =	vmul.f32 v7, v43;
	[tilespmem:s3+$0xFFFFFFE0] =	vst v6  }
0x168: {  	v52 =	vld [tilespmem:s3+$0x40];
	v55 =	vbroadcast v0, $0xB;
	v4 =	vmul.f32 v10, v47;
	[tilespmem:s3+$0x10] =	vst v56  }
0x169: {  	v57 =	vld [tilespmem:s3+$0x60];
	v50 =	vbroadcast v0, $0x8;
	v7 =	vmul.f32 v48, v54;
	[tilespmem:s3+$0xFFFFFFC0] =	vst v2  }
0x16a: {  	v58 =	vld [tilespmem:s3+$0x70];
	v60 =	vbroadcast v0, $0xD;
	v1 =	vmul.f32 v49, v55;
	[tilespmem:s3+$0xFFFFFFF0] =	vst v4  }
0x16b: {  	v59 =	vbroadcast v0, $0xC;
	v2 =	vmul.f32 v45, v50;
	[tilespmem:s3+$0x20] =	vst v7  }
0x16c: {  	v61 =	vbroadcast v0, $0xE;
	v3 =	vmul.f32 v53, v60;
	[tilespmem:s3+$0x30] =	vst v1  }
0x16d: {  	v62 =	vbroadcast v0, $0xF;
	[tilespmem:s3+$0x0] =	vst v2;
	v2 =	vmul.f32 v52, v59  }
0x16e: {  	v63 =	vmul.f32 v57, v61;
	[tilespmem:s3+$0x50] =	vst v3  }
0x16f: {  	v0 =	vmul.f32 v58, v62;
	[tilespmem:s3+$0x40] =	vst v2  }
0x170: {  	[tilespmem:s14+$0x60] =	vst v63  }
0x171: {  	s1 =	simm.s32 $0xD750;
	s20 =	sadd.s32 $0x1, s20;
	[tilespmem:s14+$0x70] =	vst v0  }
0x172: {  	[spmem:s2] =	stream.indirect.scatter.add.f32 [tilespmem:s29], [sflag:$0xC], $0x10, s1, s19, $0xb8;
	[tilespmem:$0x15B50] =	vst v63  }
0x173: {  	s9 =	simm.s32 $0xD7D0;
	p2 =	sne.s32 s20, $0x19  }
0x174: {  	[spmem:s2] =	stream.indirect.scatter.add.f32 [tilespmem:s6], [sflag:$0xC], $0x10, s9, s19, $0xb8;
	[tilespmem:$0x15B50] =	vst v63  }
.Ltmp6:
0x175: {  	_ = 	snop;
	(pc) =	sbr.rel @p2 .LBB2_2-.Ltmp6, $4  }
0x176: {  	s14 =	simm.s32 $0xD850  }
0x177: {  	[spmem:s2] =	stream.indirect.scatter.add.f32 [tilespmem:s22], [sflag:$0xC], $0x10, s14, s19, $0xb8;
	[tilespmem:$0x15B50] =	vst v63  }
0x178: {  	s28 =	simm.s32 $0xD8D0  }
0x179: {  	[spmem:s2] =	stream.indirect.scatter.add.f32 [tilespmem:s18], [sflag:$0xC], $0x10, s28, s19, $0xb8;
	[tilespmem:$0x15B50] =	vst v63  }
0x17a: {  	s1 =	simm.s32 $0xC  }
.Ltmp7:
0x17b: {  	_ =	swait.ge [sflag:s1], $0x2000;
	(pc) =	sbr.rel @p1 .LBB2_14-.Ltmp7, $3  }
0x17c: {  	[sflag:s1] =	ssyncset.done $0x0  }
0x17d: {  	[sflag:s1] =	ssyncadd.s32 $0xFFFFE000  }
0x17e: {  	[bflag:$0x0] =	sbarrier.arrive $0xFFFF;
	_ =	sdelay $0x1  }
.Ltmp8:
0x17f: {  	(pc) =	sbr.rel @p0 .LBB2_16-.Ltmp8, $2  }
0x180: {  	_ =	sdelay $0x2  }
0x181: {  	s14 =	rddreg [dreg:$0xd]  }
.Ltmp9:
0x182: {  	(pc) =	sbr.rel .LBB2_15-.Ltmp9, $3  }
0x183: {  	_ =	sdelay $0x1  }
0x184: {  	s1 =	sshrl.u32 s2, $0x3;
	s3 =	rddreg [dreg:$0x9];
	s9 =	simm.s32 $0x1C0D  }
0x185: {  	[hbm:s3], [sflag:s9] =	dma.local [spmem:s1], $0xC350  }
.LBB2_17:
0x186: {  	_ =	sfence.sel $0x180000  }
0x187: {  	[bflag:$0x0] =	sbarrier.arrive $0xFFFF  }
0x188: {  	_ =	strace $0x9000004A  }
0x189: {  	[bflag:$0x2] =	sbarrier.arrive $0xFFFF  }
0x18a: {  	s0 =	rddreg [dreg:$0x3]  }
0x18b: {  	s0 =	sadd.s32 @!p0 $0x100000, s0  }
0x18c: {  	[sflag:s0] =	ssyncadd.tile.s32 @!p0 $0x1;
	_ =	shalt  }
.Lfunc_end2:
_tile_overlayer_lowered:
.L_overlay_start_2:
0x18d: {  	(tag) =	ssettag $0x2  }
0x18e: {  	s0 =	rddreg [dreg:$0x0];
	s2 =	stileid.u32  }
0x18f: {  	s1 =	rddreg [dreg:$0x1];
	p0 =	sne.s32 s2, $0x0  }
0x190: {  	s3 =	rddreg [dreg:$0x2];
	[bflag:$0x3] =	sbarrier.arrive $0xFFFF;
	s2 =	simm.s32 @!p0 $0x1C0D  }
0x191: {  	[timem:s3], [sflag:s2] =	dma.local @!p0 [hbm:s0], s1  }
0x192: {  	s0 =	simm.s32 @!p0 $0xD  }
0x193: {  	_ =	swait.ge @!p0 [sflag:s0], s1  }
0x194: {  	s1 =	ssub.s32 @!p0 $0x0, s1;
	[sflag:s0] =	ssyncset.done @!p0 $0x0  }
0x195: {  	[sflag:s0] =	ssyncadd.s32 @!p0 s1  }
0x196: {  	[bflag:$0x3] =	sbarrier.arrive $0xFFFF  }
0x197: {  	_ =	shalt  }

// kernel: kernel.7.cloned.1.call-start
scs
__scs_entry_jumppad:
0x0: {  	(pc) =	sbr.rel $0x88, $3  }
0x1: {  	(tag) =	ssettag $0x0;
	lr =	simm.s32 $0x1  }
0x2: {  	[smem:$0x3F86] =	sst lr;
	_ =	strace $0xD0000000  }
0x3: {  	_ = 	snop  }
0x4: {  	_ = 	snop  }
0x5: {  	_ = 	snop  }
0x6: {  	_ = 	snop  }
0x7: {  	_ = 	snop  }
__scs_overlays_trampoline_lowered:
0x8: {  	[smem:$0x3F95] =	sst s0  }
0x9: {  	[smem:$0x3F96] =	sst s1  }
0xa: {  	[smem:$0x3F97] =	sst s2  }
0xb: {  	[smem:$0x3F98] =	sst s3  }
0xc: {  	[smem:$0x3F99] =	sst s4  }
0xd: {  	[smem:$0x3F9A] =	sst s5  }
0xe: {  	[smem:$0x3F9B] =	sst s6  }
0xf: {  	[smem:$0x3F9C] =	sst s7  }
0x10: {  	[smem:$0x3F9D] =	sst s8  }
0x11: {  	[smem:$0x3F9E] =	sst s9;
	s0 =	simm.s32 @!p0 $0x0  }
0x12: {  	s1 =	sld [smem:$0x3F84];
	s0 =	simm.s32 @p0 $0x1  }
0x13: {  	[smem:$0x3F9F] =	sst s0;
	s0 =	simm.s32 @!p1 $0x0  }
0x14: {  	s2 =	sld [smem:$0x3F83];
	s0 =	simm.s32 @p1 $0x1  }
0x15: {  	[smem:$0x3FA0] =	sst s0;
	s0 =	simm.s32 @!p2 $0x0  }
0x16: {  	s3 =	sld [smem:$0x3FDB];
	s0 =	simm.s32 @p2 $0x1  }
0x17: {  	s4 =	simm.s32 $0x1BF5;
	[smem:$0x3FA2] =	sst s0  }
0x18: {  	s0 =	sld [smem:$0x3F85];
	_ =	swait.ge [sflag:s4], $0x0  }
0x19: {  	s7 =	sld [smem:$0x3F86]  }
0x1a: {  	s8 =	sadd.s32 $0xFFFFE003, lr  }
0x1b: {  	s9 =	sadd.s32 $0xFFFFFEF7, lr;
	s5 =	simm.s32 $0xFFFFFFFF;
	p2 =	slt.u32 s8, $0xFFFFF086  }
0x1c: {  	p1 =	slt.u32 s9, $0xF7A;
	s5 =	simm.s32 @!p2 $0x0  }
0x1d: {  	s5 =	simm.s32 @p1 $0x1;
	p0 =	seq.s32 s7, s2  }
0x1e: {  	s7 =	smul.u32 @!p0 $0xF7A, s2;
	p2 =	seq.s32 @!p0 s5, $0x0  }
0x1f: {  	s9 =	smul.u32 $0xF7A, s1;
	s8 =	simm.s32 @!p0 $0x1BF5;
	p2 =	por !p2, p0  }
0x20: {  	[sflag:s8] =	ssyncset.s32 @!p0 $0xFFFFF086;
	s6 =	sadd.s32 @!p0 s3, s7;
	s7 =	simm.s32 @!p0 $0x108  }
0x21: {  	s3 =	sadd.s32 s3, s9;
	s6 =	sadd.s32 @!p0 $0x88, s6;
	s7 =	simm.s32 @p2 $0x1082  }
0x22: {  	[simem:s7], [sflag:s8] =	dma.local @!p0 [hbm:s6], $0xF7A  }
0x23: {  	s9 =	sor.u32 $0xD0000000, s2;
	s6 =	simm.s32 $0x108;
	_ =	swait.ge @!p0 [sflag:s8], $0x0  }
0x24: {  	s3 =	sadd.s32 $0x88, s3;
	s6 =	simm.s32 @!p1 $0x1082;
	[sflag:s4] =	ssyncset.s32 $0xFFFFF086  }
0x25: {  	[simem:s6], [sflag:s4] =	dma.local [hbm:s3], $0xF7A  }
0x26: {  	[smem:$0x3F86] =	sst s1;
	(tag) =	ssettag s2;
	_ =	strace s9  }
0x27: {  	s1 =	sld [smem:$0x3F96]  }
0x28: {  	s2 =	sld [smem:$0x3F97]  }
0x29: {  	s4 =	sld [smem:$0x3F99]  }
0x2a: {  	p0 =	seq.s32 s5, $0x0;
	s5 =	sld [smem:$0x3F9A]  }
0x2b: {  	s6 =	sld [smem:$0x3F9B]  }
0x2c: {  	s7 =	sld [smem:$0x3F9C]  }
0x2d: {  	s3 =	simm.s32 $0x108;
	s8 =	sld [smem:$0x3F9D]  }
0x2e: {  	s3 =	simm.s32 @!p0 $0x1082;
	s9 =	sld [smem:$0x3F9E]  }
0x2f: {  	lr =	sadd.s32 s0, s3;
	s0 =	sld [smem:$0x3F95]  }
0x30: {  	s3 =	sld [smem:$0x3F98]  }
0x31: {  	[smem:$0x3FA1] =	sst s10  }
0x32: {  	s10 =	sld [smem:$0x3F9F];
	_ =	sdelay $0x3  }
0x33: {  	p0 =	seq.s32 s10, $0x1;
	s10 =	sld [smem:$0x3FA1];
	_ =	sdelay $0x3  }
0x34: {  	[smem:$0x3FA1] =	sst s10  }
0x35: {  	s10 =	sld [smem:$0x3FA0];
	_ =	sdelay $0x3  }
0x36: {  	p1 =	seq.s32 s10, $0x1;
	s10 =	sld [smem:$0x3FA1];
	_ =	sdelay $0x3  }
0x37: {  	[smem:$0x3FA1] =	sst s10  }
0x38: {  	s10 =	sld [smem:$0x3FA2]  }
0x39: {  	_ = 	snop;
	(pc) =	sbr.ind lr, $3  }
0x3a: {  	_ = 	snop  }
0x3b: {  	_ = 	snop  }
0x3c: {  	p2 =	seq.s32 s10, $0x1;
	s10 =	sld [smem:$0x3FA1]  }
0x3d: {  	_ =	shalt  }
0x3e: {  	_ =	shalt  }
0x3f: {  	_ =	shalt  }
0x40: {  	_ =	shalt  }
0x41: {  	_ =	shalt  }
0x42: {  	_ =	shalt  }
0x43: {  	_ =	shalt  }
0x44: {  	_ =	shalt  }
0x45: {  	_ =	shalt  }
0x46: {  	_ =	shalt  }
0x47: {  	_ =	shalt  }
0x48: {  	_ =	shalt  }
0x49: {  	_ =	shalt  }
0x4a: {  	_ =	shalt  }
0x4b: {  	_ =	shalt  }
0x4c: {  	_ =	shalt  }
0x4d: {  	_ =	shalt  }
0x4e: {  	_ =	shalt  }
0x4f: {  	_ =	shalt  }
0x50: {  	_ =	shalt  }
0x51: {  	_ =	shalt  }
0x52: {  	_ =	shalt  }
0x53: {  	_ =	shalt  }
0x54: {  	_ =	shalt  }
0x55: {  	_ =	shalt  }
0x56: {  	_ =	shalt  }
0x57: {  	_ =	shalt  }
0x58: {  	_ =	shalt  }
0x59: {  	_ =	shalt  }
0x5a: {  	_ =	shalt  }
0x5b: {  	_ =	shalt  }
0x5c: {  	_ =	shalt  }
0x5d: {  	_ =	shalt  }
0x5e: {  	_ =	shalt  }
0x5f: {  	_ =	shalt  }
0x60: {  	_ =	shalt  }
0x61: {  	_ =	shalt  }
0x62: {  	_ =	shalt  }
0x63: {  	_ =	shalt  }
0x64: {  	_ =	shalt  }
0x65: {  	_ =	shalt  }
0x66: {  	_ =	shalt  }
0x67: {  	_ =	shalt  }
0x68: {  	_ =	shalt  }
0x69: {  	_ =	shalt  }
0x6a: {  	_ =	shalt  }
0x6b: {  	_ =	shalt  }
0x6c: {  	_ =	shalt  }
0x6d: {  	_ =	shalt  }
0x6e: {  	_ =	shalt  }
0x6f: {  	_ =	shalt  }
0x70: {  	_ =	shalt  }
0x71: {  	_ =	shalt  }
0x72: {  	_ =	shalt  }
0x73: {  	_ =	shalt  }
0x74: {  	_ =	shalt  }
0x75: {  	_ =	shalt  }
0x76: {  	_ =	shalt  }
0x77: {  	_ =	shalt  }
0x78: {  	_ =	shalt  }
0x79: {  	_ =	shalt  }
0x7a: {  	_ =	shalt  }
0x7b: {  	_ =	shalt  }
0x7c: {  	_ =	shalt  }
0x7d: {  	_ =	shalt  }
0x7e: {  	_ =	shalt  }
0x7f: {  	_ =	shalt  }
0x80: {  	_ =	shalt  }
0x81: {  	_ =	shalt  }
0x82: {  	_ =	shalt  }
0x83: {  	_ =	shalt  }
0x84: {  	_ =	shalt  }
0x85: {  	_ =	shalt  }
0x86: {  	_ =	shalt  }
0x87: {  	_ =	shalt  }
.Lfunc_end0:
.L_simem_size_0:
called_computation_lowered:
.L_overlay_start_0:
0x88: {  	s2 =	sld [smem:$0x3FD9]  }
0x89: {  	s3 =	sld [smem:$0x3FFE];
	_ =	sdelay $0x1  }
0x8a: {  	s1 =	srdreg.scid  }
0x8b: {  	s0 =	sand.u32 $0x1, s1  }
0x8c: {  	s14 =	sshll.u32 s0, $0xA;
	s2 =	sadd.s32 s3, s2  }
0x8d: {  	s2 =	sadd.s32 s2, s14  }
0x8e: {  	[smem:$0x3FAD] =	sst s2  }
0x8f: {  	_ = 	snop  }
0x90: {  	s2 =	sld [smem:$0x3FD0];
	_ =	sdelay $0x2  }
0x91: {  	s15 =	simm.s32 $0xA;
	s4 =	simm.s32 $0x10  }
0x92: {  	[smem:s4], [sflag:s15] =	dma.local [hbm:s2], $0x1  }
0x93: {  	_ =	swait.eq [sflag:s15], $0x1  }
0x94: {  	[sflag:s15] =	ssyncset.done $0x0  }
0x95: {  	[sflag:s15] =	ssyncadd.s32 $0xFFFFFFFF  }
0x96: {  	s16 =	sld [smem:$0x11];
	(tm) =	ssettm $0x1  }
0x97: {  	s17 =	sld [smem:$0x3FFB];
	_ =	sdelay $0x3  }
0x98: {  	_ =	strace s17  }
0x99: {  	s3 =	sld [smem:$0x3FFC];
	_ =	sdelay $0x3  }
0x9a: {  	_ =	strace s3  }
0x9b: {  	s3 =	sld [smem:$0x3FFD];
	_ =	sdelay $0x3  }
0x9c: {  	_ =	strace s3  }
0x9d: {  	_ =	strace $0x8FFFFFFF  }
0x9e: {  	s18 =	sld [smem:$0x3FDB];
	_ =	sdelay $0x1  }
0x9f: {  	s19 =	simm.s32 $_scs_section_size  }
0xa0: {  	s5 =	simm.s32 $_size__tile_overlayer_lowered;
	s6 =	simm.s32 $_tile_overlayer_lowered  }
0xa1: {  	s22 =	simm.s32 $0x1BFF;
	s21 =	sshll.u32 s6, $0x1;
	s3 =	sadd.s32 s19, s18  }
0xa2: {  	s7 =	simm.s32 $0x0;
	s20 =	sshll.u32 s5, $0x1;
	s5 =	sadd.s32 s21, s3  }
0xa3: {  	[timem:s7], [sflag:s22] =	dma.local [hbm:s5], s20  }
0xa4: {  	_ =	swait.ge [sflag:s22], s20  }
0xa5: {  	s4 =	ssub.s32 $0x0, s20;
	[sflag:s22] =	ssyncset.done $0x0  }
0xa6: {  	[sflag:s22] =	ssyncadd.s32 s4;
	_ =	sdelay $0x1  }
0xa7: {  	s23 =	simm.s32 $0x1B8B  }
0xa8: {  	_ =	swait.ge [sflag:s23], $0x1  }
0xa9: {  	[sflag:s23] =	ssyncset.done $0x0  }
0xaa: {  	s25 =	simm.s32 $0x1B8E;
	s24 =	sld [smem:$0x3FFE];
	[sflag:s23] =	ssyncadd.s32 $0xFFFFFFFF  }
0xab: {  	s26 =	simm.s32 $execute0_lowered;
	[smem:$0x3FD2] =	sst s25  }
0xac: {  	s5 =	sshll.u32 s26, $0x1;
	_ =	strace $0x80000046;
	[dreg:$0x1] =	wrdreg $0xFFFFFFFF  }
0xad: {  	s28 =	simm.s32 $_size_execute0_lowered;
	s3 =	sadd.s32 s3, s5;
	[dreg:$0x0] =	wrdreg $0x0  }
0xae: {  	s5 =	sshll.u32 s28, $0x1;
	[dreg:$0x2] =	wrdreg s3  }
0xaf: {  	[dreg:$0x3] =	wrdreg s5  }
0xb0: {  	[dreg:$0x4] =	wrdreg $0xC0  }
0xb1: {  	_ =	task [dreg:s7], $0x5FFFF  }
0xb2: {  	[dreg:$0x1] =	wrdreg $0xFFFFFFFF  }
0xb3: {  	[dreg:$0x0] =	wrdreg $0x60  }
0xb4: {  	[dreg:$0x2] =	wrdreg s24  }
0xb5: {  	[dreg:$0x3] =	wrdreg s16  }
0xb6: {  	[dreg:$0x4] =	wrdreg $0x0  }
0xb7: {  	[dreg:$0x5] =	wrdreg $0x9  }
0xb8: {  	_ =	task.clear_ibuf [dreg:s7], $0x6FFFF;
	_ =	strace $0x90000046  }
0xb9: {  	s29 =	simm.s32 $0x9;
	_ =	strace $0x80000048  }
0xba: {  	_ =	swait.ge [sflag:s29], $0x1  }
0xbb: {  	[sflag:s29] =	ssyncadd.s32 $0xFFFFFFFF  }
0xbc: {  	_ =	strace $0x90000048  }
0xbd: {  	_ =	sfence  }
0xbe: {  	s30 =	sld [smem:$0x0];
	_ =	sdelay $0x2  }
0xbf: {  	s31 =	sshll.u32 s1, $0xD;
	s1 =	sshrl.u32 s1, $0x2  }
0xc0: {  	s3 =	sand.u32 $0x4000, s31;
	s1 =	sadd.s32 s1, s30  }
0xc1: {  	s0 =	sor.u32 s3, s0;
	s1 =	sshll.u32 s1, $0x11  }
0xc2: {  	s0 =	sor.u32 s1, s0  }
0xc3: {  	s0 =	sadd.s32 $0x8F2B, s0  }
0xc4: {  	[sflag:s0] =	ssyncadd.remote.s32 $0x1  }
0xc5: {  	_ =	sfence.sel $0xFFFF  }
0xc6: {  	[dreg:$0x0] =	wrdreg $0xFFFFFFFF;
	(pc) =	sbr.abs _section_cstart, $3  }
0xc7: {  	[dreg:$0x1] =	wrdreg $0xFFFFFFFF  }
0xc8: {  	_ =	task.clear_ibuf [dreg:s7], $0x2FFFF;
	_ =	strace $0x9FFFFFFF  }
0xc9: {  	(tm) =	ssettm $0x7FFFFFFF  }
tec
execute0_lowered:
.L_overlay_start_1:
0x0: {  	(tag) =	ssettag $0x1  }
0x1: {  	s0 =	rddreg [dreg:$0x0]  }
0x2: {  	s2 =	rddreg [dreg:$0x2];
	s1 =	srdreg.scid;
	s3 =	simm.s32 $0x0  }
0x3: {  	s20 =	stileid.u32;
	s19 =	simm.s32 $0x80;
	s13 =	simm.s32 $0x7  }
0x4: {  	s15 =	simm.s32 $0x13350;
	s16 =	simm.s32 $0x1;
	s17 =	simm.s32 $0x8  }
0x5: {  	s29 =	simm.s32 $0x13B50;
	s18 =	simm.s32 $0x15350;
	s31 =	simm.s32 $0x3  }
0x6: {  	s30 =	simm.s32 $0xB;
	s14 =	simm.s32 $0x0;
	s1 =	sand.u32 $0x1, s1  }
0x7: {  	[smem:$0x7FF] =	sst s3;
	s4 =	sadd.s32 $0x19600, s0;
	s25 =	sadd.s32 $0x61A80, s2  }
0x8: {  	p0 =	sne.s32 s20, $0x0;
	p1 =	seq.s32 s20, $0x8;
	s5 =	sshll.u32 s1, $0x4  }
0x9: {  	_ =	strace $0x80000047;
	s7 =	ssub.s32 $0x2, s1;
	s21 =	smul.u32 $0xC3500, s1  }
0xa: {  	s1 =	smul.u32 $0x186A0, s1;
	s28 =	sshrl.u32 s25, $0x3;
	s25 =	simm.s32 $0x11B50  }
0xb: {  	s6 =	sor.u32 s20, s5;
	s5 =	sadd.s32 $0x62A00, s0;
	s0 =	sadd.s32 $0xF8A00, s0  }
0xc: {  	s9 =	sshrl.u32 s7, $0x1;
	[dreg:$0xc] =	wrdreg s28;
	s8 =	smul.u32 $0x25800, s6  }
0xd: {  	s10 =	smul.u32 $0x4B00, s6;
	s7 =	ssub.s32 s7, s9;
	s23 =	sshrl.u32 s21, $0x3  }
0xe: {  	s6 =	smul.u32 $0x64, s6;
	s21 =	simm.s32 $0x9;
	s24 =	sadd.s32 s0, s23  }
0xf: {  	s0 =	sadd.s32 s0, s1;
	s26 =	smax.u32 s7, $0x1;
	s7 =	simm.s32 $0x12350  }
0x10: {  	s23 =	simm.s32 $0x4;
	s8 =	sshrl.u32 s8, $0x3;
	s10 =	sadd.s32 s5, s10  }
0x11: {  	s22 =	sor.u32 $0x3, s6;
	s11 =	sadd.s32 $0x5, s6;
	[dreg:$0x9] =	wrdreg s0  }
0x12: {  	s12 =	sadd.s32 $0x6, s6;
	[dreg:$0xa] =	wrdreg s26;
	s0 =	sshrl.u32 @!p0 s2, $0x3  }
0x13: {  	s26 =	simm.s32 $0xD550;
	s8 =	sadd.s32 s5, s8;
	[dreg:$0x4] =	wrdreg s10  }
.Ltmp0:
0x14: {  	s10 =	sadd.s32 $0xC0, s10;
	[dreg:$0x7] =	wrdreg s22;
	(pc) =	sbr.rel .LBB2_1-.Ltmp0, $4  }
0x15: {  	[dreg:$0xb] =	wrdreg s0;
	s22 =	simm.s32 $0x14B50;
	s0 =	simm.s32 $0xA  }
0x16: {  	[dreg:$0x5] =	wrdreg s10;
	s8 =	sadd.s32 $0x180, s8;
	s10 =	sadd.s32 $0x4, s6  }
0x17: {  	s6 =	sadd.s32 $0xC350, s24;
	s24 =	simm.s32 $0x2;
	[dreg:$0x6] =	wrdreg s8  }
0x18: {  	[dreg:$0x8] =	wrdreg s6;
	s8 =	simm.s32 $0x12B50;
	s6 =	simm.s32 $0x14350  }
.LBB2_14:
0x19: {  	s1 =	rddreg [dreg:$0x8]  }
0x1a: {  	s3 =	rddreg [dreg:$0xc];
	s9 =	simm.s32 $0x1E0D  }
0x1b: {  	[hbm:s1], [sflag:s9] =	dma.local [spmem:s3], $0xC350  }
0x1c: {  	s14 =	rddreg [dreg:$0xd]  }
.LBB2_15:
0x1d: {  	s1 =	simm.s32 $0xD  }
0x1e: {  	_ =	swait.ge [sflag:s1], $0xC350  }
0x1f: {  	[sflag:s1] =	ssyncset.done $0x0  }
0x20: {  	[sflag:s1] =	ssyncadd.s32 $0xFFFF3CB0  }
.LBB2_16:
0x21: {  	s14 =	sadd.s32 $0x1, s14;
	s1 =	rddreg [dreg:$0xa]  }
0x22: {  	p2 =	sne.s32 s14, s1  }
.Ltmp1:
0x23: {  	_ = 	snop;
	(pc) =	sbr.rel @!p2 .LBB2_17-.Ltmp1, $1  }
0x24: {  	_ =	sdelay $0x3  }
.LBB2_1:
0x25: {  	[dreg:$0xd] =	wrdreg s14  }
0x26: {  	s3 =	rddreg [dreg:$0x1]  }
0x27: {  	s1 =	simm.s32 @!p0 $0x1C0D;
	s9 =	rddreg [dreg:$0xb]  }
0x28: {  	[spmem:s9], [sflag:s1] =	dma.local @!p0 [hbm:s3], $0x186A0  }
0x29: {  	s1 =	simm.s32 @!p0 $0xD  }
0x2a: {  	_ =	swait.ge @!p0 [sflag:s1], $0x186A0  }
0x2b: {  	[sflag:s1] =	ssyncset.done @!p0 $0x0  }
0x2c: {  	[sflag:s1] =	ssyncadd.s32 @!p0 $0xFFFE7960  }
0x2d: {  	s20 =	simm.s32 $0xC350;
	[bflag:$0x0] =	sbarrier.arrive $0xFFFF  }
0x2e: {  	s28 =	simm.s32 $0xD;
	s1 =	simm.s32 $0x0;
	s14 =	rddreg [dreg:$0x4]  }
0x2f: {  	[tilespmem:s20], [sflag:$0xD] =	stream.linear.gather [hbm4b:s14+s1], $0x600, $0x38;
	[tilespmem:$0x15B50] =	vst v63  }
0x30: {  	_ =	swait.ge [sflag:s28], $0x600  }
0x31: {  	[sflag:s28] =	ssyncset.done $0x0  }
0x32: {  	s14 =	simm.s32 $0xDB50;
	[sflag:s28] =	ssyncadd.s32 $0xFFFFFA00  }
0x33: {  	[tilespmem:s14], [sflag:$0x1] =	stream.indirect.gather [hbm4b:s4+s19], $0x10, s20, s19, $0xb8;
	[tilespmem:$0x15B50] =	vst v63  }
0x34: {  	s28 =	simm.s32 $0xE350;
	s20 =	simm.s32 $0xC3D0  }
0x35: {  	[tilespmem:s28], [sflag:$0x1] =	stream.indirect.gather [hbm4b:s4+s19], $0x10, s20, s19, $0xb8;
	[tilespmem:$0x15B50] =	vst v63  }
0x36: {  	s9 =	simm.s32 $0xC450;
	s14 =	simm.s32 $0xEB50  }
0x37: {  	[tilespmem:s14], [sflag:$0x1] =	stream.indirect.gather [hbm4b:s4+s19], $0x10, s9, s19, $0xb8;
	[tilespmem:$0x15B50] =	vst v63  }
0x38: {  	s20 =	simm.s32 $0xC4D0;
	s28 =	simm.s32 $0xF350  }
0x39: {  	[tilespmem:s28], [sflag:$0x1] =	stream.indirect.gather [hbm4b:s4+s19], $0x10, s20, s19, $0xb8;
	[tilespmem:$0x15B50] =	vst v63  }
0x3a: {  	s14 =	rddreg [dreg:$0x5];
	s9 =	simm.s32 $0xC950  }
0x3b: {  	[tilespmem:s9], [sflag:$0x6] =	stream.linear.gather [hbm4b:s14+s1], $0x600, $0x38;
	[tilespmem:$0x15B50] =	vst v63  }
0x3c: {  	s3 =	simm.s32 $0x6;
	s20 =	rddreg [dreg:$0x6];
	s28 =	simm.s32 $0xCF50  }
0x3d: {  	[tilespmem:s28], [sflag:$0x7] =	stream.linear.gather [hbm4b:s20+s1], $0x600, $0x38;
	[tilespmem:$0x15B50] =	vst v63  }
0x3e: {  	_ =	swait.ge [sflag:s3], $0x600  }
0x3f: {  	[sflag:s3] =	ssyncset.done $0x0  }
0x40: {  	s14 =	simm.s32 $0xFB50;
	[sflag:s3] =	ssyncadd.s32 $0xFFFFFA00  }
0x41: {  	[tilespmem:s14], [sflag:$0x2] =	stream.indirect.gather [hbm4b:s4+s19], $0x10, s9, s19, $0xb8;
	[tilespmem:$0x15B50] =	vst v63  }
0x42: {  	s20 =	simm.s32 $0xC9D0;
	s28 =	simm.s32 $0x10350  }
0x43: {  	[tilespmem:s28], [sflag:$0x2] =	stream.indirect.gather [hbm4b:s4+s19], $0x10, s20, s19, $0xb8;
	[tilespmem:$0x15B50] =	vst v63  }
0x44: {  	s9 =	simm.s32 $0xCA50;
	s14 =	simm.s32 $0x10B50  }
0x45: {  	[tilespmem:s14], [sflag:$0x2] =	stream.indirect.gather [hbm4b:s4+s19], $0x10, s9, s19, $0xb8;
	[tilespmem:$0x15B50] =	vst v63  }
0x46: {  	s20 =	simm.s32 $0xCAD0;
	s28 =	simm.s32 $0x11350  }
0x47: {  	[tilespmem:s28], [sflag:$0x2] =	stream.indirect.gather [hbm4b:s4+s19], $0x10, s20, s19, $0xb8;
	[tilespmem:$0x15B50] =	vst v63  }
0x48: {  	s20 =	simm.s32 $0x0  }
.LBB2_2:
0x49: {  	s3 =	sshll.u32 s20, $0x2;
	p2 =	seq.s32 s20, $0x0;
	s9 =	rddreg [dreg:$0x7]  }
0x4a: {  	s1 =	simm.s32 @!p2 $0xC;
	s9 =	sadd.s32 s3, s9  }
0x4b: {  	_ =	swait.ge @!p2 [sflag:s1], $0x2000;
	s9 =	smul.u32 $0xC0, s9  }
0x4c: {  	[sflag:s1] =	ssyncset.done @!p2 $0x0  }
0x4d: {  	s14 =	simm.s32 $0x0;
	[sflag:s1] =	ssyncadd.s32 @!p2 $0xFFFFE000;
	s9 =	sadd.s32 s5, s9  }
0x4e: {  	[tilespmem:s26], [sflag:$0x8] =	stream.linear.gather [hbm4b:s9+s14], $0x600, $0x38;
	[tilespmem:$0x15B50] =	vst v63  }
0x4f: {  	_ =	swait.ge [sflag:s13], $0x600  }
0x50: {  	[sflag:s13] =	ssyncset.done $0x0  }
0x51: {  	s9 =	simm.s32 $0xCF50;
	[sflag:s13] =	ssyncadd.s32 $0xFFFFFA00  }
0x52: {  	[tilespmem:s25], [sflag:$0x3] =	stream.indirect.gather [hbm4b:s4+s19], $0x10, s9, s19, $0xb8;
	[tilespmem:$0x15B50] =	vst v63  }
0x53: {  	s14 =	simm.s32 $0xCFD0  }
0x54: {  	[tilespmem:s7], [sflag:$0x3] =	stream.indirect.gather [hbm4b:s4+s19], $0x10, s14, s19, $0xb8;
	[tilespmem:$0x15B50] =	vst v63  }
0x55: {  	s9 =	simm.s32 $0xD050  }
0x56: {  	[tilespmem:s8], [sflag:$0x3] =	stream.indirect.gather [hbm4b:s4+s19], $0x10, s9, s19, $0xb8;
	[tilespmem:$0x15B50] =	vst v63  }
0x57: {  	s14 =	simm.s32 $0xD0D0  }
0x58: {  	[tilespmem:s15], [sflag:$0x3] =	stream.indirect.gather [hbm4b:s4+s19], $0x10, s14, s19, $0xb8;
	[tilespmem:$0x15B50] =	vst v63  }
0x59: {  	_ =	swait.ge [sflag:s16], $0x2000  }
0x5a: {  	[sflag:s16] =	ssyncset.done $0x0  }
0x5b: {  	s14 =	simm.s32 $0xDBD0;
	[sflag:s16] =	ssyncadd.s32 $0xFFFFE000  }
0x5c: {  	s1 =	simm.s32 $0xC750;
	v1 =	vld [tilespmem:s14+$0xFFFFFFB0]  }
0x5d: {  	s28 =	simm.s32 $0xDBD0;
	s9 =	simm.s32 $0x1;
	v0 =	vld [tilespmem:s1+$0x0]  }
.LBB2_3:
0x5e: {  	p2 =	sne.s32 s9, $0x1F;
	v2 =	vld [tilespmem:s14+$0xFFFFFF90]  }
0x5f: {  	v3 =	vld [tilespmem:s14+$0xFFFFFF80]  }
0x60: {  	v4 =	vld [tilespmem:s14+$0xFFFFFFA0]  }
0x61: {  	v5 =	vld [tilespmem:s14+$0xFFFFFFF0]  }
0x62: {  	v6 =	vbroadcast v0, $0x0;
	v7 =	vbroadcast v0, $0x1;
	v8 =	vld [tilespmem:s14+$0xFFFFFFD0]  }
0x63: {  	v9 =	vbroadcast v0, $0x2;
	v10 =	vbroadcast v0, $0x3;
	v11 =	vld [tilespmem:s14+$0xFFFFFFC0]  }
0x64: {  	v3 =	vmul.f32 v6, v3;
	v2 =	vmul.f32 v2, v7;
	v6 =	vld [tilespmem:s14+$0xFFFFFFE0]  }
0x65: {  	v1 =	vmul.f32 v1, v10;
	v4 =	vmul.f32 v4, v9;
	v7 =	vld [tilespmem:s14+$0x30]  }
0x66: {  	v9 =	vbroadcast v0, $0x5;
	[tilespmem:s14+$0xFFFFFF80] =	vst v3;
	v3 =	vbroadcast v0, $0x4;
	v10 =	vld [tilespmem:s14+$0x10]  }
0x67: {  	v12 =	vbroadcast v0, $0x7;
	[tilespmem:s14+$0xFFFFFF90] =	vst v2;
	v2 =	vbroadcast v0, $0x6;
	v13 =	vld [tilespmem:s14+$0x0]  }
0x68: {  	[tilespmem:s14+$0xFFFFFFA0] =	vst v4;
	v3 =	vmul.f32 v11, v3;
	v4 =	vmul.f32 v8, v9;
	v8 =	vld [tilespmem:s14+$0x20]  }
0x69: {  	[tilespmem:s14+$0xFFFFFFB0] =	vst v1;
	v1 =	vmul.f32 v6, v2;
	v2 =	vmul.f32 v5, v12;
	v5 =	vld [tilespmem:s14+$0x70]  }
0x6a: {  	v6 =	vbroadcast v0, $0x9;
	[tilespmem:s14+$0xFFFFFFC0] =	vst v3;
	v3 =	vbroadcast v0, $0x8;
	v9 =	vld [tilespmem:s14+$0x50]  }
0x6b: {  	v11 =	vbroadcast v0, $0xB;
	[tilespmem:s14+$0xFFFFFFD0] =	vst v4;
	v4 =	vbroadcast v0, $0xA;
	v12 =	vld [tilespmem:s14+$0x40]  }
0x6c: {  	[tilespmem:s14+$0xFFFFFFE0] =	vst v1;
	v1 =	vmul.f32 v13, v3;
	v3 =	vmul.f32 v10, v6;
	v6 =	vld [tilespmem:s14+$0x60]  }
0x6d: {  	[tilespmem:s14+$0xFFFFFFF0] =	vst v2;
	v2 =	vmul.f32 v8, v4;
	v4 =	vmul.f32 v7, v11  }
0x6e: {  	v7 =	vbroadcast v0, $0xD;
	[tilespmem:s14+$0x0] =	vst v1;
	v1 =	vbroadcast v0, $0xC  }
0x6f: {  	[tilespmem:s14+$0x10] =	vst v3;
	v3 =	vbroadcast v0, $0xE;
	v0 =	vbroadcast v0, $0xF  }
0x70: {  	[tilespmem:s14+$0x20] =	vst v2;
	v1 =	vmul.f32 v12, v1;
	v2 =	vmul.f32 v9, v7  }
0x71: {  	[tilespmem:s14+$0x30] =	vst v4;
	v3 =	vmul.f32 v6, v3;
	v0 =	vmul.f32 v5, v0  }
.Ltmp2:
0x72: {  	[tilespmem:s14+$0x40] =	vst v1;
	(pc) =	sbr.rel @p2 .LBB2_3-.Ltmp2, $4  }
0x73: {  	[tilespmem:s14+$0x50] =	vst v2  }
0x74: {  	s14 =	sadd.s32 $0x100, s14;
	[tilespmem:s28+$0x60] =	vst v3  }
0x75: {  	s1 =	sadd.s32 $0x10, s1;
	v1 =	vld [tilespmem:s14+$0xFFFFFFB0];
	[tilespmem:s28+$0x70] =	vst v0;
	s28 =	smov.u32 s14  }
0x76: {  	s9 =	sadd.s32 $0x1, s9;
	v0 =	vld [tilespmem:s1+$0x0]  }
0x77: {  	_ = 	snop  }
0x78: {  	v2 =	vld [tilespmem:s14+$0xFFFFFF80]  }
0x79: {  	v3 =	vld [tilespmem:s14+$0xFFFFFF90]  }
0x7a: {  	v4 =	vld [tilespmem:s14+$0xFFFFFFA0]  }
0x7b: {  	v5 =	vbroadcast v0, $0x0  }
0x7c: {  	v7 =	vld [tilespmem:s14+$0xFFFFFFC0];
	v6 =	vbroadcast v0, $0x1  }
0x7d: {  	v8 =	vld [tilespmem:s14+$0xFFFFFFD0];
	v9 =	vbroadcast v0, $0x2;
	v2 =	vmul.f32 v5, v2  }
0x7e: {  	v51 =	vld [tilespmem:s14+$0xFFFFFFE0];
	v50 =	vbroadcast v0, $0x3;
	v3 =	vmul.f32 v3, v6  }
0x7f: {  	v53 =	vld [tilespmem:s14+$0x10];
	v4 =	vmul.f32 v4, v9;
	[tilespmem:s14+$0xFFFFFF80] =	vst v2;
	v2 =	vbroadcast v0, $0x4  }
0x80: {  	v52 =	vbroadcast v0, $0x5;
	v1 =	vmul.f32 v1, v50;
	[tilespmem:s14+$0xFFFFFF90] =	vst v3;
	v3 =	vld [tilespmem:s14+$0x0]  }
0x81: {  	v10 =	vld [tilespmem:s14+$0xFFFFFFF0];
	v11 =	vbroadcast v0, $0x6;
	[tilespmem:s14+$0xFFFFFFA0] =	vst v4;
	v2 =	vmul.f32 v7, v2  }
0x82: {  	v55 =	vld [tilespmem:s14+$0x20];
	v56 =	vbroadcast v0, $0x9;
	v5 =	vmul.f32 v8, v52;
	[tilespmem:s14+$0xFFFFFFB0] =	vst v1  }
0x83: {  	v6 =	vmul.f32 v51, v11;
	v1 =	vld [tilespmem:s14+$0x30];
	[tilespmem:s14+$0xFFFFFFC0] =	vst v2;
	v2 =	vbroadcast v0, $0x8  }
0x84: {  	v57 =	vld [tilespmem:s14+$0x40];
	v54 =	vbroadcast v0, $0x7;
	v60 =	vmul.f32 v53, v56;
	[tilespmem:s14+$0xFFFFFFD0] =	vst v5  }
0x85: {  	v58 =	vld [tilespmem:s14+$0x50];
	v59 =	vbroadcast v0, $0xA;
	[tilespmem:s14+$0xFFFFFFE0] =	vst v6;
	v2 =	vmul.f32 v3, v2  }
0x86: {  	v61 =	vld [tilespmem:s14+$0x60];
	v4 =	vmul.f32 v10, v54;
	[tilespmem:s14+$0x10] =	vst v60;
	v3 =	vbroadcast v0, $0xB  }
0x87: {  	v62 =	vld [tilespmem:s14+$0x70];
	v7 =	vmul.f32 v55, v59;
	[tilespmem:s14+$0x0] =	vst v2;
	v2 =	vbroadcast v0, $0xC  }
0x88: {  	[tilespmem:s14+$0xFFFFFFF0] =	vst v4;
	v1 =	vmul.f32 v1, v3;
	v3 =	vbroadcast v0, $0xD  }
0x89: {  	v63 =	vbroadcast v0, $0xE;
	[tilespmem:s14+$0x20] =	vst v7;
	v2 =	vmul.f32 v57, v2  }
0x8a: {  	v0 =	vbroadcast v0, $0xF;
	v3 =	vmul.f32 v58, v3;
	[tilespmem:s14+$0x30] =	vst v1  }
0x8b: {  	v1 =	vmul.f32 v61, v63;
	[tilespmem:s14+$0x40] =	vst v2  }
0x8c: {  	v0 =	vmul.f32 v62, v0;
	[tilespmem:s14+$0x50] =	vst v3  }
0x8d: {  	[tilespmem:s28+$0x60] =	vst v1  }
0x8e: {  	s1 =	simm.s32 $0xDB50;
	s9 =	simm.s32 $0xC550;
	[tilespmem:s28+$0x70] =	vst v0  }
0x8f: {  	[spmem:s2] =	stream.indirect.scatter.add.f32 [tilespmem:s1], [sflag:$0x9], $0x10, s9, s19, $0xb8;
	[tilespmem:$0x15B50] =	vst v63  }
0x90: {  	p2 =	seq.s32 s20, $0x18;
	s14 =	simm.s32 $0xC5D0;
	s9 =	simm.s32 $0xE350  }
0x91: {  	[spmem:s2] =	stream.indirect.scatter.add.f32 [tilespmem:s9], [sflag:$0x9], $0x10, s14, s19, $0xb8;
	[tilespmem:$0x15B50] =	vst v63  }
0x92: {  	s1 =	sadd.s32 @!p2 s3, s10;
	s9 =	simm.s32 $0xEB50;
	s14 =	simm.s32 $0xC650  }
0x93: {  	[spmem:s2] =	stream.indirect.scatter.add.f32 [tilespmem:s9], [sflag:$0x9], $0x10, s14, s19, $0xb8;
	[tilespmem:$0x15B50] =	vst v63  }
0x94: {  	s1 =	smul.u32 @!p2 $0xC0, s1;
	s9 =	simm.s32 $0xF350;
	s14 =	simm.s32 $0xC6D0  }
0x95: {  	[spmem:s2] =	stream.indirect.scatter.add.f32 [tilespmem:s9], [sflag:$0x9], $0x10, s14, s19, $0xb8;
	[tilespmem:$0x15B50] =	vst v63  }
0x96: {  	_ =	swait.ge [sflag:s21], $0x2000  }
0x97: {  	s1 =	sadd.s32 @!p2 s5, s1;
	[sflag:s21] =	ssyncset.done $0x0  }
0x98: {  	s9 =	simm.s32 @!p2 $0x0;
	s14 =	simm.s32 @!p2 $0xC350;
	[sflag:s21] =	ssyncadd.s32 $0xFFFFE000  }
0x99: {  	[tilespmem:s14], [sflag:$0x5] =	stream.linear.gather @!p2 [hbm4b:s1+s9], $0x600, $0x38;
	[tilespmem:$0x15B50] =	vst v63  }
0x9a: {  	_ =	swait.ge [sflag:s17], $0x600  }
0x9b: {  	[sflag:s17] =	ssyncset.done $0x0  }
0x9c: {  	[sflag:s17] =	ssyncadd.s32 $0xFFFFFA00  }
0x9d: {  	[tilespmem:s29], [sflag:$0x4] =	stream.indirect.gather [hbm4b:s4+s19], $0x10, s26, s19, $0xb8;
	[tilespmem:$0x15B50] =	vst v63  }
0x9e: {  	s14 =	simm.s32 $0xD5D0  }
0x9f: {  	[tilespmem:s6], [sflag:$0x4] =	stream.indirect.gather [hbm4b:s4+s19], $0x10, s14, s19, $0xb8;
	[tilespmem:$0x15B50] =	vst v63  }
0xa0: {  	s9 =	simm.s32 $0xD650  }
0xa1: {  	[tilespmem:s22], [sflag:$0x4] =	stream.indirect.gather [hbm4b:s4+s19], $0x10, s9, s19, $0xb8;
	[tilespmem:$0x15B50] =	vst v63  }
0xa2: {  	s14 =	simm.s32 $0xD6D0  }
0xa3: {  	[tilespmem:s18], [sflag:$0x4] =	stream.indirect.gather [hbm4b:s4+s19], $0x10, s14, s19, $0xb8;
	[tilespmem:$0x15B50] =	vst v63  }
0xa4: {  	_ =	swait.ge [sflag:s24], $0x2000  }
0xa5: {  	[sflag:s24] =	ssyncset.done $0x0  }
0xa6: {  	s14 =	simm.s32 $0xFBD0;
	[sflag:s24] =	ssyncadd.s32 $0xFFFFE000  }
0xa7: {  	s1 =	simm.s32 $0xCD50;
	v1 =	vld [tilespmem:s14+$0xFFFFFFB0]  }
0xa8: {  	s28 =	simm.s32 $0xFBD0;
	s9 =	simm.s32 $0x1;
	v0 =	vld [tilespmem:s1+$0x0]  }
.LBB2_5:
0xa9: {  	p3 =	sne.s32 s9, $0x1F;
	v2 =	vld [tilespmem:s14+$0xFFFFFF90]  }
0xaa: {  	v3 =	vld [tilespmem:s14+$0xFFFFFF80]  }
0xab: {  	v4 =	vld [tilespmem:s14+$0xFFFFFFA0]  }
0xac: {  	v5 =	vld [tilespmem:s14+$0xFFFFFFF0]  }
0xad: {  	v6 =	vbroadcast v0, $0x0;
	v7 =	vbroadcast v0, $0x1;
	v8 =	vld [tilespmem:s14+$0xFFFFFFD0]  }
0xae: {  	v9 =	vbroadcast v0, $0x2;
	v10 =	vbroadcast v0, $0x3;
	v11 =	vld [tilespmem:s14+$0xFFFFFFC0]  }
0xaf: {  	v3 =	vmul.f32 v6, v3;
	v2 =	vmul.f32 v2, v7;
	v6 =	vld [tilespmem:s14+$0xFFFFFFE0]  }
0xb0: {  	v1 =	vmul.f32 v1, v10;
	v4 =	vmul.f32 v4, v9;
	v7 =	vld [tilespmem:s14+$0x30]  }
0xb1: {  	v9 =	vbroadcast v0, $0x5;
	[tilespmem:s14+$0xFFFFFF80] =	vst v3;
	v3 =	vbroadcast v0, $0x4;
	v10 =	vld [tilespmem:s14+$0x10]  }
0xb2: {  	v12 =	vbroadcast v0, $0x7;
	[tilespmem:s14+$0xFFFFFF90] =	vst v2;
	v2 =	vbroadcast v0, $0x6;
	v13 =	vld [tilespmem:s14+$0x0]  }
0xb3: {  	[tilespmem:s14+$0xFFFFFFA0] =	vst v4;
	v3 =	vmul.f32 v11, v3;
	v4 =	vmul.f32 v8, v9;
	v8 =	vld [tilespmem:s14+$0x20]  }
0xb4: {  	[tilespmem:s14+$0xFFFFFFB0] =	vst v1;
	v1 =	vmul.f32 v6, v2;
	v2 =	vmul.f32 v5, v12;
	v5 =	vld [tilespmem:s14+$0x70]  }
0xb5: {  	v6 =	vbroadcast v0, $0x9;
	[tilespmem:s14+$0xFFFFFFC0] =	vst v3;
	v3 =	vbroadcast v0, $0x8;
	v9 =	vld [tilespmem:s14+$0x50]  }
0xb6: {  	v11 =	vbroadcast v0, $0xB;
	[tilespmem:s14+$0xFFFFFFD0] =	vst v4;
	v4 =	vbroadcast v0, $0xA;
	v12 =	vld [tilespmem:s14+$0x40]  }
0xb7: {  	[tilespmem:s14+$0xFFFFFFE0] =	vst v1;
	v1 =	vmul.f32 v13, v3;
	v3 =	vmul.f32 v10, v6;
	v6 =	vld [tilespmem:s14+$0x60]  }
0xb8: {  	[tilespmem:s14+$0xFFFFFFF0] =	vst v2;
	v2 =	vmul.f32 v8, v4;
	v4 =	vmul.f32 v7, v11  }
0xb9: {  	v7 =	vbroadcast v0, $0xD;
	[tilespmem:s14+$0x0] =	vst v1;
	v1 =	vbroadcast v0, $0xC  }
0xba: {  	[tilespmem:s14+$0x10] =	vst v3;
	v3 =	vbroadcast v0, $0xE;
	v0 =	vbroadcast v0, $0xF  }
0xbb: {  	[tilespmem:s14+$0x20] =	vst v2;
	v1 =	vmul.f32 v12, v1;
	v2 =	vmul.f32 v9, v7  }
0xbc: {  	[tilespmem:s14+$0x30] =	vst v4;
	v3 =	vmul.f32 v6, v3;
	v0 =	vmul.f32 v5, v0  }
.Ltmp3:
0xbd: {  	[tilespmem:s14+$0x40] =	vst v1;
	(pc) =	sbr.rel @p3 .LBB2_5-.Ltmp3, $4  }
0xbe: {  	[tilespmem:s14+$0x50] =	vst v2  }
0xbf: {  	s14 =	sadd.s32 $0x100, s14;
	[tilespmem:s28+$0x60] =	vst v3  }
0xc0: {  	s1 =	sadd.s32 $0x10, s1;
	v1 =	vld [tilespmem:s14+$0xFFFFFFB0];
	[tilespmem:s28+$0x70] =	vst v0;
	s28 =	smov.u32 s14  }
0xc1: {  	s9 =	sadd.s32 $0x1, s9;
	v0 =	vld [tilespmem:s1+$0x0]  }
0xc2: {  	_ = 	snop  }
0xc3: {  	v2 =	vld [tilespmem:s14+$0xFFFFFF80]  }
0xc4: {  	v3 =	vld [tilespmem:s14+$0xFFFFFF90]  }
0xc5: {  	v4 =	vld [tilespmem:s14+$0xFFFFFFA0]  }
0xc6: {  	v5 =	vbroadcast v0, $0x0  }
0xc7: {  	v7 =	vld [tilespmem:s14+$0xFFFFFFC0];
	v6 =	vbroadcast v0, $0x1  }
0xc8: {  	v8 =	vld [tilespmem:s14+$0xFFFFFFD0];
	v9 =	vbroadcast v0, $0x2;
	v2 =	vmul.f32 v5, v2  }
0xc9: {  	v51 =	vld [tilespmem:s14+$0xFFFFFFE0];
	v50 =	vbroadcast v0, $0x3;
	v3 =	vmul.f32 v3, v6  }
0xca: {  	v53 =	vld [tilespmem:s14+$0x10];
	v4 =	vmul.f32 v4, v9;
	[tilespmem:s14+$0xFFFFFF80] =	vst v2;
	v2 =	vbroadcast v0, $0x4  }
0xcb: {  	v52 =	vbroadcast v0, $0x5;
	v1 =	vmul.f32 v1, v50;
	[tilespmem:s14+$0xFFFFFF90] =	vst v3;
	v3 =	vld [tilespmem:s14+$0x0]  }
0xcc: {  	v10 =	vld [tilespmem:s14+$0xFFFFFFF0];
	v11 =	vbroadcast v0, $0x6;
	[tilespmem:s14+$0xFFFFFFA0] =	vst v4;
	v2 =	vmul.f32 v7, v2  }
0xcd: {  	v55 =	vld [tilespmem:s14+$0x20];
	v56 =	vbroadcast v0, $0x9;
	v5 =	vmul.f32 v8, v52;
	[tilespmem:s14+$0xFFFFFFB0] =	vst v1  }
0xce: {  	v6 =	vmul.f32 v51, v11;
	v1 =	vld [tilespmem:s14+$0x30];
	[tilespmem:s14+$0xFFFFFFC0] =	vst v2;
	v2 =	vbroadcast v0, $0x8  }
0xcf: {  	v57 =	vld [tilespmem:s14+$0x40];
	v54 =	vbroadcast v0, $0x7;
	v60 =	vmul.f32 v53, v56;
	[tilespmem:s14+$0xFFFFFFD0] =	vst v5  }
0xd0: {  	v58 =	vld [tilespmem:s14+$0x50];
	v59 =	vbroadcast v0, $0xA;
	[tilespmem:s14+$0xFFFFFFE0] =	vst v6;
	v2 =	vmul.f32 v3, v2  }
0xd1: {  	v61 =	vld [tilespmem:s14+$0x60];
	v4 =	vmul.f32 v10, v54;
	[tilespmem:s14+$0x10] =	vst v60;
	v3 =	vbroadcast v0, $0xB  }
0xd2: {  	v62 =	vld [tilespmem:s14+$0x70];
	v7 =	vmul.f32 v55, v59;
	[tilespmem:s14+$0x0] =	vst v2;
	v2 =	vbroadcast v0, $0xC  }
0xd3: {  	[tilespmem:s14+$0xFFFFFFF0] =	vst v4;
	v1 =	vmul.f32 v1, v3;
	v3 =	vbroadcast v0, $0xD  }
0xd4: {  	v63 =	vbroadcast v0, $0xE;
	[tilespmem:s14+$0x20] =	vst v7;
	v2 =	vmul.f32 v57, v2  }
0xd5: {  	v0 =	vbroadcast v0, $0xF;
	v3 =	vmul.f32 v58, v3;
	[tilespmem:s14+$0x30] =	vst v1  }
0xd6: {  	v1 =	vmul.f32 v61, v63;
	[tilespmem:s14+$0x40] =	vst v2  }
0xd7: {  	v0 =	vmul.f32 v62, v0;
	[tilespmem:s14+$0x50] =	vst v3  }
0xd8: {  	[tilespmem:s28+$0x60] =	vst v1  }
0xd9: {  	s1 =	simm.s32 $0xFB50;
	s9 =	simm.s32 $0xCB50;
	[tilespmem:s28+$0x70] =	vst v0  }
0xda: {  	[spmem:s2] =	stream.indirect.scatter.add.f32 [tilespmem:s1], [sflag:$0xA], $0x10, s9, s19, $0xb8;
	[tilespmem:$0x15B50] =	vst v63  }
0xdb: {  	s14 =	simm.s32 $0xCBD0;
	s9 =	simm.s32 $0x10350  }
0xdc: {  	[spmem:s2] =	stream.indirect.scatter.add.f32 [tilespmem:s9], [sflag:$0xA], $0x10, s14, s19, $0xb8;
	[tilespmem:$0x15B50] =	vst v63  }
0xdd: {  	s1 =	sadd.s32 @!p2 s3, s11;
	s9 =	simm.s32 $0x10B50;
	s14 =	simm.s32 $0xCC50  }
0xde: {  	[spmem:s2] =	stream.indirect.scatter.add.f32 [tilespmem:s9], [sflag:$0xA], $0x10, s14, s19, $0xb8;
	[tilespmem:$0x15B50] =	vst v63  }
0xdf: {  	s1 =	smul.u32 @!p2 $0xC0, s1;
	s9 =	simm.s32 $0x11350;
	s14 =	simm.s32 $0xCCD0  }
0xe0: {  	[spmem:s2] =	stream.indirect.scatter.add.f32 [tilespmem:s9], [sflag:$0xA], $0x10, s14, s19, $0xb8;
	[tilespmem:$0x15B50] =	vst v63  }
0xe1: {  	_ =	swait.ge [sflag:s0], $0x2000  }
0xe2: {  	s1 =	sadd.s32 @!p2 s5, s1;
	[sflag:s0] =	ssyncset.done $0x0  }
0xe3: {  	s9 =	simm.s32 @!p2 $0x0;
	s14 =	simm.s32 @!p2 $0xC950;
	[sflag:s0] =	ssyncadd.s32 $0xFFFFE000  }
0xe4: {  	[tilespmem:s14], [sflag:$0x6] =	stream.linear.gather @!p2 [hbm4b:s1+s9], $0x600, $0x38;
	[tilespmem:$0x15B50] =	vst v63  }
0xe5: {  	s1 =	simm.s32 @!p2 $0x5  }
0xe6: {  	_ =	swait.ge @!p2 [sflag:s1], $0x600  }
0xe7: {  	s9 =	simm.s32 @!p2 $0xC350;
	[sflag:s1] =	ssyncset.done @!p2 $0x0  }
0xe8: {  	s14 =	simm.s32 @!p2 $0xDB50;
	[sflag:s1] =	ssyncadd.s32 @!p2 $0xFFFFFA00;
	s1 =	simm.s32 @!p2 $0x80  }
0xe9: {  	[tilespmem:s14], [sflag:$0x1] =	stream.indirect.gather @!p2 [hbm4b:s4+s1], $0x10, s9, s1, $0xb8;
	[tilespmem:$0x15B50] =	vst v63  }
0xea: {  	s9 =	simm.s32 @!p2 $0xC3D0;
	s14 =	simm.s32 @!p2 $0xE350  }
0xeb: {  	[tilespmem:s14], [sflag:$0x1] =	stream.indirect.gather @!p2 [hbm4b:s4+s1], $0x10, s9, s1, $0xb8;
	[tilespmem:$0x15B50] =	vst v63  }
0xec: {  	s9 =	simm.s32 @!p2 $0xC450;
	s14 =	simm.s32 @!p2 $0xEB50  }
0xed: {  	[tilespmem:s14], [sflag:$0x1] =	stream.indirect.gather @!p2 [hbm4b:s4+s1], $0x10, s9, s1, $0xb8;
	[tilespmem:$0x15B50] =	vst v63  }
0xee: {  	s9 =	simm.s32 @!p2 $0xC4D0;
	s14 =	simm.s32 @!p2 $0xF350  }
0xef: {  	[tilespmem:s14], [sflag:$0x1] =	stream.indirect.gather @!p2 [hbm4b:s4+s1], $0x10, s9, s1, $0xb8;
	[tilespmem:$0x15B50] =	vst v63  }
0xf0: {  	_ =	swait.ge [sflag:s31], $0x2000  }
0xf1: {  	[sflag:s31] =	ssyncset.done $0x0  }
0xf2: {  	s14 =	simm.s32 $0x11BD0;
	[sflag:s31] =	ssyncadd.s32 $0xFFFFE000  }
0xf3: {  	s1 =	simm.s32 $0xD350;
	v1 =	vld [tilespmem:s14+$0xFFFFFFB0]  }
0xf4: {  	s28 =	simm.s32 $0x11BD0;
	s9 =	simm.s32 $0x1;
	v0 =	vld [tilespmem:s1+$0x0]  }
.LBB2_7:
0xf5: {  	p3 =	sne.s32 s9, $0x1F;
	v2 =	vld [tilespmem:s14+$0xFFFFFF90]  }
0xf6: {  	v3 =	vld [tilespmem:s14+$0xFFFFFF80]  }
0xf7: {  	v4 =	vld [tilespmem:s14+$0xFFFFFFA0]  }
0xf8: {  	v5 =	vld [tilespmem:s14+$0xFFFFFFF0]  }
0xf9: {  	v6 =	vbroadcast v0, $0x0;
	v7 =	vbroadcast v0, $0x1;
	v8 =	vld [tilespmem:s14+$0xFFFFFFD0]  }
0xfa: {  	v9 =	vbroadcast v0, $0x2;
	v10 =	vbroadcast v0, $0x3;
	v11 =	vld [tilespmem:s14+$0xFFFFFFC0]  }
0xfb: {  	v3 =	vmul.f32 v6, v3;
	v2 =	vmul.f32 v2, v7;
	v6 =	vld [tilespmem:s14+$0xFFFFFFE0]  }
0xfc: {  	v1 =	vmul.f32 v1, v10;
	v4 =	vmul.f32 v4, v9;
	v7 =	vld [tilespmem:s14+$0x30]  }
0xfd: {  	v9 =	vbroadcast v0, $0x5;
	[tilespmem:s14+$0xFFFFFF80] =	vst v3;
	v3 =	vbroadcast v0, $0x4;
	v10 =	vld [tilespmem:s14+$0x10]  }
0xfe: {  	v12 =	vbroadcast v0, $0x7;
	[tilespmem:s14+$0xFFFFFF90] =	vst v2;
	v2 =	vbroadcast v0, $0x6;
	v13 =	vld [tilespmem:s14+$0x0]  }
0xff: {  	[tilespmem:s14+$0xFFFFFFA0] =	vst v4;
	v3 =	vmul.f32 v11, v3;
	v4 =	vmul.f32 v8, v9;
	v8 =	vld [tilespmem:s14+$0x20]  }
0x100: {  	[tilespmem:s14+$0xFFFFFFB0] =	vst v1;
	v1 =	vmul.f32 v6, v2;
	v2 =	vmul.f32 v5, v12;
	v5 =	vld [tilespmem:s14+$0x70]  }
0x101: {  	v6 =	vbroadcast v0, $0x9;
	[tilespmem:s14+$0xFFFFFFC0] =	vst v3;
	v3 =	vbroadcast v0, $0x8;
	v9 =	vld [tilespmem:s14+$0x50]  }
0x102: {  	v11 =	vbroadcast v0, $0xB;
	[tilespmem:s14+$0xFFFFFFD0] =	vst v4;
	v4 =	vbroadcast v0, $0xA;
	v12 =	vld [tilespmem:s14+$0x40]  }
0x103: {  	[tilespmem:s14+$0xFFFFFFE0] =	vst v1;
	v1 =	vmul.f32 v13, v3;
	v3 =	vmul.f32 v10, v6;
	v6 =	vld [tilespmem:s14+$0x60]  }
0x104: {  	[tilespmem:s14+$0xFFFFFFF0] =	vst v2;
	v2 =	vmul.f32 v8, v4;
	v4 =	vmul.f32 v7, v11  }
0x105: {  	v7 =	vbroadcast v0, $0xD;
	[tilespmem:s14+$0x0] =	vst v1;
	v1 =	vbroadcast v0, $0xC  }
0x106: {  	[tilespmem:s14+$0x10] =	vst v3;
	v3 =	vbroadcast v0, $0xE;
	v0 =	vbroadcast v0, $0xF  }
0x107: {  	[tilespmem:s14+$0x20] =	vst v2;
	v1 =	vmul.f32 v12, v1;
	v2 =	vmul.f32 v9, v7  }
0x108: {  	[tilespmem:s14+$0x30] =	vst v4;
	v3 =	vmul.f32 v6, v3;
	v0 =	vmul.f32 v5, v0  }
.Ltmp4:
0x109: {  	[tilespmem:s14+$0x40] =	vst v1;
	(pc) =	sbr.rel @p3 .LBB2_7-.Ltmp4, $4  }
0x10a: {  	[tilespmem:s14+$0x50] =	vst v2  }
0x10b: {  	s14 =	sadd.s32 $0x100, s14;
	[tilespmem:s28+$0x60] =	vst v3  }
0x10c: {  	s1 =	sadd.s32 $0x10, s1;
	v1 =	vld [tilespmem:s14+$0xFFFFFFB0];
	[tilespmem:s28+$0x70] =	vst v0;
	s28 =	smov.u32 s14  }
0x10d: {  	s9 =	sadd.s32 $0x1, s9;
	v0 =	vld [tilespmem:s1+$0x0]  }
0x10e: {  	_ = 	snop  }
0x10f: {  	v2 =	vld [tilespmem:s14+$0xFFFFFF80]  }
0x110: {  	v3 =	vld [tilespmem:s14+$0xFFFFFF90]  }
0x111: {  	v4 =	vld [tilespmem:s14+$0xFFFFFFA0]  }
0x112: {  	v5 =	vbroadcast v0, $0x0  }
0x113: {  	v7 =	vld [tilespmem:s14+$0xFFFFFFC0];
	v6 =	vbroadcast v0, $0x1  }
0x114: {  	v8 =	vld [tilespmem:s14+$0xFFFFFFD0];
	v9 =	vbroadcast v0, $0x2;
	v2 =	vmul.f32 v5, v2  }
0x115: {  	v51 =	vld [tilespmem:s14+$0xFFFFFFE0];
	v50 =	vbroadcast v0, $0x3;
	v3 =	vmul.f32 v3, v6  }
0x116: {  	v53 =	vld [tilespmem:s14+$0x10];
	v4 =	vmul.f32 v4, v9;
	[tilespmem:s14+$0xFFFFFF80] =	vst v2;
	v2 =	vbroadcast v0, $0x4  }
0x117: {  	v52 =	vbroadcast v0, $0x5;
	v1 =	vmul.f32 v1, v50;
	[tilespmem:s14+$0xFFFFFF90] =	vst v3;
	v3 =	vld [tilespmem:s14+$0x0]  }
0x118: {  	v10 =	vld [tilespmem:s14+$0xFFFFFFF0];
	v11 =	vbroadcast v0, $0x6;
	[tilespmem:s14+$0xFFFFFFA0] =	vst v4;
	v2 =	vmul.f32 v7, v2  }
0x119: {  	v55 =	vld [tilespmem:s14+$0x20];
	v56 =	vbroadcast v0, $0x9;
	v5 =	vmul.f32 v8, v52;
	[tilespmem:s14+$0xFFFFFFB0] =	vst v1  }
0x11a: {  	v6 =	vmul.f32 v51, v11;
	v1 =	vld [tilespmem:s14+$0x30];
	[tilespmem:s14+$0xFFFFFFC0] =	vst v2;
	v2 =	vbroadcast v0, $0x8  }
0x11b: {  	v57 =	vld [tilespmem:s14+$0x40];
	v54 =	vbroadcast v0, $0x7;
	v60 =	vmul.f32 v53, v56;
	[tilespmem:s14+$0xFFFFFFD0] =	vst v5  }
0x11c: {  	v58 =	vld [tilespmem:s14+$0x50];
	v59 =	vbroadcast v0, $0xA;
	[tilespmem:s14+$0xFFFFFFE0] =	vst v6;
	v2 =	vmul.f32 v3, v2  }
0x11d: {  	v61 =	vld [tilespmem:s14+$0x60];
	v4 =	vmul.f32 v10, v54;
	[tilespmem:s14+$0x10] =	vst v60;
	v3 =	vbroadcast v0, $0xB  }
0x11e: {  	v62 =	vld [tilespmem:s14+$0x70];
	v7 =	vmul.f32 v55, v59;
	[tilespmem:s14+$0x0] =	vst v2;
	v2 =	vbroadcast v0, $0xC  }
0x11f: {  	[tilespmem:s14+$0xFFFFFFF0] =	vst v4;
	v1 =	vmul.f32 v1, v3;
	v3 =	vbroadcast v0, $0xD  }
0x120: {  	v63 =	vbroadcast v0, $0xE;
	[tilespmem:s14+$0x20] =	vst v7;
	v2 =	vmul.f32 v57, v2  }
0x121: {  	v0 =	vbroadcast v0, $0xF;
	v3 =	vmul.f32 v58, v3;
	[tilespmem:s14+$0x30] =	vst v1  }
0x122: {  	v1 =	vmul.f32 v61, v63;
	[tilespmem:s14+$0x40] =	vst v2  }
0x123: {  	v0 =	vmul.f32 v62, v0;
	[tilespmem:s14+$0x50] =	vst v3  }
0x124: {  	[tilespmem:s28+$0x60] =	vst v1  }
0x125: {  	s1 =	simm.s32 $0xD150;
	[tilespmem:s28+$0x70] =	vst v0  }
0x126: {  	[spmem:s2] =	stream.indirect.scatter.add.f32 [tilespmem:s25], [sflag:$0xB], $0x10, s1, s19, $0xb8;
	[tilespmem:$0x15B50] =	vst v63  }
0x127: {  	s9 =	simm.s32 $0xD1D0  }
0x128: {  	[spmem:s2] =	stream.indirect.scatter.add.f32 [tilespmem:s7], [sflag:$0xB], $0x10, s9, s19, $0xb8;
	[tilespmem:$0x15B50] =	vst v63  }
0x129: {  	s14 =	simm.s32 $0xD250  }
0x12a: {  	[spmem:s2] =	stream.indirect.scatter.add.f32 [tilespmem:s8], [sflag:$0xB], $0x10, s14, s19, $0xb8;
	[tilespmem:$0x15B50] =	vst v63  }
0x12b: {  	s28 =	simm.s32 $0xD2D0;
	s1 =	sadd.s32 @!p2 s3, s12  }
0x12c: {  	[spmem:s2] =	stream.indirect.scatter.add.f32 [tilespmem:s15], [sflag:$0xB], $0x10, s28, s19, $0xb8;
	[tilespmem:$0x15B50] =	vst v63  }
0x12d: {  	s1 =	smul.u32 @!p2 $0xC0, s1;
	_ =	swait.ge [sflag:s30], $0x2000  }
0x12e: {  	s3 =	simm.s32 @!p2 $0x0;
	[sflag:s30] =	ssyncset.done $0x0  }
0x12f: {  	s9 =	simm.s32 @!p2 $0xCF50;
	s1 =	sadd.s32 @!p2 s5, s1;
	[sflag:s30] =	ssyncadd.s32 $0xFFFFE000  }
0x130: {  	[tilespmem:s9], [sflag:$0x7] =	stream.linear.gather @!p2 [hbm4b:s1+s3], $0x600, $0x38;
	[tilespmem:$0x15B50] =	vst v63  }
0x131: {  	s1 =	simm.s32 @!p2 $0x6  }
0x132: {  	_ =	swait.ge @!p2 [sflag:s1], $0x600  }
0x133: {  	s3 =	simm.s32 @!p2 $0xC950;
	[sflag:s1] =	ssyncset.done @!p2 $0x0  }
0x134: {  	s9 =	simm.s32 @!p2 $0xFB50;
	[sflag:s1] =	ssyncadd.s32 @!p2 $0xFFFFFA00;
	s1 =	simm.s32 @!p2 $0x80  }
0x135: {  	[tilespmem:s9], [sflag:$0x2] =	stream.indirect.gather @!p2 [hbm4b:s4+s1], $0x10, s3, s1, $0xb8;
	[tilespmem:$0x15B50] =	vst v63  }
0x136: {  	s3 =	simm.s32 @!p2 $0xC9D0;
	s9 =	simm.s32 @!p2 $0x10350  }
0x137: {  	[tilespmem:s9], [sflag:$0x2] =	stream.indirect.gather @!p2 [hbm4b:s4+s1], $0x10, s3, s1, $0xb8;
	[tilespmem:$0x15B50] =	vst v63  }
0x138: {  	s3 =	simm.s32 @!p2 $0xCA50;
	s9 =	simm.s32 @!p2 $0x10B50  }
0x139: {  	[tilespmem:s9], [sflag:$0x2] =	stream.indirect.gather @!p2 [hbm4b:s4+s1], $0x10, s3, s1, $0xb8;
	[tilespmem:$0x15B50] =	vst v63  }
0x13a: {  	s3 =	simm.s32 @!p2 $0xCAD0;
	s9 =	simm.s32 @!p2 $0x11350  }
0x13b: {  	[tilespmem:s9], [sflag:$0x2] =	stream.indirect.gather @!p2 [hbm4b:s4+s1], $0x10, s3, s1, $0xb8;
	[tilespmem:$0x15B50] =	vst v63  }
0x13c: {  	_ =	swait.ge [sflag:s23], $0x2000  }
0x13d: {  	[sflag:s23] =	ssyncset.done $0x0  }
0x13e: {  	s3 =	simm.s32 $0x13BD0;
	[sflag:s23] =	ssyncadd.s32 $0xFFFFE000  }
0x13f: {  	s1 =	simm.s32 $0xD950;
	v1 =	vld [tilespmem:s3+$0xFFFFFFB0]  }
0x140: {  	s14 =	simm.s32 $0x13BD0;
	s9 =	simm.s32 $0x1;
	v0 =	vld [tilespmem:s1+$0x0]  }
.LBB2_9:
0x141: {  	p2 =	sne.s32 s9, $0x1F;
	v2 =	vld [tilespmem:s3+$0xFFFFFF90]  }
0x142: {  	v3 =	vld [tilespmem:s3+$0xFFFFFF80]  }
0x143: {  	v4 =	vld [tilespmem:s3+$0xFFFFFFA0]  }
0x144: {  	v5 =	vld [tilespmem:s3+$0xFFFFFFF0]  }
0x145: {  	v6 =	vbroadcast v0, $0x0;
	v7 =	vbroadcast v0, $0x1;
	v8 =	vld [tilespmem:s3+$0xFFFFFFD0]  }
0x146: {  	v9 =	vbroadcast v0, $0x2;
	v10 =	vbroadcast v0, $0x3;
	v11 =	vld [tilespmem:s3+$0xFFFFFFC0]  }
0x147: {  	v3 =	vmul.f32 v6, v3;
	v2 =	vmul.f32 v2, v7;
	v6 =	vld [tilespmem:s3+$0xFFFFFFE0]  }
0x148: {  	v1 =	vmul.f32 v1, v10;
	v4 =	vmul.f32 v4, v9;
	v7 =	vld [tilespmem:s3+$0x30]  }
0x149: {  	v9 =	vbroadcast v0, $0x5;
	[tilespmem:s3+$0xFFFFFF80] =	vst v3;
	v3 =	vbroadcast v0, $0x4;
	v10 =	vld [tilespmem:s3+$0x10]  }
0x14a: {  	v12 =	vbroadcast v0, $0x7;
	[tilespmem:s3+$0xFFFFFF90] =	vst v2;
	v2 =	vbroadcast v0, $0x6;
	v13 =	vld [tilespmem:s3+$0x0]  }
0x14b: {  	[tilespmem:s3+$0xFFFFFFA0] =	vst v4;
	v3 =	vmul.f32 v11, v3;
	v4 =	vmul.f32 v8, v9;
	v8 =	vld [tilespmem:s3+$0x20]  }
0x14c: {  	[tilespmem:s3+$0xFFFFFFB0] =	vst v1;
	v1 =	vmul.f32 v6, v2;
	v2 =	vmul.f32 v5, v12;
	v5 =	vld [tilespmem:s3+$0x70]  }
0x14d: {  	v6 =	vbroadcast v0, $0x9;
	[tilespmem:s3+$0xFFFFFFC0] =	vst v3;
	v3 =	vbroadcast v0, $0x8;
	v9 =	vld [tilespmem:s3+$0x50]  }
0x14e: {  	v11 =	vbroadcast v0, $0xB;
	[tilespmem:s3+$0xFFFFFFD0] =	vst v4;
	v4 =	vbroadcast v0, $0xA;
	v12 =	vld [tilespmem:s3+$0x40]  }
0x14f: {  	[tilespmem:s3+$0xFFFFFFE0] =	vst v1;
	v1 =	vmul.f32 v13, v3;
	v3 =	vmul.f32 v10, v6;
	v6 =	vld [tilespmem:s3+$0x60]  }
0x150: {  	[tilespmem:s3+$0xFFFFFFF0] =	vst v2;
	v2 =	vmul.f32 v8, v4;
	v4 =	vmul.f32 v7, v11  }
0x151: {  	v7 =	vbroadcast v0, $0xD;
	[tilespmem:s3+$0x0] =	vst v1;
	v1 =	vbroadcast v0, $0xC  }
0x152: {  	[tilespmem:s3+$0x10] =	vst v3;
	v3 =	vbroadcast v0, $0xE;
	v0 =	vbroadcast v0, $0xF  }
0x153: {  	[tilespmem:s3+$0x20] =	vst v2;
	v1 =	vmul.f32 v12, v1;
	v2 =	vmul.f32 v9, v7  }
0x154: {  	[tilespmem:s3+$0x30] =	vst v4;
	v3 =	vmul.f32 v6, v3;
	v0 =	vmul.f32 v5, v0  }
.Ltmp5:
0x155: {  	[tilespmem:s3+$0x40] =	vst v1;
	(pc) =	sbr.rel @p2 .LBB2_9-.Ltmp5, $4  }
0x156: {  	[tilespmem:s3+$0x50] =	vst v2  }
0x157: {  	s3 =	sadd.s32 $0x100, s3;
	[tilespmem:s14+$0x60] =	vst v3  }
0x158: {  	s1 =	sadd.s32 $0x10, s1;
	v1 =	vld [tilespmem:s3+$0xFFFFFFB0];
	[tilespmem:s14+$0x70] =	vst v0;
	s14 =	smov.u32 s3  }
0x159: {  	s9 =	sadd.s32 $0x1, s9;
	v0 =	vld [tilespmem:s1+$0x0]  }
0x15a: {  	_ = 	snop  }
0x15b: {  	v2 =	vld [tilespmem:s3+$0xFFFFFF80]  }
0x15c: {  	v3 =	vld [tilespmem:s3+$0xFFFFFF90]  }
0x15d: {  	v4 =	vld [tilespmem:s3+$0xFFFFFFA0]  }
0x15e: {  	v5 =	vbroadcast v0, $0x0  }
0x15f: {  	v8 =	vld [tilespmem:s3+$0xFFFFFFD0];
	v6 =	vbroadcast v0, $0x1  }
0x160: {  	v42 =	vld [tilespmem:s3+$0xFFFFFFE0];
	v9 =	vbroadcast v0, $0x2;
	v2 =	vmul.f32 v5, v2  }
0x161: {  	v46 =	vld [tilespmem:s3+$0x10];
	v41 =	vbroadcast v0, $0x3;
	v3 =	vmul.f32 v3, v6  }
0x162: {  	v7 =	vld [tilespmem:s3+$0xFFFFFFC0];
	v44 =	vbroadcast v0, $0x5;
	v4 =	vmul.f32 v4, v9;
	[tilespmem:s3+$0xFFFFFF80] =	vst v2  }
0x163: {  	v10 =	vld [tilespmem:s3+$0xFFFFFFF0];
	v11 =	vbroadcast v0, $0x6;
	v1 =	vmul.f32 v1, v41;
	[tilespmem:s3+$0xFFFFFF90] =	vst v3  }
0x164: {  	v48 =	vld [tilespmem:s3+$0x20];
	v51 =	vbroadcast v0, $0x9;
	v5 =	vmul.f32 v8, v44;
	[tilespmem:s3+$0xFFFFFFA0] =	vst v4  }
0x165: {  	v49 =	vld [tilespmem:s3+$0x30];
	v43 =	vbroadcast v0, $0x4;
	v6 =	vmul.f32 v42, v11;
	[tilespmem:s3+$0xFFFFFFB0] =	vst v1  }
0x166: {  	v45 =	vld [tilespmem:s3+$0x0];
	v47 =	vbroadcast v0, $0x7;
	v56 =	vmul.f32 v46, v51;
	[tilespmem:s3+$0xFFFFFFD0] =	vst v5  }
0x167: {  	v53 =	vld [tilespmem:s3+$0x50];
	v54 =	vbroadcast v0, $0xA;
	v2 =	vmul.f32 v7, v43;
	[tilespmem:s3+$0xFFFFFFE0] =	vst v6  }
0x168: {  	v52 =	vld [tilespmem:s3+$0x40];
	v55 =	vbroadcast v0, $0xB;
	v4 =	vmul.f32 v10, v47;
	[tilespmem:s3+$0x10] =	vst v56  }
0x169: {  	v57 =	vld [tilespmem:s3+$0x60];
	v50 =	vbroadcast v0, $0x8;
	v7 =	vmul.f32 v48, v54;
	[tilespmem:s3+$0xFFFFFFC0] =	vst v2  }
0x16a: {  	v58 =	vld [tilespmem:s3+$0x70];
	v60 =	vbroadcast v0, $0xD;
	v1 =	vmul.f32 v49, v55;
	[tilespmem:s3+$0xFFFFFFF0] =	vst v4  }
0x16b: {  	v59 =	vbroadcast v0, $0xC;
	v2 =	vmul.f32 v45, v50;
	[tilespmem:s3+$0x20] =	vst v7  }
0x16c: {  	v61 =	vbroadcast v0, $0xE;
	v3 =	vmul.f32 v53, v60;
	[tilespmem:s3+$0x30] =	vst v1  }
0x16d: {  	v62 =	vbroadcast v0, $0xF;
	[tilespmem:s3+$0x0] =	vst v2;
	v2 =	vmul.f32 v52, v59  }
0x16e: {  	v63 =	vmul.f32 v57, v61;
	[tilespmem:s3+$0x50] =	vst v3  }
0x16f: {  	v0 =	vmul.f32 v58, v62;
	[tilespmem:s3+$0x40] =	vst v2  }
0x170: {  	[tilespmem:s14+$0x60] =	vst v63  }
0x171: {  	s1 =	simm.s32 $0xD750;
	s20 =	sadd.s32 $0x1, s20;
	[tilespmem:s14+$0x70] =	vst v0  }
0x172: {  	[spmem:s2] =	stream.indirect.scatter.add.f32 [tilespmem:s29], [sflag:$0xC], $0x10, s1, s19, $0xb8;
	[tilespmem:$0x15B50] =	vst v63  }
0x173: {  	s9 =	simm.s32 $0xD7D0;
	p2 =	sne.s32 s20, $0x19  }
0x174: {  	[spmem:s2] =	stream.indirect.scatter.add.f32 [tilespmem:s6], [sflag:$0xC], $0x10, s9, s19, $0xb8;
	[tilespmem:$0x15B50] =	vst v63  }
.Ltmp6:
0x175: {  	_ = 	snop;
	(pc) =	sbr.rel @p2 .LBB2_2-.Ltmp6, $4  }
0x176: {  	s14 =	simm.s32 $0xD850  }
0x177: {  	[spmem:s2] =	stream.indirect.scatter.add.f32 [tilespmem:s22], [sflag:$0xC], $0x10, s14, s19, $0xb8;
	[tilespmem:$0x15B50] =	vst v63  }
0x178: {  	s28 =	simm.s32 $0xD8D0  }
0x179: {  	[spmem:s2] =	stream.indirect.scatter.add.f32 [tilespmem:s18], [sflag:$0xC], $0x10, s28, s19, $0xb8;
	[tilespmem:$0x15B50] =	vst v63  }
0x17a: {  	s1 =	simm.s32 $0xC  }
.Ltmp7:
0x17b: {  	_ =	swait.ge [sflag:s1], $0x2000;
	(pc) =	sbr.rel @p1 .LBB2_14-.Ltmp7, $3  }
0x17c: {  	[sflag:s1] =	ssyncset.done $0x0  }
0x17d: {  	[sflag:s1] =	ssyncadd.s32 $0xFFFFE000  }
0x17e: {  	[bflag:$0x0] =	sbarrier.arrive $0xFFFF;
	_ =	sdelay $0x1  }
.Ltmp8:
0x17f: {  	(pc) =	sbr.rel @p0 .LBB2_16-.Ltmp8, $2  }
0x180: {  	_ =	sdelay $0x2  }
0x181: {  	s14 =	rddreg [dreg:$0xd]  }
.Ltmp9:
0x182: {  	(pc) =	sbr.rel .LBB2_15-.Ltmp9, $3  }
0x183: {  	_ =	sdelay $0x1  }
0x184: {  	s1 =	sshrl.u32 s2, $0x3;
	s3 =	rddreg [dreg:$0x9];
	s9 =	simm.s32 $0x1C0D  }
0x185: {  	[hbm:s3], [sflag:s9] =	dma.local [spmem:s1], $0xC350  }
.LBB2_17:
0x186: {  	_ =	sfence.sel $0x180000  }
0x187: {  	[bflag:$0x0] =	sbarrier.arrive $0xFFFF  }
0x188: {  	_ =	strace $0x90000047  }
0x189: {  	[bflag:$0x2] =	sbarrier.arrive $0xFFFF  }
0x18a: {  	s0 =	rddreg [dreg:$0x3]  }
0x18b: {  	s0 =	sadd.s32 @!p0 $0x100000, s0  }
0x18c: {  	[sflag:s0] =	ssyncadd.tile.s32 @!p0 $0x1;
	_ =	shalt  }
.Lfunc_end2:
_tile_overlayer_lowered:
.L_overlay_start_2:
0x18d: {  	(tag) =	ssettag $0x2  }
0x18e: {  	s0 =	rddreg [dreg:$0x0];
	s2 =	stileid.u32  }
0x18f: {  	s1 =	rddreg [dreg:$0x1];
	p0 =	sne.s32 s2, $0x0  }
0x190: {  	s3 =	rddreg [dreg:$0x2];
	[bflag:$0x3] =	sbarrier.arrive $0xFFFF;
	s2 =	simm.s32 @!p0 $0x1C0D  }
0x191: {  	[timem:s3], [sflag:s2] =	dma.local @!p0 [hbm:s0], s1  }
0x192: {  	s0 =	simm.s32 @!p0 $0xD  }
0x193: {  	_ =	swait.ge @!p0 [sflag:s0], s1  }
0x194: {  	s1 =	ssub.s32 @!p0 $0x0, s1;
	[sflag:s0] =	ssyncset.done @!p0 $0x0  }
0x195: {  	[sflag:s0] =	ssyncadd.s32 @!p0 s1  }
0x196: {  	[bflag:$0x3] =	sbarrier.arrive $0xFFFF  }
0x197: {  	_ =	shalt  }

</sc_bundles>
